<compile_context>
chip_gen: v7x
topology: tpu7x:2x2x1
jax: 0.10.2.dev20260603
libtpu: 0.0.44.dev20260713+nightly
codegen_flags: <defaults>
</compile_context>

<pallas_src>
import functools

import jax
import jax.numpy as jnp
from jax import lax
from jax.experimental import pallas as pl
from jax.experimental.pallas import tpu as pltpu
from jax.experimental.pallas import tpu_sc as plsc

PASSES = 8
T = 4
D = 150
DP = 160
G = 16
NP = 10240
CH = 56
NTILES = 32
PER_TILE_ROWS = NP // 16


def _mm_relu_body(h_ref, w_ref, b_ref, o_ref):
    acc = jnp.dot(h_ref[...], w_ref[...], preferred_element_type=jnp.float32)
    o_ref[...] = jnp.maximum(acc + b_ref[...], 0.0)


def _gru_step(inc_ref, h_ref, wx_ref, uh_ref, bi_ref, bh_ref):
    x = inc_ref[0] + inc_ref[1]
    h = h_ref[...]
    gi = jnp.dot(x, wx_ref[...], preferred_element_type=jnp.float32) + bi_ref[...]
    gh = jnp.dot(h, uh_ref[...], preferred_element_type=jnp.float32) + bh_ref[...]
    r = jax.nn.sigmoid(gi[:, :DP] + gh[:, :DP])
    z = jax.nn.sigmoid(gi[:, DP:2 * DP] + gh[:, DP:2 * DP])
    n = jnp.tanh(gi[:, 2 * DP:] + r * gh[:, 2 * DP:])
    return (1.0 - z) * n + z * h


def _gru_msg_body(inc_ref, h_ref, wx_ref, uh_ref, bi_ref, bh_ref,
                  w_ref, b_ref, h_out_ref, msg_ref):
    hn = _gru_step(inc_ref, h_ref, wx_ref, uh_ref, bi_ref, bh_ref)
    h_out_ref[...] = hn
    acc = jnp.dot(hn, w_ref[...], preferred_element_type=jnp.float32)
    msg_ref[...] = jnp.maximum(acc + b_ref[...], 0.0)


def _leaky(x):
    return jnp.where(x > 0, x, 0.01 * x)


def _gru_readout_body(inc_ref, h_ref, wx_ref, uh_ref, bi_ref, bh_ref,
                      gid_ref, pc_ref, w1_ref, b1_ref, w2_ref, b2_ref,
                      wl_ref, bl_ref, o_ref, acc_ref, *, nsteps):
    i = pl.program_id(0)

    @pl.when(i == 0)
    def _():
        acc_ref[...] = jnp.zeros_like(acc_ref)

    hn = _gru_step(inc_ref, h_ref, wx_ref, uh_ref, bi_ref, bh_ref)
    gid = gid_ref[...]
    onehot = (gid == lax.broadcasted_iota(jnp.int32, (1, G), 1)).astype(jnp.float32)
    acc_ref[...] += lax.dot_general(onehot, hn, (((0,), (0,)), ((), ())),
                                    preferred_element_type=jnp.float32)

    @pl.when(i == nsteps - 1)
    def _():
        g = acc_ref[...]
        gl = jnp.log(g)
        gl = jnp.where(jnp.isnan(gl), 0.0, gl)
        gl = jnp.maximum(gl, 0.0)
        col = lax.broadcasted_iota(jnp.int32, (G, DP), 1)
        xin = jnp.where(col == D, pc_ref[...], gl)
        x1 = _leaky(jnp.dot(xin, w1_ref[...], preferred_element_type=jnp.float32) + b1_ref[...])
        x2 = _leaky(jnp.dot(x1, w2_ref[...], preferred_element_type=jnp.float32) + b2_ref[...])
        o_ref[...] = jnp.dot(x2, wl_ref[...], preferred_element_type=jnp.float32) + bl_ref[...]


def _make_sc_gather_scatter(nchunk):
    mesh = plsc.VectorSubcoreMesh(core_axis_name="c", subcore_axis_name="s")
    npair = nchunk // 2

    @functools.partial(
        pl.kernel,
        mesh=mesh,
        compiler_params=pltpu.CompilerParams(use_tc_tiling_on_sc=False),
        out_type=jax.ShapeDtypeStruct((2, NP, DP), jnp.float32),
        scratch_types=[
            pltpu.VMEM((nchunk, CH), jnp.int32),
            pltpu.VMEM((nchunk, CH), jnp.int32),
            pltpu.VMEM((CH, DP), jnp.float32),
            pltpu.VMEM((CH, DP), jnp.float32),
            pltpu.VMEM_SHARED((NP, DP), jnp.float32),
            pltpu.SemaphoreType.DMA,
            pltpu.SemaphoreType.DMA,
        ],
    )
    def sc_kernel(cidx_hbm, dst_hbm, msg_hbm, zeros_hbm, out_hbm,
                  idx_v, dst_v, rows0, rows1, acc_sh, sem0, sem1):
        c = lax.axis_index("c")
        s = lax.axis_index("s")
        pltpu.sync_copy(zeros_hbm, acc_sh.at[pl.ds(s * PER_TILE_ROWS, PER_TILE_ROWS)])
        plsc.subcore_barrier()
        pltpu.sync_copy(cidx_hbm.at[c, s], idx_v)
        pltpu.sync_copy(dst_hbm.at[c, s], dst_v)
        pltpu.async_copy(msg_hbm.at[idx_v.at[0]], rows0, sem0)
        pltpu.async_copy(msg_hbm.at[idx_v.at[1]], rows1, sem1)

        def pair(p, carry):
            j0 = 2 * p
            pltpu.make_async_copy(msg_hbm.at[idx_v.at[0]], rows0, sem0).wait()
            pltpu.sync_copy(rows0, acc_sh.at[dst_v.at[j0]], add=True)
            pltpu.async_copy(msg_hbm.at[idx_v.at[j0 + 2]], rows0, sem0)
            pltpu.make_async_copy(msg_hbm.at[idx_v.at[0]], rows1, sem1).wait()
            pltpu.sync_copy(rows1, acc_sh.at[dst_v.at[j0 + 1]], add=True)
            pltpu.async_copy(msg_hbm.at[idx_v.at[j0 + 3]], rows1, sem1)
            return carry

        lax.fori_loop(0, npair - 1, pair, 0)
        pltpu.make_async_copy(msg_hbm.at[idx_v.at[0]], rows0, sem0).wait()
        pltpu.sync_copy(rows0, acc_sh.at[dst_v.at[nchunk - 2]], add=True)
        pltpu.make_async_copy(msg_hbm.at[idx_v.at[0]], rows1, sem1).wait()
        pltpu.sync_copy(rows1, acc_sh.at[dst_v.at[nchunk - 1]], add=True)
        plsc.subcore_barrier()
        pltpu.sync_copy(acc_sh.at[pl.ds(s * PER_TILE_ROWS, PER_TILE_ROWS)],
                        out_hbm.at[c, pl.ds(s * PER_TILE_ROWS, PER_TILE_ROWS)])

    return sc_kernel


def kernel(nodes, problemClass, edge_index, edge_type, graph_ids, edgeW, edgeB,
           gru_Wih, gru_Whh, gru_bih, gru_bhh, fc1W, fc1b, fc2W, fc2b, fcLW, fcLb):
    N = nodes.shape[0]
    E = edge_index.shape[1]
    BLK = 512
    nsteps = NP // BLK

    h0 = jnp.pad(nodes, ((0, NP - N), (0, DP - D)))
    w = jnp.pad(edgeW, ((0, 0), (0, DP - D), (0, DP - D)))
    W_all = jnp.transpose(w, (2, 0, 1)).reshape(DP, T * DP)
    b_all = jnp.pad(edgeB, ((0, 0), (0, DP - D))).reshape(1, T * DP)

    def _gate_pack(m):
        m3 = m.reshape(3, D, D)
        m3 = jnp.transpose(m3, (2, 0, 1))
        m3 = jnp.pad(m3, ((0, DP - D), (0, 0), (0, DP - D)))
        return m3.reshape(DP, 3 * DP)

    Wx = _gate_pack(gru_Wih)
    Uh = _gate_pack(gru_Whh)
    bi = jnp.pad(gru_bih.reshape(3, D), ((0, 0), (0, DP - D))).reshape(1, 3 * DP)
    bh = jnp.pad(gru_bhh.reshape(3, D), ((0, 0), (0, DP - D))).reshape(1, 3 * DP)

    nchunk = -(-E // (NTILES * CH))
    nchunk += nchunk % 2
    nchunk = max(nchunk, 4)
    EP = NTILES * CH * nchunk
    src = edge_index[0]
    dst = edge_index[1]
    comb = src * T + edge_type
    comb = jnp.pad(comb, (0, EP - E), constant_values=N * T)
    dstp = jnp.pad(dst, (0, EP - E), constant_values=N)
    cidx3 = comb.reshape(2, 16, nchunk, CH)
    dst3 = dstp.reshape(2, 16, nchunk, CH)
    zeros_hbm = jnp.zeros((PER_TILE_ROWS, DP), jnp.float32)

    sc_gather_scatter = _make_sc_gather_scatter(nchunk)

    mm_relu = pl.pallas_call(
        _mm_relu_body,
        grid=(nsteps,),
        in_specs=[pl.BlockSpec((BLK, DP), lambda i: (i, 0)),
                  pl.BlockSpec((DP, T * DP), lambda i: (0, 0)),
                  pl.BlockSpec((1, T * DP), lambda i: (0, 0))],
        out_specs=pl.BlockSpec((BLK, T * DP), lambda i: (i, 0)),
        out_shape=jax.ShapeDtypeStruct((NP, T * DP), jnp.float32),
    )

    gru_specs = [pl.BlockSpec((2, BLK, DP), lambda i: (0, i, 0)),
                 pl.BlockSpec((BLK, DP), lambda i: (i, 0)),
                 pl.BlockSpec((DP, 3 * DP), lambda i: (0, 0)),
                 pl.BlockSpec((DP, 3 * DP), lambda i: (0, 0)),
                 pl.BlockSpec((1, 3 * DP), lambda i: (0, 0)),
                 pl.BlockSpec((1, 3 * DP), lambda i: (0, 0))]

    gru_msg = pl.pallas_call(
        _gru_msg_body,
        grid=(nsteps,),
        in_specs=gru_specs + [pl.BlockSpec((DP, T * DP), lambda i: (0, 0)),
                              pl.BlockSpec((1, T * DP), lambda i: (0, 0))],
        out_specs=[pl.BlockSpec((BLK, DP), lambda i: (i, 0)),
                   pl.BlockSpec((BLK, T * DP), lambda i: (i, 0))],
        out_shape=[jax.ShapeDtypeStruct((NP, DP), jnp.float32),
                   jax.ShapeDtypeStruct((NP, T * DP), jnp.float32)],
    )

    gid = jnp.pad(graph_ids, (0, NP - N), constant_values=G).reshape(NP, 1)
    w1 = jnp.pad(fc1W.T, ((0, DP - (D + 1)), (0, 0)))
    b1 = fc1b.reshape(1, 80)
    w2 = fc2W.T
    b2 = fc2b.reshape(1, 80)
    wl = fcLW.T
    bl = fcLb.reshape(1, 10)

    gru_readout = pl.pallas_call(
        functools.partial(_gru_readout_body, nsteps=nsteps),
        grid=(nsteps,),
        in_specs=gru_specs + [pl.BlockSpec((BLK, 1), lambda i: (i, 0)),
                              pl.BlockSpec((G, 1), lambda i: (0, 0)),
                              pl.BlockSpec((DP, 80), lambda i: (0, 0)),
                              pl.BlockSpec((1, 80), lambda i: (0, 0)),
                              pl.BlockSpec((80, 80), lambda i: (0, 0)),
                              pl.BlockSpec((1, 80), lambda i: (0, 0)),
                              pl.BlockSpec((80, 10), lambda i: (0, 0)),
                              pl.BlockSpec((1, 10), lambda i: (0, 0))],
        out_specs=pl.BlockSpec((G, 10), lambda i: (0, 0)),
        out_shape=jax.ShapeDtypeStruct((G, 10), jnp.float32),
        scratch_shapes=[pltpu.VMEM((G, DP), jnp.float32)],
    )

    h = h0
    per_type = mm_relu(h, W_all, b_all)
    for _ in range(PASSES - 1):
        inc = sc_gather_scatter(cidx3, dst3, per_type.reshape(NP * T, DP), zeros_hbm)
        h, per_type = gru_msg(inc, h, Wx, Uh, bi, bh, W_all, b_all)
    inc = sc_gather_scatter(cidx3, dst3, per_type.reshape(NP * T, DP), zeros_hbm)
    out = gru_readout(inc, h, Wx, Uh, bi, bh,
                      gid, problemClass, w1, b1, w2, b2, wl, bl)
    return out

# --- scband reference (transcript-rebuilt; emitter-appended) ---
"""Pipeline reference for scband-ggnn-23605140259544 (READ-ONLY COPY).

The authoritative reference and input builder live on the scoring server;
editing this copy changes nothing except your own understanding.
"""

import jax, jax.numpy as jnp
import numpy as np

PASSES = 8
NUM_EDGE_SETS = 4
N_NODES = 10000
N_EDGES = 160000
NUM_GRAPHS = 16
D = 150


def setup_inputs(seed: int = 0) -> dict:
    key = jax.random.key(seed)
    ks = jax.random.split(key, 20)
    nodes = jax.random.normal(ks[0], (N_NODES, D), dtype=jnp.float32)
    problemClass = jax.random.uniform(ks[1], (NUM_GRAPHS, 1), dtype=jnp.float32)
    edge_index = jax.random.randint(ks[2], (2, N_EDGES), 0, N_NODES, dtype=jnp.int32)
    edge_type = jax.random.randint(ks[3], (N_EDGES,), 0, NUM_EDGE_SETS, dtype=jnp.int32)
    graph_ids = jnp.sort(jax.random.randint(ks[4], (N_NODES,), 0, NUM_GRAPHS, dtype=jnp.int32))
    s = 1.0 / np.sqrt(D)
    edgeW = jax.random.uniform(ks[5], (NUM_EDGE_SETS, D, D), minval=-s, maxval=s, dtype=jnp.float32)
    edgeB = jax.random.uniform(ks[6], (NUM_EDGE_SETS, D), minval=-s, maxval=s, dtype=jnp.float32)
    gru_Wih = jax.random.uniform(ks[7], (3 * D, D), minval=-s, maxval=s, dtype=jnp.float32)
    gru_Whh = jax.random.uniform(ks[8], (3 * D, D), minval=-s, maxval=s, dtype=jnp.float32)
    gru_bih = jax.random.uniform(ks[9], (3 * D,), minval=-s, maxval=s, dtype=jnp.float32)
    gru_bhh = jax.random.uniform(ks[10], (3 * D,), minval=-s, maxval=s, dtype=jnp.float32)
    s1 = 1.0 / np.sqrt(D + 1)
    fc1W = jax.random.uniform(ks[11], (80, D + 1), minval=-s1, maxval=s1, dtype=jnp.float32)
    fc1b = jax.random.uniform(ks[12], (80,), minval=-s1, maxval=s1, dtype=jnp.float32)
    s2 = 1.0 / np.sqrt(80)
    fc2W = jax.random.uniform(ks[13], (80, 80), minval=-s2, maxval=s2, dtype=jnp.float32)
    fc2b = jax.random.uniform(ks[14], (80,), minval=-s2, maxval=s2, dtype=jnp.float32)
    fcLW = jax.random.uniform(ks[15], (10, 80), minval=-s2, maxval=s2, dtype=jnp.float32)
    fcLb = jax.random.uniform(ks[16], (10,), minval=-s2, maxval=s2, dtype=jnp.float32)
    return {"nodes": nodes, "problemClass": problemClass, "edge_index": edge_index,
            "edge_type": edge_type, "graph_ids": graph_ids, "edgeW": edgeW, "edgeB": edgeB,
            "gru_Wih": gru_Wih, "gru_Whh": gru_Whh, "gru_bih": gru_bih, "gru_bhh": gru_bhh,
            "fc1W": fc1W, "fc1b": fc1b, "fc2W": fc2W, "fc2b": fc2b, "fcLW": fcLW, "fcLb": fcLb}


def gru_cell(x, h, Wih, Whh, bih, bhh):
    gi = x @ Wih.T + bih
    gh = h @ Whh.T + bhh
    i_r, i_z, i_n = jnp.split(gi, 3, axis=1)
    h_r, h_z, h_n = jnp.split(gh, 3, axis=1)
    r = jax.nn.sigmoid(i_r + h_r)
    z = jax.nn.sigmoid(i_z + h_z)
    n = jnp.tanh(i_n + r * h_n)
    return (1.0 - z) * n + z * h


def reference(nodes, problemClass, edge_index, edge_type, graph_ids, edgeW, edgeB,
              gru_Wih, gru_Whh, gru_bih, gru_bhh, fc1W, fc1b, fc2W, fc2b, fcLW, fcLb):
    src = edge_index[0]
    dst = edge_index[1]
    h = nodes
    for _ in range(PASSES):
        # collect_incoming: per edge-type linear + relu on source node reps,
        # summed over each node's inset (scatter-add to dst)
        per_type = jax.nn.relu(jnp.einsum('nd,tfd->ntf', h, edgeW) + edgeB[None, :, :])
        msg = per_type[src, edge_type]  # [E, D]
        incoming = jnp.zeros_like(h).at[dst].add(msg)
        # GRUCell update: new node rep = gru(incoming, h)
        h = gru_cell(incoming, h, gru_Wih, gru_Whh, gru_bih, gru_bhh)
    # readout: sum nodes per graph, log, nan->0, relu
    g = jax.ops.segment_sum(h, graph_ids, num_segments=NUM_GRAPHS)
    g = jnp.log(g)
    g = jnp.where(jnp.isnan(g), 0.0, g)
    g = jax.nn.relu(g)
    x = jnp.concatenate([g, problemClass], axis=1)
    x = jax.nn.leaky_relu(x @ fc1W.T + fc1b, negative_slope=0.01)
    x = jax.nn.leaky_relu(x @ fc2W.T + fc2b, negative_slope=0.01)
    x = x @ fcLW.T + fcLb
    return x

if __name__ == "__main__":
    import jax
    _d = setup_inputs()
    print(jax.jit(kernel)(*tuple(_d.values())))

</pallas_src>

<mosaic_0001>
#map = affine_map<(d0, d1) -> (0, 0, 0, 0)>
#map1 = affine_map<(d0, d1) -> (0, 0)>
#map2 = affine_map<(d0, d1) -> (0, 0, 0)>
module attributes {stable_mosaic.version = 14 : i64} {
  func.func @sc_kernel(%arg0: i32, %arg1: i32, %arg2: memref<2x16x90x56xi32, #tpu.memory_space<hbm>>, %arg3: memref<2x16x90x56xi32, #tpu.memory_space<hbm>>, %arg4: memref<40960x160xf32, #tpu.memory_space<hbm>>, %arg5: memref<640x160xf32, #tpu.memory_space<hbm>>, %arg6: memref<2x10240x160xf32, #tpu.memory_space<hbm>>, %arg7: memref<90x56xi32, #tpu.memory_space<vmem>>, %arg8: memref<90x56xi32, #tpu.memory_space<vmem>>, %arg9: memref<56x160xf32, #tpu.memory_space<vmem>>, %arg10: memref<56x160xf32, #tpu.memory_space<vmem>>, %arg11: memref<10240x160xf32, #tpu.memory_space<vmem_shared>>, %arg12: memref<!tpu.dma_semaphore, #tpu.memory_space<semaphore_mem>>, %arg13: memref<!tpu.dma_semaphore, #tpu.memory_space<semaphore_mem>>) attributes {dimension_semantics = [#tpu.dimension_semantics<core_parallel>, #tpu.dimension_semantics<subcore_parallel>], iteration_bounds = array<i64: 2, 16>, scalar_prefetch = 0 : i64, scratch_operands = 7 : i64, tpu.core_type = #tpu.core_type<sc_vector_subcore>, window_params = [{transform_indices = #map}, {transform_indices = #map}, {transform_indices = #map1}, {transform_indices = #map1}, {transform_indices = #map2}]} {
    %mul3A = arith.constant 640 : i32
    %mul3A_0 = arith.muli %arg1, %mul3A : i32
    "tpu.region"() ({
      %run_scoped3A_38 = tpu.sem_alloc : memref<!tpu.dma_semaphore, #tpu.memory_space<semaphore_mem>>
      %dma_start3A_39 = arith.constant 0 : i32
      %dma_start3A_40 = tpu.memref_slice %arg11[%mul3A_0, %dma_start3A_39] : memref<10240x160xf32, #tpu.memory_space<vmem_shared>> -> memref<640x160xf32, #tpu.memory_space<vmem_shared>>
      tpu.enqueue_dma source(%arg5 : memref<640x160xf32, #tpu.memory_space<hbm>>) target(%dma_start3A_40 : memref<640x160xf32, #tpu.memory_space<vmem_shared>>) target_semaphore(%run_scoped3A_38 : memref<!tpu.dma_semaphore, #tpu.memory_space<semaphore_mem>>)
      %dma_wait3A_41 = arith.constant 0 : i32
      %dma_wait3A_42 = tpu.memref_slice %arg11[%mul3A_0, %dma_wait3A_41] : memref<10240x160xf32, #tpu.memory_space<vmem_shared>> -> memref<640x160xf32, #tpu.memory_space<vmem_shared>>
      tpu.wait_dma2 semaphore(%run_scoped3A_38 : memref<!tpu.dma_semaphore, #tpu.memory_space<semaphore_mem>>) src(%arg5 : memref<640x160xf32, #tpu.memory_space<hbm>>) dst(%dma_wait3A_42 : memref<640x160xf32, #tpu.memory_space<vmem_shared>>)
      tpu.yield
    }) : () -> ()
    %barrier3A = arith.constant 0 : index
    tpu.barrier barrier_id(%barrier3A)
    "tpu.region"() ({
      %run_scoped3A_38 = tpu.sem_alloc : memref<!tpu.dma_semaphore, #tpu.memory_space<semaphore_mem>>
      %dma_start3A_39 = arith.constant 0 : i32
      %dma_start3A_40 = arith.constant 0 : i32
      %dma_start3A_41 = tpu.memref_slice %arg2[%arg0, %arg1, %dma_start3A_39, %dma_start3A_40] : memref<2x16x90x56xi32, #tpu.memory_space<hbm>> -> memref<1x1x90x56xi32, #tpu.memory_space<hbm>>
      %dma_start3A_42 = tpu.memref_squeeze %dma_start3A_41 : memref<1x1x90x56xi32, #tpu.memory_space<hbm>> -> memref<90x56xi32, #tpu.memory_space<hbm>>
      %dma_start3A_43 = arith.constant 0 : i32
      %dma_start3A_44 = arith.constant 0 : i32
      %dma_start3A_45 = tpu.memref_slice %arg2[%arg0, %arg1, %dma_start3A_43, %dma_start3A_44] : memref<2x16x90x56xi32, #tpu.memory_space<hbm>> -> memref<1x1x90x56xi32, #tpu.memory_space<hbm>>
      %dma_start3A_46 = tpu.memref_squeeze %dma_start3A_45 : memref<1x1x90x56xi32, #tpu.memory_space<hbm>> -> memref<90x56xi32, #tpu.memory_space<hbm>>
      tpu.enqueue_dma source(%dma_start3A_46 : memref<90x56xi32, #tpu.memory_space<hbm>>) target(%arg7 : memref<90x56xi32, #tpu.memory_space<vmem>>) target_semaphore(%run_scoped3A_38 : memref<!tpu.dma_semaphore, #tpu.memory_space<semaphore_mem>>)
      %dma_wait3A_47 = arith.constant 0 : i32
      %dma_wait3A_48 = arith.constant 0 : i32
      %dma_wait3A_49 = tpu.memref_slice %arg2[%arg0, %arg1, %dma_wait3A_47, %dma_wait3A_48] : memref<2x16x90x56xi32, #tpu.memory_space<hbm>> -> memref<1x1x90x56xi32, #tpu.memory_space<hbm>>
      %dma_wait3A_50 = tpu.memref_squeeze %dma_wait3A_49 : memref<1x1x90x56xi32, #tpu.memory_space<hbm>> -> memref<90x56xi32, #tpu.memory_space<hbm>>
      %dma_wait3A_51 = arith.constant 0 : i32
      %dma_wait3A_52 = arith.constant 0 : i32
      %dma_wait3A_53 = tpu.memref_slice %arg2[%arg0, %arg1, %dma_wait3A_51, %dma_wait3A_52] : memref<2x16x90x56xi32, #tpu.memory_space<hbm>> -> memref<1x1x90x56xi32, #tpu.memory_space<hbm>>
      %dma_wait3A_54 = tpu.memref_squeeze %dma_wait3A_53 : memref<1x1x90x56xi32, #tpu.memory_space<hbm>> -> memref<90x56xi32, #tpu.memory_space<hbm>>
      tpu.wait_dma2 semaphore(%run_scoped3A_38 : memref<!tpu.dma_semaphore, #tpu.memory_space<semaphore_mem>>) src(%dma_wait3A_54 : memref<90x56xi32, #tpu.memory_space<hbm>>) dst(%arg7 : memref<90x56xi32, #tpu.memory_space<vmem>>)
      tpu.yield
    }) : () -> ()
    "tpu.region"() ({
      %run_scoped3A_38 = tpu.sem_alloc : memref<!tpu.dma_semaphore, #tpu.memory_space<semaphore_mem>>
      %dma_start3A_39 = arith.constant 0 : i32
      %dma_start3A_40 = arith.constant 0 : i32
      %dma_start3A_41 = tpu.memref_slice %arg3[%arg0, %arg1, %dma_start3A_39, %dma_start3A_40] : memref<2x16x90x56xi32, #tpu.memory_space<hbm>> -> memref<1x1x90x56xi32, #tpu.memory_space<hbm>>
      %dma_start3A_42 = tpu.memref_squeeze %dma_start3A_41 : memref<1x1x90x56xi32, #tpu.memory_space<hbm>> -> memref<90x56xi32, #tpu.memory_space<hbm>>
      %dma_start3A_43 = arith.constant 0 : i32
      %dma_start3A_44 = arith.constant 0 : i32
      %dma_start3A_45 = tpu.memref_slice %arg3[%arg0, %arg1, %dma_start3A_43, %dma_start3A_44] : memref<2x16x90x56xi32, #tpu.memory_space<hbm>> -> memref<1x1x90x56xi32, #tpu.memory_space<hbm>>
      %dma_start3A_46 = tpu.memref_squeeze %dma_start3A_45 : memref<1x1x90x56xi32, #tpu.memory_space<hbm>> -> memref<90x56xi32, #tpu.memory_space<hbm>>
      tpu.enqueue_dma source(%dma_start3A_46 : memref<90x56xi32, #tpu.memory_space<hbm>>) target(%arg8 : memref<90x56xi32, #tpu.memory_space<vmem>>) target_semaphore(%run_scoped3A_38 : memref<!tpu.dma_semaphore, #tpu.memory_space<semaphore_mem>>)
      %dma_wait3A_47 = arith.constant 0 : i32
      %dma_wait3A_48 = arith.constant 0 : i32
      %dma_wait3A_49 = tpu.memref_slice %arg3[%arg0, %arg1, %dma_wait3A_47, %dma_wait3A_48] : memref<2x16x90x56xi32, #tpu.memory_space<hbm>> -> memref<1x1x90x56xi32, #tpu.memory_space<hbm>>
      %dma_wait3A_50 = tpu.memref_squeeze %dma_wait3A_49 : memref<1x1x90x56xi32, #tpu.memory_space<hbm>> -> memref<90x56xi32, #tpu.memory_space<hbm>>
      %dma_wait3A_51 = arith.constant 0 : i32
      %dma_wait3A_52 = arith.constant 0 : i32
      %dma_wait3A_53 = tpu.memref_slice %arg3[%arg0, %arg1, %dma_wait3A_51, %dma_wait3A_52] : memref<2x16x90x56xi32, #tpu.memory_space<hbm>> -> memref<1x1x90x56xi32, #tpu.memory_space<hbm>>
      %dma_wait3A_54 = tpu.memref_squeeze %dma_wait3A_53 : memref<1x1x90x56xi32, #tpu.memory_space<hbm>> -> memref<90x56xi32, #tpu.memory_space<hbm>>
      tpu.wait_dma2 semaphore(%run_scoped3A_38 : memref<!tpu.dma_semaphore, #tpu.memory_space<semaphore_mem>>) src(%dma_wait3A_54 : memref<90x56xi32, #tpu.memory_space<hbm>>) dst(%arg8 : memref<90x56xi32, #tpu.memory_space<vmem>>)
      tpu.yield
    }) : () -> ()
    %dma_start3A = arith.constant 0 : i32
    %dma_start3A_1 = arith.constant 0 : i32
    %dma_start3A_2 = tpu.memref_slice %arg7[%dma_start3A, %dma_start3A_1] : memref<90x56xi32, #tpu.memory_space<vmem>> -> memref<1x56xi32, #tpu.memory_space<vmem>>
    %dma_start3A_3 = tpu.memref_squeeze %dma_start3A_2 : memref<1x56xi32, #tpu.memory_space<vmem>> -> memref<56xi32, #tpu.memory_space<vmem>>
    %dma_start3A_4 = arith.constant 0 : i32
    %dma_start3A_5 = arith.constant 0 : i32
    %dma_start3A_6 = tpu.memref_slice %arg4[%dma_start3A_4, %dma_start3A_5] : memref<40960x160xf32, #tpu.memory_space<hbm>> -> memref<40960x160xf32, #tpu.memory_space<hbm>>
    tpu.enqueue_indirect_dma source(%dma_start3A_6 : memref<40960x160xf32, #tpu.memory_space<hbm>>) target(%arg9 : memref<56x160xf32, #tpu.memory_space<vmem>>) offsets(%dma_start3A_3 : memref<56xi32, #tpu.memory_space<vmem>>) semaphore(%arg12 : memref<!tpu.dma_semaphore, #tpu.memory_space<semaphore_mem>>)
    %dma_start3A_7 = arith.constant 1 : i32
    %dma_start3A_8 = arith.constant 0 : i32
    %dma_start3A_9 = tpu.memref_slice %arg7[%dma_start3A_7, %dma_start3A_8] : memref<90x56xi32, #tpu.memory_space<vmem>> -> memref<1x56xi32, #tpu.memory_space<vmem>>
    %dma_start3A_10 = tpu.memref_squeeze %dma_start3A_9 : memref<1x56xi32, #tpu.memory_space<vmem>> -> memref<56xi32, #tpu.memory_space<vmem>>
    %dma_start3A_11 = arith.constant 0 : i32
    %dma_start3A_12 = arith.constant 0 : i32
    %dma_start3A_13 = tpu.memref_slice %arg4[%dma_start3A_11, %dma_start3A_12] : memref<40960x160xf32, #tpu.memory_space<hbm>> -> memref<40960x160xf32, #tpu.memory_space<hbm>>
    tpu.enqueue_indirect_dma source(%dma_start3A_13 : memref<40960x160xf32, #tpu.memory_space<hbm>>) target(%arg10 : memref<56x160xf32, #tpu.memory_space<vmem>>) offsets(%dma_start3A_10 : memref<56xi32, #tpu.memory_space<vmem>>) semaphore(%arg13 : memref<!tpu.dma_semaphore, #tpu.memory_space<semaphore_mem>>)
    %scan3A = arith.constant 0 : i32
    %scan3A_14 = arith.constant 0 : i32
    %scan3A_15 = arith.constant 44 : i32
    %scan3A_16 = arith.addi %scan3A_14, %scan3A_15 : i32
    %scan3A_17 = arith.constant 1 : i32
    scf.for %scan3A_38 = %scan3A_14 to %scan3A_16 step %scan3A_17  : i32 {
      %mul3A_39 = arith.constant 2 : i32
      %mul3A_40 = arith.muli %mul3A_39, %scan3A_38 : i32
      %dma_wait3A_41 = arith.constant 0 : i32
      %dma_wait3A_42 = arith.constant 0 : i32
      %dma_wait3A_43 = tpu.memref_slice %arg7[%dma_wait3A_41, %dma_wait3A_42] : memref<90x56xi32, #tpu.memory_space<vmem>> -> memref<1x56xi32, #tpu.memory_space<vmem>>
      %dma_wait3A_44 = tpu.memref_squeeze %dma_wait3A_43 : memref<1x56xi32, #tpu.memory_space<vmem>> -> memref<56xi32, #tpu.memory_space<vmem>>
      %dma_wait3A_45 = arith.constant 0 : i32
      %dma_wait3A_46 = arith.constant 0 : i32
      %dma_wait3A_47 = tpu.memref_slice %arg4[%dma_wait3A_45, %dma_wait3A_46] : memref<40960x160xf32, #tpu.memory_space<hbm>> -> memref<40960x160xf32, #tpu.memory_space<hbm>>
      tpu.wait_indirect_dma semaphore(%arg12 : memref<!tpu.dma_semaphore, #tpu.memory_space<semaphore_mem>>) src(%dma_wait3A_47 : memref<40960x160xf32, #tpu.memory_space<hbm>>) dst(%arg9 : memref<56x160xf32, #tpu.memory_space<vmem>>)
      "tpu.region"() ({
        %run_scoped3A_72 = tpu.sem_alloc : memref<!tpu.dma_semaphore, #tpu.memory_space<semaphore_mem>>
        %dma_start3A_73 = arith.constant 0 : i32
        %dma_start3A_74 = tpu.memref_slice %arg8[%mul3A_40, %dma_start3A_73] : memref<90x56xi32, #tpu.memory_space<vmem>> -> memref<1x56xi32, #tpu.memory_space<vmem>>
        %dma_start3A_75 = tpu.memref_squeeze %dma_start3A_74 : memref<1x56xi32, #tpu.memory_space<vmem>> -> memref<56xi32, #tpu.memory_space<vmem>>
        %dma_start3A_76 = arith.constant 0 : i32
        %dma_start3A_77 = arith.constant 0 : i32
        %dma_start3A_78 = tpu.memref_slice %arg11[%dma_start3A_76, %dma_start3A_77] : memref<10240x160xf32, #tpu.memory_space<vmem_shared>> -> memref<10240x160xf32, #tpu.memory_space<vmem_shared>>
        tpu.enqueue_indirect_dma source(%arg9 : memref<56x160xf32, #tpu.memory_space<vmem>>) target(%dma_start3A_78 : memref<10240x160xf32, #tpu.memory_space<vmem_shared>>) offsets(%dma_start3A_75 : memref<56xi32, #tpu.memory_space<vmem>>) semaphore(%run_scoped3A_72 : memref<!tpu.dma_semaphore, #tpu.memory_space<semaphore_mem>>) {add = true}
        %dma_wait3A_79 = arith.constant 0 : i32
        %dma_wait3A_80 = tpu.memref_slice %arg8[%mul3A_40, %dma_wait3A_79] : memref<90x56xi32, #tpu.memory_space<vmem>> -> memref<1x56xi32, #tpu.memory_space<vmem>>
        %dma_wait3A_81 = tpu.memref_squeeze %dma_wait3A_80 : memref<1x56xi32, #tpu.memory_space<vmem>> -> memref<56xi32, #tpu.memory_space<vmem>>
        %dma_wait3A_82 = arith.constant 0 : i32
        %dma_wait3A_83 = arith.constant 0 : i32
        %dma_wait3A_84 = tpu.memref_slice %arg11[%dma_wait3A_82, %dma_wait3A_83] : memref<10240x160xf32, #tpu.memory_space<vmem_shared>> -> memref<10240x160xf32, #tpu.memory_space<vmem_shared>>
        tpu.wait_indirect_dma semaphore(%run_scoped3A_72 : memref<!tpu.dma_semaphore, #tpu.memory_space<semaphore_mem>>) src(%arg9 : memref<56x160xf32, #tpu.memory_space<vmem>>) dst(%dma_wait3A_84 : memref<10240x160xf32, #tpu.memory_space<vmem_shared>>)
        tpu.yield
      }) : () -> ()
      %add3A = arith.constant 2 : i32
      %add3A_48 = arith.addi %mul3A_40, %add3A : i32
      %dma_start3A_49 = arith.constant 0 : i32
      %dma_start3A_50 = tpu.memref_slice %arg7[%add3A_48, %dma_start3A_49] : memref<90x56xi32, #tpu.memory_space<vmem>> -> memref<1x56xi32, #tpu.memory_space<vmem>>
      %dma_start3A_51 = tpu.memref_squeeze %dma_start3A_50 : memref<1x56xi32, #tpu.memory_space<vmem>> -> memref<56xi32, #tpu.memory_space<vmem>>
      %dma_start3A_52 = arith.constant 0 : i32
      %dma_start3A_53 = arith.constant 0 : i32
      %dma_start3A_54 = tpu.memref_slice %arg4[%dma_start3A_52, %dma_start3A_53] : memref<40960x160xf32, #tpu.memory_space<hbm>> -> memref<40960x160xf32, #tpu.memory_space<hbm>>
      tpu.enqueue_indirect_dma source(%dma_start3A_54 : memref<40960x160xf32, #tpu.memory_space<hbm>>) target(%arg9 : memref<56x160xf32, #tpu.memory_space<vmem>>) offsets(%dma_start3A_51 : memref<56xi32, #tpu.memory_space<vmem>>) semaphore(%arg12 : memref<!tpu.dma_semaphore, #tpu.memory_space<semaphore_mem>>)
      %dma_wait3A_55 = arith.constant 0 : i32
      %dma_wait3A_56 = arith.constant 0 : i32
      %dma_wait3A_57 = tpu.memref_slice %arg7[%dma_wait3A_55, %dma_wait3A_56] : memref<90x56xi32, #tpu.memory_space<vmem>> -> memref<1x56xi32, #tpu.memory_space<vmem>>
      %dma_wait3A_58 = tpu.memref_squeeze %dma_wait3A_57 : memref<1x56xi32, #tpu.memory_space<vmem>> -> memref<56xi32, #tpu.memory_space<vmem>>
      %dma_wait3A_59 = arith.constant 0 : i32
      %dma_wait3A_60 = arith.constant 0 : i32
      %dma_wait3A_61 = tpu.memref_slice %arg4[%dma_wait3A_59, %dma_wait3A_60] : memref<40960x160xf32, #tpu.memory_space<hbm>> -> memref<40960x160xf32, #tpu.memory_space<hbm>>
      tpu.wait_indirect_dma semaphore(%arg13 : memref<!tpu.dma_semaphore, #tpu.memory_space<semaphore_mem>>) src(%dma_wait3A_61 : memref<40960x160xf32, #tpu.memory_space<hbm>>) dst(%arg10 : memref<56x160xf32, #tpu.memory_space<vmem>>)
      %add3A_62 = arith.constant 1 : i32
      %add3A_63 = arith.addi %mul3A_40, %add3A_62 : i32
      "tpu.region"() ({
        %run_scoped3A_72 = tpu.sem_alloc : memref<!tpu.dma_semaphore, #tpu.memory_space<semaphore_mem>>
        %dma_start3A_73 = arith.constant 0 : i32
        %dma_start3A_74 = tpu.memref_slice %arg8[%add3A_63, %dma_start3A_73] : memref<90x56xi32, #tpu.memory_space<vmem>> -> memref<1x56xi32, #tpu.memory_space<vmem>>
        %dma_start3A_75 = tpu.memref_squeeze %dma_start3A_74 : memref<1x56xi32, #tpu.memory_space<vmem>> -> memref<56xi32, #tpu.memory_space<vmem>>
        %dma_start3A_76 = arith.constant 0 : i32
        %dma_start3A_77 = arith.constant 0 : i32
        %dma_start3A_78 = tpu.memref_slice %arg11[%dma_start3A_76, %dma_start3A_77] : memref<10240x160xf32, #tpu.memory_space<vmem_shared>> -> memref<10240x160xf32, #tpu.memory_space<vmem_shared>>
        tpu.enqueue_indirect_dma source(%arg10 : memref<56x160xf32, #tpu.memory_space<vmem>>) target(%dma_start3A_78 : memref<10240x160xf32, #tpu.memory_space<vmem_shared>>) offsets(%dma_start3A_75 : memref<56xi32, #tpu.memory_space<vmem>>) semaphore(%run_scoped3A_72 : memref<!tpu.dma_semaphore, #tpu.memory_space<semaphore_mem>>) {add = true}
        %dma_wait3A_79 = arith.constant 0 : i32
        %dma_wait3A_80 = tpu.memref_slice %arg8[%add3A_63, %dma_wait3A_79] : memref<90x56xi32, #tpu.memory_space<vmem>> -> memref<1x56xi32, #tpu.memory_space<vmem>>
        %dma_wait3A_81 = tpu.memref_squeeze %dma_wait3A_80 : memref<1x56xi32, #tpu.memory_space<vmem>> -> memref<56xi32, #tpu.memory_space<vmem>>
        %dma_wait3A_82 = arith.constant 0 : i32
        %dma_wait3A_83 = arith.constant 0 : i32
        %dma_wait3A_84 = tpu.memref_slice %arg11[%dma_wait3A_82, %dma_wait3A_83] : memref<10240x160xf32, #tpu.memory_space<vmem_shared>> -> memref<10240x160xf32, #tpu.memory_space<vmem_shared>>
        tpu.wait_indirect_dma semaphore(%run_scoped3A_72 : memref<!tpu.dma_semaphore, #tpu.memory_space<semaphore_mem>>) src(%arg10 : memref<56x160xf32, #tpu.memory_space<vmem>>) dst(%dma_wait3A_84 : memref<10240x160xf32, #tpu.memory_space<vmem_shared>>)
        tpu.yield
      }) : () -> ()
      %add3A_64 = arith.constant 3 : i32
      %add3A_65 = arith.addi %mul3A_40, %add3A_64 : i32
      %dma_start3A_66 = arith.constant 0 : i32
      %dma_start3A_67 = tpu.memref_slice %arg7[%add3A_65, %dma_start3A_66] : memref<90x56xi32, #tpu.memory_space<vmem>> -> memref<1x56xi32, #tpu.memory_space<vmem>>
      %dma_start3A_68 = tpu.memref_squeeze %dma_start3A_67 : memref<1x56xi32, #tpu.memory_space<vmem>> -> memref<56xi32, #tpu.memory_space<vmem>>
      %dma_start3A_69 = arith.constant 0 : i32
      %dma_start3A_70 = arith.constant 0 : i32
      %dma_start3A_71 = tpu.memref_slice %arg4[%dma_start3A_69, %dma_start3A_70] : memref<40960x160xf32, #tpu.memory_space<hbm>> -> memref<40960x160xf32, #tpu.memory_space<hbm>>
      tpu.enqueue_indirect_dma source(%dma_start3A_71 : memref<40960x160xf32, #tpu.memory_space<hbm>>) target(%arg10 : memref<56x160xf32, #tpu.memory_space<vmem>>) offsets(%dma_start3A_68 : memref<56xi32, #tpu.memory_space<vmem>>) semaphore(%arg13 : memref<!tpu.dma_semaphore, #tpu.memory_space<semaphore_mem>>)
    }
    %scan3A_18 = arith.constant 44 : i32
    %dma_wait3A = arith.constant 0 : i32
    %dma_wait3A_19 = arith.constant 0 : i32
    %dma_wait3A_20 = tpu.memref_slice %arg7[%dma_wait3A, %dma_wait3A_19] : memref<90x56xi32, #tpu.memory_space<vmem>> -> memref<1x56xi32, #tpu.memory_space<vmem>>
    %dma_wait3A_21 = tpu.memref_squeeze %dma_wait3A_20 : memref<1x56xi32, #tpu.memory_space<vmem>> -> memref<56xi32, #tpu.memory_space<vmem>>
    %dma_wait3A_22 = arith.constant 0 : i32
    %dma_wait3A_23 = arith.constant 0 : i32
    %dma_wait3A_24 = tpu.memref_slice %arg4[%dma_wait3A_22, %dma_wait3A_23] : memref<40960x160xf32, #tpu.memory_space<hbm>> -> memref<40960x160xf32, #tpu.memory_space<hbm>>
    tpu.wait_indirect_dma semaphore(%arg12 : memref<!tpu.dma_semaphore, #tpu.memory_space<semaphore_mem>>) src(%dma_wait3A_24 : memref<40960x160xf32, #tpu.memory_space<hbm>>) dst(%arg9 : memref<56x160xf32, #tpu.memory_space<vmem>>)
    %run_scoped3A = arith.constant 88 : i32
    "tpu.region"() ({
      %run_scoped3A_38 = tpu.sem_alloc : memref<!tpu.dma_semaphore, #tpu.memory_space<semaphore_mem>>
      %dma_start3A_39 = arith.constant 0 : i32
      %dma_start3A_40 = tpu.memref_slice %arg8[%run_scoped3A, %dma_start3A_39] : memref<90x56xi32, #tpu.memory_space<vmem>> -> memref<1x56xi32, #tpu.memory_space<vmem>>
      %dma_start3A_41 = tpu.memref_squeeze %dma_start3A_40 : memref<1x56xi32, #tpu.memory_space<vmem>> -> memref<56xi32, #tpu.memory_space<vmem>>
      %dma_start3A_42 = arith.constant 0 : i32
      %dma_start3A_43 = arith.constant 0 : i32
      %dma_start3A_44 = tpu.memref_slice %arg11[%dma_start3A_42, %dma_start3A_43] : memref<10240x160xf32, #tpu.memory_space<vmem_shared>> -> memref<10240x160xf32, #tpu.memory_space<vmem_shared>>
      tpu.enqueue_indirect_dma source(%arg9 : memref<56x160xf32, #tpu.memory_space<vmem>>) target(%dma_start3A_44 : memref<10240x160xf32, #tpu.memory_space<vmem_shared>>) offsets(%dma_start3A_41 : memref<56xi32, #tpu.memory_space<vmem>>) semaphore(%run_scoped3A_38 : memref<!tpu.dma_semaphore, #tpu.memory_space<semaphore_mem>>) {add = true}
      %dma_wait3A_45 = arith.constant 0 : i32
      %dma_wait3A_46 = tpu.memref_slice %arg8[%run_scoped3A, %dma_wait3A_45] : memref<90x56xi32, #tpu.memory_space<vmem>> -> memref<1x56xi32, #tpu.memory_space<vmem>>
      %dma_wait3A_47 = tpu.memref_squeeze %dma_wait3A_46 : memref<1x56xi32, #tpu.memory_space<vmem>> -> memref<56xi32, #tpu.memory_space<vmem>>
      %dma_wait3A_48 = arith.constant 0 : i32
      %dma_wait3A_49 = arith.constant 0 : i32
      %dma_wait3A_50 = tpu.memref_slice %arg11[%dma_wait3A_48, %dma_wait3A_49] : memref<10240x160xf32, #tpu.memory_space<vmem_shared>> -> memref<10240x160xf32, #tpu.memory_space<vmem_shared>>
      tpu.wait_indirect_dma semaphore(%run_scoped3A_38 : memref<!tpu.dma_semaphore, #tpu.memory_space<semaphore_mem>>) src(%arg9 : memref<56x160xf32, #tpu.memory_space<vmem>>) dst(%dma_wait3A_50 : memref<10240x160xf32, #tpu.memory_space<vmem_shared>>)
      tpu.yield
    }) : () -> ()
    %dma_wait3A_25 = arith.constant 0 : i32
    %dma_wait3A_26 = arith.constant 0 : i32
    %dma_wait3A_27 = tpu.memref_slice %arg7[%dma_wait3A_25, %dma_wait3A_26] : memref<90x56xi32, #tpu.memory_space<vmem>> -> memref<1x56xi32, #tpu.memory_space<vmem>>
    %dma_wait3A_28 = tpu.memref_squeeze %dma_wait3A_27 : memref<1x56xi32, #tpu.memory_space<vmem>> -> memref<56xi32, #tpu.memory_space<vmem>>
    %dma_wait3A_29 = arith.constant 0 : i32
    %dma_wait3A_30 = arith.constant 0 : i32
    %dma_wait3A_31 = tpu.memref_slice %arg4[%dma_wait3A_29, %dma_wait3A_30] : memref<40960x160xf32, #tpu.memory_space<hbm>> -> memref<40960x160xf32, #tpu.memory_space<hbm>>
    tpu.wait_indirect_dma semaphore(%arg13 : memref<!tpu.dma_semaphore, #tpu.memory_space<semaphore_mem>>) src(%dma_wait3A_31 : memref<40960x160xf32, #tpu.memory_space<hbm>>) dst(%arg10 : memref<56x160xf32, #tpu.memory_space<vmem>>)
    %run_scoped3A_32 = arith.constant 89 : i32
    "tpu.region"() ({
      %run_scoped3A_38 = tpu.sem_alloc : memref<!tpu.dma_semaphore, #tpu.memory_space<semaphore_mem>>
      %dma_start3A_39 = arith.constant 0 : i32
      %dma_start3A_40 = tpu.memref_slice %arg8[%run_scoped3A_32, %dma_start3A_39] : memref<90x56xi32, #tpu.memory_space<vmem>> -> memref<1x56xi32, #tpu.memory_space<vmem>>
      %dma_start3A_41 = tpu.memref_squeeze %dma_start3A_40 : memref<1x56xi32, #tpu.memory_space<vmem>> -> memref<56xi32, #tpu.memory_space<vmem>>
      %dma_start3A_42 = arith.constant 0 : i32
      %dma_start3A_43 = arith.constant 0 : i32
      %dma_start3A_44 = tpu.memref_slice %arg11[%dma_start3A_42, %dma_start3A_43] : memref<10240x160xf32, #tpu.memory_space<vmem_shared>> -> memref<10240x160xf32, #tpu.memory_space<vmem_shared>>
      tpu.enqueue_indirect_dma source(%arg10 : memref<56x160xf32, #tpu.memory_space<vmem>>) target(%dma_start3A_44 : memref<10240x160xf32, #tpu.memory_space<vmem_shared>>) offsets(%dma_start3A_41 : memref<56xi32, #tpu.memory_space<vmem>>) semaphore(%run_scoped3A_38 : memref<!tpu.dma_semaphore, #tpu.memory_space<semaphore_mem>>) {add = true}
      %dma_wait3A_45 = arith.constant 0 : i32
      %dma_wait3A_46 = tpu.memref_slice %arg8[%run_scoped3A_32, %dma_wait3A_45] : memref<90x56xi32, #tpu.memory_space<vmem>> -> memref<1x56xi32, #tpu.memory_space<vmem>>
      %dma_wait3A_47 = tpu.memref_squeeze %dma_wait3A_46 : memref<1x56xi32, #tpu.memory_space<vmem>> -> memref<56xi32, #tpu.memory_space<vmem>>
      %dma_wait3A_48 = arith.constant 0 : i32
      %dma_wait3A_49 = arith.constant 0 : i32
      %dma_wait3A_50 = tpu.memref_slice %arg11[%dma_wait3A_48, %dma_wait3A_49] : memref<10240x160xf32, #tpu.memory_space<vmem_shared>> -> memref<10240x160xf32, #tpu.memory_space<vmem_shared>>
      tpu.wait_indirect_dma semaphore(%run_scoped3A_38 : memref<!tpu.dma_semaphore, #tpu.memory_space<semaphore_mem>>) src(%arg10 : memref<56x160xf32, #tpu.memory_space<vmem>>) dst(%dma_wait3A_50 : memref<10240x160xf32, #tpu.memory_space<vmem_shared>>)
      tpu.yield
    }) : () -> ()
    %barrier3A_33 = arith.constant 0 : index
    tpu.barrier barrier_id(%barrier3A_33)
    %mul3A_34 = arith.constant 640 : i32
    %mul3A_35 = arith.muli %arg1, %mul3A_34 : i32
    %mul3A_36 = arith.constant 640 : i32
    %mul3A_37 = arith.muli %arg1, %mul3A_36 : i32
    "tpu.region"() ({
      %run_scoped3A_38 = tpu.sem_alloc : memref<!tpu.dma_semaphore, #tpu.memory_space<semaphore_mem>>
      %dma_start3A_39 = arith.constant 0 : i32
      %dma_start3A_40 = tpu.memref_slice %arg6[%arg0, %mul3A_37, %dma_start3A_39] : memref<2x10240x160xf32, #tpu.memory_space<hbm>> -> memref<1x640x160xf32, #tpu.memory_space<hbm>>
      %dma_start3A_41 = tpu.memref_squeeze %dma_start3A_40 : memref<1x640x160xf32, #tpu.memory_space<hbm>> -> memref<640x160xf32, #tpu.memory_space<hbm>>
      %dma_start3A_42 = arith.constant 0 : i32
      %dma_start3A_43 = tpu.memref_slice %arg11[%mul3A_35, %dma_start3A_42] : memref<10240x160xf32, #tpu.memory_space<vmem_shared>> -> memref<640x160xf32, #tpu.memory_space<vmem_shared>>
      tpu.enqueue_dma source(%dma_start3A_43 : memref<640x160xf32, #tpu.memory_space<vmem_shared>>) target(%dma_start3A_41 : memref<640x160xf32, #tpu.memory_space<hbm>>) target_semaphore(%run_scoped3A_38 : memref<!tpu.dma_semaphore, #tpu.memory_space<semaphore_mem>>)
      %dma_wait3A_44 = arith.constant 0 : i32
      %dma_wait3A_45 = tpu.memref_slice %arg6[%arg0, %mul3A_37, %dma_wait3A_44] : memref<2x10240x160xf32, #tpu.memory_space<hbm>> -> memref<1x640x160xf32, #tpu.memory_space<hbm>>
      %dma_wait3A_46 = tpu.memref_squeeze %dma_wait3A_45 : memref<1x640x160xf32, #tpu.memory_space<hbm>> -> memref<640x160xf32, #tpu.memory_space<hbm>>
      %dma_wait3A_47 = arith.constant 0 : i32
      %dma_wait3A_48 = tpu.memref_slice %arg11[%mul3A_35, %dma_wait3A_47] : memref<10240x160xf32, #tpu.memory_space<vmem_shared>> -> memref<640x160xf32, #tpu.memory_space<vmem_shared>>
      tpu.wait_dma2 semaphore(%run_scoped3A_38 : memref<!tpu.dma_semaphore, #tpu.memory_space<semaphore_mem>>) src(%dma_wait3A_48 : memref<640x160xf32, #tpu.memory_space<vmem_shared>>) dst(%dma_wait3A_46 : memref<640x160xf32, #tpu.memory_space<hbm>>)
      tpu.yield
    }) : () -> ()
    return
  }
}

#map = affine_map<(d0, d1) -> (0, 0, 0, 0)>
#map1 = affine_map<(d0, d1) -> (0, 0)>
#map2 = affine_map<(d0, d1) -> (0, 0, 0)>
module attributes {stable_mosaic.version = 14 : i64} {
  func.func @sc_kernel(%arg0: i32, %arg1: i32, %arg2: memref<2x16x90x56xi32, #tpu.memory_space<hbm>>, %arg3: memref<2x16x90x56xi32, #tpu.memory_space<hbm>>, %arg4: memref<40960x160xf32, #tpu.memory_space<hbm>>, %arg5: memref<640x160xf32, #tpu.memory_space<hbm>>, %arg6: memref<2x10240x160xf32, #tpu.memory_space<hbm>>, %arg7: memref<90x56xi32, #tpu.memory_space<vmem>>, %arg8: memref<90x56xi32, #tpu.memory_space<vmem>>, %arg9: memref<56x160xf32, #tpu.memory_space<vmem>>, %arg10: memref<56x160xf32, #tpu.memory_space<vmem>>, %arg11: memref<10240x160xf32, #tpu.memory_space<vmem_shared>>, %arg12: memref<!tpu.dma_semaphore, #tpu.memory_space<semaphore_mem>>, %arg13: memref<!tpu.dma_semaphore, #tpu.memory_space<semaphore_mem>>) attributes {dimension_semantics = [#tpu.dimension_semantics<core_parallel>, #tpu.dimension_semantics<subcore_parallel>], iteration_bounds = array<i64: 2, 16>, scalar_prefetch = 0 : i64, scratch_operands = 7 : i64, tpu.core_type = #tpu.core_type<sc_vector_subcore>, window_params = [{transform_indices = #map}, {transform_indices = #map}, {transform_indices = #map1}, {transform_indices = #map1}, {transform_indices = #map2}]} {
    %mul3A = arith.constant 640 : i32
    %mul3A_0 = arith.muli %arg1, %mul3A : i32
    "tpu.region"() ({
      %run_scoped3A_38 = tpu.sem_alloc : memref<!tpu.dma_semaphore, #tpu.memory_space<semaphore_mem>>
      %dma_start3A_39 = arith.constant 0 : i32
      %dma_start3A_40 = tpu.memref_slice %arg11[%mul3A_0, %dma_start3A_39] : memref<10240x160xf32, #tpu.memory_space<vmem_shared>> -> memref<640x160xf32, #tpu.memory_space<vmem_shared>>
      tpu.enqueue_dma source(%arg5 : memref<640x160xf32, #tpu.memory_space<hbm>>) target(%dma_start3A_40 : memref<640x160xf32, #tpu.memory_space<vmem_shared>>) target_semaphore(%run_scoped3A_38 : memref<!tpu.dma_semaphore, #tpu.memory_space<semaphore_mem>>)
      %dma_wait3A_41 = arith.constant 0 : i32
      %dma_wait3A_42 = tpu.memref_slice %arg11[%mul3A_0, %dma_wait3A_41] : memref<10240x160xf32, #tpu.memory_space<vmem_shared>> -> memref<640x160xf32, #tpu.memory_space<vmem_shared>>
      tpu.wait_dma2 semaphore(%run_scoped3A_38 : memref<!tpu.dma_semaphore, #tpu.memory_space<semaphore_mem>>) src(%arg5 : memref<640x160xf32, #tpu.memory_space<hbm>>) dst(%dma_wait3A_42 : memref<640x160xf32, #tpu.memory_space<vmem_shared>>)
      tpu.yield
    }) : () -> ()
    %barrier3A = arith.constant 0 : index
    tpu.barrier barrier_id(%barrier3A)
    "tpu.region"() ({
      %run_scoped3A_38 = tpu.sem_alloc : memref<!tpu.dma_semaphore, #tpu.memory_space<semaphore_mem>>
      %dma_start3A_39 = arith.constant 0 : i32
      %dma_start3A_40 = arith.constant 0 : i32
      %dma_start3A_41 = tpu.memref_slice %arg2[%arg0, %arg1, %dma_start3A_39, %dma_start3A_40] : memref<2x16x90x56xi32, #tpu.memory_space<hbm>> -> memref<1x1x90x56xi32, #tpu.memory_space<hbm>>
      %dma_start3A_42 = tpu.memref_squeeze %dma_start3A_41 : memref<1x1x90x56xi32, #tpu.memory_space<hbm>> -> memref<90x56xi32, #tpu.memory_space<hbm>>
      %dma_start3A_43 = arith.constant 0 : i32
      %dma_start3A_44 = arith.constant 0 : i32
      %dma_start3A_45 = tpu.memref_slice %arg2[%arg0, %arg1, %dma_start3A_43, %dma_start3A_44] : memref<2x16x90x56xi32, #tpu.memory_space<hbm>> -> memref<1x1x90x56xi32, #tpu.memory_space<hbm>>
      %dma_start3A_46 = tpu.memref_squeeze %dma_start3A_45 : memref<1x1x90x56xi32, #tpu.memory_space<hbm>> -> memref<90x56xi32, #tpu.memory_space<hbm>>
      tpu.enqueue_dma source(%dma_start3A_46 : memref<90x56xi32, #tpu.memory_space<hbm>>) target(%arg7 : memref<90x56xi32, #tpu.memory_space<vmem>>) target_semaphore(%run_scoped3A_38 : memref<!tpu.dma_semaphore, #tpu.memory_space<semaphore_mem>>)
      %dma_wait3A_47 = arith.constant 0 : i32
      %dma_wait3A_48 = arith.constant 0 : i32
      %dma_wait3A_49 = tpu.memref_slice %arg2[%arg0, %arg1, %dma_wait3A_47, %dma_wait3A_48] : memref<2x16x90x56xi32, #tpu.memory_space<hbm>> -> memref<1x1x90x56xi32, #tpu.memory_space<hbm>>
      %dma_wait3A_50 = tpu.memref_squeeze %dma_wait3A_49 : memref<1x1x90x56xi32, #tpu.memory_space<hbm>> -> memref<90x56xi32, #tpu.memory_space<hbm>>
      %dma_wait3A_51 = arith.constant 0 : i32
      %dma_wait3A_52 = arith.constant 0 : i32
      %dma_wait3A_53 = tpu.memref_slice %arg2[%arg0, %arg1, %dma_wait3A_51, %dma_wait3A_52] : memref<2x16x90x56xi32, #tpu.memory_space<hbm>> -> memref<1x1x90x56xi32, #tpu.memory_space<hbm>>
      %dma_wait3A_54 = tpu.memref_squeeze %dma_wait3A_53 : memref<1x1x90x56xi32, #tpu.memory_space<hbm>> -> memref<90x56xi32, #tpu.memory_space<hbm>>
      tpu.wait_dma2 semaphore(%run_scoped3A_38 : memref<!tpu.dma_semaphore, #tpu.memory_space<semaphore_mem>>) src(%dma_wait3A_54 : memref<90x56xi32, #tpu.memory_space<hbm>>) dst(%arg7 : memref<90x56xi32, #tpu.memory_space<vmem>>)
      tpu.yield
    }) : () -> ()
    "tpu.region"() ({
      %run_scoped3A_38 = tpu.sem_alloc : memref<!tpu.dma_semaphore, #tpu.memory_space<semaphore_mem>>
      %dma_start3A_39 = arith.constant 0 : i32
      %dma_start3A_40 = arith.constant 0 : i32
      %dma_start3A_41 = tpu.memref_slice %arg3[%arg0, %arg1, %dma_start3A_39, %dma_start3A_40] : memref<2x16x90x56xi32, #tpu.memory_space<hbm>> -> memref<1x1x90x56xi32, #tpu.memory_space<hbm>>
      %dma_start3A_42 = tpu.memref_squeeze %dma_start3A_41 : memref<1x1x90x56xi32, #tpu.memory_space<hbm>> -> memref<90x56xi32, #tpu.memory_space<hbm>>
      %dma_start3A_43 = arith.constant 0 : i32
      %dma_start3A_44 = arith.constant 0 : i32
      %dma_start3A_45 = tpu.memref_slice %arg3[%arg0, %arg1, %dma_start3A_43, %dma_start3A_44] : memref<2x16x90x56xi32, #tpu.memory_space<hbm>> -> memref<1x1x90x56xi32, #tpu.memory_space<hbm>>
      %dma_start3A_46 = tpu.memref_squeeze %dma_start3A_45 : memref<1x1x90x56xi32, #tpu.memory_space<hbm>> -> memref<90x56xi32, #tpu.memory_space<hbm>>
      tpu.enqueue_dma source(%dma_start3A_46 : memref<90x56xi32, #tpu.memory_space<hbm>>) target(%arg8 : memref<90x56xi32, #tpu.memory_space<vmem>>) target_semaphore(%run_scoped3A_38 : memref<!tpu.dma_semaphore, #tpu.memory_space<semaphore_mem>>)
      %dma_wait3A_47 = arith.constant 0 : i32
      %dma_wait3A_48 = arith.constant 0 : i32
      %dma_wait3A_49 = tpu.memref_slice %arg3[%arg0, %arg1, %dma_wait3A_47, %dma_wait3A_48] : memref<2x16x90x56xi32, #tpu.memory_space<hbm>> -> memref<1x1x90x56xi32, #tpu.memory_space<hbm>>
      %dma_wait3A_50 = tpu.memref_squeeze %dma_wait3A_49 : memref<1x1x90x56xi32, #tpu.memory_space<hbm>> -> memref<90x56xi32, #tpu.memory_space<hbm>>
      %dma_wait3A_51 = arith.constant 0 : i32
      %dma_wait3A_52 = arith.constant 0 : i32
      %dma_wait3A_53 = tpu.memref_slice %arg3[%arg0, %arg1, %dma_wait3A_51, %dma_wait3A_52] : memref<2x16x90x56xi32, #tpu.memory_space<hbm>> -> memref<1x1x90x56xi32, #tpu.memory_space<hbm>>
      %dma_wait3A_54 = tpu.memref_squeeze %dma_wait3A_53 : memref<1x1x90x56xi32, #tpu.memory_space<hbm>> -> memref<90x56xi32, #tpu.memory_space<hbm>>
      tpu.wait_dma2 semaphore(%run_scoped3A_38 : memref<!tpu.dma_semaphore, #tpu.memory_space<semaphore_mem>>) src(%dma_wait3A_54 : memref<90x56xi32, #tpu.memory_space<hbm>>) dst(%arg8 : memref<90x56xi32, #tpu.memory_space<vmem>>)
      tpu.yield
    }) : () -> ()
    %dma_start3A = arith.constant 0 : i32
    %dma_start3A_1 = arith.constant 0 : i32
    %dma_start3A_2 = tpu.memref_slice %arg7[%dma_start3A, %dma_start3A_1] : memref<90x56xi32, #tpu.memory_space<vmem>> -> memref<1x56xi32, #tpu.memory_space<vmem>>
    %dma_start3A_3 = tpu.memref_squeeze %dma_start3A_2 : memref<1x56xi32, #tpu.memory_space<vmem>> -> memref<56xi32, #tpu.memory_space<vmem>>
    %dma_start3A_4 = arith.constant 0 : i32
    %dma_start3A_5 = arith.constant 0 : i32
    %dma_start3A_6 = tpu.memref_slice %arg4[%dma_start3A_4, %dma_start3A_5] : memref<40960x160xf32, #tpu.memory_space<hbm>> -> memref<40960x160xf32, #tpu.memory_space<hbm>>
    tpu.enqueue_indirect_dma source(%dma_start3A_6 : memref<40960x160xf32, #tpu.memory_space<hbm>>) target(%arg9 : memref<56x160xf32, #tpu.memory_space<vmem>>) offsets(%dma_start3A_3 : memref<56xi32, #tpu.memory_space<vmem>>) semaphore(%arg12 : memref<!tpu.dma_semaphore, #tpu.memory_space<semaphore_mem>>)
    %dma_start3A_7 = arith.constant 1 : i32
    %dma_start3A_8 = arith.constant 0 : i32
    %dma_start3A_9 = tpu.memref_slice %arg7[%dma_start3A_7, %dma_start3A_8] : memref<90x56xi32, #tpu.memory_space<vmem>> -> memref<1x56xi32, #tpu.memory_space<vmem>>
    %dma_start3A_10 = tpu.memref_squeeze %dma_start3A_9 : memref<1x56xi32, #tpu.memory_space<vmem>> -> memref<56xi32, #tpu.memory_space<vmem>>
    %dma_start3A_11 = arith.constant 0 : i32
    %dma_start3A_12 = arith.constant 0 : i32
    %dma_start3A_13 = tpu.memref_slice %arg4[%dma_start3A_11, %dma_start3A_12] : memref<40960x160xf32, #tpu.memory_space<hbm>> -> memref<40960x160xf32, #tpu.memory_space<hbm>>
    tpu.enqueue_indirect_dma source(%dma_start3A_13 : memref<40960x160xf32, #tpu.memory_space<hbm>>) target(%arg10 : memref<56x160xf32, #tpu.memory_space<vmem>>) offsets(%dma_start3A_10 : memref<56xi32, #tpu.memory_space<vmem>>) semaphore(%arg13 : memref<!tpu.dma_semaphore, #tpu.memory_space<semaphore_mem>>)
    %scan3A = arith.constant 0 : i32
    %scan3A_14 = arith.constant 0 : i32
    %scan3A_15 = arith.constant 44 : i32
    %scan3A_16 = arith.addi %scan3A_14, %scan3A_15 : i32
    %scan3A_17 = arith.constant 1 : i32
    scf.for %scan3A_38 = %scan3A_14 to %scan3A_16 step %scan3A_17  : i32 {
      %mul3A_39 = arith.constant 2 : i32
      %mul3A_40 = arith.muli %mul3A_39, %scan3A_38 : i32
      %dma_wait3A_41 = arith.constant 0 : i32
      %dma_wait3A_42 = arith.constant 0 : i32
      %dma_wait3A_43 = tpu.memref_slice %arg7[%dma_wait3A_41, %dma_wait3A_42] : memref<90x56xi32, #tpu.memory_space<vmem>> -> memref<1x56xi32, #tpu.memory_space<vmem>>
      %dma_wait3A_44 = tpu.memref_squeeze %dma_wait3A_43 : memref<1x56xi32, #tpu.memory_space<vmem>> -> memref<56xi32, #tpu.memory_space<vmem>>
      %dma_wait3A_45 = arith.constant 0 : i32
      %dma_wait3A_46 = arith.constant 0 : i32
      %dma_wait3A_47 = tpu.memref_slice %arg4[%dma_wait3A_45, %dma_wait3A_46] : memref<40960x160xf32, #tpu.memory_space<hbm>> -> memref<40960x160xf32, #tpu.memory_space<hbm>>
      tpu.wait_indirect_dma semaphore(%arg12 : memref<!tpu.dma_semaphore, #tpu.memory_space<semaphore_mem>>) src(%dma_wait3A_47 : memref<40960x160xf32, #tpu.memory_space<hbm>>) dst(%arg9 : memref<56x160xf32, #tpu.memory_space<vmem>>)
      "tpu.region"() ({
        %run_scoped3A_72 = tpu.sem_alloc : memref<!tpu.dma_semaphore, #tpu.memory_space<semaphore_mem>>
        %dma_start3A_73 = arith.constant 0 : i32
        %dma_start3A_74 = tpu.memref_slice %arg8[%mul3A_40, %dma_start3A_73] : memref<90x56xi32, #tpu.memory_space<vmem>> -> memref<1x56xi32, #tpu.memory_space<vmem>>
        %dma_start3A_75 = tpu.memref_squeeze %dma_start3A_74 : memref<1x56xi32, #tpu.memory_space<vmem>> -> memref<56xi32, #tpu.memory_space<vmem>>
        %dma_start3A_76 = arith.constant 0 : i32
        %dma_start3A_77 = arith.constant 0 : i32
        %dma_start3A_78 = tpu.memref_slice %arg11[%dma_start3A_76, %dma_start3A_77] : memref<10240x160xf32, #tpu.memory_space<vmem_shared>> -> memref<10240x160xf32, #tpu.memory_space<vmem_shared>>
        tpu.enqueue_indirect_dma source(%arg9 : memref<56x160xf32, #tpu.memory_space<vmem>>) target(%dma_start3A_78 : memref<10240x160xf32, #tpu.memory_space<vmem_shared>>) offsets(%dma_start3A_75 : memref<56xi32, #tpu.memory_space<vmem>>) semaphore(%run_scoped3A_72 : memref<!tpu.dma_semaphore, #tpu.memory_space<semaphore_mem>>) {add = true}
        %dma_wait3A_79 = arith.constant 0 : i32
        %dma_wait3A_80 = tpu.memref_slice %arg8[%mul3A_40, %dma_wait3A_79] : memref<90x56xi32, #tpu.memory_space<vmem>> -> memref<1x56xi32, #tpu.memory_space<vmem>>
        %dma_wait3A_81 = tpu.memref_squeeze %dma_wait3A_80 : memref<1x56xi32, #tpu.memory_space<vmem>> -> memref<56xi32, #tpu.memory_space<vmem>>
        %dma_wait3A_82 = arith.constant 0 : i32
        %dma_wait3A_83 = arith.constant 0 : i32
        %dma_wait3A_84 = tpu.memref_slice %arg11[%dma_wait3A_82, %dma_wait3A_83] : memref<10240x160xf32, #tpu.memory_space<vmem_shared>> -> memref<10240x160xf32, #tpu.memory_space<vmem_shared>>
        tpu.wait_indirect_dma semaphore(%run_scoped3A_72 : memref<!tpu.dma_semaphore, #tpu.memory_space<semaphore_mem>>) src(%arg9 : memref<56x160xf32, #tpu.memory_space<vmem>>) dst(%dma_wait3A_84 : memref<10240x160xf32, #tpu.memory_space<vmem_shared>>)
        tpu.yield
      }) : () -> ()
      %add3A = arith.constant 2 : i32
      %add3A_48 = arith.addi %mul3A_40, %add3A : i32
      %dma_start3A_49 = arith.constant 0 : i32
      %dma_start3A_50 = tpu.memref_slice %arg7[%add3A_48, %dma_start3A_49] : memref<90x56xi32, #tpu.memory_space<vmem>> -> memref<1x56xi32, #tpu.memory_space<vmem>>
      %dma_start3A_51 = tpu.memref_squeeze %dma_start3A_50 : memref<1x56xi32, #tpu.memory_space<vmem>> -> memref<56xi32, #tpu.memory_space<vmem>>
      %dma_start3A_52 = arith.constant 0 : i32
      %dma_start3A_53 = arith.constant 0 : i32
      %dma_start3A_54 = tpu.memref_slice %arg4[%dma_start3A_52, %dma_start3A_53] : memref<40960x160xf32, #tpu.memory_space<hbm>> -> memref<40960x160xf32, #tpu.memory_space<hbm>>
      tpu.enqueue_indirect_dma source(%dma_start3A_54 : memref<40960x160xf32, #tpu.memory_space<hbm>>) target(%arg9 : memref<56x160xf32, #tpu.memory_space<vmem>>) offsets(%dma_start3A_51 : memref<56xi32, #tpu.memory_space<vmem>>) semaphore(%arg12 : memref<!tpu.dma_semaphore, #tpu.memory_space<semaphore_mem>>)
      %dma_wait3A_55 = arith.constant 0 : i32
      %dma_wait3A_56 = arith.constant 0 : i32
      %dma_wait3A_57 = tpu.memref_slice %arg7[%dma_wait3A_55, %dma_wait3A_56] : memref<90x56xi32, #tpu.memory_space<vmem>> -> memref<1x56xi32, #tpu.memory_space<vmem>>
      %dma_wait3A_58 = tpu.memref_squeeze %dma_wait3A_57 : memref<1x56xi32, #tpu.memory_space<vmem>> -> memref<56xi32, #tpu.memory_space<vmem>>
      %dma_wait3A_59 = arith.constant 0 : i32
      %dma_wait3A_60 = arith.constant 0 : i32
      %dma_wait3A_61 = tpu.memref_slice %arg4[%dma_wait3A_59, %dma_wait3A_60] : memref<40960x160xf32, #tpu.memory_space<hbm>> -> memref<40960x160xf32, #tpu.memory_space<hbm>>
      tpu.wait_indirect_dma semaphore(%arg13 : memref<!tpu.dma_semaphore, #tpu.memory_space<semaphore_mem>>) src(%dma_wait3A_61 : memref<40960x160xf32, #tpu.memory_space<hbm>>) dst(%arg10 : memref<56x160xf32, #tpu.memory_space<vmem>>)
      %add3A_62 = arith.constant 1 : i32
      %add3A_63 = arith.addi %mul3A_40, %add3A_62 : i32
      "tpu.region"() ({
        %run_scoped3A_72 = tpu.sem_alloc : memref<!tpu.dma_semaphore, #tpu.memory_space<semaphore_mem>>
        %dma_start3A_73 = arith.constant 0 : i32
        %dma_start3A_74 = tpu.memref_slice %arg8[%add3A_63, %dma_start3A_73] : memref<90x56xi32, #tpu.memory_space<vmem>> -> memref<1x56xi32, #tpu.memory_space<vmem>>
        %dma_start3A_75 = tpu.memref_squeeze %dma_start3A_74 : memref<1x56xi32, #tpu.memory_space<vmem>> -> memref<56xi32, #tpu.memory_space<vmem>>
        %dma_start3A_76 = arith.constant 0 : i32
        %dma_start3A_77 = arith.constant 0 : i32
        %dma_start3A_78 = tpu.memref_slice %arg11[%dma_start3A_76, %dma_start3A_77] : memref<10240x160xf32, #tpu.memory_space<vmem_shared>> -> memref<10240x160xf32, #tpu.memory_space<vmem_shared>>
        tpu.enqueue_indirect_dma source(%arg10 : memref<56x160xf32, #tpu.memory_space<vmem>>) target(%dma_start3A_78 : memref<10240x160xf32, #tpu.memory_space<vmem_shared>>) offsets(%dma_start3A_75 : memref<56xi32, #tpu.memory_space<vmem>>) semaphore(%run_scoped3A_72 : memref<!tpu.dma_semaphore, #tpu.memory_space<semaphore_mem>>) {add = true}
        %dma_wait3A_79 = arith.constant 0 : i32
        %dma_wait3A_80 = tpu.memref_slice %arg8[%add3A_63, %dma_wait3A_79] : memref<90x56xi32, #tpu.memory_space<vmem>> -> memref<1x56xi32, #tpu.memory_space<vmem>>
        %dma_wait3A_81 = tpu.memref_squeeze %dma_wait3A_80 : memref<1x56xi32, #tpu.memory_space<vmem>> -> memref<56xi32, #tpu.memory_space<vmem>>
        %dma_wait3A_82 = arith.constant 0 : i32
        %dma_wait3A_83 = arith.constant 0 : i32
        %dma_wait3A_84 = tpu.memref_slice %arg11[%dma_wait3A_82, %dma_wait3A_83] : memref<10240x160xf32, #tpu.memory_space<vmem_shared>> -> memref<10240x160xf32, #tpu.memory_space<vmem_shared>>
        tpu.wait_indirect_dma semaphore(%run_scoped3A_72 : memref<!tpu.dma_semaphore, #tpu.memory_space<semaphore_mem>>) src(%arg10 : memref<56x160xf32, #tpu.memory_space<vmem>>) dst(%dma_wait3A_84 : memref<10240x160xf32, #tpu.memory_space<vmem_shared>>)
        tpu.yield
      }) : () -> ()
      %add3A_64 = arith.constant 3 : i32
      %add3A_65 = arith.addi %mul3A_40, %add3A_64 : i32
      %dma_start3A_66 = arith.constant 0 : i32
      %dma_start3A_67 = tpu.memref_slice %arg7[%add3A_65, %dma_start3A_66] : memref<90x56xi32, #tpu.memory_space<vmem>> -> memref<1x56xi32, #tpu.memory_space<vmem>>
      %dma_start3A_68 = tpu.memref_squeeze %dma_start3A_67 : memref<1x56xi32, #tpu.memory_space<vmem>> -> memref<56xi32, #tpu.memory_space<vmem>>
      %dma_start3A_69 = arith.constant 0 : i32
      %dma_start3A_70 = arith.constant 0 : i32
      %dma_start3A_71 = tpu.memref_slice %arg4[%dma_start3A_69, %dma_start3A_70] : memref<40960x160xf32, #tpu.memory_space<hbm>> -> memref<40960x160xf32, #tpu.memory_space<hbm>>
      tpu.enqueue_indirect_dma source(%dma_start3A_71 : memref<40960x160xf32, #tpu.memory_space<hbm>>) target(%arg10 : memref<56x160xf32, #tpu.memory_space<vmem>>) offsets(%dma_start3A_68 : memref<56xi32, #tpu.memory_space<vmem>>) semaphore(%arg13 : memref<!tpu.dma_semaphore, #tpu.memory_space<semaphore_mem>>)
    }
    %scan3A_18 = arith.constant 44 : i32
    %dma_wait3A = arith.constant 0 : i32
    %dma_wait3A_19 = arith.constant 0 : i32
    %dma_wait3A_20 = tpu.memref_slice %arg7[%dma_wait3A, %dma_wait3A_19] : memref<90x56xi32, #tpu.memory_space<vmem>> -> memref<1x56xi32, #tpu.memory_space<vmem>>
    %dma_wait3A_21 = tpu.memref_squeeze %dma_wait3A_20 : memref<1x56xi32, #tpu.memory_space<vmem>> -> memref<56xi32, #tpu.memory_space<vmem>>
    %dma_wait3A_22 = arith.constant 0 : i32
    %dma_wait3A_23 = arith.constant 0 : i32
    %dma_wait3A_24 = tpu.memref_slice %arg4[%dma_wait3A_22, %dma_wait3A_23] : memref<40960x160xf32, #tpu.memory_space<hbm>> -> memref<40960x160xf32, #tpu.memory_space<hbm>>
    tpu.wait_indirect_dma semaphore(%arg12 : memref<!tpu.dma_semaphore, #tpu.memory_space<semaphore_mem>>) src(%dma_wait3A_24 : memref<40960x160xf32, #tpu.memory_space<hbm>>) dst(%arg9 : memref<56x160xf32, #tpu.memory_space<vmem>>)
    %run_scoped3A = arith.constant 88 : i32
    "tpu.region"() ({
      %run_scoped3A_38 = tpu.sem_alloc : memref<!tpu.dma_semaphore, #tpu.memory_space<semaphore_mem>>
      %dma_start3A_39 = arith.constant 0 : i32
      %dma_start3A_40 = tpu.memref_slice %arg8[%run_scoped3A, %dma_start3A_39] : memref<90x56xi32, #tpu.memory_space<vmem>> -> memref<1x56xi32, #tpu.memory_space<vmem>>
      %dma_start3A_41 = tpu.memref_squeeze %dma_start3A_40 : memref<1x56xi32, #tpu.memory_space<vmem>> -> memref<56xi32, #tpu.memory_space<vmem>>
      %dma_start3A_42 = arith.constant 0 : i32
      %dma_start3A_43 = arith.constant 0 : i32
      %dma_start3A_44 = tpu.memref_slice %arg11[%dma_start3A_42, %dma_start3A_43] : memref<10240x160xf32, #tpu.memory_space<vmem_shared>> -> memref<10240x160xf32, #tpu.memory_space<vmem_shared>>
      tpu.enqueue_indirect_dma source(%arg9 : memref<56x160xf32, #tpu.memory_space<vmem>>) target(%dma_start3A_44 : memref<10240x160xf32, #tpu.memory_space<vmem_shared>>) offsets(%dma_start3A_41 : memref<56xi32, #tpu.memory_space<vmem>>) semaphore(%run_scoped3A_38 : memref<!tpu.dma_semaphore, #tpu.memory_space<semaphore_mem>>) {add = true}
      %dma_wait3A_45 = arith.constant 0 : i32
      %dma_wait3A_46 = tpu.memref_slice %arg8[%run_scoped3A, %dma_wait3A_45] : memref<90x56xi32, #tpu.memory_space<vmem>> -> memref<1x56xi32, #tpu.memory_space<vmem>>
      %dma_wait3A_47 = tpu.memref_squeeze %dma_wait3A_46 : memref<1x56xi32, #tpu.memory_space<vmem>> -> memref<56xi32, #tpu.memory_space<vmem>>
      %dma_wait3A_48 = arith.constant 0 : i32
      %dma_wait3A_49 = arith.constant 0 : i32
      %dma_wait3A_50 = tpu.memref_slice %arg11[%dma_wait3A_48, %dma_wait3A_49] : memref<10240x160xf32, #tpu.memory_space<vmem_shared>> -> memref<10240x160xf32, #tpu.memory_space<vmem_shared>>
      tpu.wait_indirect_dma semaphore(%run_scoped3A_38 : memref<!tpu.dma_semaphore, #tpu.memory_space<semaphore_mem>>) src(%arg9 : memref<56x160xf32, #tpu.memory_space<vmem>>) dst(%dma_wait3A_50 : memref<10240x160xf32, #tpu.memory_space<vmem_shared>>)
      tpu.yield
    }) : () -> ()
    %dma_wait3A_25 = arith.constant 0 : i32
    %dma_wait3A_26 = arith.constant 0 : i32
    %dma_wait3A_27 = tpu.memref_slice %arg7[%dma_wait3A_25, %dma_wait3A_26] : memref<90x56xi32, #tpu.memory_space<vmem>> -> memref<1x56xi32, #tpu.memory_space<vmem>>
    %dma_wait3A_28 = tpu.memref_squeeze %dma_wait3A_27 : memref<1x56xi32, #tpu.memory_space<vmem>> -> memref<56xi32, #tpu.memory_space<vmem>>
    %dma_wait3A_29 = arith.constant 0 : i32
    %dma_wait3A_30 = arith.constant 0 : i32
    %dma_wait3A_31 = tpu.memref_slice %arg4[%dma_wait3A_29, %dma_wait3A_30] : memref<40960x160xf32, #tpu.memory_space<hbm>> -> memref<40960x160xf32, #tpu.memory_space<hbm>>
    tpu.wait_indirect_dma semaphore(%arg13 : memref<!tpu.dma_semaphore, #tpu.memory_space<semaphore_mem>>) src(%dma_wait3A_31 : memref<40960x160xf32, #tpu.memory_space<hbm>>) dst(%arg10 : memref<56x160xf32, #tpu.memory_space<vmem>>)
    %run_scoped3A_32 = arith.constant 89 : i32
    "tpu.region"() ({
      %run_scoped3A_38 = tpu.sem_alloc : memref<!tpu.dma_semaphore, #tpu.memory_space<semaphore_mem>>
      %dma_start3A_39 = arith.constant 0 : i32
      %dma_start3A_40 = tpu.memref_slice %arg8[%run_scoped3A_32, %dma_start3A_39] : memref<90x56xi32, #tpu.memory_space<vmem>> -> memref<1x56xi32, #tpu.memory_space<vmem>>
      %dma_start3A_41 = tpu.memref_squeeze %dma_start3A_40 : memref<1x56xi32, #tpu.memory_space<vmem>> -> memref<56xi32, #tpu.memory_space<vmem>>
      %dma_start3A_42 = arith.constant 0 : i32
      %dma_start3A_43 = arith.constant 0 : i32
      %dma_start3A_44 = tpu.memref_slice %arg11[%dma_start3A_42, %dma_start3A_43] : memref<10240x160xf32, #tpu.memory_space<vmem_shared>> -> memref<10240x160xf32, #tpu.memory_space<vmem_shared>>
      tpu.enqueue_indirect_dma source(%arg10 : memref<56x160xf32, #tpu.memory_space<vmem>>) target(%dma_start3A_44 : memref<10240x160xf32, #tpu.memory_space<vmem_shared>>) offsets(%dma_start3A_41 : memref<56xi32, #tpu.memory_space<vmem>>) semaphore(%run_scoped3A_38 : memref<!tpu.dma_semaphore, #tpu.memory_space<semaphore_mem>>) {add = true}
      %dma_wait3A_45 = arith.constant 0 : i32
      %dma_wait3A_46 = tpu.memref_slice %arg8[%run_scoped3A_32, %dma_wait3A_45] : memref<90x56xi32, #tpu.memory_space<vmem>> -> memref<1x56xi32, #tpu.memory_space<vmem>>
      %dma_wait3A_47 = tpu.memref_squeeze %dma_wait3A_46 : memref<1x56xi32, #tpu.memory_space<vmem>> -> memref<56xi32, #tpu.memory_space<vmem>>
      %dma_wait3A_48 = arith.constant 0 : i32
      %dma_wait3A_49 = arith.constant 0 : i32
      %dma_wait3A_50 = tpu.memref_slice %arg11[%dma_wait3A_48, %dma_wait3A_49] : memref<10240x160xf32, #tpu.memory_space<vmem_shared>> -> memref<10240x160xf32, #tpu.memory_space<vmem_shared>>
      tpu.wait_indirect_dma semaphore(%run_scoped3A_38 : memref<!tpu.dma_semaphore, #tpu.memory_space<semaphore_mem>>) src(%arg10 : memref<56x160xf32, #tpu.memory_space<vmem>>) dst(%dma_wait3A_50 : memref<10240x160xf32, #tpu.memory_space<vmem_shared>>)
      tpu.yield
    }) : () -> ()
    %barrier3A_33 = arith.constant 0 : index
    tpu.barrier barrier_id(%barrier3A_33)
    %mul3A_34 = arith.constant 640 : i32
    %mul3A_35 = arith.muli %arg1, %mul3A_34 : i32
    %mul3A_36 = arith.constant 640 : i32
    %mul3A_37 = arith.muli %arg1, %mul3A_36 : i32
    "tpu.region"() ({
      %run_scoped3A_38 = tpu.sem_alloc : memref<!tpu.dma_semaphore, #tpu.memory_space<semaphore_mem>>
      %dma_start3A_39 = arith.constant 0 : i32
      %dma_start3A_40 = tpu.memref_slice %arg6[%arg0, %mul3A_37, %dma_start3A_39] : memref<2x10240x160xf32, #tpu.memory_space<hbm>> -> memref<1x640x160xf32, #tpu.memory_space<hbm>>
      %dma_start3A_41 = tpu.memref_squeeze %dma_start3A_40 : memref<1x640x160xf32, #tpu.memory_space<hbm>> -> memref<640x160xf32, #tpu.memory_space<hbm>>
      %dma_start3A_42 = arith.constant 0 : i32
      %dma_start3A_43 = tpu.memref_slice %arg11[%mul3A_35, %dma_start3A_42] : memref<10240x160xf32, #tpu.memory_space<vmem_shared>> -> memref<640x160xf32, #tpu.memory_space<vmem_shared>>
      tpu.enqueue_dma source(%dma_start3A_43 : memref<640x160xf32, #tpu.memory_space<vmem_shared>>) target(%dma_start3A_41 : memref<640x160xf32, #tpu.memory_space<hbm>>) target_semaphore(%run_scoped3A_38 : memref<!tpu.dma_semaphore, #tpu.memory_space<semaphore_mem>>)
      %dma_wait3A_44 = arith.constant 0 : i32
      %dma_wait3A_45 = tpu.memref_slice %arg6[%arg0, %mul3A_37, %dma_wait3A_44] : memref<2x10240x160xf32, #tpu.memory_space<hbm>> -> memref<1x640x160xf32, #tpu.memory_space<hbm>>
      %dma_wait3A_46 = tpu.memref_squeeze %dma_wait3A_45 : memref<1x640x160xf32, #tpu.memory_space<hbm>> -> memref<640x160xf32, #tpu.memory_space<hbm>>
      %dma_wait3A_47 = arith.constant 0 : i32
      %dma_wait3A_48 = tpu.memref_slice %arg11[%mul3A_35, %dma_wait3A_47] : memref<10240x160xf32, #tpu.memory_space<vmem_shared>> -> memref<640x160xf32, #tpu.memory_space<vmem_shared>>
      tpu.wait_dma2 semaphore(%run_scoped3A_38 : memref<!tpu.dma_semaphore, #tpu.memory_space<semaphore_mem>>) src(%dma_wait3A_48 : memref<640x160xf32, #tpu.memory_space<vmem_shared>>) dst(%dma_wait3A_46 : memref<640x160xf32, #tpu.memory_space<hbm>>)
      tpu.yield
    }) : () -> ()
    return
  }
}

#map = affine_map<(d0, d1) -> (0, 0, 0, 0)>
#map1 = affine_map<(d0, d1) -> (0, 0)>
#map2 = affine_map<(d0, d1) -> (0, 0, 0)>
module attributes {stable_mosaic.version = 14 : i64} {
  func.func @sc_kernel(%arg0: i32, %arg1: i32, %arg2: memref<2x16x90x56xi32, #tpu.memory_space<hbm>>, %arg3: memref<2x16x90x56xi32, #tpu.memory_space<hbm>>, %arg4: memref<40960x160xf32, #tpu.memory_space<hbm>>, %arg5: memref<640x160xf32, #tpu.memory_space<hbm>>, %arg6: memref<2x10240x160xf32, #tpu.memory_space<hbm>>, %arg7: memref<90x56xi32, #tpu.memory_space<vmem>>, %arg8: memref<90x56xi32, #tpu.memory_space<vmem>>, %arg9: memref<56x160xf32, #tpu.memory_space<vmem>>, %arg10: memref<56x160xf32, #tpu.memory_space<vmem>>, %arg11: memref<10240x160xf32, #tpu.memory_space<vmem_shared>>, %arg12: memref<!tpu.dma_semaphore, #tpu.memory_space<semaphore_mem>>, %arg13: memref<!tpu.dma_semaphore, #tpu.memory_space<semaphore_mem>>) attributes {dimension_semantics = [#tpu.dimension_semantics<core_parallel>, #tpu.dimension_semantics<subcore_parallel>], iteration_bounds = array<i64: 2, 16>, scalar_prefetch = 0 : i64, scratch_operands = 7 : i64, tpu.core_type = #tpu.core_type<sc_vector_subcore>, window_params = [{transform_indices = #map}, {transform_indices = #map}, {transform_indices = #map1}, {transform_indices = #map1}, {transform_indices = #map2}]} {
    %mul3A = arith.constant 640 : i32
    %mul3A_0 = arith.muli %arg1, %mul3A : i32
    "tpu.region"() ({
      %run_scoped3A_38 = tpu.sem_alloc : memref<!tpu.dma_semaphore, #tpu.memory_space<semaphore_mem>>
      %dma_start3A_39 = arith.constant 0 : i32
      %dma_start3A_40 = tpu.memref_slice %arg11[%mul3A_0, %dma_start3A_39] : memref<10240x160xf32, #tpu.memory_space<vmem_shared>> -> memref<640x160xf32, #tpu.memory_space<vmem_shared>>
      tpu.enqueue_dma source(%arg5 : memref<640x160xf32, #tpu.memory_space<hbm>>) target(%dma_start3A_40 : memref<640x160xf32, #tpu.memory_space<vmem_shared>>) target_semaphore(%run_scoped3A_38 : memref<!tpu.dma_semaphore, #tpu.memory_space<semaphore_mem>>)
      %dma_wait3A_41 = arith.constant 0 : i32
      %dma_wait3A_42 = tpu.memref_slice %arg11[%mul3A_0, %dma_wait3A_41] : memref<10240x160xf32, #tpu.memory_space<vmem_shared>> -> memref<640x160xf32, #tpu.memory_space<vmem_shared>>
      tpu.wait_dma2 semaphore(%run_scoped3A_38 : memref<!tpu.dma_semaphore, #tpu.memory_space<semaphore_mem>>) src(%arg5 : memref<640x160xf32, #tpu.memory_space<hbm>>) dst(%dma_wait3A_42 : memref<640x160xf32, #tpu.memory_space<vmem_shared>>)
      tpu.yield
    }) : () -> ()
    %barrier3A = arith.constant 0 : index
    tpu.barrier barrier_id(%barrier3A)
    "tpu.region"() ({
      %run_scoped3A_38 = tpu.sem_alloc : memref<!tpu.dma_semaphore, #tpu.memory_space<semaphore_mem>>
      %dma_start3A_39 = arith.constant 0 : i32
      %dma_start3A_40 = arith.constant 0 : i32
      %dma_start3A_41 = tpu.memref_slice %arg2[%arg0, %arg1, %dma_start3A_39, %dma_start3A_40] : memref<2x16x90x56xi32, #tpu.memory_space<hbm>> -> memref<1x1x90x56xi32, #tpu.memory_space<hbm>>
      %dma_start3A_42 = tpu.memref_squeeze %dma_start3A_41 : memref<1x1x90x56xi32, #tpu.memory_space<hbm>> -> memref<90x56xi32, #tpu.memory_space<hbm>>
      %dma_start3A_43 = arith.constant 0 : i32
      %dma_start3A_44 = arith.constant 0 : i32
      %dma_start3A_45 = tpu.memref_slice %arg2[%arg0, %arg1, %dma_start3A_43, %dma_start3A_44] : memref<2x16x90x56xi32, #tpu.memory_space<hbm>> -> memref<1x1x90x56xi32, #tpu.memory_space<hbm>>
      %dma_start3A_46 = tpu.memref_squeeze %dma_start3A_45 : memref<1x1x90x56xi32, #tpu.memory_space<hbm>> -> memref<90x56xi32, #tpu.memory_space<hbm>>
      tpu.enqueue_dma source(%dma_start3A_46 : memref<90x56xi32, #tpu.memory_space<hbm>>) target(%arg7 : memref<90x56xi32, #tpu.memory_space<vmem>>) target_semaphore(%run_scoped3A_38 : memref<!tpu.dma_semaphore, #tpu.memory_space<semaphore_mem>>)
      %dma_wait3A_47 = arith.constant 0 : i32
      %dma_wait3A_48 = arith.constant 0 : i32
      %dma_wait3A_49 = tpu.memref_slice %arg2[%arg0, %arg1, %dma_wait3A_47, %dma_wait3A_48] : memref<2x16x90x56xi32, #tpu.memory_space<hbm>> -> memref<1x1x90x56xi32, #tpu.memory_space<hbm>>
      %dma_wait3A_50 = tpu.memref_squeeze %dma_wait3A_49 : memref<1x1x90x56xi32, #tpu.memory_space<hbm>> -> memref<90x56xi32, #tpu.memory_space<hbm>>
      %dma_wait3A_51 = arith.constant 0 : i32
      %dma_wait3A_52 = arith.constant 0 : i32
      %dma_wait3A_53 = tpu.memref_slice %arg2[%arg0, %arg1, %dma_wait3A_51, %dma_wait3A_52] : memref<2x16x90x56xi32, #tpu.memory_space<hbm>> -> memref<1x1x90x56xi32, #tpu.memory_space<hbm>>
      %dma_wait3A_54 = tpu.memref_squeeze %dma_wait3A_53 : memref<1x1x90x56xi32, #tpu.memory_space<hbm>> -> memref<90x56xi32, #tpu.memory_space<hbm>>
      tpu.wait_dma2 semaphore(%run_scoped3A_38 : memref<!tpu.dma_semaphore, #tpu.memory_space<semaphore_mem>>) src(%dma_wait3A_54 : memref<90x56xi32, #tpu.memory_space<hbm>>) dst(%arg7 : memref<90x56xi32, #tpu.memory_space<vmem>>)
      tpu.yield
    }) : () -> ()
    "tpu.region"() ({
      %run_scoped3A_38 = tpu.sem_alloc : memref<!tpu.dma_semaphore, #tpu.memory_space<semaphore_mem>>
      %dma_start3A_39 = arith.constant 0 : i32
      %dma_start3A_40 = arith.constant 0 : i32
      %dma_start3A_41 = tpu.memref_slice %arg3[%arg0, %arg1, %dma_start3A_39, %dma_start3A_40] : memref<2x16x90x56xi32, #tpu.memory_space<hbm>> -> memref<1x1x90x56xi32, #tpu.memory_space<hbm>>
      %dma_start3A_42 = tpu.memref_squeeze %dma_start3A_41 : memref<1x1x90x56xi32, #tpu.memory_space<hbm>> -> memref<90x56xi32, #tpu.memory_space<hbm>>
      %dma_start3A_43 = arith.constant 0 : i32
      %dma_start3A_44 = arith.constant 0 : i32
      %dma_start3A_45 = tpu.memref_slice %arg3[%arg0, %arg1, %dma_start3A_43, %dma_start3A_44] : memref<2x16x90x56xi32, #tpu.memory_space<hbm>> -> memref<1x1x90x56xi32, #tpu.memory_space<hbm>>
      %dma_start3A_46 = tpu.memref_squeeze %dma_start3A_45 : memref<1x1x90x56xi32, #tpu.memory_space<hbm>> -> memref<90x56xi32, #tpu.memory_space<hbm>>
      tpu.enqueue_dma source(%dma_start3A_46 : memref<90x56xi32, #tpu.memory_space<hbm>>) target(%arg8 : memref<90x56xi32, #tpu.memory_space<vmem>>) target_semaphore(%run_scoped3A_38 : memref<!tpu.dma_semaphore, #tpu.memory_space<semaphore_mem>>)
      %dma_wait3A_47 = arith.constant 0 : i32
      %dma_wait3A_48 = arith.constant 0 : i32
      %dma_wait3A_49 = tpu.memref_slice %arg3[%arg0, %arg1, %dma_wait3A_47, %dma_wait3A_48] : memref<2x16x90x56xi32, #tpu.memory_space<hbm>> -> memref<1x1x90x56xi32, #tpu.memory_space<hbm>>
      %dma_wait3A_50 = tpu.memref_squeeze %dma_wait3A_49 : memref<1x1x90x56xi32, #tpu.memory_space<hbm>> -> memref<90x56xi32, #tpu.memory_space<hbm>>
      %dma_wait3A_51 = arith.constant 0 : i32
      %dma_wait3A_52 = arith.constant 0 : i32
      %dma_wait3A_53 = tpu.memref_slice %arg3[%arg0, %arg1, %dma_wait3A_51, %dma_wait3A_52] : memref<2x16x90x56xi32, #tpu.memory_space<hbm>> -> memref<1x1x90x56xi32, #tpu.memory_space<hbm>>
      %dma_wait3A_54 = tpu.memref_squeeze %dma_wait3A_53 : memref<1x1x90x56xi32, #tpu.memory_space<hbm>> -> memref<90x56xi32, #tpu.memory_space<hbm>>
      tpu.wait_dma2 semaphore(%run_scoped3A_38 : memref<!tpu.dma_semaphore, #tpu.memory_space<semaphore_mem>>) src(%dma_wait3A_54 : memref<90x56xi32, #tpu.memory_space<hbm>>) dst(%arg8 : memref<90x56xi32, #tpu.memory_space<vmem>>)
      tpu.yield
    }) : () -> ()
    %dma_start3A = arith.constant 0 : i32
    %dma_start3A_1 = arith.constant 0 : i32
    %dma_start3A_2 = tpu.memref_slice %arg7[%dma_start3A, %dma_start3A_1] : memref<90x56xi32, #tpu.memory_space<vmem>> -> memref<1x56xi32, #tpu.memory_space<vmem>>
    %dma_start3A_3 = tpu.memref_squeeze %dma_start3A_2 : memref<1x56xi32, #tpu.memory_space<vmem>> -> memref<56xi32, #tpu.memory_space<vmem>>
    %dma_start3A_4 = arith.constant 0 : i32
    %dma_start3A_5 = arith.constant 0 : i32
    %dma_start3A_6 = tpu.memref_slice %arg4[%dma_start3A_4, %dma_start3A_5] : memref<40960x160xf32, #tpu.memory_space<hbm>> -> memref<40960x160xf32, #tpu.memory_space<hbm>>
    tpu.enqueue_indirect_dma source(%dma_start3A_6 : memref<40960x160xf32, #tpu.memory_space<hbm>>) target(%arg9 : memref<56x160xf32, #tpu.memory_space<vmem>>) offsets(%dma_start3A_3 : memref<56xi32, #tpu.memory_space<vmem>>) semaphore(%arg12 : memref<!tpu.dma_semaphore, #tpu.memory_space<semaphore_mem>>)
    %dma_start3A_7 = arith.constant 1 : i32
    %dma_start3A_8 = arith.constant 0 : i32
    %dma_start3A_9 = tpu.memref_slice %arg7[%dma_start3A_7, %dma_start3A_8] : memref<90x56xi32, #tpu.memory_space<vmem>> -> memref<1x56xi32, #tpu.memory_space<vmem>>
    %dma_start3A_10 = tpu.memref_squeeze %dma_start3A_9 : memref<1x56xi32, #tpu.memory_space<vmem>> -> memref<56xi32, #tpu.memory_space<vmem>>
    %dma_start3A_11 = arith.constant 0 : i32
    %dma_start3A_12 = arith.constant 0 : i32
    %dma_start3A_13 = tpu.memref_slice %arg4[%dma_start3A_11, %dma_start3A_12] : memref<40960x160xf32, #tpu.memory_space<hbm>> -> memref<40960x160xf32, #tpu.memory_space<hbm>>
    tpu.enqueue_indirect_dma source(%dma_start3A_13 : memref<40960x160xf32, #tpu.memory_space<hbm>>) target(%arg10 : memref<56x160xf32, #tpu.memory_space<vmem>>) offsets(%dma_start3A_10 : memref<56xi32, #tpu.memory_space<vmem>>) semaphore(%arg13 : memref<!tpu.dma_semaphore, #tpu.memory_space<semaphore_mem>>)
    %scan3A = arith.constant 0 : i32
    %scan3A_14 = arith.constant 0 : i32
    %scan3A_15 = arith.constant 44 : i32
    %scan3A_16 = arith.addi %scan3A_14, %scan3A_15 : i32
    %scan3A_17 = arith.constant 1 : i32
    scf.for %scan3A_38 = %scan3A_14 to %scan3A_16 step %scan3A_17  : i32 {
      %mul3A_39 = arith.constant 2 : i32
      %mul3A_40 = arith.muli %mul3A_39, %scan3A_38 : i32
      %dma_wait3A_41 = arith.constant 0 : i32
      %dma_wait3A_42 = arith.constant 0 : i32
      %dma_wait3A_43 = tpu.memref_slice %arg7[%dma_wait3A_41, %dma_wait3A_42] : memref<90x56xi32, #tpu.memory_space<vmem>> -> memref<1x56xi32, #tpu.memory_space<vmem>>
      %dma_wait3A_44 = tpu.memref_squeeze %dma_wait3A_43 : memref<1x56xi32, #tpu.memory_space<vmem>> -> memref<56xi32, #tpu.memory_space<vmem>>
      %dma_wait3A_45 = arith.constant 0 : i32
      %dma_wait3A_46 = arith.constant 0 : i32
      %dma_wait3A_47 = tpu.memref_slice %arg4[%dma_wait3A_45, %dma_wait3A_46] : memref<40960x160xf32, #tpu.memory_space<hbm>> -> memref<40960x160xf32, #tpu.memory_space<hbm>>
      tpu.wait_indirect_dma semaphore(%arg12 : memref<!tpu.dma_semaphore, #tpu.memory_space<semaphore_mem>>) src(%dma_wait3A_47 : memref<40960x160xf32, #tpu.memory_space<hbm>>) dst(%arg9 : memref<56x160xf32, #tpu.memory_space<vmem>>)
      "tpu.region"() ({
        %run_scoped3A_72 = tpu.sem_alloc : memref<!tpu.dma_semaphore, #tpu.memory_space<semaphore_mem>>
        %dma_start3A_73 = arith.constant 0 : i32
        %dma_start3A_74 = tpu.memref_slice %arg8[%mul3A_40, %dma_start3A_73] : memref<90x56xi32, #tpu.memory_space<vmem>> -> memref<1x56xi32, #tpu.memory_space<vmem>>
        %dma_start3A_75 = tpu.memref_squeeze %dma_start3A_74 : memref<1x56xi32, #tpu.memory_space<vmem>> -> memref<56xi32, #tpu.memory_space<vmem>>
        %dma_start3A_76 = arith.constant 0 : i32
        %dma_start3A_77 = arith.constant 0 : i32
        %dma_start3A_78 = tpu.memref_slice %arg11[%dma_start3A_76, %dma_start3A_77] : memref<10240x160xf32, #tpu.memory_space<vmem_shared>> -> memref<10240x160xf32, #tpu.memory_space<vmem_shared>>
        tpu.enqueue_indirect_dma source(%arg9 : memref<56x160xf32, #tpu.memory_space<vmem>>) target(%dma_start3A_78 : memref<10240x160xf32, #tpu.memory_space<vmem_shared>>) offsets(%dma_start3A_75 : memref<56xi32, #tpu.memory_space<vmem>>) semaphore(%run_scoped3A_72 : memref<!tpu.dma_semaphore, #tpu.memory_space<semaphore_mem>>) {add = true}
        %dma_wait3A_79 = arith.constant 0 : i32
        %dma_wait3A_80 = tpu.memref_slice %arg8[%mul3A_40, %dma_wait3A_79] : memref<90x56xi32, #tpu.memory_space<vmem>> -> memref<1x56xi32, #tpu.memory_space<vmem>>
        %dma_wait3A_81 = tpu.memref_squeeze %dma_wait3A_80 : memref<1x56xi32, #tpu.memory_space<vmem>> -> memref<56xi32, #tpu.memory_space<vmem>>
        %dma_wait3A_82 = arith.constant 0 : i32
        %dma_wait3A_83 = arith.constant 0 : i32
        %dma_wait3A_84 = tpu.memref_slice %arg11[%dma_wait3A_82, %dma_wait3A_83] : memref<10240x160xf32, #tpu.memory_space<vmem_shared>> -> memref<10240x160xf32, #tpu.memory_space<vmem_shared>>
        tpu.wait_indirect_dma semaphore(%run_scoped3A_72 : memref<!tpu.dma_semaphore, #tpu.memory_space<semaphore_mem>>) src(%arg9 : memref<56x160xf32, #tpu.memory_space<vmem>>) dst(%dma_wait3A_84 : memref<10240x160xf32, #tpu.memory_space<vmem_shared>>)
        tpu.yield
      }) : () -> ()
      %add3A = arith.constant 2 : i32
      %add3A_48 = arith.addi %mul3A_40, %add3A : i32
      %dma_start3A_49 = arith.constant 0 : i32
      %dma_start3A_50 = tpu.memref_slice %arg7[%add3A_48, %dma_start3A_49] : memref<90x56xi32, #tpu.memory_space<vmem>> -> memref<1x56xi32, #tpu.memory_space<vmem>>
      %dma_start3A_51 = tpu.memref_squeeze %dma_start3A_50 : memref<1x56xi32, #tpu.memory_space<vmem>> -> memref<56xi32, #tpu.memory_space<vmem>>
      %dma_start3A_52 = arith.constant 0 : i32
      %dma_start3A_53 = arith.constant 0 : i32
      %dma_start3A_54 = tpu.memref_slice %arg4[%dma_start3A_52, %dma_start3A_53] : memref<40960x160xf32, #tpu.memory_space<hbm>> -> memref<40960x160xf32, #tpu.memory_space<hbm>>
      tpu.enqueue_indirect_dma source(%dma_start3A_54 : memref<40960x160xf32, #tpu.memory_space<hbm>>) target(%arg9 : memref<56x160xf32, #tpu.memory_space<vmem>>) offsets(%dma_start3A_51 : memref<56xi32, #tpu.memory_space<vmem>>) semaphore(%arg12 : memref<!tpu.dma_semaphore, #tpu.memory_space<semaphore_mem>>)
      %dma_wait3A_55 = arith.constant 0 : i32
      %dma_wait3A_56 = arith.constant 0 : i32
      %dma_wait3A_57 = tpu.memref_slice %arg7[%dma_wait3A_55, %dma_wait3A_56] : memref<90x56xi32, #tpu.memory_space<vmem>> -> memref<1x56xi32, #tpu.memory_space<vmem>>
      %dma_wait3A_58 = tpu.memref_squeeze %dma_wait3A_57 : memref<1x56xi32, #tpu.memory_space<vmem>> -> memref<56xi32, #tpu.memory_space<vmem>>
      %dma_wait3A_59 = arith.constant 0 : i32
      %dma_wait3A_60 = arith.constant 0 : i32
      %dma_wait3A_61 = tpu.memref_slice %arg4[%dma_wait3A_59, %dma_wait3A_60] : memref<40960x160xf32, #tpu.memory_space<hbm>> -> memref<40960x160xf32, #tpu.memory_space<hbm>>
      tpu.wait_indirect_dma semaphore(%arg13 : memref<!tpu.dma_semaphore, #tpu.memory_space<semaphore_mem>>) src(%dma_wait3A_61 : memref<40960x160xf32, #tpu.memory_space<hbm>>) dst(%arg10 : memref<56x160xf32, #tpu.memory_space<vmem>>)
      %add3A_62 = arith.constant 1 : i32
      %add3A_63 = arith.addi %mul3A_40, %add3A_62 : i32
      "tpu.region"() ({
        %run_scoped3A_72 = tpu.sem_alloc : memref<!tpu.dma_semaphore, #tpu.memory_space<semaphore_mem>>
        %dma_start3A_73 = arith.constant 0 : i32
        %dma_start3A_74 = tpu.memref_slice %arg8[%add3A_63, %dma_start3A_73] : memref<90x56xi32, #tpu.memory_space<vmem>> -> memref<1x56xi32, #tpu.memory_space<vmem>>
        %dma_start3A_75 = tpu.memref_squeeze %dma_start3A_74 : memref<1x56xi32, #tpu.memory_space<vmem>> -> memref<56xi32, #tpu.memory_space<vmem>>
        %dma_start3A_76 = arith.constant 0 : i32
        %dma_start3A_77 = arith.constant 0 : i32
        %dma_start3A_78 = tpu.memref_slice %arg11[%dma_start3A_76, %dma_start3A_77] : memref<10240x160xf32, #tpu.memory_space<vmem_shared>> -> memref<10240x160xf32, #tpu.memory_space<vmem_shared>>
        tpu.enqueue_indirect_dma source(%arg10 : memref<56x160xf32, #tpu.memory_space<vmem>>) target(%dma_start3A_78 : memref<10240x160xf32, #tpu.memory_space<vmem_shared>>) offsets(%dma_start3A_75 : memref<56xi32, #tpu.memory_space<vmem>>) semaphore(%run_scoped3A_72 : memref<!tpu.dma_semaphore, #tpu.memory_space<semaphore_mem>>) {add = true}
        %dma_wait3A_79 = arith.constant 0 : i32
        %dma_wait3A_80 = tpu.memref_slice %arg8[%add3A_63, %dma_wait3A_79] : memref<90x56xi32, #tpu.memory_space<vmem>> -> memref<1x56xi32, #tpu.memory_space<vmem>>
        %dma_wait3A_81 = tpu.memref_squeeze %dma_wait3A_80 : memref<1x56xi32, #tpu.memory_space<vmem>> -> memref<56xi32, #tpu.memory_space<vmem>>
        %dma_wait3A_82 = arith.constant 0 : i32
        %dma_wait3A_83 = arith.constant 0 : i32
        %dma_wait3A_84 = tpu.memref_slice %arg11[%dma_wait3A_82, %dma_wait3A_83] : memref<10240x160xf32, #tpu.memory_space<vmem_shared>> -> memref<10240x160xf32, #tpu.memory_space<vmem_shared>>
        tpu.wait_indirect_dma semaphore(%run_scoped3A_72 : memref<!tpu.dma_semaphore, #tpu.memory_space<semaphore_mem>>) src(%arg10 : memref<56x160xf32, #tpu.memory_space<vmem>>) dst(%dma_wait3A_84 : memref<10240x160xf32, #tpu.memory_space<vmem_shared>>)
        tpu.yield
      }) : () -> ()
      %add3A_64 = arith.constant 3 : i32
      %add3A_65 = arith.addi %mul3A_40, %add3A_64 : i32
      %dma_start3A_66 = arith.constant 0 : i32
      %dma_start3A_67 = tpu.memref_slice %arg7[%add3A_65, %dma_start3A_66] : memref<90x56xi32, #tpu.memory_space<vmem>> -> memref<1x56xi32, #tpu.memory_space<vmem>>
      %dma_start3A_68 = tpu.memref_squeeze %dma_start3A_67 : memref<1x56xi32, #tpu.memory_space<vmem>> -> memref<56xi32, #tpu.memory_space<vmem>>
      %dma_start3A_69 = arith.constant 0 : i32
      %dma_start3A_70 = arith.constant 0 : i32
      %dma_start3A_71 = tpu.memref_slice %arg4[%dma_start3A_69, %dma_start3A_70] : memref<40960x160xf32, #tpu.memory_space<hbm>> -> memref<40960x160xf32, #tpu.memory_space<hbm>>
      tpu.enqueue_indirect_dma source(%dma_start3A_71 : memref<40960x160xf32, #tpu.memory_space<hbm>>) target(%arg10 : memref<56x160xf32, #tpu.memory_space<vmem>>) offsets(%dma_start3A_68 : memref<56xi32, #tpu.memory_space<vmem>>) semaphore(%arg13 : memref<!tpu.dma_semaphore, #tpu.memory_space<semaphore_mem>>)
    }
    %scan3A_18 = arith.constant 44 : i32
    %dma_wait3A = arith.constant 0 : i32
    %dma_wait3A_19 = arith.constant 0 : i32
    %dma_wait3A_20 = tpu.memref_slice %arg7[%dma_wait3A, %dma_wait3A_19] : memref<90x56xi32, #tpu.memory_space<vmem>> -> memref<1x56xi32, #tpu.memory_space<vmem>>
    %dma_wait3A_21 = tpu.memref_squeeze %dma_wait3A_20 : memref<1x56xi32, #tpu.memory_space<vmem>> -> memref<56xi32, #tpu.memory_space<vmem>>
    %dma_wait3A_22 = arith.constant 0 : i32
    %dma_wait3A_23 = arith.constant 0 : i32
    %dma_wait3A_24 = tpu.memref_slice %arg4[%dma_wait3A_22, %dma_wait3A_23] : memref<40960x160xf32, #tpu.memory_space<hbm>> -> memref<40960x160xf32, #tpu.memory_space<hbm>>
    tpu.wait_indirect_dma semaphore(%arg12 : memref<!tpu.dma_semaphore, #tpu.memory_space<semaphore_mem>>) src(%dma_wait3A_24 : memref<40960x160xf32, #tpu.memory_space<hbm>>) dst(%arg9 : memref<56x160xf32, #tpu.memory_space<vmem>>)
    %run_scoped3A = arith.constant 88 : i32
    "tpu.region"() ({
      %run_scoped3A_38 = tpu.sem_alloc : memref<!tpu.dma_semaphore, #tpu.memory_space<semaphore_mem>>
      %dma_start3A_39 = arith.constant 0 : i32
      %dma_start3A_40 = tpu.memref_slice %arg8[%run_scoped3A, %dma_start3A_39] : memref<90x56xi32, #tpu.memory_space<vmem>> -> memref<1x56xi32, #tpu.memory_space<vmem>>
      %dma_start3A_41 = tpu.memref_squeeze %dma_start3A_40 : memref<1x56xi32, #tpu.memory_space<vmem>> -> memref<56xi32, #tpu.memory_space<vmem>>
      %dma_start3A_42 = arith.constant 0 : i32
      %dma_start3A_43 = arith.constant 0 : i32
      %dma_start3A_44 = tpu.memref_slice %arg11[%dma_start3A_42, %dma_start3A_43] : memref<10240x160xf32, #tpu.memory_space<vmem_shared>> -> memref<10240x160xf32, #tpu.memory_space<vmem_shared>>
      tpu.enqueue_indirect_dma source(%arg9 : memref<56x160xf32, #tpu.memory_space<vmem>>) target(%dma_start3A_44 : memref<10240x160xf32, #tpu.memory_space<vmem_shared>>) offsets(%dma_start3A_41 : memref<56xi32, #tpu.memory_space<vmem>>) semaphore(%run_scoped3A_38 : memref<!tpu.dma_semaphore, #tpu.memory_space<semaphore_mem>>) {add = true}
      %dma_wait3A_45 = arith.constant 0 : i32
      %dma_wait3A_46 = tpu.memref_slice %arg8[%run_scoped3A, %dma_wait3A_45] : memref<90x56xi32, #tpu.memory_space<vmem>> -> memref<1x56xi32, #tpu.memory_space<vmem>>
      %dma_wait3A_47 = tpu.memref_squeeze %dma_wait3A_46 : memref<1x56xi32, #tpu.memory_space<vmem>> -> memref<56xi32, #tpu.memory_space<vmem>>
      %dma_wait3A_48 = arith.constant 0 : i32
      %dma_wait3A_49 = arith.constant 0 : i32
      %dma_wait3A_50 = tpu.memref_slice %arg11[%dma_wait3A_48, %dma_wait3A_49] : memref<10240x160xf32, #tpu.memory_space<vmem_shared>> -> memref<10240x160xf32, #tpu.memory_space<vmem_shared>>
      tpu.wait_indirect_dma semaphore(%run_scoped3A_38 : memref<!tpu.dma_semaphore, #tpu.memory_space<semaphore_mem>>) src(%arg9 : memref<56x160xf32, #tpu.memory_space<vmem>>) dst(%dma_wait3A_50 : memref<10240x160xf32, #tpu.memory_space<vmem_shared>>)
      tpu.yield
    }) : () -> ()
    %dma_wait3A_25 = arith.constant 0 : i32
    %dma_wait3A_26 = arith.constant 0 : i32
    %dma_wait3A_27 = tpu.memref_slice %arg7[%dma_wait3A_25, %dma_wait3A_26] : memref<90x56xi32, #tpu.memory_space<vmem>> -> memref<1x56xi32, #tpu.memory_space<vmem>>
    %dma_wait3A_28 = tpu.memref_squeeze %dma_wait3A_27 : memref<1x56xi32, #tpu.memory_space<vmem>> -> memref<56xi32, #tpu.memory_space<vmem>>
    %dma_wait3A_29 = arith.constant 0 : i32
    %dma_wait3A_30 = arith.constant 0 : i32
    %dma_wait3A_31 = tpu.memref_slice %arg4[%dma_wait3A_29, %dma_wait3A_30] : memref<40960x160xf32, #tpu.memory_space<hbm>> -> memref<40960x160xf32, #tpu.memory_space<hbm>>
    tpu.wait_indirect_dma semaphore(%arg13 : memref<!tpu.dma_semaphore, #tpu.memory_space<semaphore_mem>>) src(%dma_wait3A_31 : memref<40960x160xf32, #tpu.memory_space<hbm>>) dst(%arg10 : memref<56x160xf32, #tpu.memory_space<vmem>>)
    %run_scoped3A_32 = arith.constant 89 : i32
    "tpu.region"() ({
      %run_scoped3A_38 = tpu.sem_alloc : memref<!tpu.dma_semaphore, #tpu.memory_space<semaphore_mem>>
      %dma_start3A_39 = arith.constant 0 : i32
      %dma_start3A_40 = tpu.memref_slice %arg8[%run_scoped3A_32, %dma_start3A_39] : memref<90x56xi32, #tpu.memory_space<vmem>> -> memref<1x56xi32, #tpu.memory_space<vmem>>
      %dma_start3A_41 = tpu.memref_squeeze %dma_start3A_40 : memref<1x56xi32, #tpu.memory_space<vmem>> -> memref<56xi32, #tpu.memory_space<vmem>>
      %dma_start3A_42 = arith.constant 0 : i32
      %dma_start3A_43 = arith.constant 0 : i32
      %dma_start3A_44 = tpu.memref_slice %arg11[%dma_start3A_42, %dma_start3A_43] : memref<10240x160xf32, #tpu.memory_space<vmem_shared>> -> memref<10240x160xf32, #tpu.memory_space<vmem_shared>>
      tpu.enqueue_indirect_dma source(%arg10 : memref<56x160xf32, #tpu.memory_space<vmem>>) target(%dma_start3A_44 : memref<10240x160xf32, #tpu.memory_space<vmem_shared>>) offsets(%dma_start3A_41 : memref<56xi32, #tpu.memory_space<vmem>>) semaphore(%run_scoped3A_38 : memref<!tpu.dma_semaphore, #tpu.memory_space<semaphore_mem>>) {add = true}
      %dma_wait3A_45 = arith.constant 0 : i32
      %dma_wait3A_46 = tpu.memref_slice %arg8[%run_scoped3A_32, %dma_wait3A_45] : memref<90x56xi32, #tpu.memory_space<vmem>> -> memref<1x56xi32, #tpu.memory_space<vmem>>
      %dma_wait3A_47 = tpu.memref_squeeze %dma_wait3A_46 : memref<1x56xi32, #tpu.memory_space<vmem>> -> memref<56xi32, #tpu.memory_space<vmem>>
      %dma_wait3A_48 = arith.constant 0 : i32
      %dma_wait3A_49 = arith.constant 0 : i32
      %dma_wait3A_50 = tpu.memref_slice %arg11[%dma_wait3A_48, %dma_wait3A_49] : memref<10240x160xf32, #tpu.memory_space<vmem_shared>> -> memref<10240x160xf32, #tpu.memory_space<vmem_shared>>
      tpu.wait_indirect_dma semaphore(%run_scoped3A_38 : memref<!tpu.dma_semaphore, #tpu.memory_space<semaphore_mem>>) src(%arg10 : memref<56x160xf32, #tpu.memory_space<vmem>>) dst(%dma_wait3A_50 : memref<10240x160xf32, #tpu.memory_space<vmem_shared>>)
      tpu.yield
    }) : () -> ()
    %barrier3A_33 = arith.constant 0 : index
    tpu.barrier barrier_id(%barrier3A_33)
    %mul3A_34 = arith.constant 640 : i32
    %mul3A_35 = arith.muli %arg1, %mul3A_34 : i32
    %mul3A_36 = arith.constant 640 : i32
    %mul3A_37 = arith.muli %arg1, %mul3A_36 : i32
    "tpu.region"() ({
      %run_scoped3A_38 = tpu.sem_alloc : memref<!tpu.dma_semaphore, #tpu.memory_space<semaphore_mem>>
      %dma_start3A_39 = arith.constant 0 : i32
      %dma_start3A_40 = tpu.memref_slice %arg6[%arg0, %mul3A_37, %dma_start3A_39] : memref<2x10240x160xf32, #tpu.memory_space<hbm>> -> memref<1x640x160xf32, #tpu.memory_space<hbm>>
      %dma_start3A_41 = tpu.memref_squeeze %dma_start3A_40 : memref<1x640x160xf32, #tpu.memory_space<hbm>> -> memref<640x160xf32, #tpu.memory_space<hbm>>
      %dma_start3A_42 = arith.constant 0 : i32
      %dma_start3A_43 = tpu.memref_slice %arg11[%mul3A_35, %dma_start3A_42] : memref<10240x160xf32, #tpu.memory_space<vmem_shared>> -> memref<640x160xf32, #tpu.memory_space<vmem_shared>>
      tpu.enqueue_dma source(%dma_start3A_43 : memref<640x160xf32, #tpu.memory_space<vmem_shared>>) target(%dma_start3A_41 : memref<640x160xf32, #tpu.memory_space<hbm>>) target_semaphore(%run_scoped3A_38 : memref<!tpu.dma_semaphore, #tpu.memory_space<semaphore_mem>>)
      %dma_wait3A_44 = arith.constant 0 : i32
      %dma_wait3A_45 = tpu.memref_slice %arg6[%arg0, %mul3A_37, %dma_wait3A_44] : memref<2x10240x160xf32, #tpu.memory_space<hbm>> -> memref<1x640x160xf32, #tpu.memory_space<hbm>>
      %dma_wait3A_46 = tpu.memref_squeeze %dma_wait3A_45 : memref<1x640x160xf32, #tpu.memory_space<hbm>> -> memref<640x160xf32, #tpu.memory_space<hbm>>
      %dma_wait3A_47 = arith.constant 0 : i32
      %dma_wait3A_48 = tpu.memref_slice %arg11[%mul3A_35, %dma_wait3A_47] : memref<10240x160xf32, #tpu.memory_space<vmem_shared>> -> memref<640x160xf32, #tpu.memory_space<vmem_shared>>
      tpu.wait_dma2 semaphore(%run_scoped3A_38 : memref<!tpu.dma_semaphore, #tpu.memory_space<semaphore_mem>>) src(%dma_wait3A_48 : memref<640x160xf32, #tpu.memory_space<vmem_shared>>) dst(%dma_wait3A_46 : memref<640x160xf32, #tpu.memory_space<hbm>>)
      tpu.yield
    }) : () -> ()
    return
  }
}

#map = affine_map<(d0, d1) -> (0, 0, 0, 0)>
#map1 = affine_map<(d0, d1) -> (0, 0)>
#map2 = affine_map<(d0, d1) -> (0, 0, 0)>
module attributes {stable_mosaic.version = 14 : i64} {
  func.func @sc_kernel(%arg0: i32, %arg1: i32, %arg2: memref<2x16x90x56xi32, #tpu.memory_space<hbm>>, %arg3: memref<2x16x90x56xi32, #tpu.memory_space<hbm>>, %arg4: memref<40960x160xf32, #tpu.memory_space<hbm>>, %arg5: memref<640x160xf32, #tpu.memory_space<hbm>>, %arg6: memref<2x10240x160xf32, #tpu.memory_space<hbm>>, %arg7: memref<90x56xi32, #tpu.memory_space<vmem>>, %arg8: memref<90x56xi32, #tpu.memory_space<vmem>>, %arg9: memref<56x160xf32, #tpu.memory_space<vmem>>, %arg10: memref<56x160xf32, #tpu.memory_space<vmem>>, %arg11: memref<10240x160xf32, #tpu.memory_space<vmem_shared>>, %arg12: memref<!tpu.dma_semaphore, #tpu.memory_space<semaphore_mem>>, %arg13: memref<!tpu.dma_semaphore, #tpu.memory_space<semaphore_mem>>) attributes {dimension_semantics = [#tpu.dimension_semantics<core_parallel>, #tpu.dimension_semantics<subcore_parallel>], iteration_bounds = array<i64: 2, 16>, scalar_prefetch = 0 : i64, scratch_operands = 7 : i64, tpu.core_type = #tpu.core_type<sc_vector_subcore>, window_params = [{transform_indices = #map}, {transform_indices = #map}, {transform_indices = #map1}, {transform_indices = #map1}, {transform_indices = #map2}]} {
    %mul3A = arith.constant 640 : i32
    %mul3A_0 = arith.muli %arg1, %mul3A : i32
    "tpu.region"() ({
      %run_scoped3A_38 = tpu.sem_alloc : memref<!tpu.dma_semaphore, #tpu.memory_space<semaphore_mem>>
      %dma_start3A_39 = arith.constant 0 : i32
      %dma_start3A_40 = tpu.memref_slice %arg11[%mul3A_0, %dma_start3A_39] : memref<10240x160xf32, #tpu.memory_space<vmem_shared>> -> memref<640x160xf32, #tpu.memory_space<vmem_shared>>
      tpu.enqueue_dma source(%arg5 : memref<640x160xf32, #tpu.memory_space<hbm>>) target(%dma_start3A_40 : memref<640x160xf32, #tpu.memory_space<vmem_shared>>) target_semaphore(%run_scoped3A_38 : memref<!tpu.dma_semaphore, #tpu.memory_space<semaphore_mem>>)
      %dma_wait3A_41 = arith.constant 0 : i32
      %dma_wait3A_42 = tpu.memref_slice %arg11[%mul3A_0, %dma_wait3A_41] : memref<10240x160xf32, #tpu.memory_space<vmem_shared>> -> memref<640x160xf32, #tpu.memory_space<vmem_shared>>
      tpu.wait_dma2 semaphore(%run_scoped3A_38 : memref<!tpu.dma_semaphore, #tpu.memory_space<semaphore_mem>>) src(%arg5 : memref<640x160xf32, #tpu.memory_space<hbm>>) dst(%dma_wait3A_42 : memref<640x160xf32, #tpu.memory_space<vmem_shared>>)
      tpu.yield
    }) : () -> ()
    %barrier3A = arith.constant 0 : index
    tpu.barrier barrier_id(%barrier3A)
    "tpu.region"() ({
      %run_scoped3A_38 = tpu.sem_alloc : memref<!tpu.dma_semaphore, #tpu.memory_space<semaphore_mem>>
      %dma_start3A_39 = arith.constant 0 : i32
      %dma_start3A_40 = arith.constant 0 : i32
      %dma_start3A_41 = tpu.memref_slice %arg2[%arg0, %arg1, %dma_start3A_39, %dma_start3A_40] : memref<2x16x90x56xi32, #tpu.memory_space<hbm>> -> memref<1x1x90x56xi32, #tpu.memory_space<hbm>>
      %dma_start3A_42 = tpu.memref_squeeze %dma_start3A_41 : memref<1x1x90x56xi32, #tpu.memory_space<hbm>> -> memref<90x56xi32, #tpu.memory_space<hbm>>
      %dma_start3A_43 = arith.constant 0 : i32
      %dma_start3A_44 = arith.constant 0 : i32
      %dma_start3A_45 = tpu.memref_slice %arg2[%arg0, %arg1, %dma_start3A_43, %dma_start3A_44] : memref<2x16x90x56xi32, #tpu.memory_space<hbm>> -> memref<1x1x90x56xi32, #tpu.memory_space<hbm>>
      %dma_start3A_46 = tpu.memref_squeeze %dma_start3A_45 : memref<1x1x90x56xi32, #tpu.memory_space<hbm>> -> memref<90x56xi32, #tpu.memory_space<hbm>>
      tpu.enqueue_dma source(%dma_start3A_46 : memref<90x56xi32, #tpu.memory_space<hbm>>) target(%arg7 : memref<90x56xi32, #tpu.memory_space<vmem>>) target_semaphore(%run_scoped3A_38 : memref<!tpu.dma_semaphore, #tpu.memory_space<semaphore_mem>>)
      %dma_wait3A_47 = arith.constant 0 : i32
      %dma_wait3A_48 = arith.constant 0 : i32
      %dma_wait3A_49 = tpu.memref_slice %arg2[%arg0, %arg1, %dma_wait3A_47, %dma_wait3A_48] : memref<2x16x90x56xi32, #tpu.memory_space<hbm>> -> memref<1x1x90x56xi32, #tpu.memory_space<hbm>>
      %dma_wait3A_50 = tpu.memref_squeeze %dma_wait3A_49 : memref<1x1x90x56xi32, #tpu.memory_space<hbm>> -> memref<90x56xi32, #tpu.memory_space<hbm>>
      %dma_wait3A_51 = arith.constant 0 : i32
      %dma_wait3A_52 = arith.constant 0 : i32
      %dma_wait3A_53 = tpu.memref_slice %arg2[%arg0, %arg1, %dma_wait3A_51, %dma_wait3A_52] : memref<2x16x90x56xi32, #tpu.memory_space<hbm>> -> memref<1x1x90x56xi32, #tpu.memory_space<hbm>>
      %dma_wait3A_54 = tpu.memref_squeeze %dma_wait3A_53 : memref<1x1x90x56xi32, #tpu.memory_space<hbm>> -> memref<90x56xi32, #tpu.memory_space<hbm>>
      tpu.wait_dma2 semaphore(%run_scoped3A_38 : memref<!tpu.dma_semaphore, #tpu.memory_space<semaphore_mem>>) src(%dma_wait3A_54 : memref<90x56xi32, #tpu.memory_space<hbm>>) dst(%arg7 : memref<90x56xi32, #tpu.memory_space<vmem>>)
      tpu.yield
    }) : () -> ()
    "tpu.region"() ({
      %run_scoped3A_38 = tpu.sem_alloc : memref<!tpu.dma_semaphore, #tpu.memory_space<semaphore_mem>>
      %dma_start3A_39 = arith.constant 0 : i32
      %dma_start3A_40 = arith.constant 0 : i32
      %dma_start3A_41 = tpu.memref_slice %arg3[%arg0, %arg1, %dma_start3A_39, %dma_start3A_40] : memref<2x16x90x56xi32, #tpu.memory_space<hbm>> -> memref<1x1x90x56xi32, #tpu.memory_space<hbm>>
      %dma_start3A_42 = tpu.memref_squeeze %dma_start3A_41 : memref<1x1x90x56xi32, #tpu.memory_space<hbm>> -> memref<90x56xi32, #tpu.memory_space<hbm>>
      %dma_start3A_43 = arith.constant 0 : i32
      %dma_start3A_44 = arith.constant 0 : i32
      %dma_start3A_45 = tpu.memref_slice %arg3[%arg0, %arg1, %dma_start3A_43, %dma_start3A_44] : memref<2x16x90x56xi32, #tpu.memory_space<hbm>> -> memref<1x1x90x56xi32, #tpu.memory_space<hbm>>
      %dma_start3A_46 = tpu.memref_squeeze %dma_start3A_45 : memref<1x1x90x56xi32, #tpu.memory_space<hbm>> -> memref<90x56xi32, #tpu.memory_space<hbm>>
      tpu.enqueue_dma source(%dma_start3A_46 : memref<90x56xi32, #tpu.memory_space<hbm>>) target(%arg8 : memref<90x56xi32, #tpu.memory_space<vmem>>) target_semaphore(%run_scoped3A_38 : memref<!tpu.dma_semaphore, #tpu.memory_space<semaphore_mem>>)
      %dma_wait3A_47 = arith.constant 0 : i32
      %dma_wait3A_48 = arith.constant 0 : i32
      %dma_wait3A_49 = tpu.memref_slice %arg3[%arg0, %arg1, %dma_wait3A_47, %dma_wait3A_48] : memref<2x16x90x56xi32, #tpu.memory_space<hbm>> -> memref<1x1x90x56xi32, #tpu.memory_space<hbm>>
      %dma_wait3A_50 = tpu.memref_squeeze %dma_wait3A_49 : memref<1x1x90x56xi32, #tpu.memory_space<hbm>> -> memref<90x56xi32, #tpu.memory_space<hbm>>
      %dma_wait3A_51 = arith.constant 0 : i32
      %dma_wait3A_52 = arith.constant 0 : i32
      %dma_wait3A_53 = tpu.memref_slice %arg3[%arg0, %arg1, %dma_wait3A_51, %dma_wait3A_52] : memref<2x16x90x56xi32, #tpu.memory_space<hbm>> -> memref<1x1x90x56xi32, #tpu.memory_space<hbm>>
      %dma_wait3A_54 = tpu.memref_squeeze %dma_wait3A_53 : memref<1x1x90x56xi32, #tpu.memory_space<hbm>> -> memref<90x56xi32, #tpu.memory_space<hbm>>
      tpu.wait_dma2 semaphore(%run_scoped3A_38 : memref<!tpu.dma_semaphore, #tpu.memory_space<semaphore_mem>>) src(%dma_wait3A_54 : memref<90x56xi32, #tpu.memory_space<hbm>>) dst(%arg8 : memref<90x56xi32, #tpu.memory_space<vmem>>)
      tpu.yield
    }) : () -> ()
    %dma_start3A = arith.constant 0 : i32
    %dma_start3A_1 = arith.constant 0 : i32
    %dma_start3A_2 = tpu.memref_slice %arg7[%dma_start3A, %dma_start3A_1] : memref<90x56xi32, #tpu.memory_space<vmem>> -> memref<1x56xi32, #tpu.memory_space<vmem>>
    %dma_start3A_3 = tpu.memref_squeeze %dma_start3A_2 : memref<1x56xi32, #tpu.memory_space<vmem>> -> memref<56xi32, #tpu.memory_space<vmem>>
    %dma_start3A_4 = arith.constant 0 : i32
    %dma_start3A_5 = arith.constant 0 : i32
    %dma_start3A_6 = tpu.memref_slice %arg4[%dma_start3A_4, %dma_start3A_5] : memref<40960x160xf32, #tpu.memory_space<hbm>> -> memref<40960x160xf32, #tpu.memory_space<hbm>>
    tpu.enqueue_indirect_dma source(%dma_start3A_6 : memref<40960x160xf32, #tpu.memory_space<hbm>>) target(%arg9 : memref<56x160xf32, #tpu.memory_space<vmem>>) offsets(%dma_start3A_3 : memref<56xi32, #tpu.memory_space<vmem>>) semaphore(%arg12 : memref<!tpu.dma_semaphore, #tpu.memory_space<semaphore_mem>>)
    %dma_start3A_7 = arith.constant 1 : i32
    %dma_start3A_8 = arith.constant 0 : i32
    %dma_start3A_9 = tpu.memref_slice %arg7[%dma_start3A_7, %dma_start3A_8] : memref<90x56xi32, #tpu.memory_space<vmem>> -> memref<1x56xi32, #tpu.memory_space<vmem>>
    %dma_start3A_10 = tpu.memref_squeeze %dma_start3A_9 : memref<1x56xi32, #tpu.memory_space<vmem>> -> memref<56xi32, #tpu.memory_space<vmem>>
    %dma_start3A_11 = arith.constant 0 : i32
    %dma_start3A_12 = arith.constant 0 : i32
    %dma_start3A_13 = tpu.memref_slice %arg4[%dma_start3A_11, %dma_start3A_12] : memref<40960x160xf32, #tpu.memory_space<hbm>> -> memref<40960x160xf32, #tpu.memory_space<hbm>>
    tpu.enqueue_indirect_dma source(%dma_start3A_13 : memref<40960x160xf32, #tpu.memory_space<hbm>>) target(%arg10 : memref<56x160xf32, #tpu.memory_space<vmem>>) offsets(%dma_start3A_10 : memref<56xi32, #tpu.memory_space<vmem>>) semaphore(%arg13 : memref<!tpu.dma_semaphore, #tpu.memory_space<semaphore_mem>>)
    %scan3A = arith.constant 0 : i32
    %scan3A_14 = arith.constant 0 : i32
    %scan3A_15 = arith.constant 44 : i32
    %scan3A_16 = arith.addi %scan3A_14, %scan3A_15 : i32
    %scan3A_17 = arith.constant 1 : i32
    scf.for %scan3A_38 = %scan3A_14 to %scan3A_16 step %scan3A_17  : i32 {
      %mul3A_39 = arith.constant 2 : i32
      %mul3A_40 = arith.muli %mul3A_39, %scan3A_38 : i32
      %dma_wait3A_41 = arith.constant 0 : i32
      %dma_wait3A_42 = arith.constant 0 : i32
      %dma_wait3A_43 = tpu.memref_slice %arg7[%dma_wait3A_41, %dma_wait3A_42] : memref<90x56xi32, #tpu.memory_space<vmem>> -> memref<1x56xi32, #tpu.memory_space<vmem>>
      %dma_wait3A_44 = tpu.memref_squeeze %dma_wait3A_43 : memref<1x56xi32, #tpu.memory_space<vmem>> -> memref<56xi32, #tpu.memory_space<vmem>>
      %dma_wait3A_45 = arith.constant 0 : i32
      %dma_wait3A_46 = arith.constant 0 : i32
      %dma_wait3A_47 = tpu.memref_slice %arg4[%dma_wait3A_45, %dma_wait3A_46] : memref<40960x160xf32, #tpu.memory_space<hbm>> -> memref<40960x160xf32, #tpu.memory_space<hbm>>
      tpu.wait_indirect_dma semaphore(%arg12 : memref<!tpu.dma_semaphore, #tpu.memory_space<semaphore_mem>>) src(%dma_wait3A_47 : memref<40960x160xf32, #tpu.memory_space<hbm>>) dst(%arg9 : memref<56x160xf32, #tpu.memory_space<vmem>>)
      "tpu.region"() ({
        %run_scoped3A_72 = tpu.sem_alloc : memref<!tpu.dma_semaphore, #tpu.memory_space<semaphore_mem>>
        %dma_start3A_73 = arith.constant 0 : i32
        %dma_start3A_74 = tpu.memref_slice %arg8[%mul3A_40, %dma_start3A_73] : memref<90x56xi32, #tpu.memory_space<vmem>> -> memref<1x56xi32, #tpu.memory_space<vmem>>
        %dma_start3A_75 = tpu.memref_squeeze %dma_start3A_74 : memref<1x56xi32, #tpu.memory_space<vmem>> -> memref<56xi32, #tpu.memory_space<vmem>>
        %dma_start3A_76 = arith.constant 0 : i32
        %dma_start3A_77 = arith.constant 0 : i32
        %dma_start3A_78 = tpu.memref_slice %arg11[%dma_start3A_76, %dma_start3A_77] : memref<10240x160xf32, #tpu.memory_space<vmem_shared>> -> memref<10240x160xf32, #tpu.memory_space<vmem_shared>>
        tpu.enqueue_indirect_dma source(%arg9 : memref<56x160xf32, #tpu.memory_space<vmem>>) target(%dma_start3A_78 : memref<10240x160xf32, #tpu.memory_space<vmem_shared>>) offsets(%dma_start3A_75 : memref<56xi32, #tpu.memory_space<vmem>>) semaphore(%run_scoped3A_72 : memref<!tpu.dma_semaphore, #tpu.memory_space<semaphore_mem>>) {add = true}
        %dma_wait3A_79 = arith.constant 0 : i32
        %dma_wait3A_80 = tpu.memref_slice %arg8[%mul3A_40, %dma_wait3A_79] : memref<90x56xi32, #tpu.memory_space<vmem>> -> memref<1x56xi32, #tpu.memory_space<vmem>>
        %dma_wait3A_81 = tpu.memref_squeeze %dma_wait3A_80 : memref<1x56xi32, #tpu.memory_space<vmem>> -> memref<56xi32, #tpu.memory_space<vmem>>
        %dma_wait3A_82 = arith.constant 0 : i32
        %dma_wait3A_83 = arith.constant 0 : i32
        %dma_wait3A_84 = tpu.memref_slice %arg11[%dma_wait3A_82, %dma_wait3A_83] : memref<10240x160xf32, #tpu.memory_space<vmem_shared>> -> memref<10240x160xf32, #tpu.memory_space<vmem_shared>>
        tpu.wait_indirect_dma semaphore(%run_scoped3A_72 : memref<!tpu.dma_semaphore, #tpu.memory_space<semaphore_mem>>) src(%arg9 : memref<56x160xf32, #tpu.memory_space<vmem>>) dst(%dma_wait3A_84 : memref<10240x160xf32, #tpu.memory_space<vmem_shared>>)
        tpu.yield
      }) : () -> ()
      %add3A = arith.constant 2 : i32
      %add3A_48 = arith.addi %mul3A_40, %add3A : i32
      %dma_start3A_49 = arith.constant 0 : i32
      %dma_start3A_50 = tpu.memref_slice %arg7[%add3A_48, %dma_start3A_49] : memref<90x56xi32, #tpu.memory_space<vmem>> -> memref<1x56xi32, #tpu.memory_space<vmem>>
      %dma_start3A_51 = tpu.memref_squeeze %dma_start3A_50 : memref<1x56xi32, #tpu.memory_space<vmem>> -> memref<56xi32, #tpu.memory_space<vmem>>
      %dma_start3A_52 = arith.constant 0 : i32
      %dma_start3A_53 = arith.constant 0 : i32
      %dma_start3A_54 = tpu.memref_slice %arg4[%dma_start3A_52, %dma_start3A_53] : memref<40960x160xf32, #tpu.memory_space<hbm>> -> memref<40960x160xf32, #tpu.memory_space<hbm>>
      tpu.enqueue_indirect_dma source(%dma_start3A_54 : memref<40960x160xf32, #tpu.memory_space<hbm>>) target(%arg9 : memref<56x160xf32, #tpu.memory_space<vmem>>) offsets(%dma_start3A_51 : memref<56xi32, #tpu.memory_space<vmem>>) semaphore(%arg12 : memref<!tpu.dma_semaphore, #tpu.memory_space<semaphore_mem>>)
      %dma_wait3A_55 = arith.constant 0 : i32
      %dma_wait3A_56 = arith.constant 0 : i32
      %dma_wait3A_57 = tpu.memref_slice %arg7[%dma_wait3A_55, %dma_wait3A_56] : memref<90x56xi32, #tpu.memory_space<vmem>> -> memref<1x56xi32, #tpu.memory_space<vmem>>
      %dma_wait3A_58 = tpu.memref_squeeze %dma_wait3A_57 : memref<1x56xi32, #tpu.memory_space<vmem>> -> memref<56xi32, #tpu.memory_space<vmem>>
      %dma_wait3A_59 = arith.constant 0 : i32
      %dma_wait3A_60 = arith.constant 0 : i32
      %dma_wait3A_61 = tpu.memref_slice %arg4[%dma_wait3A_59, %dma_wait3A_60] : memref<40960x160xf32, #tpu.memory_space<hbm>> -> memref<40960x160xf32, #tpu.memory_space<hbm>>
      tpu.wait_indirect_dma semaphore(%arg13 : memref<!tpu.dma_semaphore, #tpu.memory_space<semaphore_mem>>) src(%dma_wait3A_61 : memref<40960x160xf32, #tpu.memory_space<hbm>>) dst(%arg10 : memref<56x160xf32, #tpu.memory_space<vmem>>)
      %add3A_62 = arith.constant 1 : i32
      %add3A_63 = arith.addi %mul3A_40, %add3A_62 : i32
      "tpu.region"() ({
        %run_scoped3A_72 = tpu.sem_alloc : memref<!tpu.dma_semaphore, #tpu.memory_space<semaphore_mem>>
        %dma_start3A_73 = arith.constant 0 : i32
        %dma_start3A_74 = tpu.memref_slice %arg8[%add3A_63, %dma_start3A_73] : memref<90x56xi32, #tpu.memory_space<vmem>> -> memref<1x56xi32, #tpu.memory_space<vmem>>
        %dma_start3A_75 = tpu.memref_squeeze %dma_start3A_74 : memref<1x56xi32, #tpu.memory_space<vmem>> -> memref<56xi32, #tpu.memory_space<vmem>>
        %dma_start3A_76 = arith.constant 0 : i32
        %dma_start3A_77 = arith.constant 0 : i32
        %dma_start3A_78 = tpu.memref_slice %arg11[%dma_start3A_76, %dma_start3A_77] : memref<10240x160xf32, #tpu.memory_space<vmem_shared>> -> memref<10240x160xf32, #tpu.memory_space<vmem_shared>>
        tpu.enqueue_indirect_dma source(%arg10 : memref<56x160xf32, #tpu.memory_space<vmem>>) target(%dma_start3A_78 : memref<10240x160xf32, #tpu.memory_space<vmem_shared>>) offsets(%dma_start3A_75 : memref<56xi32, #tpu.memory_space<vmem>>) semaphore(%run_scoped3A_72 : memref<!tpu.dma_semaphore, #tpu.memory_space<semaphore_mem>>) {add = true}
        %dma_wait3A_79 = arith.constant 0 : i32
        %dma_wait3A_80 = tpu.memref_slice %arg8[%add3A_63, %dma_wait3A_79] : memref<90x56xi32, #tpu.memory_space<vmem>> -> memref<1x56xi32, #tpu.memory_space<vmem>>
        %dma_wait3A_81 = tpu.memref_squeeze %dma_wait3A_80 : memref<1x56xi32, #tpu.memory_space<vmem>> -> memref<56xi32, #tpu.memory_space<vmem>>
        %dma_wait3A_82 = arith.constant 0 : i32
        %dma_wait3A_83 = arith.constant 0 : i32
        %dma_wait3A_84 = tpu.memref_slice %arg11[%dma_wait3A_82, %dma_wait3A_83] : memref<10240x160xf32, #tpu.memory_space<vmem_shared>> -> memref<10240x160xf32, #tpu.memory_space<vmem_shared>>
        tpu.wait_indirect_dma semaphore(%run_scoped3A_72 : memref<!tpu.dma_semaphore, #tpu.memory_space<semaphore_mem>>) src(%arg10 : memref<56x160xf32, #tpu.memory_space<vmem>>) dst(%dma_wait3A_84 : memref<10240x160xf32, #tpu.memory_space<vmem_shared>>)
        tpu.yield
      }) : () -> ()
      %add3A_64 = arith.constant 3 : i32
      %add3A_65 = arith.addi %mul3A_40, %add3A_64 : i32
      %dma_start3A_66 = arith.constant 0 : i32
      %dma_start3A_67 = tpu.memref_slice %arg7[%add3A_65, %dma_start3A_66] : memref<90x56xi32, #tpu.memory_space<vmem>> -> memref<1x56xi32, #tpu.memory_space<vmem>>
      %dma_start3A_68 = tpu.memref_squeeze %dma_start3A_67 : memref<1x56xi32, #tpu.memory_space<vmem>> -> memref<56xi32, #tpu.memory_space<vmem>>
      %dma_start3A_69 = arith.constant 0 : i32
      %dma_start3A_70 = arith.constant 0 : i32
      %dma_start3A_71 = tpu.memref_slice %arg4[%dma_start3A_69, %dma_start3A_70] : memref<40960x160xf32, #tpu.memory_space<hbm>> -> memref<40960x160xf32, #tpu.memory_space<hbm>>
      tpu.enqueue_indirect_dma source(%dma_start3A_71 : memref<40960x160xf32, #tpu.memory_space<hbm>>) target(%arg10 : memref<56x160xf32, #tpu.memory_space<vmem>>) offsets(%dma_start3A_68 : memref<56xi32, #tpu.memory_space<vmem>>) semaphore(%arg13 : memref<!tpu.dma_semaphore, #tpu.memory_space<semaphore_mem>>)
    }
    %scan3A_18 = arith.constant 44 : i32
    %dma_wait3A = arith.constant 0 : i32
    %dma_wait3A_19 = arith.constant 0 : i32
    %dma_wait3A_20 = tpu.memref_slice %arg7[%dma_wait3A, %dma_wait3A_19] : memref<90x56xi32, #tpu.memory_space<vmem>> -> memref<1x56xi32, #tpu.memory_space<vmem>>
    %dma_wait3A_21 = tpu.memref_squeeze %dma_wait3A_20 : memref<1x56xi32, #tpu.memory_space<vmem>> -> memref<56xi32, #tpu.memory_space<vmem>>
    %dma_wait3A_22 = arith.constant 0 : i32
    %dma_wait3A_23 = arith.constant 0 : i32
    %dma_wait3A_24 = tpu.memref_slice %arg4[%dma_wait3A_22, %dma_wait3A_23] : memref<40960x160xf32, #tpu.memory_space<hbm>> -> memref<40960x160xf32, #tpu.memory_space<hbm>>
    tpu.wait_indirect_dma semaphore(%arg12 : memref<!tpu.dma_semaphore, #tpu.memory_space<semaphore_mem>>) src(%dma_wait3A_24 : memref<40960x160xf32, #tpu.memory_space<hbm>>) dst(%arg9 : memref<56x160xf32, #tpu.memory_space<vmem>>)
    %run_scoped3A = arith.constant 88 : i32
    "tpu.region"() ({
      %run_scoped3A_38 = tpu.sem_alloc : memref<!tpu.dma_semaphore, #tpu.memory_space<semaphore_mem>>
      %dma_start3A_39 = arith.constant 0 : i32
      %dma_start3A_40 = tpu.memref_slice %arg8[%run_scoped3A, %dma_start3A_39] : memref<90x56xi32, #tpu.memory_space<vmem>> -> memref<1x56xi32, #tpu.memory_space<vmem>>
      %dma_start3A_41 = tpu.memref_squeeze %dma_start3A_40 : memref<1x56xi32, #tpu.memory_space<vmem>> -> memref<56xi32, #tpu.memory_space<vmem>>
      %dma_start3A_42 = arith.constant 0 : i32
      %dma_start3A_43 = arith.constant 0 : i32
      %dma_start3A_44 = tpu.memref_slice %arg11[%dma_start3A_42, %dma_start3A_43] : memref<10240x160xf32, #tpu.memory_space<vmem_shared>> -> memref<10240x160xf32, #tpu.memory_space<vmem_shared>>
      tpu.enqueue_indirect_dma source(%arg9 : memref<56x160xf32, #tpu.memory_space<vmem>>) target(%dma_start3A_44 : memref<10240x160xf32, #tpu.memory_space<vmem_shared>>) offsets(%dma_start3A_41 : memref<56xi32, #tpu.memory_space<vmem>>) semaphore(%run_scoped3A_38 : memref<!tpu.dma_semaphore, #tpu.memory_space<semaphore_mem>>) {add = true}
      %dma_wait3A_45 = arith.constant 0 : i32
      %dma_wait3A_46 = tpu.memref_slice %arg8[%run_scoped3A, %dma_wait3A_45] : memref<90x56xi32, #tpu.memory_space<vmem>> -> memref<1x56xi32, #tpu.memory_space<vmem>>
      %dma_wait3A_47 = tpu.memref_squeeze %dma_wait3A_46 : memref<1x56xi32, #tpu.memory_space<vmem>> -> memref<56xi32, #tpu.memory_space<vmem>>
      %dma_wait3A_48 = arith.constant 0 : i32
      %dma_wait3A_49 = arith.constant 0 : i32
      %dma_wait3A_50 = tpu.memref_slice %arg11[%dma_wait3A_48, %dma_wait3A_49] : memref<10240x160xf32, #tpu.memory_space<vmem_shared>> -> memref<10240x160xf32, #tpu.memory_space<vmem_shared>>
      tpu.wait_indirect_dma semaphore(%run_scoped3A_38 : memref<!tpu.dma_semaphore, #tpu.memory_space<semaphore_mem>>) src(%arg9 : memref<56x160xf32, #tpu.memory_space<vmem>>) dst(%dma_wait3A_50 : memref<10240x160xf32, #tpu.memory_space<vmem_shared>>)
      tpu.yield
    }) : () -> ()
    %dma_wait3A_25 = arith.constant 0 : i32
    %dma_wait3A_26 = arith.constant 0 : i32
    %dma_wait3A_27 = tpu.memref_slice %arg7[%dma_wait3A_25, %dma_wait3A_26] : memref<90x56xi32, #tpu.memory_space<vmem>> -> memref<1x56xi32, #tpu.memory_space<vmem>>
    %dma_wait3A_28 = tpu.memref_squeeze %dma_wait3A_27 : memref<1x56xi32, #tpu.memory_space<vmem>> -> memref<56xi32, #tpu.memory_space<vmem>>
    %dma_wait3A_29 = arith.constant 0 : i32
    %dma_wait3A_30 = arith.constant 0 : i32
    %dma_wait3A_31 = tpu.memref_slice %arg4[%dma_wait3A_29, %dma_wait3A_30] : memref<40960x160xf32, #tpu.memory_space<hbm>> -> memref<40960x160xf32, #tpu.memory_space<hbm>>
    tpu.wait_indirect_dma semaphore(%arg13 : memref<!tpu.dma_semaphore, #tpu.memory_space<semaphore_mem>>) src(%dma_wait3A_31 : memref<40960x160xf32, #tpu.memory_space<hbm>>) dst(%arg10 : memref<56x160xf32, #tpu.memory_space<vmem>>)
    %run_scoped3A_32 = arith.constant 89 : i32
    "tpu.region"() ({
      %run_scoped3A_38 = tpu.sem_alloc : memref<!tpu.dma_semaphore, #tpu.memory_space<semaphore_mem>>
      %dma_start3A_39 = arith.constant 0 : i32
      %dma_start3A_40 = tpu.memref_slice %arg8[%run_scoped3A_32, %dma_start3A_39] : memref<90x56xi32, #tpu.memory_space<vmem>> -> memref<1x56xi32, #tpu.memory_space<vmem>>
      %dma_start3A_41 = tpu.memref_squeeze %dma_start3A_40 : memref<1x56xi32, #tpu.memory_space<vmem>> -> memref<56xi32, #tpu.memory_space<vmem>>
      %dma_start3A_42 = arith.constant 0 : i32
      %dma_start3A_43 = arith.constant 0 : i32
      %dma_start3A_44 = tpu.memref_slice %arg11[%dma_start3A_42, %dma_start3A_43] : memref<10240x160xf32, #tpu.memory_space<vmem_shared>> -> memref<10240x160xf32, #tpu.memory_space<vmem_shared>>
      tpu.enqueue_indirect_dma source(%arg10 : memref<56x160xf32, #tpu.memory_space<vmem>>) target(%dma_start3A_44 : memref<10240x160xf32, #tpu.memory_space<vmem_shared>>) offsets(%dma_start3A_41 : memref<56xi32, #tpu.memory_space<vmem>>) semaphore(%run_scoped3A_38 : memref<!tpu.dma_semaphore, #tpu.memory_space<semaphore_mem>>) {add = true}
      %dma_wait3A_45 = arith.constant 0 : i32
      %dma_wait3A_46 = tpu.memref_slice %arg8[%run_scoped3A_32, %dma_wait3A_45] : memref<90x56xi32, #tpu.memory_space<vmem>> -> memref<1x56xi32, #tpu.memory_space<vmem>>
      %dma_wait3A_47 = tpu.memref_squeeze %dma_wait3A_46 : memref<1x56xi32, #tpu.memory_space<vmem>> -> memref<56xi32, #tpu.memory_space<vmem>>
      %dma_wait3A_48 = arith.constant 0 : i32
      %dma_wait3A_49 = arith.constant 0 : i32
      %dma_wait3A_50 = tpu.memref_slice %arg11[%dma_wait3A_48, %dma_wait3A_49] : memref<10240x160xf32, #tpu.memory_space<vmem_shared>> -> memref<10240x160xf32, #tpu.memory_space<vmem_shared>>
      tpu.wait_indirect_dma semaphore(%run_scoped3A_38 : memref<!tpu.dma_semaphore, #tpu.memory_space<semaphore_mem>>) src(%arg10 : memref<56x160xf32, #tpu.memory_space<vmem>>) dst(%dma_wait3A_50 : memref<10240x160xf32, #tpu.memory_space<vmem_shared>>)
      tpu.yield
    }) : () -> ()
    %barrier3A_33 = arith.constant 0 : index
    tpu.barrier barrier_id(%barrier3A_33)
    %mul3A_34 = arith.constant 640 : i32
    %mul3A_35 = arith.muli %arg1, %mul3A_34 : i32
    %mul3A_36 = arith.constant 640 : i32
    %mul3A_37 = arith.muli %arg1, %mul3A_36 : i32
    "tpu.region"() ({
      %run_scoped3A_38 = tpu.sem_alloc : memref<!tpu.dma_semaphore, #tpu.memory_space<semaphore_mem>>
      %dma_start3A_39 = arith.constant 0 : i32
      %dma_start3A_40 = tpu.memref_slice %arg6[%arg0, %mul3A_37, %dma_start3A_39] : memref<2x10240x160xf32, #tpu.memory_space<hbm>> -> memref<1x640x160xf32, #tpu.memory_space<hbm>>
      %dma_start3A_41 = tpu.memref_squeeze %dma_start3A_40 : memref<1x640x160xf32, #tpu.memory_space<hbm>> -> memref<640x160xf32, #tpu.memory_space<hbm>>
      %dma_start3A_42 = arith.constant 0 : i32
      %dma_start3A_43 = tpu.memref_slice %arg11[%mul3A_35, %dma_start3A_42] : memref<10240x160xf32, #tpu.memory_space<vmem_shared>> -> memref<640x160xf32, #tpu.memory_space<vmem_shared>>
      tpu.enqueue_dma source(%dma_start3A_43 : memref<640x160xf32, #tpu.memory_space<vmem_shared>>) target(%dma_start3A_41 : memref<640x160xf32, #tpu.memory_space<hbm>>) target_semaphore(%run_scoped3A_38 : memref<!tpu.dma_semaphore, #tpu.memory_space<semaphore_mem>>)
      %dma_wait3A_44 = arith.constant 0 : i32
      %dma_wait3A_45 = tpu.memref_slice %arg6[%arg0, %mul3A_37, %dma_wait3A_44] : memref<2x10240x160xf32, #tpu.memory_space<hbm>> -> memref<1x640x160xf32, #tpu.memory_space<hbm>>
      %dma_wait3A_46 = tpu.memref_squeeze %dma_wait3A_45 : memref<1x640x160xf32, #tpu.memory_space<hbm>> -> memref<640x160xf32, #tpu.memory_space<hbm>>
      %dma_wait3A_47 = arith.constant 0 : i32
      %dma_wait3A_48 = tpu.memref_slice %arg11[%mul3A_35, %dma_wait3A_47] : memref<10240x160xf32, #tpu.memory_space<vmem_shared>> -> memref<640x160xf32, #tpu.memory_space<vmem_shared>>
      tpu.wait_dma2 semaphore(%run_scoped3A_38 : memref<!tpu.dma_semaphore, #tpu.memory_space<semaphore_mem>>) src(%dma_wait3A_48 : memref<640x160xf32, #tpu.memory_space<vmem_shared>>) dst(%dma_wait3A_46 : memref<640x160xf32, #tpu.memory_space<hbm>>)
      tpu.yield
    }) : () -> ()
    return
  }
}

#map = affine_map<(d0, d1) -> (0, 0, 0, 0)>
#map1 = affine_map<(d0, d1) -> (0, 0)>
#map2 = affine_map<(d0, d1) -> (0, 0, 0)>
module attributes {stable_mosaic.version = 14 : i64} {
  func.func @sc_kernel(%arg0: i32, %arg1: i32, %arg2: memref<2x16x90x56xi32, #tpu.memory_space<hbm>>, %arg3: memref<2x16x90x56xi32, #tpu.memory_space<hbm>>, %arg4: memref<40960x160xf32, #tpu.memory_space<hbm>>, %arg5: memref<640x160xf32, #tpu.memory_space<hbm>>, %arg6: memref<2x10240x160xf32, #tpu.memory_space<hbm>>, %arg7: memref<90x56xi32, #tpu.memory_space<vmem>>, %arg8: memref<90x56xi32, #tpu.memory_space<vmem>>, %arg9: memref<56x160xf32, #tpu.memory_space<vmem>>, %arg10: memref<56x160xf32, #tpu.memory_space<vmem>>, %arg11: memref<10240x160xf32, #tpu.memory_space<vmem_shared>>, %arg12: memref<!tpu.dma_semaphore, #tpu.memory_space<semaphore_mem>>, %arg13: memref<!tpu.dma_semaphore, #tpu.memory_space<semaphore_mem>>) attributes {dimension_semantics = [#tpu.dimension_semantics<core_parallel>, #tpu.dimension_semantics<subcore_parallel>], iteration_bounds = array<i64: 2, 16>, scalar_prefetch = 0 : i64, scratch_operands = 7 : i64, tpu.core_type = #tpu.core_type<sc_vector_subcore>, window_params = [{transform_indices = #map}, {transform_indices = #map}, {transform_indices = #map1}, {transform_indices = #map1}, {transform_indices = #map2}]} {
    %mul3A = arith.constant 640 : i32
    %mul3A_0 = arith.muli %arg1, %mul3A : i32
    "tpu.region"() ({
      %run_scoped3A_38 = tpu.sem_alloc : memref<!tpu.dma_semaphore, #tpu.memory_space<semaphore_mem>>
      %dma_start3A_39 = arith.constant 0 : i32
      %dma_start3A_40 = tpu.memref_slice %arg11[%mul3A_0, %dma_start3A_39] : memref<10240x160xf32, #tpu.memory_space<vmem_shared>> -> memref<640x160xf32, #tpu.memory_space<vmem_shared>>
      tpu.enqueue_dma source(%arg5 : memref<640x160xf32, #tpu.memory_space<hbm>>) target(%dma_start3A_40 : memref<640x160xf32, #tpu.memory_space<vmem_shared>>) target_semaphore(%run_scoped3A_38 : memref<!tpu.dma_semaphore, #tpu.memory_space<semaphore_mem>>)
      %dma_wait3A_41 = arith.constant 0 : i32
      %dma_wait3A_42 = tpu.memref_slice %arg11[%mul3A_0, %dma_wait3A_41] : memref<10240x160xf32, #tpu.memory_space<vmem_shared>> -> memref<640x160xf32, #tpu.memory_space<vmem_shared>>
      tpu.wait_dma2 semaphore(%run_scoped3A_38 : memref<!tpu.dma_semaphore, #tpu.memory_space<semaphore_mem>>) src(%arg5 : memref<640x160xf32, #tpu.memory_space<hbm>>) dst(%dma_wait3A_42 : memref<640x160xf32, #tpu.memory_space<vmem_shared>>)
      tpu.yield
    }) : () -> ()
    %barrier3A = arith.constant 0 : index
    tpu.barrier barrier_id(%barrier3A)
    "tpu.region"() ({
      %run_scoped3A_38 = tpu.sem_alloc : memref<!tpu.dma_semaphore, #tpu.memory_space<semaphore_mem>>
      %dma_start3A_39 = arith.constant 0 : i32
      %dma_start3A_40 = arith.constant 0 : i32
      %dma_start3A_41 = tpu.memref_slice %arg2[%arg0, %arg1, %dma_start3A_39, %dma_start3A_40] : memref<2x16x90x56xi32, #tpu.memory_space<hbm>> -> memref<1x1x90x56xi32, #tpu.memory_space<hbm>>
      %dma_start3A_42 = tpu.memref_squeeze %dma_start3A_41 : memref<1x1x90x56xi32, #tpu.memory_space<hbm>> -> memref<90x56xi32, #tpu.memory_space<hbm>>
      %dma_start3A_43 = arith.constant 0 : i32
      %dma_start3A_44 = arith.constant 0 : i32
      %dma_start3A_45 = tpu.memref_slice %arg2[%arg0, %arg1, %dma_start3A_43, %dma_start3A_44] : memref<2x16x90x56xi32, #tpu.memory_space<hbm>> -> memref<1x1x90x56xi32, #tpu.memory_space<hbm>>
      %dma_start3A_46 = tpu.memref_squeeze %dma_start3A_45 : memref<1x1x90x56xi32, #tpu.memory_space<hbm>> -> memref<90x56xi32, #tpu.memory_space<hbm>>
      tpu.enqueue_dma source(%dma_start3A_46 : memref<90x56xi32, #tpu.memory_space<hbm>>) target(%arg7 : memref<90x56xi32, #tpu.memory_space<vmem>>) target_semaphore(%run_scoped3A_38 : memref<!tpu.dma_semaphore, #tpu.memory_space<semaphore_mem>>)
      %dma_wait3A_47 = arith.constant 0 : i32
      %dma_wait3A_48 = arith.constant 0 : i32
      %dma_wait3A_49 = tpu.memref_slice %arg2[%arg0, %arg1, %dma_wait3A_47, %dma_wait3A_48] : memref<2x16x90x56xi32, #tpu.memory_space<hbm>> -> memref<1x1x90x56xi32, #tpu.memory_space<hbm>>
      %dma_wait3A_50 = tpu.memref_squeeze %dma_wait3A_49 : memref<1x1x90x56xi32, #tpu.memory_space<hbm>> -> memref<90x56xi32, #tpu.memory_space<hbm>>
      %dma_wait3A_51 = arith.constant 0 : i32
      %dma_wait3A_52 = arith.constant 0 : i32
      %dma_wait3A_53 = tpu.memref_slice %arg2[%arg0, %arg1, %dma_wait3A_51, %dma_wait3A_52] : memref<2x16x90x56xi32, #tpu.memory_space<hbm>> -> memref<1x1x90x56xi32, #tpu.memory_space<hbm>>
      %dma_wait3A_54 = tpu.memref_squeeze %dma_wait3A_53 : memref<1x1x90x56xi32, #tpu.memory_space<hbm>> -> memref<90x56xi32, #tpu.memory_space<hbm>>
      tpu.wait_dma2 semaphore(%run_scoped3A_38 : memref<!tpu.dma_semaphore, #tpu.memory_space<semaphore_mem>>) src(%dma_wait3A_54 : memref<90x56xi32, #tpu.memory_space<hbm>>) dst(%arg7 : memref<90x56xi32, #tpu.memory_space<vmem>>)
      tpu.yield
    }) : () -> ()
    "tpu.region"() ({
      %run_scoped3A_38 = tpu.sem_alloc : memref<!tpu.dma_semaphore, #tpu.memory_space<semaphore_mem>>
      %dma_start3A_39 = arith.constant 0 : i32
      %dma_start3A_40 = arith.constant 0 : i32
      %dma_start3A_41 = tpu.memref_slice %arg3[%arg0, %arg1, %dma_start3A_39, %dma_start3A_40] : memref<2x16x90x56xi32, #tpu.memory_space<hbm>> -> memref<1x1x90x56xi32, #tpu.memory_space<hbm>>
      %dma_start3A_42 = tpu.memref_squeeze %dma_start3A_41 : memref<1x1x90x56xi32, #tpu.memory_space<hbm>> -> memref<90x56xi32, #tpu.memory_space<hbm>>
      %dma_start3A_43 = arith.constant 0 : i32
      %dma_start3A_44 = arith.constant 0 : i32
      %dma_start3A_45 = tpu.memref_slice %arg3[%arg0, %arg1, %dma_start3A_43, %dma_start3A_44] : memref<2x16x90x56xi32, #tpu.memory_space<hbm>> -> memref<1x1x90x56xi32, #tpu.memory_space<hbm>>
      %dma_start3A_46 = tpu.memref_squeeze %dma_start3A_45 : memref<1x1x90x56xi32, #tpu.memory_space<hbm>> -> memref<90x56xi32, #tpu.memory_space<hbm>>
      tpu.enqueue_dma source(%dma_start3A_46 : memref<90x56xi32, #tpu.memory_space<hbm>>) target(%arg8 : memref<90x56xi32, #tpu.memory_space<vmem>>) target_semaphore(%run_scoped3A_38 : memref<!tpu.dma_semaphore, #tpu.memory_space<semaphore_mem>>)
      %dma_wait3A_47 = arith.constant 0 : i32
      %dma_wait3A_48 = arith.constant 0 : i32
      %dma_wait3A_49 = tpu.memref_slice %arg3[%arg0, %arg1, %dma_wait3A_47, %dma_wait3A_48] : memref<2x16x90x56xi32, #tpu.memory_space<hbm>> -> memref<1x1x90x56xi32, #tpu.memory_space<hbm>>
      %dma_wait3A_50 = tpu.memref_squeeze %dma_wait3A_49 : memref<1x1x90x56xi32, #tpu.memory_space<hbm>> -> memref<90x56xi32, #tpu.memory_space<hbm>>
      %dma_wait3A_51 = arith.constant 0 : i32
      %dma_wait3A_52 = arith.constant 0 : i32
      %dma_wait3A_53 = tpu.memref_slice %arg3[%arg0, %arg1, %dma_wait3A_51, %dma_wait3A_52] : memref<2x16x90x56xi32, #tpu.memory_space<hbm>> -> memref<1x1x90x56xi32, #tpu.memory_space<hbm>>
      %dma_wait3A_54 = tpu.memref_squeeze %dma_wait3A_53 : memref<1x1x90x56xi32, #tpu.memory_space<hbm>> -> memref<90x56xi32, #tpu.memory_space<hbm>>
      tpu.wait_dma2 semaphore(%run_scoped3A_38 : memref<!tpu.dma_semaphore, #tpu.memory_space<semaphore_mem>>) src(%dma_wait3A_54 : memref<90x56xi32, #tpu.memory_space<hbm>>) dst(%arg8 : memref<90x56xi32, #tpu.memory_space<vmem>>)
      tpu.yield
    }) : () -> ()
    %dma_start3A = arith.constant 0 : i32
    %dma_start3A_1 = arith.constant 0 : i32
    %dma_start3A_2 = tpu.memref_slice %arg7[%dma_start3A, %dma_start3A_1] : memref<90x56xi32, #tpu.memory_space<vmem>> -> memref<1x56xi32, #tpu.memory_space<vmem>>
    %dma_start3A_3 = tpu.memref_squeeze %dma_start3A_2 : memref<1x56xi32, #tpu.memory_space<vmem>> -> memref<56xi32, #tpu.memory_space<vmem>>
    %dma_start3A_4 = arith.constant 0 : i32
    %dma_start3A_5 = arith.constant 0 : i32
    %dma_start3A_6 = tpu.memref_slice %arg4[%dma_start3A_4, %dma_start3A_5] : memref<40960x160xf32, #tpu.memory_space<hbm>> -> memref<40960x160xf32, #tpu.memory_space<hbm>>
    tpu.enqueue_indirect_dma source(%dma_start3A_6 : memref<40960x160xf32, #tpu.memory_space<hbm>>) target(%arg9 : memref<56x160xf32, #tpu.memory_space<vmem>>) offsets(%dma_start3A_3 : memref<56xi32, #tpu.memory_space<vmem>>) semaphore(%arg12 : memref<!tpu.dma_semaphore, #tpu.memory_space<semaphore_mem>>)
    %dma_start3A_7 = arith.constant 1 : i32
    %dma_start3A_8 = arith.constant 0 : i32
    %dma_start3A_9 = tpu.memref_slice %arg7[%dma_start3A_7, %dma_start3A_8] : memref<90x56xi32, #tpu.memory_space<vmem>> -> memref<1x56xi32, #tpu.memory_space<vmem>>
    %dma_start3A_10 = tpu.memref_squeeze %dma_start3A_9 : memref<1x56xi32, #tpu.memory_space<vmem>> -> memref<56xi32, #tpu.memory_space<vmem>>
    %dma_start3A_11 = arith.constant 0 : i32
    %dma_start3A_12 = arith.constant 0 : i32
    %dma_start3A_13 = tpu.memref_slice %arg4[%dma_start3A_11, %dma_start3A_12] : memref<40960x160xf32, #tpu.memory_space<hbm>> -> memref<40960x160xf32, #tpu.memory_space<hbm>>
    tpu.enqueue_indirect_dma source(%dma_start3A_13 : memref<40960x160xf32, #tpu.memory_space<hbm>>) target(%arg10 : memref<56x160xf32, #tpu.memory_space<vmem>>) offsets(%dma_start3A_10 : memref<56xi32, #tpu.memory_space<vmem>>) semaphore(%arg13 : memref<!tpu.dma_semaphore, #tpu.memory_space<semaphore_mem>>)
    %scan3A = arith.constant 0 : i32
    %scan3A_14 = arith.constant 0 : i32
    %scan3A_15 = arith.constant 44 : i32
    %scan3A_16 = arith.addi %scan3A_14, %scan3A_15 : i32
    %scan3A_17 = arith.constant 1 : i32
    scf.for %scan3A_38 = %scan3A_14 to %scan3A_16 step %scan3A_17  : i32 {
      %mul3A_39 = arith.constant 2 : i32
      %mul3A_40 = arith.muli %mul3A_39, %scan3A_38 : i32
      %dma_wait3A_41 = arith.constant 0 : i32
      %dma_wait3A_42 = arith.constant 0 : i32
      %dma_wait3A_43 = tpu.memref_slice %arg7[%dma_wait3A_41, %dma_wait3A_42] : memref<90x56xi32, #tpu.memory_space<vmem>> -> memref<1x56xi32, #tpu.memory_space<vmem>>
      %dma_wait3A_44 = tpu.memref_squeeze %dma_wait3A_43 : memref<1x56xi32, #tpu.memory_space<vmem>> -> memref<56xi32, #tpu.memory_space<vmem>>
      %dma_wait3A_45 = arith.constant 0 : i32
      %dma_wait3A_46 = arith.constant 0 : i32
      %dma_wait3A_47 = tpu.memref_slice %arg4[%dma_wait3A_45, %dma_wait3A_46] : memref<40960x160xf32, #tpu.memory_space<hbm>> -> memref<40960x160xf32, #tpu.memory_space<hbm>>
      tpu.wait_indirect_dma semaphore(%arg12 : memref<!tpu.dma_semaphore, #tpu.memory_space<semaphore_mem>>) src(%dma_wait3A_47 : memref<40960x160xf32, #tpu.memory_space<hbm>>) dst(%arg9 : memref<56x160xf32, #tpu.memory_space<vmem>>)
      "tpu.region"() ({
        %run_scoped3A_72 = tpu.sem_alloc : memref<!tpu.dma_semaphore, #tpu.memory_space<semaphore_mem>>
        %dma_start3A_73 = arith.constant 0 : i32
        %dma_start3A_74 = tpu.memref_slice %arg8[%mul3A_40, %dma_start3A_73] : memref<90x56xi32, #tpu.memory_space<vmem>> -> memref<1x56xi32, #tpu.memory_space<vmem>>
        %dma_start3A_75 = tpu.memref_squeeze %dma_start3A_74 : memref<1x56xi32, #tpu.memory_space<vmem>> -> memref<56xi32, #tpu.memory_space<vmem>>
        %dma_start3A_76 = arith.constant 0 : i32
        %dma_start3A_77 = arith.constant 0 : i32
        %dma_start3A_78 = tpu.memref_slice %arg11[%dma_start3A_76, %dma_start3A_77] : memref<10240x160xf32, #tpu.memory_space<vmem_shared>> -> memref<10240x160xf32, #tpu.memory_space<vmem_shared>>
        tpu.enqueue_indirect_dma source(%arg9 : memref<56x160xf32, #tpu.memory_space<vmem>>) target(%dma_start3A_78 : memref<10240x160xf32, #tpu.memory_space<vmem_shared>>) offsets(%dma_start3A_75 : memref<56xi32, #tpu.memory_space<vmem>>) semaphore(%run_scoped3A_72 : memref<!tpu.dma_semaphore, #tpu.memory_space<semaphore_mem>>) {add = true}
        %dma_wait3A_79 = arith.constant 0 : i32
        %dma_wait3A_80 = tpu.memref_slice %arg8[%mul3A_40, %dma_wait3A_79] : memref<90x56xi32, #tpu.memory_space<vmem>> -> memref<1x56xi32, #tpu.memory_space<vmem>>
        %dma_wait3A_81 = tpu.memref_squeeze %dma_wait3A_80 : memref<1x56xi32, #tpu.memory_space<vmem>> -> memref<56xi32, #tpu.memory_space<vmem>>
        %dma_wait3A_82 = arith.constant 0 : i32
        %dma_wait3A_83 = arith.constant 0 : i32
        %dma_wait3A_84 = tpu.memref_slice %arg11[%dma_wait3A_82, %dma_wait3A_83] : memref<10240x160xf32, #tpu.memory_space<vmem_shared>> -> memref<10240x160xf32, #tpu.memory_space<vmem_shared>>
        tpu.wait_indirect_dma semaphore(%run_scoped3A_72 : memref<!tpu.dma_semaphore, #tpu.memory_space<semaphore_mem>>) src(%arg9 : memref<56x160xf32, #tpu.memory_space<vmem>>) dst(%dma_wait3A_84 : memref<10240x160xf32, #tpu.memory_space<vmem_shared>>)
        tpu.yield
      }) : () -> ()
      %add3A = arith.constant 2 : i32
      %add3A_48 = arith.addi %mul3A_40, %add3A : i32
      %dma_start3A_49 = arith.constant 0 : i32
      %dma_start3A_50 = tpu.memref_slice %arg7[%add3A_48, %dma_start3A_49] : memref<90x56xi32, #tpu.memory_space<vmem>> -> memref<1x56xi32, #tpu.memory_space<vmem>>
      %dma_start3A_51 = tpu.memref_squeeze %dma_start3A_50 : memref<1x56xi32, #tpu.memory_space<vmem>> -> memref<56xi32, #tpu.memory_space<vmem>>
      %dma_start3A_52 = arith.constant 0 : i32
      %dma_start3A_53 = arith.constant 0 : i32
      %dma_start3A_54 = tpu.memref_slice %arg4[%dma_start3A_52, %dma_start3A_53] : memref<40960x160xf32, #tpu.memory_space<hbm>> -> memref<40960x160xf32, #tpu.memory_space<hbm>>
      tpu.enqueue_indirect_dma source(%dma_start3A_54 : memref<40960x160xf32, #tpu.memory_space<hbm>>) target(%arg9 : memref<56x160xf32, #tpu.memory_space<vmem>>) offsets(%dma_start3A_51 : memref<56xi32, #tpu.memory_space<vmem>>) semaphore(%arg12 : memref<!tpu.dma_semaphore, #tpu.memory_space<semaphore_mem>>)
      %dma_wait3A_55 = arith.constant 0 : i32
      %dma_wait3A_56 = arith.constant 0 : i32
      %dma_wait3A_57 = tpu.memref_slice %arg7[%dma_wait3A_55, %dma_wait3A_56] : memref<90x56xi32, #tpu.memory_space<vmem>> -> memref<1x56xi32, #tpu.memory_space<vmem>>
      %dma_wait3A_58 = tpu.memref_squeeze %dma_wait3A_57 : memref<1x56xi32, #tpu.memory_space<vmem>> -> memref<56xi32, #tpu.memory_space<vmem>>
      %dma_wait3A_59 = arith.constant 0 : i32
      %dma_wait3A_60 = arith.constant 0 : i32
      %dma_wait3A_61 = tpu.memref_slice %arg4[%dma_wait3A_59, %dma_wait3A_60] : memref<40960x160xf32, #tpu.memory_space<hbm>> -> memref<40960x160xf32, #tpu.memory_space<hbm>>
      tpu.wait_indirect_dma semaphore(%arg13 : memref<!tpu.dma_semaphore, #tpu.memory_space<semaphore_mem>>) src(%dma_wait3A_61 : memref<40960x160xf32, #tpu.memory_space<hbm>>) dst(%arg10 : memref<56x160xf32, #tpu.memory_space<vmem>>)
      %add3A_62 = arith.constant 1 : i32
      %add3A_63 = arith.addi %mul3A_40, %add3A_62 : i32
      "tpu.region"() ({
        %run_scoped3A_72 = tpu.sem_alloc : memref<!tpu.dma_semaphore, #tpu.memory_space<semaphore_mem>>
        %dma_start3A_73 = arith.constant 0 : i32
        %dma_start3A_74 = tpu.memref_slice %arg8[%add3A_63, %dma_start3A_73] : memref<90x56xi32, #tpu.memory_space<vmem>> -> memref<1x56xi32, #tpu.memory_space<vmem>>
        %dma_start3A_75 = tpu.memref_squeeze %dma_start3A_74 : memref<1x56xi32, #tpu.memory_space<vmem>> -> memref<56xi32, #tpu.memory_space<vmem>>
        %dma_start3A_76 = arith.constant 0 : i32
        %dma_start3A_77 = arith.constant 0 : i32
        %dma_start3A_78 = tpu.memref_slice %arg11[%dma_start3A_76, %dma_start3A_77] : memref<10240x160xf32, #tpu.memory_space<vmem_shared>> -> memref<10240x160xf32, #tpu.memory_space<vmem_shared>>
        tpu.enqueue_indirect_dma source(%arg10 : memref<56x160xf32, #tpu.memory_space<vmem>>) target(%dma_start3A_78 : memref<10240x160xf32, #tpu.memory_space<vmem_shared>>) offsets(%dma_start3A_75 : memref<56xi32, #tpu.memory_space<vmem>>) semaphore(%run_scoped3A_72 : memref<!tpu.dma_semaphore, #tpu.memory_space<semaphore_mem>>) {add = true}
        %dma_wait3A_79 = arith.constant 0 : i32
        %dma_wait3A_80 = tpu.memref_slice %arg8[%add3A_63, %dma_wait3A_79] : memref<90x56xi32, #tpu.memory_space<vmem>> -> memref<1x56xi32, #tpu.memory_space<vmem>>
        %dma_wait3A_81 = tpu.memref_squeeze %dma_wait3A_80 : memref<1x56xi32, #tpu.memory_space<vmem>> -> memref<56xi32, #tpu.memory_space<vmem>>
        %dma_wait3A_82 = arith.constant 0 : i32
        %dma_wait3A_83 = arith.constant 0 : i32
        %dma_wait3A_84 = tpu.memref_slice %arg11[%dma_wait3A_82, %dma_wait3A_83] : memref<10240x160xf32, #tpu.memory_space<vmem_shared>> -> memref<10240x160xf32, #tpu.memory_space<vmem_shared>>
        tpu.wait_indirect_dma semaphore(%run_scoped3A_72 : memref<!tpu.dma_semaphore, #tpu.memory_space<semaphore_mem>>) src(%arg10 : memref<56x160xf32, #tpu.memory_space<vmem>>) dst(%dma_wait3A_84 : memref<10240x160xf32, #tpu.memory_space<vmem_shared>>)
        tpu.yield
      }) : () -> ()
      %add3A_64 = arith.constant 3 : i32
      %add3A_65 = arith.addi %mul3A_40, %add3A_64 : i32
      %dma_start3A_66 = arith.constant 0 : i32
      %dma_start3A_67 = tpu.memref_slice %arg7[%add3A_65, %dma_start3A_66] : memref<90x56xi32, #tpu.memory_space<vmem>> -> memref<1x56xi32, #tpu.memory_space<vmem>>
      %dma_start3A_68 = tpu.memref_squeeze %dma_start3A_67 : memref<1x56xi32, #tpu.memory_space<vmem>> -> memref<56xi32, #tpu.memory_space<vmem>>
      %dma_start3A_69 = arith.constant 0 : i32
      %dma_start3A_70 = arith.constant 0 : i32
      %dma_start3A_71 = tpu.memref_slice %arg4[%dma_start3A_69, %dma_start3A_70] : memref<40960x160xf32, #tpu.memory_space<hbm>> -> memref<40960x160xf32, #tpu.memory_space<hbm>>
      tpu.enqueue_indirect_dma source(%dma_start3A_71 : memref<40960x160xf32, #tpu.memory_space<hbm>>) target(%arg10 : memref<56x160xf32, #tpu.memory_space<vmem>>) offsets(%dma_start3A_68 : memref<56xi32, #tpu.memory_space<vmem>>) semaphore(%arg13 : memref<!tpu.dma_semaphore, #tpu.memory_space<semaphore_mem>>)
    }
    %scan3A_18 = arith.constant 44 : i32
    %dma_wait3A = arith.constant 0 : i32
    %dma_wait3A_19 = arith.constant 0 : i32
    %dma_wait3A_20 = tpu.memref_slice %arg7[%dma_wait3A, %dma_wait3A_19] : memref<90x56xi32, #tpu.memory_space<vmem>> -> memref<1x56xi32, #tpu.memory_space<vmem>>
    %dma_wait3A_21 = tpu.memref_squeeze %dma_wait3A_20 : memref<1x56xi32, #tpu.memory_space<vmem>> -> memref<56xi32, #tpu.memory_space<vmem>>
    %dma_wait3A_22 = arith.constant 0 : i32
    %dma_wait3A_23 = arith.constant 0 : i32
    %dma_wait3A_24 = tpu.memref_slice %arg4[%dma_wait3A_22, %dma_wait3A_23] : memref<40960x160xf32, #tpu.memory_space<hbm>> -> memref<40960x160xf32, #tpu.memory_space<hbm>>
    tpu.wait_indirect_dma semaphore(%arg12 : memref<!tpu.dma_semaphore, #tpu.memory_space<semaphore_mem>>) src(%dma_wait3A_24 : memref<40960x160xf32, #tpu.memory_space<hbm>>) dst(%arg9 : memref<56x160xf32, #tpu.memory_space<vmem>>)
    %run_scoped3A = arith.constant 88 : i32
    "tpu.region"() ({
      %run_scoped3A_38 = tpu.sem_alloc : memref<!tpu.dma_semaphore, #tpu.memory_space<semaphore_mem>>
      %dma_start3A_39 = arith.constant 0 : i32
      %dma_start3A_40 = tpu.memref_slice %arg8[%run_scoped3A, %dma_start3A_39] : memref<90x56xi32, #tpu.memory_space<vmem>> -> memref<1x56xi32, #tpu.memory_space<vmem>>
      %dma_start3A_41 = tpu.memref_squeeze %dma_start3A_40 : memref<1x56xi32, #tpu.memory_space<vmem>> -> memref<56xi32, #tpu.memory_space<vmem>>
      %dma_start3A_42 = arith.constant 0 : i32
      %dma_start3A_43 = arith.constant 0 : i32
      %dma_start3A_44 = tpu.memref_slice %arg11[%dma_start3A_42, %dma_start3A_43] : memref<10240x160xf32, #tpu.memory_space<vmem_shared>> -> memref<10240x160xf32, #tpu.memory_space<vmem_shared>>
      tpu.enqueue_indirect_dma source(%arg9 : memref<56x160xf32, #tpu.memory_space<vmem>>) target(%dma_start3A_44 : memref<10240x160xf32, #tpu.memory_space<vmem_shared>>) offsets(%dma_start3A_41 : memref<56xi32, #tpu.memory_space<vmem>>) semaphore(%run_scoped3A_38 : memref<!tpu.dma_semaphore, #tpu.memory_space<semaphore_mem>>) {add = true}
      %dma_wait3A_45 = arith.constant 0 : i32
      %dma_wait3A_46 = tpu.memref_slice %arg8[%run_scoped3A, %dma_wait3A_45] : memref<90x56xi32, #tpu.memory_space<vmem>> -> memref<1x56xi32, #tpu.memory_space<vmem>>
      %dma_wait3A_47 = tpu.memref_squeeze %dma_wait3A_46 : memref<1x56xi32, #tpu.memory_space<vmem>> -> memref<56xi32, #tpu.memory_space<vmem>>
      %dma_wait3A_48 = arith.constant 0 : i32
      %dma_wait3A_49 = arith.constant 0 : i32
      %dma_wait3A_50 = tpu.memref_slice %arg11[%dma_wait3A_48, %dma_wait3A_49] : memref<10240x160xf32, #tpu.memory_space<vmem_shared>> -> memref<10240x160xf32, #tpu.memory_space<vmem_shared>>
      tpu.wait_indirect_dma semaphore(%run_scoped3A_38 : memref<!tpu.dma_semaphore, #tpu.memory_space<semaphore_mem>>) src(%arg9 : memref<56x160xf32, #tpu.memory_space<vmem>>) dst(%dma_wait3A_50 : memref<10240x160xf32, #tpu.memory_space<vmem_shared>>)
      tpu.yield
    }) : () -> ()
    %dma_wait3A_25 = arith.constant 0 : i32
    %dma_wait3A_26 = arith.constant 0 : i32
    %dma_wait3A_27 = tpu.memref_slice %arg7[%dma_wait3A_25, %dma_wait3A_26] : memref<90x56xi32, #tpu.memory_space<vmem>> -> memref<1x56xi32, #tpu.memory_space<vmem>>
    %dma_wait3A_28 = tpu.memref_squeeze %dma_wait3A_27 : memref<1x56xi32, #tpu.memory_space<vmem>> -> memref<56xi32, #tpu.memory_space<vmem>>
    %dma_wait3A_29 = arith.constant 0 : i32
    %dma_wait3A_30 = arith.constant 0 : i32
    %dma_wait3A_31 = tpu.memref_slice %arg4[%dma_wait3A_29, %dma_wait3A_30] : memref<40960x160xf32, #tpu.memory_space<hbm>> -> memref<40960x160xf32, #tpu.memory_space<hbm>>
    tpu.wait_indirect_dma semaphore(%arg13 : memref<!tpu.dma_semaphore, #tpu.memory_space<semaphore_mem>>) src(%dma_wait3A_31 : memref<40960x160xf32, #tpu.memory_space<hbm>>) dst(%arg10 : memref<56x160xf32, #tpu.memory_space<vmem>>)
    %run_scoped3A_32 = arith.constant 89 : i32
    "tpu.region"() ({
      %run_scoped3A_38 = tpu.sem_alloc : memref<!tpu.dma_semaphore, #tpu.memory_space<semaphore_mem>>
      %dma_start3A_39 = arith.constant 0 : i32
      %dma_start3A_40 = tpu.memref_slice %arg8[%run_scoped3A_32, %dma_start3A_39] : memref<90x56xi32, #tpu.memory_space<vmem>> -> memref<1x56xi32, #tpu.memory_space<vmem>>
      %dma_start3A_41 = tpu.memref_squeeze %dma_start3A_40 : memref<1x56xi32, #tpu.memory_space<vmem>> -> memref<56xi32, #tpu.memory_space<vmem>>
      %dma_start3A_42 = arith.constant 0 : i32
      %dma_start3A_43 = arith.constant 0 : i32
      %dma_start3A_44 = tpu.memref_slice %arg11[%dma_start3A_42, %dma_start3A_43] : memref<10240x160xf32, #tpu.memory_space<vmem_shared>> -> memref<10240x160xf32, #tpu.memory_space<vmem_shared>>
      tpu.enqueue_indirect_dma source(%arg10 : memref<56x160xf32, #tpu.memory_space<vmem>>) target(%dma_start3A_44 : memref<10240x160xf32, #tpu.memory_space<vmem_shared>>) offsets(%dma_start3A_41 : memref<56xi32, #tpu.memory_space<vmem>>) semaphore(%run_scoped3A_38 : memref<!tpu.dma_semaphore, #tpu.memory_space<semaphore_mem>>) {add = true}
      %dma_wait3A_45 = arith.constant 0 : i32
      %dma_wait3A_46 = tpu.memref_slice %arg8[%run_scoped3A_32, %dma_wait3A_45] : memref<90x56xi32, #tpu.memory_space<vmem>> -> memref<1x56xi32, #tpu.memory_space<vmem>>
      %dma_wait3A_47 = tpu.memref_squeeze %dma_wait3A_46 : memref<1x56xi32, #tpu.memory_space<vmem>> -> memref<56xi32, #tpu.memory_space<vmem>>
      %dma_wait3A_48 = arith.constant 0 : i32
      %dma_wait3A_49 = arith.constant 0 : i32
      %dma_wait3A_50 = tpu.memref_slice %arg11[%dma_wait3A_48, %dma_wait3A_49] : memref<10240x160xf32, #tpu.memory_space<vmem_shared>> -> memref<10240x160xf32, #tpu.memory_space<vmem_shared>>
      tpu.wait_indirect_dma semaphore(%run_scoped3A_38 : memref<!tpu.dma_semaphore, #tpu.memory_space<semaphore_mem>>) src(%arg10 : memref<56x160xf32, #tpu.memory_space<vmem>>) dst(%dma_wait3A_50 : memref<10240x160xf32, #tpu.memory_space<vmem_shared>>)
      tpu.yield
    }) : () -> ()
    %barrier3A_33 = arith.constant 0 : index
    tpu.barrier barrier_id(%barrier3A_33)
    %mul3A_34 = arith.constant 640 : i32
    %mul3A_35 = arith.muli %arg1, %mul3A_34 : i32
    %mul3A_36 = arith.constant 640 : i32
    %mul3A_37 = arith.muli %arg1, %mul3A_36 : i32
    "tpu.region"() ({
      %run_scoped3A_38 = tpu.sem_alloc : memref<!tpu.dma_semaphore, #tpu.memory_space<semaphore_mem>>
      %dma_start3A_39 = arith.constant 0 : i32
      %dma_start3A_40 = tpu.memref_slice %arg6[%arg0, %mul3A_37, %dma_start3A_39] : memref<2x10240x160xf32, #tpu.memory_space<hbm>> -> memref<1x640x160xf32, #tpu.memory_space<hbm>>
      %dma_start3A_41 = tpu.memref_squeeze %dma_start3A_40 : memref<1x640x160xf32, #tpu.memory_space<hbm>> -> memref<640x160xf32, #tpu.memory_space<hbm>>
      %dma_start3A_42 = arith.constant 0 : i32
      %dma_start3A_43 = tpu.memref_slice %arg11[%mul3A_35, %dma_start3A_42] : memref<10240x160xf32, #tpu.memory_space<vmem_shared>> -> memref<640x160xf32, #tpu.memory_space<vmem_shared>>
      tpu.enqueue_dma source(%dma_start3A_43 : memref<640x160xf32, #tpu.memory_space<vmem_shared>>) target(%dma_start3A_41 : memref<640x160xf32, #tpu.memory_space<hbm>>) target_semaphore(%run_scoped3A_38 : memref<!tpu.dma_semaphore, #tpu.memory_space<semaphore_mem>>)
      %dma_wait3A_44 = arith.constant 0 : i32
      %dma_wait3A_45 = tpu.memref_slice %arg6[%arg0, %mul3A_37, %dma_wait3A_44] : memref<2x10240x160xf32, #tpu.memory_space<hbm>> -> memref<1x640x160xf32, #tpu.memory_space<hbm>>
      %dma_wait3A_46 = tpu.memref_squeeze %dma_wait3A_45 : memref<1x640x160xf32, #tpu.memory_space<hbm>> -> memref<640x160xf32, #tpu.memory_space<hbm>>
      %dma_wait3A_47 = arith.constant 0 : i32
      %dma_wait3A_48 = tpu.memref_slice %arg11[%mul3A_35, %dma_wait3A_47] : memref<10240x160xf32, #tpu.memory_space<vmem_shared>> -> memref<640x160xf32, #tpu.memory_space<vmem_shared>>
      tpu.wait_dma2 semaphore(%run_scoped3A_38 : memref<!tpu.dma_semaphore, #tpu.memory_space<semaphore_mem>>) src(%dma_wait3A_48 : memref<640x160xf32, #tpu.memory_space<vmem_shared>>) dst(%dma_wait3A_46 : memref<640x160xf32, #tpu.memory_space<hbm>>)
      tpu.yield
    }) : () -> ()
    return
  }
}

#map = affine_map<(d0, d1) -> (0, 0, 0, 0)>
#map1 = affine_map<(d0, d1) -> (0, 0)>
#map2 = affine_map<(d0, d1) -> (0, 0, 0)>
module attributes {stable_mosaic.version = 14 : i64} {
  func.func @sc_kernel(%arg0: i32, %arg1: i32, %arg2: memref<2x16x90x56xi32, #tpu.memory_space<hbm>>, %arg3: memref<2x16x90x56xi32, #tpu.memory_space<hbm>>, %arg4: memref<40960x160xf32, #tpu.memory_space<hbm>>, %arg5: memref<640x160xf32, #tpu.memory_space<hbm>>, %arg6: memref<2x10240x160xf32, #tpu.memory_space<hbm>>, %arg7: memref<90x56xi32, #tpu.memory_space<vmem>>, %arg8: memref<90x56xi32, #tpu.memory_space<vmem>>, %arg9: memref<56x160xf32, #tpu.memory_space<vmem>>, %arg10: memref<56x160xf32, #tpu.memory_space<vmem>>, %arg11: memref<10240x160xf32, #tpu.memory_space<vmem_shared>>, %arg12: memref<!tpu.dma_semaphore, #tpu.memory_space<semaphore_mem>>, %arg13: memref<!tpu.dma_semaphore, #tpu.memory_space<semaphore_mem>>) attributes {dimension_semantics = [#tpu.dimension_semantics<core_parallel>, #tpu.dimension_semantics<subcore_parallel>], iteration_bounds = array<i64: 2, 16>, scalar_prefetch = 0 : i64, scratch_operands = 7 : i64, tpu.core_type = #tpu.core_type<sc_vector_subcore>, window_params = [{transform_indices = #map}, {transform_indices = #map}, {transform_indices = #map1}, {transform_indices = #map1}, {transform_indices = #map2}]} {
    %mul3A = arith.constant 640 : i32
    %mul3A_0 = arith.muli %arg1, %mul3A : i32
    "tpu.region"() ({
      %run_scoped3A_38 = tpu.sem_alloc : memref<!tpu.dma_semaphore, #tpu.memory_space<semaphore_mem>>
      %dma_start3A_39 = arith.constant 0 : i32
      %dma_start3A_40 = tpu.memref_slice %arg11[%mul3A_0, %dma_start3A_39] : memref<10240x160xf32, #tpu.memory_space<vmem_shared>> -> memref<640x160xf32, #tpu.memory_space<vmem_shared>>
      tpu.enqueue_dma source(%arg5 : memref<640x160xf32, #tpu.memory_space<hbm>>) target(%dma_start3A_40 : memref<640x160xf32, #tpu.memory_space<vmem_shared>>) target_semaphore(%run_scoped3A_38 : memref<!tpu.dma_semaphore, #tpu.memory_space<semaphore_mem>>)
      %dma_wait3A_41 = arith.constant 0 : i32
      %dma_wait3A_42 = tpu.memref_slice %arg11[%mul3A_0, %dma_wait3A_41] : memref<10240x160xf32, #tpu.memory_space<vmem_shared>> -> memref<640x160xf32, #tpu.memory_space<vmem_shared>>
      tpu.wait_dma2 semaphore(%run_scoped3A_38 : memref<!tpu.dma_semaphore, #tpu.memory_space<semaphore_mem>>) src(%arg5 : memref<640x160xf32, #tpu.memory_space<hbm>>) dst(%dma_wait3A_42 : memref<640x160xf32, #tpu.memory_space<vmem_shared>>)
      tpu.yield
    }) : () -> ()
    %barrier3A = arith.constant 0 : index
    tpu.barrier barrier_id(%barrier3A)
    "tpu.region"() ({
      %run_scoped3A_38 = tpu.sem_alloc : memref<!tpu.dma_semaphore, #tpu.memory_space<semaphore_mem>>
      %dma_start3A_39 = arith.constant 0 : i32
      %dma_start3A_40 = arith.constant 0 : i32
      %dma_start3A_41 = tpu.memref_slice %arg2[%arg0, %arg1, %dma_start3A_39, %dma_start3A_40] : memref<2x16x90x56xi32, #tpu.memory_space<hbm>> -> memref<1x1x90x56xi32, #tpu.memory_space<hbm>>
      %dma_start3A_42 = tpu.memref_squeeze %dma_start3A_41 : memref<1x1x90x56xi32, #tpu.memory_space<hbm>> -> memref<90x56xi32, #tpu.memory_space<hbm>>
      %dma_start3A_43 = arith.constant 0 : i32
      %dma_start3A_44 = arith.constant 0 : i32
      %dma_start3A_45 = tpu.memref_slice %arg2[%arg0, %arg1, %dma_start3A_43, %dma_start3A_44] : memref<2x16x90x56xi32, #tpu.memory_space<hbm>> -> memref<1x1x90x56xi32, #tpu.memory_space<hbm>>
      %dma_start3A_46 = tpu.memref_squeeze %dma_start3A_45 : memref<1x1x90x56xi32, #tpu.memory_space<hbm>> -> memref<90x56xi32, #tpu.memory_space<hbm>>
      tpu.enqueue_dma source(%dma_start3A_46 : memref<90x56xi32, #tpu.memory_space<hbm>>) target(%arg7 : memref<90x56xi32, #tpu.memory_space<vmem>>) target_semaphore(%run_scoped3A_38 : memref<!tpu.dma_semaphore, #tpu.memory_space<semaphore_mem>>)
      %dma_wait3A_47 = arith.constant 0 : i32
      %dma_wait3A_48 = arith.constant 0 : i32
      %dma_wait3A_49 = tpu.memref_slice %arg2[%arg0, %arg1, %dma_wait3A_47, %dma_wait3A_48] : memref<2x16x90x56xi32, #tpu.memory_space<hbm>> -> memref<1x1x90x56xi32, #tpu.memory_space<hbm>>
      %dma_wait3A_50 = tpu.memref_squeeze %dma_wait3A_49 : memref<1x1x90x56xi32, #tpu.memory_space<hbm>> -> memref<90x56xi32, #tpu.memory_space<hbm>>
      %dma_wait3A_51 = arith.constant 0 : i32
      %dma_wait3A_52 = arith.constant 0 : i32
      %dma_wait3A_53 = tpu.memref_slice %arg2[%arg0, %arg1, %dma_wait3A_51, %dma_wait3A_52] : memref<2x16x90x56xi32, #tpu.memory_space<hbm>> -> memref<1x1x90x56xi32, #tpu.memory_space<hbm>>
      %dma_wait3A_54 = tpu.memref_squeeze %dma_wait3A_53 : memref<1x1x90x56xi32, #tpu.memory_space<hbm>> -> memref<90x56xi32, #tpu.memory_space<hbm>>
      tpu.wait_dma2 semaphore(%run_scoped3A_38 : memref<!tpu.dma_semaphore, #tpu.memory_space<semaphore_mem>>) src(%dma_wait3A_54 : memref<90x56xi32, #tpu.memory_space<hbm>>) dst(%arg7 : memref<90x56xi32, #tpu.memory_space<vmem>>)
      tpu.yield
    }) : () -> ()
    "tpu.region"() ({
      %run_scoped3A_38 = tpu.sem_alloc : memref<!tpu.dma_semaphore, #tpu.memory_space<semaphore_mem>>
      %dma_start3A_39 = arith.constant 0 : i32
      %dma_start3A_40 = arith.constant 0 : i32
      %dma_start3A_41 = tpu.memref_slice %arg3[%arg0, %arg1, %dma_start3A_39, %dma_start3A_40] : memref<2x16x90x56xi32, #tpu.memory_space<hbm>> -> memref<1x1x90x56xi32, #tpu.memory_space<hbm>>
      %dma_start3A_42 = tpu.memref_squeeze %dma_start3A_41 : memref<1x1x90x56xi32, #tpu.memory_space<hbm>> -> memref<90x56xi32, #tpu.memory_space<hbm>>
      %dma_start3A_43 = arith.constant 0 : i32
      %dma_start3A_44 = arith.constant 0 : i32
      %dma_start3A_45 = tpu.memref_slice %arg3[%arg0, %arg1, %dma_start3A_43, %dma_start3A_44] : memref<2x16x90x56xi32, #tpu.memory_space<hbm>> -> memref<1x1x90x56xi32, #tpu.memory_space<hbm>>
      %dma_start3A_46 = tpu.memref_squeeze %dma_start3A_45 : memref<1x1x90x56xi32, #tpu.memory_space<hbm>> -> memref<90x56xi32, #tpu.memory_space<hbm>>
      tpu.enqueue_dma source(%dma_start3A_46 : memref<90x56xi32, #tpu.memory_space<hbm>>) target(%arg8 : memref<90x56xi32, #tpu.memory_space<vmem>>) target_semaphore(%run_scoped3A_38 : memref<!tpu.dma_semaphore, #tpu.memory_space<semaphore_mem>>)
      %dma_wait3A_47 = arith.constant 0 : i32
      %dma_wait3A_48 = arith.constant 0 : i32
      %dma_wait3A_49 = tpu.memref_slice %arg3[%arg0, %arg1, %dma_wait3A_47, %dma_wait3A_48] : memref<2x16x90x56xi32, #tpu.memory_space<hbm>> -> memref<1x1x90x56xi32, #tpu.memory_space<hbm>>
      %dma_wait3A_50 = tpu.memref_squeeze %dma_wait3A_49 : memref<1x1x90x56xi32, #tpu.memory_space<hbm>> -> memref<90x56xi32, #tpu.memory_space<hbm>>
      %dma_wait3A_51 = arith.constant 0 : i32
      %dma_wait3A_52 = arith.constant 0 : i32
      %dma_wait3A_53 = tpu.memref_slice %arg3[%arg0, %arg1, %dma_wait3A_51, %dma_wait3A_52] : memref<2x16x90x56xi32, #tpu.memory_space<hbm>> -> memref<1x1x90x56xi32, #tpu.memory_space<hbm>>
      %dma_wait3A_54 = tpu.memref_squeeze %dma_wait3A_53 : memref<1x1x90x56xi32, #tpu.memory_space<hbm>> -> memref<90x56xi32, #tpu.memory_space<hbm>>
      tpu.wait_dma2 semaphore(%run_scoped3A_38 : memref<!tpu.dma_semaphore, #tpu.memory_space<semaphore_mem>>) src(%dma_wait3A_54 : memref<90x56xi32, #tpu.memory_space<hbm>>) dst(%arg8 : memref<90x56xi32, #tpu.memory_space<vmem>>)
      tpu.yield
    }) : () -> ()
    %dma_start3A = arith.constant 0 : i32
    %dma_start3A_1 = arith.constant 0 : i32
    %dma_start3A_2 = tpu.memref_slice %arg7[%dma_start3A, %dma_start3A_1] : memref<90x56xi32, #tpu.memory_space<vmem>> -> memref<1x56xi32, #tpu.memory_space<vmem>>
    %dma_start3A_3 = tpu.memref_squeeze %dma_start3A_2 : memref<1x56xi32, #tpu.memory_space<vmem>> -> memref<56xi32, #tpu.memory_space<vmem>>
    %dma_start3A_4 = arith.constant 0 : i32
    %dma_start3A_5 = arith.constant 0 : i32
    %dma_start3A_6 = tpu.memref_slice %arg4[%dma_start3A_4, %dma_start3A_5] : memref<40960x160xf32, #tpu.memory_space<hbm>> -> memref<40960x160xf32, #tpu.memory_space<hbm>>
    tpu.enqueue_indirect_dma source(%dma_start3A_6 : memref<40960x160xf32, #tpu.memory_space<hbm>>) target(%arg9 : memref<56x160xf32, #tpu.memory_space<vmem>>) offsets(%dma_start3A_3 : memref<56xi32, #tpu.memory_space<vmem>>) semaphore(%arg12 : memref<!tpu.dma_semaphore, #tpu.memory_space<semaphore_mem>>)
    %dma_start3A_7 = arith.constant 1 : i32
    %dma_start3A_8 = arith.constant 0 : i32
    %dma_start3A_9 = tpu.memref_slice %arg7[%dma_start3A_7, %dma_start3A_8] : memref<90x56xi32, #tpu.memory_space<vmem>> -> memref<1x56xi32, #tpu.memory_space<vmem>>
    %dma_start3A_10 = tpu.memref_squeeze %dma_start3A_9 : memref<1x56xi32, #tpu.memory_space<vmem>> -> memref<56xi32, #tpu.memory_space<vmem>>
    %dma_start3A_11 = arith.constant 0 : i32
    %dma_start3A_12 = arith.constant 0 : i32
    %dma_start3A_13 = tpu.memref_slice %arg4[%dma_start3A_11, %dma_start3A_12] : memref<40960x160xf32, #tpu.memory_space<hbm>> -> memref<40960x160xf32, #tpu.memory_space<hbm>>
    tpu.enqueue_indirect_dma source(%dma_start3A_13 : memref<40960x160xf32, #tpu.memory_space<hbm>>) target(%arg10 : memref<56x160xf32, #tpu.memory_space<vmem>>) offsets(%dma_start3A_10 : memref<56xi32, #tpu.memory_space<vmem>>) semaphore(%arg13 : memref<!tpu.dma_semaphore, #tpu.memory_space<semaphore_mem>>)
    %scan3A = arith.constant 0 : i32
    %scan3A_14 = arith.constant 0 : i32
    %scan3A_15 = arith.constant 44 : i32
    %scan3A_16 = arith.addi %scan3A_14, %scan3A_15 : i32
    %scan3A_17 = arith.constant 1 : i32
    scf.for %scan3A_38 = %scan3A_14 to %scan3A_16 step %scan3A_17  : i32 {
      %mul3A_39 = arith.constant 2 : i32
      %mul3A_40 = arith.muli %mul3A_39, %scan3A_38 : i32
      %dma_wait3A_41 = arith.constant 0 : i32
      %dma_wait3A_42 = arith.constant 0 : i32
      %dma_wait3A_43 = tpu.memref_slice %arg7[%dma_wait3A_41, %dma_wait3A_42] : memref<90x56xi32, #tpu.memory_space<vmem>> -> memref<1x56xi32, #tpu.memory_space<vmem>>
      %dma_wait3A_44 = tpu.memref_squeeze %dma_wait3A_43 : memref<1x56xi32, #tpu.memory_space<vmem>> -> memref<56xi32, #tpu.memory_space<vmem>>
      %dma_wait3A_45 = arith.constant 0 : i32
      %dma_wait3A_46 = arith.constant 0 : i32
      %dma_wait3A_47 = tpu.memref_slice %arg4[%dma_wait3A_45, %dma_wait3A_46] : memref<40960x160xf32, #tpu.memory_space<hbm>> -> memref<40960x160xf32, #tpu.memory_space<hbm>>
      tpu.wait_indirect_dma semaphore(%arg12 : memref<!tpu.dma_semaphore, #tpu.memory_space<semaphore_mem>>) src(%dma_wait3A_47 : memref<40960x160xf32, #tpu.memory_space<hbm>>) dst(%arg9 : memref<56x160xf32, #tpu.memory_space<vmem>>)
      "tpu.region"() ({
        %run_scoped3A_72 = tpu.sem_alloc : memref<!tpu.dma_semaphore, #tpu.memory_space<semaphore_mem>>
        %dma_start3A_73 = arith.constant 0 : i32
        %dma_start3A_74 = tpu.memref_slice %arg8[%mul3A_40, %dma_start3A_73] : memref<90x56xi32, #tpu.memory_space<vmem>> -> memref<1x56xi32, #tpu.memory_space<vmem>>
        %dma_start3A_75 = tpu.memref_squeeze %dma_start3A_74 : memref<1x56xi32, #tpu.memory_space<vmem>> -> memref<56xi32, #tpu.memory_space<vmem>>
        %dma_start3A_76 = arith.constant 0 : i32
        %dma_start3A_77 = arith.constant 0 : i32
        %dma_start3A_78 = tpu.memref_slice %arg11[%dma_start3A_76, %dma_start3A_77] : memref<10240x160xf32, #tpu.memory_space<vmem_shared>> -> memref<10240x160xf32, #tpu.memory_space<vmem_shared>>
        tpu.enqueue_indirect_dma source(%arg9 : memref<56x160xf32, #tpu.memory_space<vmem>>) target(%dma_start3A_78 : memref<10240x160xf32, #tpu.memory_space<vmem_shared>>) offsets(%dma_start3A_75 : memref<56xi32, #tpu.memory_space<vmem>>) semaphore(%run_scoped3A_72 : memref<!tpu.dma_semaphore, #tpu.memory_space<semaphore_mem>>) {add = true}
        %dma_wait3A_79 = arith.constant 0 : i32
        %dma_wait3A_80 = tpu.memref_slice %arg8[%mul3A_40, %dma_wait3A_79] : memref<90x56xi32, #tpu.memory_space<vmem>> -> memref<1x56xi32, #tpu.memory_space<vmem>>
        %dma_wait3A_81 = tpu.memref_squeeze %dma_wait3A_80 : memref<1x56xi32, #tpu.memory_space<vmem>> -> memref<56xi32, #tpu.memory_space<vmem>>
        %dma_wait3A_82 = arith.constant 0 : i32
        %dma_wait3A_83 = arith.constant 0 : i32
        %dma_wait3A_84 = tpu.memref_slice %arg11[%dma_wait3A_82, %dma_wait3A_83] : memref<10240x160xf32, #tpu.memory_space<vmem_shared>> -> memref<10240x160xf32, #tpu.memory_space<vmem_shared>>
        tpu.wait_indirect_dma semaphore(%run_scoped3A_72 : memref<!tpu.dma_semaphore, #tpu.memory_space<semaphore_mem>>) src(%arg9 : memref<56x160xf32, #tpu.memory_space<vmem>>) dst(%dma_wait3A_84 : memref<10240x160xf32, #tpu.memory_space<vmem_shared>>)
        tpu.yield
      }) : () -> ()
      %add3A = arith.constant 2 : i32
      %add3A_48 = arith.addi %mul3A_40, %add3A : i32
      %dma_start3A_49 = arith.constant 0 : i32
      %dma_start3A_50 = tpu.memref_slice %arg7[%add3A_48, %dma_start3A_49] : memref<90x56xi32, #tpu.memory_space<vmem>> -> memref<1x56xi32, #tpu.memory_space<vmem>>
      %dma_start3A_51 = tpu.memref_squeeze %dma_start3A_50 : memref<1x56xi32, #tpu.memory_space<vmem>> -> memref<56xi32, #tpu.memory_space<vmem>>
      %dma_start3A_52 = arith.constant 0 : i32
      %dma_start3A_53 = arith.constant 0 : i32
      %dma_start3A_54 = tpu.memref_slice %arg4[%dma_start3A_52, %dma_start3A_53] : memref<40960x160xf32, #tpu.memory_space<hbm>> -> memref<40960x160xf32, #tpu.memory_space<hbm>>
      tpu.enqueue_indirect_dma source(%dma_start3A_54 : memref<40960x160xf32, #tpu.memory_space<hbm>>) target(%arg9 : memref<56x160xf32, #tpu.memory_space<vmem>>) offsets(%dma_start3A_51 : memref<56xi32, #tpu.memory_space<vmem>>) semaphore(%arg12 : memref<!tpu.dma_semaphore, #tpu.memory_space<semaphore_mem>>)
      %dma_wait3A_55 = arith.constant 0 : i32
      %dma_wait3A_56 = arith.constant 0 : i32
      %dma_wait3A_57 = tpu.memref_slice %arg7[%dma_wait3A_55, %dma_wait3A_56] : memref<90x56xi32, #tpu.memory_space<vmem>> -> memref<1x56xi32, #tpu.memory_space<vmem>>
      %dma_wait3A_58 = tpu.memref_squeeze %dma_wait3A_57 : memref<1x56xi32, #tpu.memory_space<vmem>> -> memref<56xi32, #tpu.memory_space<vmem>>
      %dma_wait3A_59 = arith.constant 0 : i32
      %dma_wait3A_60 = arith.constant 0 : i32
      %dma_wait3A_61 = tpu.memref_slice %arg4[%dma_wait3A_59, %dma_wait3A_60] : memref<40960x160xf32, #tpu.memory_space<hbm>> -> memref<40960x160xf32, #tpu.memory_space<hbm>>
      tpu.wait_indirect_dma semaphore(%arg13 : memref<!tpu.dma_semaphore, #tpu.memory_space<semaphore_mem>>) src(%dma_wait3A_61 : memref<40960x160xf32, #tpu.memory_space<hbm>>) dst(%arg10 : memref<56x160xf32, #tpu.memory_space<vmem>>)
      %add3A_62 = arith.constant 1 : i32
      %add3A_63 = arith.addi %mul3A_40, %add3A_62 : i32
      "tpu.region"() ({
        %run_scoped3A_72 = tpu.sem_alloc : memref<!tpu.dma_semaphore, #tpu.memory_space<semaphore_mem>>
        %dma_start3A_73 = arith.constant 0 : i32
        %dma_start3A_74 = tpu.memref_slice %arg8[%add3A_63, %dma_start3A_73] : memref<90x56xi32, #tpu.memory_space<vmem>> -> memref<1x56xi32, #tpu.memory_space<vmem>>
        %dma_start3A_75 = tpu.memref_squeeze %dma_start3A_74 : memref<1x56xi32, #tpu.memory_space<vmem>> -> memref<56xi32, #tpu.memory_space<vmem>>
        %dma_start3A_76 = arith.constant 0 : i32
        %dma_start3A_77 = arith.constant 0 : i32
        %dma_start3A_78 = tpu.memref_slice %arg11[%dma_start3A_76, %dma_start3A_77] : memref<10240x160xf32, #tpu.memory_space<vmem_shared>> -> memref<10240x160xf32, #tpu.memory_space<vmem_shared>>
        tpu.enqueue_indirect_dma source(%arg10 : memref<56x160xf32, #tpu.memory_space<vmem>>) target(%dma_start3A_78 : memref<10240x160xf32, #tpu.memory_space<vmem_shared>>) offsets(%dma_start3A_75 : memref<56xi32, #tpu.memory_space<vmem>>) semaphore(%run_scoped3A_72 : memref<!tpu.dma_semaphore, #tpu.memory_space<semaphore_mem>>) {add = true}
        %dma_wait3A_79 = arith.constant 0 : i32
        %dma_wait3A_80 = tpu.memref_slice %arg8[%add3A_63, %dma_wait3A_79] : memref<90x56xi32, #tpu.memory_space<vmem>> -> memref<1x56xi32, #tpu.memory_space<vmem>>
        %dma_wait3A_81 = tpu.memref_squeeze %dma_wait3A_80 : memref<1x56xi32, #tpu.memory_space<vmem>> -> memref<56xi32, #tpu.memory_space<vmem>>
        %dma_wait3A_82 = arith.constant 0 : i32
        %dma_wait3A_83 = arith.constant 0 : i32
        %dma_wait3A_84 = tpu.memref_slice %arg11[%dma_wait3A_82, %dma_wait3A_83] : memref<10240x160xf32, #tpu.memory_space<vmem_shared>> -> memref<10240x160xf32, #tpu.memory_space<vmem_shared>>
        tpu.wait_indirect_dma semaphore(%run_scoped3A_72 : memref<!tpu.dma_semaphore, #tpu.memory_space<semaphore_mem>>) src(%arg10 : memref<56x160xf32, #tpu.memory_space<vmem>>) dst(%dma_wait3A_84 : memref<10240x160xf32, #tpu.memory_space<vmem_shared>>)
        tpu.yield
      }) : () -> ()
      %add3A_64 = arith.constant 3 : i32
      %add3A_65 = arith.addi %mul3A_40, %add3A_64 : i32
      %dma_start3A_66 = arith.constant 0 : i32
      %dma_start3A_67 = tpu.memref_slice %arg7[%add3A_65, %dma_start3A_66] : memref<90x56xi32, #tpu.memory_space<vmem>> -> memref<1x56xi32, #tpu.memory_space<vmem>>
      %dma_start3A_68 = tpu.memref_squeeze %dma_start3A_67 : memref<1x56xi32, #tpu.memory_space<vmem>> -> memref<56xi32, #tpu.memory_space<vmem>>
      %dma_start3A_69 = arith.constant 0 : i32
      %dma_start3A_70 = arith.constant 0 : i32
      %dma_start3A_71 = tpu.memref_slice %arg4[%dma_start3A_69, %dma_start3A_70] : memref<40960x160xf32, #tpu.memory_space<hbm>> -> memref<40960x160xf32, #tpu.memory_space<hbm>>
      tpu.enqueue_indirect_dma source(%dma_start3A_71 : memref<40960x160xf32, #tpu.memory_space<hbm>>) target(%arg10 : memref<56x160xf32, #tpu.memory_space<vmem>>) offsets(%dma_start3A_68 : memref<56xi32, #tpu.memory_space<vmem>>) semaphore(%arg13 : memref<!tpu.dma_semaphore, #tpu.memory_space<semaphore_mem>>)
    }
    %scan3A_18 = arith.constant 44 : i32
    %dma_wait3A = arith.constant 0 : i32
    %dma_wait3A_19 = arith.constant 0 : i32
    %dma_wait3A_20 = tpu.memref_slice %arg7[%dma_wait3A, %dma_wait3A_19] : memref<90x56xi32, #tpu.memory_space<vmem>> -> memref<1x56xi32, #tpu.memory_space<vmem>>
    %dma_wait3A_21 = tpu.memref_squeeze %dma_wait3A_20 : memref<1x56xi32, #tpu.memory_space<vmem>> -> memref<56xi32, #tpu.memory_space<vmem>>
    %dma_wait3A_22 = arith.constant 0 : i32
    %dma_wait3A_23 = arith.constant 0 : i32
    %dma_wait3A_24 = tpu.memref_slice %arg4[%dma_wait3A_22, %dma_wait3A_23] : memref<40960x160xf32, #tpu.memory_space<hbm>> -> memref<40960x160xf32, #tpu.memory_space<hbm>>
    tpu.wait_indirect_dma semaphore(%arg12 : memref<!tpu.dma_semaphore, #tpu.memory_space<semaphore_mem>>) src(%dma_wait3A_24 : memref<40960x160xf32, #tpu.memory_space<hbm>>) dst(%arg9 : memref<56x160xf32, #tpu.memory_space<vmem>>)
    %run_scoped3A = arith.constant 88 : i32
    "tpu.region"() ({
      %run_scoped3A_38 = tpu.sem_alloc : memref<!tpu.dma_semaphore, #tpu.memory_space<semaphore_mem>>
      %dma_start3A_39 = arith.constant 0 : i32
      %dma_start3A_40 = tpu.memref_slice %arg8[%run_scoped3A, %dma_start3A_39] : memref<90x56xi32, #tpu.memory_space<vmem>> -> memref<1x56xi32, #tpu.memory_space<vmem>>
      %dma_start3A_41 = tpu.memref_squeeze %dma_start3A_40 : memref<1x56xi32, #tpu.memory_space<vmem>> -> memref<56xi32, #tpu.memory_space<vmem>>
      %dma_start3A_42 = arith.constant 0 : i32
      %dma_start3A_43 = arith.constant 0 : i32
      %dma_start3A_44 = tpu.memref_slice %arg11[%dma_start3A_42, %dma_start3A_43] : memref<10240x160xf32, #tpu.memory_space<vmem_shared>> -> memref<10240x160xf32, #tpu.memory_space<vmem_shared>>
      tpu.enqueue_indirect_dma source(%arg9 : memref<56x160xf32, #tpu.memory_space<vmem>>) target(%dma_start3A_44 : memref<10240x160xf32, #tpu.memory_space<vmem_shared>>) offsets(%dma_start3A_41 : memref<56xi32, #tpu.memory_space<vmem>>) semaphore(%run_scoped3A_38 : memref<!tpu.dma_semaphore, #tpu.memory_space<semaphore_mem>>) {add = true}
      %dma_wait3A_45 = arith.constant 0 : i32
      %dma_wait3A_46 = tpu.memref_slice %arg8[%run_scoped3A, %dma_wait3A_45] : memref<90x56xi32, #tpu.memory_space<vmem>> -> memref<1x56xi32, #tpu.memory_space<vmem>>
      %dma_wait3A_47 = tpu.memref_squeeze %dma_wait3A_46 : memref<1x56xi32, #tpu.memory_space<vmem>> -> memref<56xi32, #tpu.memory_space<vmem>>
      %dma_wait3A_48 = arith.constant 0 : i32
      %dma_wait3A_49 = arith.constant 0 : i32
      %dma_wait3A_50 = tpu.memref_slice %arg11[%dma_wait3A_48, %dma_wait3A_49] : memref<10240x160xf32, #tpu.memory_space<vmem_shared>> -> memref<10240x160xf32, #tpu.memory_space<vmem_shared>>
      tpu.wait_indirect_dma semaphore(%run_scoped3A_38 : memref<!tpu.dma_semaphore, #tpu.memory_space<semaphore_mem>>) src(%arg9 : memref<56x160xf32, #tpu.memory_space<vmem>>) dst(%dma_wait3A_50 : memref<10240x160xf32, #tpu.memory_space<vmem_shared>>)
      tpu.yield
    }) : () -> ()
    %dma_wait3A_25 = arith.constant 0 : i32
    %dma_wait3A_26 = arith.constant 0 : i32
    %dma_wait3A_27 = tpu.memref_slice %arg7[%dma_wait3A_25, %dma_wait3A_26] : memref<90x56xi32, #tpu.memory_space<vmem>> -> memref<1x56xi32, #tpu.memory_space<vmem>>
    %dma_wait3A_28 = tpu.memref_squeeze %dma_wait3A_27 : memref<1x56xi32, #tpu.memory_space<vmem>> -> memref<56xi32, #tpu.memory_space<vmem>>
    %dma_wait3A_29 = arith.constant 0 : i32
    %dma_wait3A_30 = arith.constant 0 : i32
    %dma_wait3A_31 = tpu.memref_slice %arg4[%dma_wait3A_29, %dma_wait3A_30] : memref<40960x160xf32, #tpu.memory_space<hbm>> -> memref<40960x160xf32, #tpu.memory_space<hbm>>
    tpu.wait_indirect_dma semaphore(%arg13 : memref<!tpu.dma_semaphore, #tpu.memory_space<semaphore_mem>>) src(%dma_wait3A_31 : memref<40960x160xf32, #tpu.memory_space<hbm>>) dst(%arg10 : memref<56x160xf32, #tpu.memory_space<vmem>>)
    %run_scoped3A_32 = arith.constant 89 : i32
    "tpu.region"() ({
      %run_scoped3A_38 = tpu.sem_alloc : memref<!tpu.dma_semaphore, #tpu.memory_space<semaphore_mem>>
      %dma_start3A_39 = arith.constant 0 : i32
      %dma_start3A_40 = tpu.memref_slice %arg8[%run_scoped3A_32, %dma_start3A_39] : memref<90x56xi32, #tpu.memory_space<vmem>> -> memref<1x56xi32, #tpu.memory_space<vmem>>
      %dma_start3A_41 = tpu.memref_squeeze %dma_start3A_40 : memref<1x56xi32, #tpu.memory_space<vmem>> -> memref<56xi32, #tpu.memory_space<vmem>>
      %dma_start3A_42 = arith.constant 0 : i32
      %dma_start3A_43 = arith.constant 0 : i32
      %dma_start3A_44 = tpu.memref_slice %arg11[%dma_start3A_42, %dma_start3A_43] : memref<10240x160xf32, #tpu.memory_space<vmem_shared>> -> memref<10240x160xf32, #tpu.memory_space<vmem_shared>>
      tpu.enqueue_indirect_dma source(%arg10 : memref<56x160xf32, #tpu.memory_space<vmem>>) target(%dma_start3A_44 : memref<10240x160xf32, #tpu.memory_space<vmem_shared>>) offsets(%dma_start3A_41 : memref<56xi32, #tpu.memory_space<vmem>>) semaphore(%run_scoped3A_38 : memref<!tpu.dma_semaphore, #tpu.memory_space<semaphore_mem>>) {add = true}
      %dma_wait3A_45 = arith.constant 0 : i32
      %dma_wait3A_46 = tpu.memref_slice %arg8[%run_scoped3A_32, %dma_wait3A_45] : memref<90x56xi32, #tpu.memory_space<vmem>> -> memref<1x56xi32, #tpu.memory_space<vmem>>
      %dma_wait3A_47 = tpu.memref_squeeze %dma_wait3A_46 : memref<1x56xi32, #tpu.memory_space<vmem>> -> memref<56xi32, #tpu.memory_space<vmem>>
      %dma_wait3A_48 = arith.constant 0 : i32
      %dma_wait3A_49 = arith.constant 0 : i32
      %dma_wait3A_50 = tpu.memref_slice %arg11[%dma_wait3A_48, %dma_wait3A_49] : memref<10240x160xf32, #tpu.memory_space<vmem_shared>> -> memref<10240x160xf32, #tpu.memory_space<vmem_shared>>
      tpu.wait_indirect_dma semaphore(%run_scoped3A_38 : memref<!tpu.dma_semaphore, #tpu.memory_space<semaphore_mem>>) src(%arg10 : memref<56x160xf32, #tpu.memory_space<vmem>>) dst(%dma_wait3A_50 : memref<10240x160xf32, #tpu.memory_space<vmem_shared>>)
      tpu.yield
    }) : () -> ()
    %barrier3A_33 = arith.constant 0 : index
    tpu.barrier barrier_id(%barrier3A_33)
    %mul3A_34 = arith.constant 640 : i32
    %mul3A_35 = arith.muli %arg1, %mul3A_34 : i32
    %mul3A_36 = arith.constant 640 : i32
    %mul3A_37 = arith.muli %arg1, %mul3A_36 : i32
    "tpu.region"() ({
      %run_scoped3A_38 = tpu.sem_alloc : memref<!tpu.dma_semaphore, #tpu.memory_space<semaphore_mem>>
      %dma_start3A_39 = arith.constant 0 : i32
      %dma_start3A_40 = tpu.memref_slice %arg6[%arg0, %mul3A_37, %dma_start3A_39] : memref<2x10240x160xf32, #tpu.memory_space<hbm>> -> memref<1x640x160xf32, #tpu.memory_space<hbm>>
      %dma_start3A_41 = tpu.memref_squeeze %dma_start3A_40 : memref<1x640x160xf32, #tpu.memory_space<hbm>> -> memref<640x160xf32, #tpu.memory_space<hbm>>
      %dma_start3A_42 = arith.constant 0 : i32
      %dma_start3A_43 = tpu.memref_slice %arg11[%mul3A_35, %dma_start3A_42] : memref<10240x160xf32, #tpu.memory_space<vmem_shared>> -> memref<640x160xf32, #tpu.memory_space<vmem_shared>>
      tpu.enqueue_dma source(%dma_start3A_43 : memref<640x160xf32, #tpu.memory_space<vmem_shared>>) target(%dma_start3A_41 : memref<640x160xf32, #tpu.memory_space<hbm>>) target_semaphore(%run_scoped3A_38 : memref<!tpu.dma_semaphore, #tpu.memory_space<semaphore_mem>>)
      %dma_wait3A_44 = arith.constant 0 : i32
      %dma_wait3A_45 = tpu.memref_slice %arg6[%arg0, %mul3A_37, %dma_wait3A_44] : memref<2x10240x160xf32, #tpu.memory_space<hbm>> -> memref<1x640x160xf32, #tpu.memory_space<hbm>>
      %dma_wait3A_46 = tpu.memref_squeeze %dma_wait3A_45 : memref<1x640x160xf32, #tpu.memory_space<hbm>> -> memref<640x160xf32, #tpu.memory_space<hbm>>
      %dma_wait3A_47 = arith.constant 0 : i32
      %dma_wait3A_48 = tpu.memref_slice %arg11[%mul3A_35, %dma_wait3A_47] : memref<10240x160xf32, #tpu.memory_space<vmem_shared>> -> memref<640x160xf32, #tpu.memory_space<vmem_shared>>
      tpu.wait_dma2 semaphore(%run_scoped3A_38 : memref<!tpu.dma_semaphore, #tpu.memory_space<semaphore_mem>>) src(%dma_wait3A_48 : memref<640x160xf32, #tpu.memory_space<vmem_shared>>) dst(%dma_wait3A_46 : memref<640x160xf32, #tpu.memory_space<hbm>>)
      tpu.yield
    }) : () -> ()
    return
  }
}

#map = affine_map<(d0, d1) -> (0, 0, 0, 0)>
#map1 = affine_map<(d0, d1) -> (0, 0)>
#map2 = affine_map<(d0, d1) -> (0, 0, 0)>
module attributes {stable_mosaic.version = 14 : i64} {
  func.func @sc_kernel(%arg0: i32, %arg1: i32, %arg2: memref<2x16x90x56xi32, #tpu.memory_space<hbm>>, %arg3: memref<2x16x90x56xi32, #tpu.memory_space<hbm>>, %arg4: memref<40960x160xf32, #tpu.memory_space<hbm>>, %arg5: memref<640x160xf32, #tpu.memory_space<hbm>>, %arg6: memref<2x10240x160xf32, #tpu.memory_space<hbm>>, %arg7: memref<90x56xi32, #tpu.memory_space<vmem>>, %arg8: memref<90x56xi32, #tpu.memory_space<vmem>>, %arg9: memref<56x160xf32, #tpu.memory_space<vmem>>, %arg10: memref<56x160xf32, #tpu.memory_space<vmem>>, %arg11: memref<10240x160xf32, #tpu.memory_space<vmem_shared>>, %arg12: memref<!tpu.dma_semaphore, #tpu.memory_space<semaphore_mem>>, %arg13: memref<!tpu.dma_semaphore, #tpu.memory_space<semaphore_mem>>) attributes {dimension_semantics = [#tpu.dimension_semantics<core_parallel>, #tpu.dimension_semantics<subcore_parallel>], iteration_bounds = array<i64: 2, 16>, scalar_prefetch = 0 : i64, scratch_operands = 7 : i64, tpu.core_type = #tpu.core_type<sc_vector_subcore>, window_params = [{transform_indices = #map}, {transform_indices = #map}, {transform_indices = #map1}, {transform_indices = #map1}, {transform_indices = #map2}]} {
    %mul3A = arith.constant 640 : i32
    %mul3A_0 = arith.muli %arg1, %mul3A : i32
    "tpu.region"() ({
      %run_scoped3A_38 = tpu.sem_alloc : memref<!tpu.dma_semaphore, #tpu.memory_space<semaphore_mem>>
      %dma_start3A_39 = arith.constant 0 : i32
      %dma_start3A_40 = tpu.memref_slice %arg11[%mul3A_0, %dma_start3A_39] : memref<10240x160xf32, #tpu.memory_space<vmem_shared>> -> memref<640x160xf32, #tpu.memory_space<vmem_shared>>
      tpu.enqueue_dma source(%arg5 : memref<640x160xf32, #tpu.memory_space<hbm>>) target(%dma_start3A_40 : memref<640x160xf32, #tpu.memory_space<vmem_shared>>) target_semaphore(%run_scoped3A_38 : memref<!tpu.dma_semaphore, #tpu.memory_space<semaphore_mem>>)
      %dma_wait3A_41 = arith.constant 0 : i32
      %dma_wait3A_42 = tpu.memref_slice %arg11[%mul3A_0, %dma_wait3A_41] : memref<10240x160xf32, #tpu.memory_space<vmem_shared>> -> memref<640x160xf32, #tpu.memory_space<vmem_shared>>
      tpu.wait_dma2 semaphore(%run_scoped3A_38 : memref<!tpu.dma_semaphore, #tpu.memory_space<semaphore_mem>>) src(%arg5 : memref<640x160xf32, #tpu.memory_space<hbm>>) dst(%dma_wait3A_42 : memref<640x160xf32, #tpu.memory_space<vmem_shared>>)
      tpu.yield
    }) : () -> ()
    %barrier3A = arith.constant 0 : index
    tpu.barrier barrier_id(%barrier3A)
    "tpu.region"() ({
      %run_scoped3A_38 = tpu.sem_alloc : memref<!tpu.dma_semaphore, #tpu.memory_space<semaphore_mem>>
      %dma_start3A_39 = arith.constant 0 : i32
      %dma_start3A_40 = arith.constant 0 : i32
      %dma_start3A_41 = tpu.memref_slice %arg2[%arg0, %arg1, %dma_start3A_39, %dma_start3A_40] : memref<2x16x90x56xi32, #tpu.memory_space<hbm>> -> memref<1x1x90x56xi32, #tpu.memory_space<hbm>>
      %dma_start3A_42 = tpu.memref_squeeze %dma_start3A_41 : memref<1x1x90x56xi32, #tpu.memory_space<hbm>> -> memref<90x56xi32, #tpu.memory_space<hbm>>
      %dma_start3A_43 = arith.constant 0 : i32
      %dma_start3A_44 = arith.constant 0 : i32
      %dma_start3A_45 = tpu.memref_slice %arg2[%arg0, %arg1, %dma_start3A_43, %dma_start3A_44] : memref<2x16x90x56xi32, #tpu.memory_space<hbm>> -> memref<1x1x90x56xi32, #tpu.memory_space<hbm>>
      %dma_start3A_46 = tpu.memref_squeeze %dma_start3A_45 : memref<1x1x90x56xi32, #tpu.memory_space<hbm>> -> memref<90x56xi32, #tpu.memory_space<hbm>>
      tpu.enqueue_dma source(%dma_start3A_46 : memref<90x56xi32, #tpu.memory_space<hbm>>) target(%arg7 : memref<90x56xi32, #tpu.memory_space<vmem>>) target_semaphore(%run_scoped3A_38 : memref<!tpu.dma_semaphore, #tpu.memory_space<semaphore_mem>>)
      %dma_wait3A_47 = arith.constant 0 : i32
      %dma_wait3A_48 = arith.constant 0 : i32
      %dma_wait3A_49 = tpu.memref_slice %arg2[%arg0, %arg1, %dma_wait3A_47, %dma_wait3A_48] : memref<2x16x90x56xi32, #tpu.memory_space<hbm>> -> memref<1x1x90x56xi32, #tpu.memory_space<hbm>>
      %dma_wait3A_50 = tpu.memref_squeeze %dma_wait3A_49 : memref<1x1x90x56xi32, #tpu.memory_space<hbm>> -> memref<90x56xi32, #tpu.memory_space<hbm>>
      %dma_wait3A_51 = arith.constant 0 : i32
      %dma_wait3A_52 = arith.constant 0 : i32
      %dma_wait3A_53 = tpu.memref_slice %arg2[%arg0, %arg1, %dma_wait3A_51, %dma_wait3A_52] : memref<2x16x90x56xi32, #tpu.memory_space<hbm>> -> memref<1x1x90x56xi32, #tpu.memory_space<hbm>>
      %dma_wait3A_54 = tpu.memref_squeeze %dma_wait3A_53 : memref<1x1x90x56xi32, #tpu.memory_space<hbm>> -> memref<90x56xi32, #tpu.memory_space<hbm>>
      tpu.wait_dma2 semaphore(%run_scoped3A_38 : memref<!tpu.dma_semaphore, #tpu.memory_space<semaphore_mem>>) src(%dma_wait3A_54 : memref<90x56xi32, #tpu.memory_space<hbm>>) dst(%arg7 : memref<90x56xi32, #tpu.memory_space<vmem>>)
      tpu.yield
    }) : () -> ()
    "tpu.region"() ({
      %run_scoped3A_38 = tpu.sem_alloc : memref<!tpu.dma_semaphore, #tpu.memory_space<semaphore_mem>>
      %dma_start3A_39 = arith.constant 0 : i32
      %dma_start3A_40 = arith.constant 0 : i32
      %dma_start3A_41 = tpu.memref_slice %arg3[%arg0, %arg1, %dma_start3A_39, %dma_start3A_40] : memref<2x16x90x56xi32, #tpu.memory_space<hbm>> -> memref<1x1x90x56xi32, #tpu.memory_space<hbm>>
      %dma_start3A_42 = tpu.memref_squeeze %dma_start3A_41 : memref<1x1x90x56xi32, #tpu.memory_space<hbm>> -> memref<90x56xi32, #tpu.memory_space<hbm>>
      %dma_start3A_43 = arith.constant 0 : i32
      %dma_start3A_44 = arith.constant 0 : i32
      %dma_start3A_45 = tpu.memref_slice %arg3[%arg0, %arg1, %dma_start3A_43, %dma_start3A_44] : memref<2x16x90x56xi32, #tpu.memory_space<hbm>> -> memref<1x1x90x56xi32, #tpu.memory_space<hbm>>
      %dma_start3A_46 = tpu.memref_squeeze %dma_start3A_45 : memref<1x1x90x56xi32, #tpu.memory_space<hbm>> -> memref<90x56xi32, #tpu.memory_space<hbm>>
      tpu.enqueue_dma source(%dma_start3A_46 : memref<90x56xi32, #tpu.memory_space<hbm>>) target(%arg8 : memref<90x56xi32, #tpu.memory_space<vmem>>) target_semaphore(%run_scoped3A_38 : memref<!tpu.dma_semaphore, #tpu.memory_space<semaphore_mem>>)
      %dma_wait3A_47 = arith.constant 0 : i32
      %dma_wait3A_48 = arith.constant 0 : i32
      %dma_wait3A_49 = tpu.memref_slice %arg3[%arg0, %arg1, %dma_wait3A_47, %dma_wait3A_48] : memref<2x16x90x56xi32, #tpu.memory_space<hbm>> -> memref<1x1x90x56xi32, #tpu.memory_space<hbm>>
      %dma_wait3A_50 = tpu.memref_squeeze %dma_wait3A_49 : memref<1x1x90x56xi32, #tpu.memory_space<hbm>> -> memref<90x56xi32, #tpu.memory_space<hbm>>
      %dma_wait3A_51 = arith.constant 0 : i32
      %dma_wait3A_52 = arith.constant 0 : i32
      %dma_wait3A_53 = tpu.memref_slice %arg3[%arg0, %arg1, %dma_wait3A_51, %dma_wait3A_52] : memref<2x16x90x56xi32, #tpu.memory_space<hbm>> -> memref<1x1x90x56xi32, #tpu.memory_space<hbm>>
      %dma_wait3A_54 = tpu.memref_squeeze %dma_wait3A_53 : memref<1x1x90x56xi32, #tpu.memory_space<hbm>> -> memref<90x56xi32, #tpu.memory_space<hbm>>
      tpu.wait_dma2 semaphore(%run_scoped3A_38 : memref<!tpu.dma_semaphore, #tpu.memory_space<semaphore_mem>>) src(%dma_wait3A_54 : memref<90x56xi32, #tpu.memory_space<hbm>>) dst(%arg8 : memref<90x56xi32, #tpu.memory_space<vmem>>)
      tpu.yield
    }) : () -> ()
    %dma_start3A = arith.constant 0 : i32
    %dma_start3A_1 = arith.constant 0 : i32
    %dma_start3A_2 = tpu.memref_slice %arg7[%dma_start3A, %dma_start3A_1] : memref<90x56xi32, #tpu.memory_space<vmem>> -> memref<1x56xi32, #tpu.memory_space<vmem>>
    %dma_start3A_3 = tpu.memref_squeeze %dma_start3A_2 : memref<1x56xi32, #tpu.memory_space<vmem>> -> memref<56xi32, #tpu.memory_space<vmem>>
    %dma_start3A_4 = arith.constant 0 : i32
    %dma_start3A_5 = arith.constant 0 : i32
    %dma_start3A_6 = tpu.memref_slice %arg4[%dma_start3A_4, %dma_start3A_5] : memref<40960x160xf32, #tpu.memory_space<hbm>> -> memref<40960x160xf32, #tpu.memory_space<hbm>>
    tpu.enqueue_indirect_dma source(%dma_start3A_6 : memref<40960x160xf32, #tpu.memory_space<hbm>>) target(%arg9 : memref<56x160xf32, #tpu.memory_space<vmem>>) offsets(%dma_start3A_3 : memref<56xi32, #tpu.memory_space<vmem>>) semaphore(%arg12 : memref<!tpu.dma_semaphore, #tpu.memory_space<semaphore_mem>>)
    %dma_start3A_7 = arith.constant 1 : i32
    %dma_start3A_8 = arith.constant 0 : i32
    %dma_start3A_9 = tpu.memref_slice %arg7[%dma_start3A_7, %dma_start3A_8] : memref<90x56xi32, #tpu.memory_space<vmem>> -> memref<1x56xi32, #tpu.memory_space<vmem>>
    %dma_start3A_10 = tpu.memref_squeeze %dma_start3A_9 : memref<1x56xi32, #tpu.memory_space<vmem>> -> memref<56xi32, #tpu.memory_space<vmem>>
    %dma_start3A_11 = arith.constant 0 : i32
    %dma_start3A_12 = arith.constant 0 : i32
    %dma_start3A_13 = tpu.memref_slice %arg4[%dma_start3A_11, %dma_start3A_12] : memref<40960x160xf32, #tpu.memory_space<hbm>> -> memref<40960x160xf32, #tpu.memory_space<hbm>>
    tpu.enqueue_indirect_dma source(%dma_start3A_13 : memref<40960x160xf32, #tpu.memory_space<hbm>>) target(%arg10 : memref<56x160xf32, #tpu.memory_space<vmem>>) offsets(%dma_start3A_10 : memref<56xi32, #tpu.memory_space<vmem>>) semaphore(%arg13 : memref<!tpu.dma_semaphore, #tpu.memory_space<semaphore_mem>>)
    %scan3A = arith.constant 0 : i32
    %scan3A_14 = arith.constant 0 : i32
    %scan3A_15 = arith.constant 44 : i32
    %scan3A_16 = arith.addi %scan3A_14, %scan3A_15 : i32
    %scan3A_17 = arith.constant 1 : i32
    scf.for %scan3A_38 = %scan3A_14 to %scan3A_16 step %scan3A_17  : i32 {
      %mul3A_39 = arith.constant 2 : i32
      %mul3A_40 = arith.muli %mul3A_39, %scan3A_38 : i32
      %dma_wait3A_41 = arith.constant 0 : i32
      %dma_wait3A_42 = arith.constant 0 : i32
      %dma_wait3A_43 = tpu.memref_slice %arg7[%dma_wait3A_41, %dma_wait3A_42] : memref<90x56xi32, #tpu.memory_space<vmem>> -> memref<1x56xi32, #tpu.memory_space<vmem>>
      %dma_wait3A_44 = tpu.memref_squeeze %dma_wait3A_43 : memref<1x56xi32, #tpu.memory_space<vmem>> -> memref<56xi32, #tpu.memory_space<vmem>>
      %dma_wait3A_45 = arith.constant 0 : i32
      %dma_wait3A_46 = arith.constant 0 : i32
      %dma_wait3A_47 = tpu.memref_slice %arg4[%dma_wait3A_45, %dma_wait3A_46] : memref<40960x160xf32, #tpu.memory_space<hbm>> -> memref<40960x160xf32, #tpu.memory_space<hbm>>
      tpu.wait_indirect_dma semaphore(%arg12 : memref<!tpu.dma_semaphore, #tpu.memory_space<semaphore_mem>>) src(%dma_wait3A_47 : memref<40960x160xf32, #tpu.memory_space<hbm>>) dst(%arg9 : memref<56x160xf32, #tpu.memory_space<vmem>>)
      "tpu.region"() ({
        %run_scoped3A_72 = tpu.sem_alloc : memref<!tpu.dma_semaphore, #tpu.memory_space<semaphore_mem>>
        %dma_start3A_73 = arith.constant 0 : i32
        %dma_start3A_74 = tpu.memref_slice %arg8[%mul3A_40, %dma_start3A_73] : memref<90x56xi32, #tpu.memory_space<vmem>> -> memref<1x56xi32, #tpu.memory_space<vmem>>
        %dma_start3A_75 = tpu.memref_squeeze %dma_start3A_74 : memref<1x56xi32, #tpu.memory_space<vmem>> -> memref<56xi32, #tpu.memory_space<vmem>>
        %dma_start3A_76 = arith.constant 0 : i32
        %dma_start3A_77 = arith.constant 0 : i32
        %dma_start3A_78 = tpu.memref_slice %arg11[%dma_start3A_76, %dma_start3A_77] : memref<10240x160xf32, #tpu.memory_space<vmem_shared>> -> memref<10240x160xf32, #tpu.memory_space<vmem_shared>>
        tpu.enqueue_indirect_dma source(%arg9 : memref<56x160xf32, #tpu.memory_space<vmem>>) target(%dma_start3A_78 : memref<10240x160xf32, #tpu.memory_space<vmem_shared>>) offsets(%dma_start3A_75 : memref<56xi32, #tpu.memory_space<vmem>>) semaphore(%run_scoped3A_72 : memref<!tpu.dma_semaphore, #tpu.memory_space<semaphore_mem>>) {add = true}
        %dma_wait3A_79 = arith.constant 0 : i32
        %dma_wait3A_80 = tpu.memref_slice %arg8[%mul3A_40, %dma_wait3A_79] : memref<90x56xi32, #tpu.memory_space<vmem>> -> memref<1x56xi32, #tpu.memory_space<vmem>>
        %dma_wait3A_81 = tpu.memref_squeeze %dma_wait3A_80 : memref<1x56xi32, #tpu.memory_space<vmem>> -> memref<56xi32, #tpu.memory_space<vmem>>
        %dma_wait3A_82 = arith.constant 0 : i32
        %dma_wait3A_83 = arith.constant 0 : i32
        %dma_wait3A_84 = tpu.memref_slice %arg11[%dma_wait3A_82, %dma_wait3A_83] : memref<10240x160xf32, #tpu.memory_space<vmem_shared>> -> memref<10240x160xf32, #tpu.memory_space<vmem_shared>>
        tpu.wait_indirect_dma semaphore(%run_scoped3A_72 : memref<!tpu.dma_semaphore, #tpu.memory_space<semaphore_mem>>) src(%arg9 : memref<56x160xf32, #tpu.memory_space<vmem>>) dst(%dma_wait3A_84 : memref<10240x160xf32, #tpu.memory_space<vmem_shared>>)
        tpu.yield
      }) : () -> ()
      %add3A = arith.constant 2 : i32
      %add3A_48 = arith.addi %mul3A_40, %add3A : i32
      %dma_start3A_49 = arith.constant 0 : i32
      %dma_start3A_50 = tpu.memref_slice %arg7[%add3A_48, %dma_start3A_49] : memref<90x56xi32, #tpu.memory_space<vmem>> -> memref<1x56xi32, #tpu.memory_space<vmem>>
      %dma_start3A_51 = tpu.memref_squeeze %dma_start3A_50 : memref<1x56xi32, #tpu.memory_space<vmem>> -> memref<56xi32, #tpu.memory_space<vmem>>
      %dma_start3A_52 = arith.constant 0 : i32
      %dma_start3A_53 = arith.constant 0 : i32
      %dma_start3A_54 = tpu.memref_slice %arg4[%dma_start3A_52, %dma_start3A_53] : memref<40960x160xf32, #tpu.memory_space<hbm>> -> memref<40960x160xf32, #tpu.memory_space<hbm>>
      tpu.enqueue_indirect_dma source(%dma_start3A_54 : memref<40960x160xf32, #tpu.memory_space<hbm>>) target(%arg9 : memref<56x160xf32, #tpu.memory_space<vmem>>) offsets(%dma_start3A_51 : memref<56xi32, #tpu.memory_space<vmem>>) semaphore(%arg12 : memref<!tpu.dma_semaphore, #tpu.memory_space<semaphore_mem>>)
      %dma_wait3A_55 = arith.constant 0 : i32
      %dma_wait3A_56 = arith.constant 0 : i32
      %dma_wait3A_57 = tpu.memref_slice %arg7[%dma_wait3A_55, %dma_wait3A_56] : memref<90x56xi32, #tpu.memory_space<vmem>> -> memref<1x56xi32, #tpu.memory_space<vmem>>
      %dma_wait3A_58 = tpu.memref_squeeze %dma_wait3A_57 : memref<1x56xi32, #tpu.memory_space<vmem>> -> memref<56xi32, #tpu.memory_space<vmem>>
      %dma_wait3A_59 = arith.constant 0 : i32
      %dma_wait3A_60 = arith.constant 0 : i32
      %dma_wait3A_61 = tpu.memref_slice %arg4[%dma_wait3A_59, %dma_wait3A_60] : memref<40960x160xf32, #tpu.memory_space<hbm>> -> memref<40960x160xf32, #tpu.memory_space<hbm>>
      tpu.wait_indirect_dma semaphore(%arg13 : memref<!tpu.dma_semaphore, #tpu.memory_space<semaphore_mem>>) src(%dma_wait3A_61 : memref<40960x160xf32, #tpu.memory_space<hbm>>) dst(%arg10 : memref<56x160xf32, #tpu.memory_space<vmem>>)
      %add3A_62 = arith.constant 1 : i32
      %add3A_63 = arith.addi %mul3A_40, %add3A_62 : i32
      "tpu.region"() ({
        %run_scoped3A_72 = tpu.sem_alloc : memref<!tpu.dma_semaphore, #tpu.memory_space<semaphore_mem>>
        %dma_start3A_73 = arith.constant 0 : i32
        %dma_start3A_74 = tpu.memref_slice %arg8[%add3A_63, %dma_start3A_73] : memref<90x56xi32, #tpu.memory_space<vmem>> -> memref<1x56xi32, #tpu.memory_space<vmem>>
        %dma_start3A_75 = tpu.memref_squeeze %dma_start3A_74 : memref<1x56xi32, #tpu.memory_space<vmem>> -> memref<56xi32, #tpu.memory_space<vmem>>
        %dma_start3A_76 = arith.constant 0 : i32
        %dma_start3A_77 = arith.constant 0 : i32
        %dma_start3A_78 = tpu.memref_slice %arg11[%dma_start3A_76, %dma_start3A_77] : memref<10240x160xf32, #tpu.memory_space<vmem_shared>> -> memref<10240x160xf32, #tpu.memory_space<vmem_shared>>
        tpu.enqueue_indirect_dma source(%arg10 : memref<56x160xf32, #tpu.memory_space<vmem>>) target(%dma_start3A_78 : memref<10240x160xf32, #tpu.memory_space<vmem_shared>>) offsets(%dma_start3A_75 : memref<56xi32, #tpu.memory_space<vmem>>) semaphore(%run_scoped3A_72 : memref<!tpu.dma_semaphore, #tpu.memory_space<semaphore_mem>>) {add = true}
        %dma_wait3A_79 = arith.constant 0 : i32
        %dma_wait3A_80 = tpu.memref_slice %arg8[%add3A_63, %dma_wait3A_79] : memref<90x56xi32, #tpu.memory_space<vmem>> -> memref<1x56xi32, #tpu.memory_space<vmem>>
        %dma_wait3A_81 = tpu.memref_squeeze %dma_wait3A_80 : memref<1x56xi32, #tpu.memory_space<vmem>> -> memref<56xi32, #tpu.memory_space<vmem>>
        %dma_wait3A_82 = arith.constant 0 : i32
        %dma_wait3A_83 = arith.constant 0 : i32
        %dma_wait3A_84 = tpu.memref_slice %arg11[%dma_wait3A_82, %dma_wait3A_83] : memref<10240x160xf32, #tpu.memory_space<vmem_shared>> -> memref<10240x160xf32, #tpu.memory_space<vmem_shared>>
        tpu.wait_indirect_dma semaphore(%run_scoped3A_72 : memref<!tpu.dma_semaphore, #tpu.memory_space<semaphore_mem>>) src(%arg10 : memref<56x160xf32, #tpu.memory_space<vmem>>) dst(%dma_wait3A_84 : memref<10240x160xf32, #tpu.memory_space<vmem_shared>>)
        tpu.yield
      }) : () -> ()
      %add3A_64 = arith.constant 3 : i32
      %add3A_65 = arith.addi %mul3A_40, %add3A_64 : i32
      %dma_start3A_66 = arith.constant 0 : i32
      %dma_start3A_67 = tpu.memref_slice %arg7[%add3A_65, %dma_start3A_66] : memref<90x56xi32, #tpu.memory_space<vmem>> -> memref<1x56xi32, #tpu.memory_space<vmem>>
      %dma_start3A_68 = tpu.memref_squeeze %dma_start3A_67 : memref<1x56xi32, #tpu.memory_space<vmem>> -> memref<56xi32, #tpu.memory_space<vmem>>
      %dma_start3A_69 = arith.constant 0 : i32
      %dma_start3A_70 = arith.constant 0 : i32
      %dma_start3A_71 = tpu.memref_slice %arg4[%dma_start3A_69, %dma_start3A_70] : memref<40960x160xf32, #tpu.memory_space<hbm>> -> memref<40960x160xf32, #tpu.memory_space<hbm>>
      tpu.enqueue_indirect_dma source(%dma_start3A_71 : memref<40960x160xf32, #tpu.memory_space<hbm>>) target(%arg10 : memref<56x160xf32, #tpu.memory_space<vmem>>) offsets(%dma_start3A_68 : memref<56xi32, #tpu.memory_space<vmem>>) semaphore(%arg13 : memref<!tpu.dma_semaphore, #tpu.memory_space<semaphore_mem>>)
    }
    %scan3A_18 = arith.constant 44 : i32
    %dma_wait3A = arith.constant 0 : i32
    %dma_wait3A_19 = arith.constant 0 : i32
    %dma_wait3A_20 = tpu.memref_slice %arg7[%dma_wait3A, %dma_wait3A_19] : memref<90x56xi32, #tpu.memory_space<vmem>> -> memref<1x56xi32, #tpu.memory_space<vmem>>
    %dma_wait3A_21 = tpu.memref_squeeze %dma_wait3A_20 : memref<1x56xi32, #tpu.memory_space<vmem>> -> memref<56xi32, #tpu.memory_space<vmem>>
    %dma_wait3A_22 = arith.constant 0 : i32
    %dma_wait3A_23 = arith.constant 0 : i32
    %dma_wait3A_24 = tpu.memref_slice %arg4[%dma_wait3A_22, %dma_wait3A_23] : memref<40960x160xf32, #tpu.memory_space<hbm>> -> memref<40960x160xf32, #tpu.memory_space<hbm>>
    tpu.wait_indirect_dma semaphore(%arg12 : memref<!tpu.dma_semaphore, #tpu.memory_space<semaphore_mem>>) src(%dma_wait3A_24 : memref<40960x160xf32, #tpu.memory_space<hbm>>) dst(%arg9 : memref<56x160xf32, #tpu.memory_space<vmem>>)
    %run_scoped3A = arith.constant 88 : i32
    "tpu.region"() ({
      %run_scoped3A_38 = tpu.sem_alloc : memref<!tpu.dma_semaphore, #tpu.memory_space<semaphore_mem>>
      %dma_start3A_39 = arith.constant 0 : i32
      %dma_start3A_40 = tpu.memref_slice %arg8[%run_scoped3A, %dma_start3A_39] : memref<90x56xi32, #tpu.memory_space<vmem>> -> memref<1x56xi32, #tpu.memory_space<vmem>>
      %dma_start3A_41 = tpu.memref_squeeze %dma_start3A_40 : memref<1x56xi32, #tpu.memory_space<vmem>> -> memref<56xi32, #tpu.memory_space<vmem>>
      %dma_start3A_42 = arith.constant 0 : i32
      %dma_start3A_43 = arith.constant 0 : i32
      %dma_start3A_44 = tpu.memref_slice %arg11[%dma_start3A_42, %dma_start3A_43] : memref<10240x160xf32, #tpu.memory_space<vmem_shared>> -> memref<10240x160xf32, #tpu.memory_space<vmem_shared>>
      tpu.enqueue_indirect_dma source(%arg9 : memref<56x160xf32, #tpu.memory_space<vmem>>) target(%dma_start3A_44 : memref<10240x160xf32, #tpu.memory_space<vmem_shared>>) offsets(%dma_start3A_41 : memref<56xi32, #tpu.memory_space<vmem>>) semaphore(%run_scoped3A_38 : memref<!tpu.dma_semaphore, #tpu.memory_space<semaphore_mem>>) {add = true}
      %dma_wait3A_45 = arith.constant 0 : i32
      %dma_wait3A_46 = tpu.memref_slice %arg8[%run_scoped3A, %dma_wait3A_45] : memref<90x56xi32, #tpu.memory_space<vmem>> -> memref<1x56xi32, #tpu.memory_space<vmem>>
      %dma_wait3A_47 = tpu.memref_squeeze %dma_wait3A_46 : memref<1x56xi32, #tpu.memory_space<vmem>> -> memref<56xi32, #tpu.memory_space<vmem>>
      %dma_wait3A_48 = arith.constant 0 : i32
      %dma_wait3A_49 = arith.constant 0 : i32
      %dma_wait3A_50 = tpu.memref_slice %arg11[%dma_wait3A_48, %dma_wait3A_49] : memref<10240x160xf32, #tpu.memory_space<vmem_shared>> -> memref<10240x160xf32, #tpu.memory_space<vmem_shared>>
      tpu.wait_indirect_dma semaphore(%run_scoped3A_38 : memref<!tpu.dma_semaphore, #tpu.memory_space<semaphore_mem>>) src(%arg9 : memref<56x160xf32, #tpu.memory_space<vmem>>) dst(%dma_wait3A_50 : memref<10240x160xf32, #tpu.memory_space<vmem_shared>>)
      tpu.yield
    }) : () -> ()
    %dma_wait3A_25 = arith.constant 0 : i32
    %dma_wait3A_26 = arith.constant 0 : i32
    %dma_wait3A_27 = tpu.memref_slice %arg7[%dma_wait3A_25, %dma_wait3A_26] : memref<90x56xi32, #tpu.memory_space<vmem>> -> memref<1x56xi32, #tpu.memory_space<vmem>>
    %dma_wait3A_28 = tpu.memref_squeeze %dma_wait3A_27 : memref<1x56xi32, #tpu.memory_space<vmem>> -> memref<56xi32, #tpu.memory_space<vmem>>
    %dma_wait3A_29 = arith.constant 0 : i32
    %dma_wait3A_30 = arith.constant 0 : i32
    %dma_wait3A_31 = tpu.memref_slice %arg4[%dma_wait3A_29, %dma_wait3A_30] : memref<40960x160xf32, #tpu.memory_space<hbm>> -> memref<40960x160xf32, #tpu.memory_space<hbm>>
    tpu.wait_indirect_dma semaphore(%arg13 : memref<!tpu.dma_semaphore, #tpu.memory_space<semaphore_mem>>) src(%dma_wait3A_31 : memref<40960x160xf32, #tpu.memory_space<hbm>>) dst(%arg10 : memref<56x160xf32, #tpu.memory_space<vmem>>)
    %run_scoped3A_32 = arith.constant 89 : i32
    "tpu.region"() ({
      %run_scoped3A_38 = tpu.sem_alloc : memref<!tpu.dma_semaphore, #tpu.memory_space<semaphore_mem>>
      %dma_start3A_39 = arith.constant 0 : i32
      %dma_start3A_40 = tpu.memref_slice %arg8[%run_scoped3A_32, %dma_start3A_39] : memref<90x56xi32, #tpu.memory_space<vmem>> -> memref<1x56xi32, #tpu.memory_space<vmem>>
      %dma_start3A_41 = tpu.memref_squeeze %dma_start3A_40 : memref<1x56xi32, #tpu.memory_space<vmem>> -> memref<56xi32, #tpu.memory_space<vmem>>
      %dma_start3A_42 = arith.constant 0 : i32
      %dma_start3A_43 = arith.constant 0 : i32
      %dma_start3A_44 = tpu.memref_slice %arg11[%dma_start3A_42, %dma_start3A_43] : memref<10240x160xf32, #tpu.memory_space<vmem_shared>> -> memref<10240x160xf32, #tpu.memory_space<vmem_shared>>
      tpu.enqueue_indirect_dma source(%arg10 : memref<56x160xf32, #tpu.memory_space<vmem>>) target(%dma_start3A_44 : memref<10240x160xf32, #tpu.memory_space<vmem_shared>>) offsets(%dma_start3A_41 : memref<56xi32, #tpu.memory_space<vmem>>) semaphore(%run_scoped3A_38 : memref<!tpu.dma_semaphore, #tpu.memory_space<semaphore_mem>>) {add = true}
      %dma_wait3A_45 = arith.constant 0 : i32
      %dma_wait3A_46 = tpu.memref_slice %arg8[%run_scoped3A_32, %dma_wait3A_45] : memref<90x56xi32, #tpu.memory_space<vmem>> -> memref<1x56xi32, #tpu.memory_space<vmem>>
      %dma_wait3A_47 = tpu.memref_squeeze %dma_wait3A_46 : memref<1x56xi32, #tpu.memory_space<vmem>> -> memref<56xi32, #tpu.memory_space<vmem>>
      %dma_wait3A_48 = arith.constant 0 : i32
      %dma_wait3A_49 = arith.constant 0 : i32
      %dma_wait3A_50 = tpu.memref_slice %arg11[%dma_wait3A_48, %dma_wait3A_49] : memref<10240x160xf32, #tpu.memory_space<vmem_shared>> -> memref<10240x160xf32, #tpu.memory_space<vmem_shared>>
      tpu.wait_indirect_dma semaphore(%run_scoped3A_38 : memref<!tpu.dma_semaphore, #tpu.memory_space<semaphore_mem>>) src(%arg10 : memref<56x160xf32, #tpu.memory_space<vmem>>) dst(%dma_wait3A_50 : memref<10240x160xf32, #tpu.memory_space<vmem_shared>>)
      tpu.yield
    }) : () -> ()
    %barrier3A_33 = arith.constant 0 : index
    tpu.barrier barrier_id(%barrier3A_33)
    %mul3A_34 = arith.constant 640 : i32
    %mul3A_35 = arith.muli %arg1, %mul3A_34 : i32
    %mul3A_36 = arith.constant 640 : i32
    %mul3A_37 = arith.muli %arg1, %mul3A_36 : i32
    "tpu.region"() ({
      %run_scoped3A_38 = tpu.sem_alloc : memref<!tpu.dma_semaphore, #tpu.memory_space<semaphore_mem>>
      %dma_start3A_39 = arith.constant 0 : i32
      %dma_start3A_40 = tpu.memref_slice %arg6[%arg0, %mul3A_37, %dma_start3A_39] : memref<2x10240x160xf32, #tpu.memory_space<hbm>> -> memref<1x640x160xf32, #tpu.memory_space<hbm>>
      %dma_start3A_41 = tpu.memref_squeeze %dma_start3A_40 : memref<1x640x160xf32, #tpu.memory_space<hbm>> -> memref<640x160xf32, #tpu.memory_space<hbm>>
      %dma_start3A_42 = arith.constant 0 : i32
      %dma_start3A_43 = tpu.memref_slice %arg11[%mul3A_35, %dma_start3A_42] : memref<10240x160xf32, #tpu.memory_space<vmem_shared>> -> memref<640x160xf32, #tpu.memory_space<vmem_shared>>
      tpu.enqueue_dma source(%dma_start3A_43 : memref<640x160xf32, #tpu.memory_space<vmem_shared>>) target(%dma_start3A_41 : memref<640x160xf32, #tpu.memory_space<hbm>>) target_semaphore(%run_scoped3A_38 : memref<!tpu.dma_semaphore, #tpu.memory_space<semaphore_mem>>)
      %dma_wait3A_44 = arith.constant 0 : i32
      %dma_wait3A_45 = tpu.memref_slice %arg6[%arg0, %mul3A_37, %dma_wait3A_44] : memref<2x10240x160xf32, #tpu.memory_space<hbm>> -> memref<1x640x160xf32, #tpu.memory_space<hbm>>
      %dma_wait3A_46 = tpu.memref_squeeze %dma_wait3A_45 : memref<1x640x160xf32, #tpu.memory_space<hbm>> -> memref<640x160xf32, #tpu.memory_space<hbm>>
      %dma_wait3A_47 = arith.constant 0 : i32
      %dma_wait3A_48 = tpu.memref_slice %arg11[%mul3A_35, %dma_wait3A_47] : memref<10240x160xf32, #tpu.memory_space<vmem_shared>> -> memref<640x160xf32, #tpu.memory_space<vmem_shared>>
      tpu.wait_dma2 semaphore(%run_scoped3A_38 : memref<!tpu.dma_semaphore, #tpu.memory_space<semaphore_mem>>) src(%dma_wait3A_48 : memref<640x160xf32, #tpu.memory_space<vmem_shared>>) dst(%dma_wait3A_46 : memref<640x160xf32, #tpu.memory_space<hbm>>)
      tpu.yield
    }) : () -> ()
    return
  }
}

#map = affine_map<(d0, d1) -> (0, 0, 0, 0)>
#map1 = affine_map<(d0, d1) -> (0, 0)>
#map2 = affine_map<(d0, d1) -> (0, 0, 0)>
module attributes {stable_mosaic.version = 14 : i64} {
  func.func @sc_kernel(%arg0: i32, %arg1: i32, %arg2: memref<2x16x90x56xi32, #tpu.memory_space<hbm>>, %arg3: memref<2x16x90x56xi32, #tpu.memory_space<hbm>>, %arg4: memref<40960x160xf32, #tpu.memory_space<hbm>>, %arg5: memref<640x160xf32, #tpu.memory_space<hbm>>, %arg6: memref<2x10240x160xf32, #tpu.memory_space<hbm>>, %arg7: memref<90x56xi32, #tpu.memory_space<vmem>>, %arg8: memref<90x56xi32, #tpu.memory_space<vmem>>, %arg9: memref<56x160xf32, #tpu.memory_space<vmem>>, %arg10: memref<56x160xf32, #tpu.memory_space<vmem>>, %arg11: memref<10240x160xf32, #tpu.memory_space<vmem_shared>>, %arg12: memref<!tpu.dma_semaphore, #tpu.memory_space<semaphore_mem>>, %arg13: memref<!tpu.dma_semaphore, #tpu.memory_space<semaphore_mem>>) attributes {dimension_semantics = [#tpu.dimension_semantics<core_parallel>, #tpu.dimension_semantics<subcore_parallel>], iteration_bounds = array<i64: 2, 16>, scalar_prefetch = 0 : i64, scratch_operands = 7 : i64, tpu.core_type = #tpu.core_type<sc_vector_subcore>, window_params = [{transform_indices = #map}, {transform_indices = #map}, {transform_indices = #map1}, {transform_indices = #map1}, {transform_indices = #map2}]} {
    %mul3A = arith.constant 640 : i32
    %mul3A_0 = arith.muli %arg1, %mul3A : i32
    "tpu.region"() ({
      %run_scoped3A_38 = tpu.sem_alloc : memref<!tpu.dma_semaphore, #tpu.memory_space<semaphore_mem>>
      %dma_start3A_39 = arith.constant 0 : i32
      %dma_start3A_40 = tpu.memref_slice %arg11[%mul3A_0, %dma_start3A_39] : memref<10240x160xf32, #tpu.memory_space<vmem_shared>> -> memref<640x160xf32, #tpu.memory_space<vmem_shared>>
      tpu.enqueue_dma source(%arg5 : memref<640x160xf32, #tpu.memory_space<hbm>>) target(%dma_start3A_40 : memref<640x160xf32, #tpu.memory_space<vmem_shared>>) target_semaphore(%run_scoped3A_38 : memref<!tpu.dma_semaphore, #tpu.memory_space<semaphore_mem>>)
      %dma_wait3A_41 = arith.constant 0 : i32
      %dma_wait3A_42 = tpu.memref_slice %arg11[%mul3A_0, %dma_wait3A_41] : memref<10240x160xf32, #tpu.memory_space<vmem_shared>> -> memref<640x160xf32, #tpu.memory_space<vmem_shared>>
      tpu.wait_dma2 semaphore(%run_scoped3A_38 : memref<!tpu.dma_semaphore, #tpu.memory_space<semaphore_mem>>) src(%arg5 : memref<640x160xf32, #tpu.memory_space<hbm>>) dst(%dma_wait3A_42 : memref<640x160xf32, #tpu.memory_space<vmem_shared>>)
      tpu.yield
    }) : () -> ()
    %barrier3A = arith.constant 0 : index
    tpu.barrier barrier_id(%barrier3A)
    "tpu.region"() ({
      %run_scoped3A_38 = tpu.sem_alloc : memref<!tpu.dma_semaphore, #tpu.memory_space<semaphore_mem>>
      %dma_start3A_39 = arith.constant 0 : i32
      %dma_start3A_40 = arith.constant 0 : i32
      %dma_start3A_41 = tpu.memref_slice %arg2[%arg0, %arg1, %dma_start3A_39, %dma_start3A_40] : memref<2x16x90x56xi32, #tpu.memory_space<hbm>> -> memref<1x1x90x56xi32, #tpu.memory_space<hbm>>
      %dma_start3A_42 = tpu.memref_squeeze %dma_start3A_41 : memref<1x1x90x56xi32, #tpu.memory_space<hbm>> -> memref<90x56xi32, #tpu.memory_space<hbm>>
      %dma_start3A_43 = arith.constant 0 : i32
      %dma_start3A_44 = arith.constant 0 : i32
      %dma_start3A_45 = tpu.memref_slice %arg2[%arg0, %arg1, %dma_start3A_43, %dma_start3A_44] : memref<2x16x90x56xi32, #tpu.memory_space<hbm>> -> memref<1x1x90x56xi32, #tpu.memory_space<hbm>>
      %dma_start3A_46 = tpu.memref_squeeze %dma_start3A_45 : memref<1x1x90x56xi32, #tpu.memory_space<hbm>> -> memref<90x56xi32, #tpu.memory_space<hbm>>
      tpu.enqueue_dma source(%dma_start3A_46 : memref<90x56xi32, #tpu.memory_space<hbm>>) target(%arg7 : memref<90x56xi32, #tpu.memory_space<vmem>>) target_semaphore(%run_scoped3A_38 : memref<!tpu.dma_semaphore, #tpu.memory_space<semaphore_mem>>)
      %dma_wait3A_47 = arith.constant 0 : i32
      %dma_wait3A_48 = arith.constant 0 : i32
      %dma_wait3A_49 = tpu.memref_slice %arg2[%arg0, %arg1, %dma_wait3A_47, %dma_wait3A_48] : memref<2x16x90x56xi32, #tpu.memory_space<hbm>> -> memref<1x1x90x56xi32, #tpu.memory_space<hbm>>
      %dma_wait3A_50 = tpu.memref_squeeze %dma_wait3A_49 : memref<1x1x90x56xi32, #tpu.memory_space<hbm>> -> memref<90x56xi32, #tpu.memory_space<hbm>>
      %dma_wait3A_51 = arith.constant 0 : i32
      %dma_wait3A_52 = arith.constant 0 : i32
      %dma_wait3A_53 = tpu.memref_slice %arg2[%arg0, %arg1, %dma_wait3A_51, %dma_wait3A_52] : memref<2x16x90x56xi32, #tpu.memory_space<hbm>> -> memref<1x1x90x56xi32, #tpu.memory_space<hbm>>
      %dma_wait3A_54 = tpu.memref_squeeze %dma_wait3A_53 : memref<1x1x90x56xi32, #tpu.memory_space<hbm>> -> memref<90x56xi32, #tpu.memory_space<hbm>>
      tpu.wait_dma2 semaphore(%run_scoped3A_38 : memref<!tpu.dma_semaphore, #tpu.memory_space<semaphore_mem>>) src(%dma_wait3A_54 : memref<90x56xi32, #tpu.memory_space<hbm>>) dst(%arg7 : memref<90x56xi32, #tpu.memory_space<vmem>>)
      tpu.yield
    }) : () -> ()
    "tpu.region"() ({
      %run_scoped3A_38 = tpu.sem_alloc : memref<!tpu.dma_semaphore, #tpu.memory_space<semaphore_mem>>
      %dma_start3A_39 = arith.constant 0 : i32
      %dma_start3A_40 = arith.constant 0 : i32
      %dma_start3A_41 = tpu.memref_slice %arg3[%arg0, %arg1, %dma_start3A_39, %dma_start3A_40] : memref<2x16x90x56xi32, #tpu.memory_space<hbm>> -> memref<1x1x90x56xi32, #tpu.memory_space<hbm>>
      %dma_start3A_42 = tpu.memref_squeeze %dma_start3A_41 : memref<1x1x90x56xi32, #tpu.memory_space<hbm>> -> memref<90x56xi32, #tpu.memory_space<hbm>>
      %dma_start3A_43 = arith.constant 0 : i32
      %dma_start3A_44 = arith.constant 0 : i32
      %dma_start3A_45 = tpu.memref_slice %arg3[%arg0, %arg1, %dma_start3A_43, %dma_start3A_44] : memref<2x16x90x56xi32, #tpu.memory_space<hbm>> -> memref<1x1x90x56xi32, #tpu.memory_space<hbm>>
      %dma_start3A_46 = tpu.memref_squeeze %dma_start3A_45 : memref<1x1x90x56xi32, #tpu.memory_space<hbm>> -> memref<90x56xi32, #tpu.memory_space<hbm>>
      tpu.enqueue_dma source(%dma_start3A_46 : memref<90x56xi32, #tpu.memory_space<hbm>>) target(%arg8 : memref<90x56xi32, #tpu.memory_space<vmem>>) target_semaphore(%run_scoped3A_38 : memref<!tpu.dma_semaphore, #tpu.memory_space<semaphore_mem>>)
      %dma_wait3A_47 = arith.constant 0 : i32
      %dma_wait3A_48 = arith.constant 0 : i32
      %dma_wait3A_49 = tpu.memref_slice %arg3[%arg0, %arg1, %dma_wait3A_47, %dma_wait3A_48] : memref<2x16x90x56xi32, #tpu.memory_space<hbm>> -> memref<1x1x90x56xi32, #tpu.memory_space<hbm>>
      %dma_wait3A_50 = tpu.memref_squeeze %dma_wait3A_49 : memref<1x1x90x56xi32, #tpu.memory_space<hbm>> -> memref<90x56xi32, #tpu.memory_space<hbm>>
      %dma_wait3A_51 = arith.constant 0 : i32
      %dma_wait3A_52 = arith.constant 0 : i32
      %dma_wait3A_53 = tpu.memref_slice %arg3[%arg0, %arg1, %dma_wait3A_51, %dma_wait3A_52] : memref<2x16x90x56xi32, #tpu.memory_space<hbm>> -> memref<1x1x90x56xi32, #tpu.memory_space<hbm>>
      %dma_wait3A_54 = tpu.memref_squeeze %dma_wait3A_53 : memref<1x1x90x56xi32, #tpu.memory_space<hbm>> -> memref<90x56xi32, #tpu.memory_space<hbm>>
      tpu.wait_dma2 semaphore(%run_scoped3A_38 : memref<!tpu.dma_semaphore, #tpu.memory_space<semaphore_mem>>) src(%dma_wait3A_54 : memref<90x56xi32, #tpu.memory_space<hbm>>) dst(%arg8 : memref<90x56xi32, #tpu.memory_space<vmem>>)
      tpu.yield
    }) : () -> ()
    %dma_start3A = arith.constant 0 : i32
    %dma_start3A_1 = arith.constant 0 : i32
    %dma_start3A_2 = tpu.memref_slice %arg7[%dma_start3A, %dma_start3A_1] : memref<90x56xi32, #tpu.memory_space<vmem>> -> memref<1x56xi32, #tpu.memory_space<vmem>>
    %dma_start3A_3 = tpu.memref_squeeze %dma_start3A_2 : memref<1x56xi32, #tpu.memory_space<vmem>> -> memref<56xi32, #tpu.memory_space<vmem>>
    %dma_start3A_4 = arith.constant 0 : i32
    %dma_start3A_5 = arith.constant 0 : i32
    %dma_start3A_6 = tpu.memref_slice %arg4[%dma_start3A_4, %dma_start3A_5] : memref<40960x160xf32, #tpu.memory_space<hbm>> -> memref<40960x160xf32, #tpu.memory_space<hbm>>
    tpu.enqueue_indirect_dma source(%dma_start3A_6 : memref<40960x160xf32, #tpu.memory_space<hbm>>) target(%arg9 : memref<56x160xf32, #tpu.memory_space<vmem>>) offsets(%dma_start3A_3 : memref<56xi32, #tpu.memory_space<vmem>>) semaphore(%arg12 : memref<!tpu.dma_semaphore, #tpu.memory_space<semaphore_mem>>)
    %dma_start3A_7 = arith.constant 1 : i32
    %dma_start3A_8 = arith.constant 0 : i32
    %dma_start3A_9 = tpu.memref_slice %arg7[%dma_start3A_7, %dma_start3A_8] : memref<90x56xi32, #tpu.memory_space<vmem>> -> memref<1x56xi32, #tpu.memory_space<vmem>>
    %dma_start3A_10 = tpu.memref_squeeze %dma_start3A_9 : memref<1x56xi32, #tpu.memory_space<vmem>> -> memref<56xi32, #tpu.memory_space<vmem>>
    %dma_start3A_11 = arith.constant 0 : i32
    %dma_start3A_12 = arith.constant 0 : i32
    %dma_start3A_13 = tpu.memref_slice %arg4[%dma_start3A_11, %dma_start3A_12] : memref<40960x160xf32, #tpu.memory_space<hbm>> -> memref<40960x160xf32, #tpu.memory_space<hbm>>
    tpu.enqueue_indirect_dma source(%dma_start3A_13 : memref<40960x160xf32, #tpu.memory_space<hbm>>) target(%arg10 : memref<56x160xf32, #tpu.memory_space<vmem>>) offsets(%dma_start3A_10 : memref<56xi32, #tpu.memory_space<vmem>>) semaphore(%arg13 : memref<!tpu.dma_semaphore, #tpu.memory_space<semaphore_mem>>)
    %scan3A = arith.constant 0 : i32
    %scan3A_14 = arith.constant 0 : i32
    %scan3A_15 = arith.constant 44 : i32
    %scan3A_16 = arith.addi %scan3A_14, %scan3A_15 : i32
    %scan3A_17 = arith.constant 1 : i32
    scf.for %scan3A_38 = %scan3A_14 to %scan3A_16 step %scan3A_17  : i32 {
      %mul3A_39 = arith.constant 2 : i32
      %mul3A_40 = arith.muli %mul3A_39, %scan3A_38 : i32
      %dma_wait3A_41 = arith.constant 0 : i32
      %dma_wait3A_42 = arith.constant 0 : i32
      %dma_wait3A_43 = tpu.memref_slice %arg7[%dma_wait3A_41, %dma_wait3A_42] : memref<90x56xi32, #tpu.memory_space<vmem>> -> memref<1x56xi32, #tpu.memory_space<vmem>>
      %dma_wait3A_44 = tpu.memref_squeeze %dma_wait3A_43 : memref<1x56xi32, #tpu.memory_space<vmem>> -> memref<56xi32, #tpu.memory_space<vmem>>
      %dma_wait3A_45 = arith.constant 0 : i32
      %dma_wait3A_46 = arith.constant 0 : i32
      %dma_wait3A_47 = tpu.memref_slice %arg4[%dma_wait3A_45, %dma_wait3A_46] : memref<40960x160xf32, #tpu.memory_space<hbm>> -> memref<40960x160xf32, #tpu.memory_space<hbm>>
      tpu.wait_indirect_dma semaphore(%arg12 : memref<!tpu.dma_semaphore, #tpu.memory_space<semaphore_mem>>) src(%dma_wait3A_47 : memref<40960x160xf32, #tpu.memory_space<hbm>>) dst(%arg9 : memref<56x160xf32, #tpu.memory_space<vmem>>)
      "tpu.region"() ({
        %run_scoped3A_72 = tpu.sem_alloc : memref<!tpu.dma_semaphore, #tpu.memory_space<semaphore_mem>>
        %dma_start3A_73 = arith.constant 0 : i32
        %dma_start3A_74 = tpu.memref_slice %arg8[%mul3A_40, %dma_start3A_73] : memref<90x56xi32, #tpu.memory_space<vmem>> -> memref<1x56xi32, #tpu.memory_space<vmem>>
        %dma_start3A_75 = tpu.memref_squeeze %dma_start3A_74 : memref<1x56xi32, #tpu.memory_space<vmem>> -> memref<56xi32, #tpu.memory_space<vmem>>
        %dma_start3A_76 = arith.constant 0 : i32
        %dma_start3A_77 = arith.constant 0 : i32
        %dma_start3A_78 = tpu.memref_slice %arg11[%dma_start3A_76, %dma_start3A_77] : memref<10240x160xf32, #tpu.memory_space<vmem_shared>> -> memref<10240x160xf32, #tpu.memory_space<vmem_shared>>
        tpu.enqueue_indirect_dma source(%arg9 : memref<56x160xf32, #tpu.memory_space<vmem>>) target(%dma_start3A_78 : memref<10240x160xf32, #tpu.memory_space<vmem_shared>>) offsets(%dma_start3A_75 : memref<56xi32, #tpu.memory_space<vmem>>) semaphore(%run_scoped3A_72 : memref<!tpu.dma_semaphore, #tpu.memory_space<semaphore_mem>>) {add = true}
        %dma_wait3A_79 = arith.constant 0 : i32
        %dma_wait3A_80 = tpu.memref_slice %arg8[%mul3A_40, %dma_wait3A_79] : memref<90x56xi32, #tpu.memory_space<vmem>> -> memref<1x56xi32, #tpu.memory_space<vmem>>
        %dma_wait3A_81 = tpu.memref_squeeze %dma_wait3A_80 : memref<1x56xi32, #tpu.memory_space<vmem>> -> memref<56xi32, #tpu.memory_space<vmem>>
        %dma_wait3A_82 = arith.constant 0 : i32
        %dma_wait3A_83 = arith.constant 0 : i32
        %dma_wait3A_84 = tpu.memref_slice %arg11[%dma_wait3A_82, %dma_wait3A_83] : memref<10240x160xf32, #tpu.memory_space<vmem_shared>> -> memref<10240x160xf32, #tpu.memory_space<vmem_shared>>
        tpu.wait_indirect_dma semaphore(%run_scoped3A_72 : memref<!tpu.dma_semaphore, #tpu.memory_space<semaphore_mem>>) src(%arg9 : memref<56x160xf32, #tpu.memory_space<vmem>>) dst(%dma_wait3A_84 : memref<10240x160xf32, #tpu.memory_space<vmem_shared>>)
        tpu.yield
      }) : () -> ()
      %add3A = arith.constant 2 : i32
      %add3A_48 = arith.addi %mul3A_40, %add3A : i32
      %dma_start3A_49 = arith.constant 0 : i32
      %dma_start3A_50 = tpu.memref_slice %arg7[%add3A_48, %dma_start3A_49] : memref<90x56xi32, #tpu.memory_space<vmem>> -> memref<1x56xi32, #tpu.memory_space<vmem>>
      %dma_start3A_51 = tpu.memref_squeeze %dma_start3A_50 : memref<1x56xi32, #tpu.memory_space<vmem>> -> memref<56xi32, #tpu.memory_space<vmem>>
      %dma_start3A_52 = arith.constant 0 : i32
      %dma_start3A_53 = arith.constant 0 : i32
      %dma_start3A_54 = tpu.memref_slice %arg4[%dma_start3A_52, %dma_start3A_53] : memref<40960x160xf32, #tpu.memory_space<hbm>> -> memref<40960x160xf32, #tpu.memory_space<hbm>>
      tpu.enqueue_indirect_dma source(%dma_start3A_54 : memref<40960x160xf32, #tpu.memory_space<hbm>>) target(%arg9 : memref<56x160xf32, #tpu.memory_space<vmem>>) offsets(%dma_start3A_51 : memref<56xi32, #tpu.memory_space<vmem>>) semaphore(%arg12 : memref<!tpu.dma_semaphore, #tpu.memory_space<semaphore_mem>>)
      %dma_wait3A_55 = arith.constant 0 : i32
      %dma_wait3A_56 = arith.constant 0 : i32
      %dma_wait3A_57 = tpu.memref_slice %arg7[%dma_wait3A_55, %dma_wait3A_56] : memref<90x56xi32, #tpu.memory_space<vmem>> -> memref<1x56xi32, #tpu.memory_space<vmem>>
      %dma_wait3A_58 = tpu.memref_squeeze %dma_wait3A_57 : memref<1x56xi32, #tpu.memory_space<vmem>> -> memref<56xi32, #tpu.memory_space<vmem>>
      %dma_wait3A_59 = arith.constant 0 : i32
      %dma_wait3A_60 = arith.constant 0 : i32
      %dma_wait3A_61 = tpu.memref_slice %arg4[%dma_wait3A_59, %dma_wait3A_60] : memref<40960x160xf32, #tpu.memory_space<hbm>> -> memref<40960x160xf32, #tpu.memory_space<hbm>>
      tpu.wait_indirect_dma semaphore(%arg13 : memref<!tpu.dma_semaphore, #tpu.memory_space<semaphore_mem>>) src(%dma_wait3A_61 : memref<40960x160xf32, #tpu.memory_space<hbm>>) dst(%arg10 : memref<56x160xf32, #tpu.memory_space<vmem>>)
      %add3A_62 = arith.constant 1 : i32
      %add3A_63 = arith.addi %mul3A_40, %add3A_62 : i32
      "tpu.region"() ({
        %run_scoped3A_72 = tpu.sem_alloc : memref<!tpu.dma_semaphore, #tpu.memory_space<semaphore_mem>>
        %dma_start3A_73 = arith.constant 0 : i32
        %dma_start3A_74 = tpu.memref_slice %arg8[%add3A_63, %dma_start3A_73] : memref<90x56xi32, #tpu.memory_space<vmem>> -> memref<1x56xi32, #tpu.memory_space<vmem>>
        %dma_start3A_75 = tpu.memref_squeeze %dma_start3A_74 : memref<1x56xi32, #tpu.memory_space<vmem>> -> memref<56xi32, #tpu.memory_space<vmem>>
        %dma_start3A_76 = arith.constant 0 : i32
        %dma_start3A_77 = arith.constant 0 : i32
        %dma_start3A_78 = tpu.memref_slice %arg11[%dma_start3A_76, %dma_start3A_77] : memref<10240x160xf32, #tpu.memory_space<vmem_shared>> -> memref<10240x160xf32, #tpu.memory_space<vmem_shared>>
        tpu.enqueue_indirect_dma source(%arg10 : memref<56x160xf32, #tpu.memory_space<vmem>>) target(%dma_start3A_78 : memref<10240x160xf32, #tpu.memory_space<vmem_shared>>) offsets(%dma_start3A_75 : memref<56xi32, #tpu.memory_space<vmem>>) semaphore(%run_scoped3A_72 : memref<!tpu.dma_semaphore, #tpu.memory_space<semaphore_mem>>) {add = true}
        %dma_wait3A_79 = arith.constant 0 : i32
        %dma_wait3A_80 = tpu.memref_slice %arg8[%add3A_63, %dma_wait3A_79] : memref<90x56xi32, #tpu.memory_space<vmem>> -> memref<1x56xi32, #tpu.memory_space<vmem>>
        %dma_wait3A_81 = tpu.memref_squeeze %dma_wait3A_80 : memref<1x56xi32, #tpu.memory_space<vmem>> -> memref<56xi32, #tpu.memory_space<vmem>>
        %dma_wait3A_82 = arith.constant 0 : i32
        %dma_wait3A_83 = arith.constant 0 : i32
        %dma_wait3A_84 = tpu.memref_slice %arg11[%dma_wait3A_82, %dma_wait3A_83] : memref<10240x160xf32, #tpu.memory_space<vmem_shared>> -> memref<10240x160xf32, #tpu.memory_space<vmem_shared>>
        tpu.wait_indirect_dma semaphore(%run_scoped3A_72 : memref<!tpu.dma_semaphore, #tpu.memory_space<semaphore_mem>>) src(%arg10 : memref<56x160xf32, #tpu.memory_space<vmem>>) dst(%dma_wait3A_84 : memref<10240x160xf32, #tpu.memory_space<vmem_shared>>)
        tpu.yield
      }) : () -> ()
      %add3A_64 = arith.constant 3 : i32
      %add3A_65 = arith.addi %mul3A_40, %add3A_64 : i32
      %dma_start3A_66 = arith.constant 0 : i32
      %dma_start3A_67 = tpu.memref_slice %arg7[%add3A_65, %dma_start3A_66] : memref<90x56xi32, #tpu.memory_space<vmem>> -> memref<1x56xi32, #tpu.memory_space<vmem>>
      %dma_start3A_68 = tpu.memref_squeeze %dma_start3A_67 : memref<1x56xi32, #tpu.memory_space<vmem>> -> memref<56xi32, #tpu.memory_space<vmem>>
      %dma_start3A_69 = arith.constant 0 : i32
      %dma_start3A_70 = arith.constant 0 : i32
      %dma_start3A_71 = tpu.memref_slice %arg4[%dma_start3A_69, %dma_start3A_70] : memref<40960x160xf32, #tpu.memory_space<hbm>> -> memref<40960x160xf32, #tpu.memory_space<hbm>>
      tpu.enqueue_indirect_dma source(%dma_start3A_71 : memref<40960x160xf32, #tpu.memory_space<hbm>>) target(%arg10 : memref<56x160xf32, #tpu.memory_space<vmem>>) offsets(%dma_start3A_68 : memref<56xi32, #tpu.memory_space<vmem>>) semaphore(%arg13 : memref<!tpu.dma_semaphore, #tpu.memory_space<semaphore_mem>>)
    }
    %scan3A_18 = arith.constant 44 : i32
    %dma_wait3A = arith.constant 0 : i32
    %dma_wait3A_19 = arith.constant 0 : i32
    %dma_wait3A_20 = tpu.memref_slice %arg7[%dma_wait3A, %dma_wait3A_19] : memref<90x56xi32, #tpu.memory_space<vmem>> -> memref<1x56xi32, #tpu.memory_space<vmem>>
    %dma_wait3A_21 = tpu.memref_squeeze %dma_wait3A_20 : memref<1x56xi32, #tpu.memory_space<vmem>> -> memref<56xi32, #tpu.memory_space<vmem>>
    %dma_wait3A_22 = arith.constant 0 : i32
    %dma_wait3A_23 = arith.constant 0 : i32
    %dma_wait3A_24 = tpu.memref_slice %arg4[%dma_wait3A_22, %dma_wait3A_23] : memref<40960x160xf32, #tpu.memory_space<hbm>> -> memref<40960x160xf32, #tpu.memory_space<hbm>>
    tpu.wait_indirect_dma semaphore(%arg12 : memref<!tpu.dma_semaphore, #tpu.memory_space<semaphore_mem>>) src(%dma_wait3A_24 : memref<40960x160xf32, #tpu.memory_space<hbm>>) dst(%arg9 : memref<56x160xf32, #tpu.memory_space<vmem>>)
    %run_scoped3A = arith.constant 88 : i32
    "tpu.region"() ({
      %run_scoped3A_38 = tpu.sem_alloc : memref<!tpu.dma_semaphore, #tpu.memory_space<semaphore_mem>>
      %dma_start3A_39 = arith.constant 0 : i32
      %dma_start3A_40 = tpu.memref_slice %arg8[%run_scoped3A, %dma_start3A_39] : memref<90x56xi32, #tpu.memory_space<vmem>> -> memref<1x56xi32, #tpu.memory_space<vmem>>
      %dma_start3A_41 = tpu.memref_squeeze %dma_start3A_40 : memref<1x56xi32, #tpu.memory_space<vmem>> -> memref<56xi32, #tpu.memory_space<vmem>>
      %dma_start3A_42 = arith.constant 0 : i32
      %dma_start3A_43 = arith.constant 0 : i32
      %dma_start3A_44 = tpu.memref_slice %arg11[%dma_start3A_42, %dma_start3A_43] : memref<10240x160xf32, #tpu.memory_space<vmem_shared>> -> memref<10240x160xf32, #tpu.memory_space<vmem_shared>>
      tpu.enqueue_indirect_dma source(%arg9 : memref<56x160xf32, #tpu.memory_space<vmem>>) target(%dma_start3A_44 : memref<10240x160xf32, #tpu.memory_space<vmem_shared>>) offsets(%dma_start3A_41 : memref<56xi32, #tpu.memory_space<vmem>>) semaphore(%run_scoped3A_38 : memref<!tpu.dma_semaphore, #tpu.memory_space<semaphore_mem>>) {add = true}
      %dma_wait3A_45 = arith.constant 0 : i32
      %dma_wait3A_46 = tpu.memref_slice %arg8[%run_scoped3A, %dma_wait3A_45] : memref<90x56xi32, #tpu.memory_space<vmem>> -> memref<1x56xi32, #tpu.memory_space<vmem>>
      %dma_wait3A_47 = tpu.memref_squeeze %dma_wait3A_46 : memref<1x56xi32, #tpu.memory_space<vmem>> -> memref<56xi32, #tpu.memory_space<vmem>>
      %dma_wait3A_48 = arith.constant 0 : i32
      %dma_wait3A_49 = arith.constant 0 : i32
      %dma_wait3A_50 = tpu.memref_slice %arg11[%dma_wait3A_48, %dma_wait3A_49] : memref<10240x160xf32, #tpu.memory_space<vmem_shared>> -> memref<10240x160xf32, #tpu.memory_space<vmem_shared>>
      tpu.wait_indirect_dma semaphore(%run_scoped3A_38 : memref<!tpu.dma_semaphore, #tpu.memory_space<semaphore_mem>>) src(%arg9 : memref<56x160xf32, #tpu.memory_space<vmem>>) dst(%dma_wait3A_50 : memref<10240x160xf32, #tpu.memory_space<vmem_shared>>)
      tpu.yield
    }) : () -> ()
    %dma_wait3A_25 = arith.constant 0 : i32
    %dma_wait3A_26 = arith.constant 0 : i32
    %dma_wait3A_27 = tpu.memref_slice %arg7[%dma_wait3A_25, %dma_wait3A_26] : memref<90x56xi32, #tpu.memory_space<vmem>> -> memref<1x56xi32, #tpu.memory_space<vmem>>
    %dma_wait3A_28 = tpu.memref_squeeze %dma_wait3A_27 : memref<1x56xi32, #tpu.memory_space<vmem>> -> memref<56xi32, #tpu.memory_space<vmem>>
    %dma_wait3A_29 = arith.constant 0 : i32
    %dma_wait3A_30 = arith.constant 0 : i32
    %dma_wait3A_31 = tpu.memref_slice %arg4[%dma_wait3A_29, %dma_wait3A_30] : memref<40960x160xf32, #tpu.memory_space<hbm>> -> memref<40960x160xf32, #tpu.memory_space<hbm>>
    tpu.wait_indirect_dma semaphore(%arg13 : memref<!tpu.dma_semaphore, #tpu.memory_space<semaphore_mem>>) src(%dma_wait3A_31 : memref<40960x160xf32, #tpu.memory_space<hbm>>) dst(%arg10 : memref<56x160xf32, #tpu.memory_space<vmem>>)
    %run_scoped3A_32 = arith.constant 89 : i32
    "tpu.region"() ({
      %run_scoped3A_38 = tpu.sem_alloc : memref<!tpu.dma_semaphore, #tpu.memory_space<semaphore_mem>>
      %dma_start3A_39 = arith.constant 0 : i32
      %dma_start3A_40 = tpu.memref_slice %arg8[%run_scoped3A_32, %dma_start3A_39] : memref<90x56xi32, #tpu.memory_space<vmem>> -> memref<1x56xi32, #tpu.memory_space<vmem>>
      %dma_start3A_41 = tpu.memref_squeeze %dma_start3A_40 : memref<1x56xi32, #tpu.memory_space<vmem>> -> memref<56xi32, #tpu.memory_space<vmem>>
      %dma_start3A_42 = arith.constant 0 : i32
      %dma_start3A_43 = arith.constant 0 : i32
      %dma_start3A_44 = tpu.memref_slice %arg11[%dma_start3A_42, %dma_start3A_43] : memref<10240x160xf32, #tpu.memory_space<vmem_shared>> -> memref<10240x160xf32, #tpu.memory_space<vmem_shared>>
      tpu.enqueue_indirect_dma source(%arg10 : memref<56x160xf32, #tpu.memory_space<vmem>>) target(%dma_start3A_44 : memref<10240x160xf32, #tpu.memory_space<vmem_shared>>) offsets(%dma_start3A_41 : memref<56xi32, #tpu.memory_space<vmem>>) semaphore(%run_scoped3A_38 : memref<!tpu.dma_semaphore, #tpu.memory_space<semaphore_mem>>) {add = true}
      %dma_wait3A_45 = arith.constant 0 : i32
      %dma_wait3A_46 = tpu.memref_slice %arg8[%run_scoped3A_32, %dma_wait3A_45] : memref<90x56xi32, #tpu.memory_space<vmem>> -> memref<1x56xi32, #tpu.memory_space<vmem>>
      %dma_wait3A_47 = tpu.memref_squeeze %dma_wait3A_46 : memref<1x56xi32, #tpu.memory_space<vmem>> -> memref<56xi32, #tpu.memory_space<vmem>>
      %dma_wait3A_48 = arith.constant 0 : i32
      %dma_wait3A_49 = arith.constant 0 : i32
      %dma_wait3A_50 = tpu.memref_slice %arg11[%dma_wait3A_48, %dma_wait3A_49] : memref<10240x160xf32, #tpu.memory_space<vmem_shared>> -> memref<10240x160xf32, #tpu.memory_space<vmem_shared>>
      tpu.wait_indirect_dma semaphore(%run_scoped3A_38 : memref<!tpu.dma_semaphore, #tpu.memory_space<semaphore_mem>>) src(%arg10 : memref<56x160xf32, #tpu.memory_space<vmem>>) dst(%dma_wait3A_50 : memref<10240x160xf32, #tpu.memory_space<vmem_shared>>)
      tpu.yield
    }) : () -> ()
    %barrier3A_33 = arith.constant 0 : index
    tpu.barrier barrier_id(%barrier3A_33)
    %mul3A_34 = arith.constant 640 : i32
    %mul3A_35 = arith.muli %arg1, %mul3A_34 : i32
    %mul3A_36 = arith.constant 640 : i32
    %mul3A_37 = arith.muli %arg1, %mul3A_36 : i32
    "tpu.region"() ({
      %run_scoped3A_38 = tpu.sem_alloc : memref<!tpu.dma_semaphore, #tpu.memory_space<semaphore_mem>>
      %dma_start3A_39 = arith.constant 0 : i32
      %dma_start3A_40 = tpu.memref_slice %arg6[%arg0, %mul3A_37, %dma_start3A_39] : memref<2x10240x160xf32, #tpu.memory_space<hbm>> -> memref<1x640x160xf32, #tpu.memory_space<hbm>>
      %dma_start3A_41 = tpu.memref_squeeze %dma_start3A_40 : memref<1x640x160xf32, #tpu.memory_space<hbm>> -> memref<640x160xf32, #tpu.memory_space<hbm>>
      %dma_start3A_42 = arith.constant 0 : i32
      %dma_start3A_43 = tpu.memref_slice %arg11[%mul3A_35, %dma_start3A_42] : memref<10240x160xf32, #tpu.memory_space<vmem_shared>> -> memref<640x160xf32, #tpu.memory_space<vmem_shared>>
      tpu.enqueue_dma source(%dma_start3A_43 : memref<640x160xf32, #tpu.memory_space<vmem_shared>>) target(%dma_start3A_41 : memref<640x160xf32, #tpu.memory_space<hbm>>) target_semaphore(%run_scoped3A_38 : memref<!tpu.dma_semaphore, #tpu.memory_space<semaphore_mem>>)
      %dma_wait3A_44 = arith.constant 0 : i32
      %dma_wait3A_45 = tpu.memref_slice %arg6[%arg0, %mul3A_37, %dma_wait3A_44] : memref<2x10240x160xf32, #tpu.memory_space<hbm>> -> memref<1x640x160xf32, #tpu.memory_space<hbm>>
      %dma_wait3A_46 = tpu.memref_squeeze %dma_wait3A_45 : memref<1x640x160xf32, #tpu.memory_space<hbm>> -> memref<640x160xf32, #tpu.memory_space<hbm>>
      %dma_wait3A_47 = arith.constant 0 : i32
      %dma_wait3A_48 = tpu.memref_slice %arg11[%mul3A_35, %dma_wait3A_47] : memref<10240x160xf32, #tpu.memory_space<vmem_shared>> -> memref<640x160xf32, #tpu.memory_space<vmem_shared>>
      tpu.wait_dma2 semaphore(%run_scoped3A_38 : memref<!tpu.dma_semaphore, #tpu.memory_space<semaphore_mem>>) src(%dma_wait3A_48 : memref<640x160xf32, #tpu.memory_space<vmem_shared>>) dst(%dma_wait3A_46 : memref<640x160xf32, #tpu.memory_space<hbm>>)
      tpu.yield
    }) : () -> ()
    return
  }
}

module attributes {stable_mosaic.version = 14 : i64} {
  func.func @_mm_relu_body(%arg0: i32, %arg1: memref<512x160xf32, #tpu.memory_space<vmem>>, %arg2: memref<160x640xf32, #tpu.memory_space<vmem>>, %arg3: memref<1x640xf32, #tpu.memory_space<vmem>>, %arg4: memref<512x640xf32, #tpu.memory_space<vmem>>) attributes {dimension_semantics = [#tpu.dimension_semantics<arbitrary>], iteration_bounds = array<i64: 20>, scalar_prefetch = 0 : i64, scratch_operands = 0 : i64, tpu.core_type = #tpu.core_type<tc>, window_params = [{transform_indices = @transform_0, window_bounds = array<i64: 512, 160>}, {pipeline_mode = #tpu.pipeline_mode<synchronous>, transform_indices = @transform_1, window_bounds = array<i64: 160, 640>}, {pipeline_mode = #tpu.pipeline_mode<synchronous>, transform_indices = @transform_2, window_bounds = array<i64: 1, 640>}, {transform_indices = @transform_3, window_bounds = array<i64: 512, 640>}]} {
    %get3A = arith.constant 0 : index
    %get3A_0 = arith.constant 0 : index
    %get3A_1 = vector.load %arg1[%get3A, %get3A_0] : memref<512x160xf32, #tpu.memory_space<vmem>>, vector<512x160xf32>
    %get3A_2 = arith.constant 0 : index
    %get3A_3 = arith.constant 0 : index
    %get3A_4 = vector.load %arg2[%get3A_2, %get3A_3] : memref<160x640xf32, #tpu.memory_space<vmem>>, vector<160x640xf32>
    %dot_general3A = arith.constant dense<0.000000e+00> : vector<512x640xf32>
    %dot_general3A_5 = tpu.matmul %get3A_1, %get3A_4, %dot_general3A {dimension_numbers = #tpu.dot_dimension_numbers<[1], [0], [0], [1], [0, 0, 1, 1], [], []>, transpose_lhs_hint = false} : vector<512x160xf32>, vector<160x640xf32>, vector<512x640xf32> -> vector<512x640xf32>
    %get3A_6 = arith.constant 0 : index
    %get3A_7 = arith.constant 0 : index
    %get3A_8 = vector.load %arg3[%get3A_6, %get3A_7] : memref<1x640xf32, #tpu.memory_space<vmem>>, vector<1x640xf32>
    %add3A = vector.broadcast %get3A_8 : vector<1x640xf32> to vector<512x640xf32>
    %add3A_9 = arith.addf %dot_general3A_5, %add3A : vector<512x640xf32>
    %max3A = arith.constant 0.000000e+00 : f32
    %max3A_10 = vector.broadcast %max3A : f32 to vector<512x640xf32>
    %max3A_11 = arith.maximumf %add3A_9, %max3A_10 : vector<512x640xf32>
    %swap3A = arith.constant 0 : index
    %swap3A_12 = arith.constant 0 : index
    %swap3A_13 = vector.load %arg4[%swap3A, %swap3A_12] : memref<512x640xf32, #tpu.memory_space<vmem>>, vector<512x640xf32>
    tpu.vector_store %arg4[%swap3A, %swap3A_12], %max3A_11 {strides = array<i32>} : memref<512x640xf32, #tpu.memory_space<vmem>>, vector<512x640xf32>,
    return
  }
  func.func @transform_0(%arg0: i32) -> (i32, i32) {
    %c0_i32 = arith.constant 0 : i32
    %c0_i32_0 = arith.constant 0 : i32
    return %arg0, %c0_i32 : i32, i32
  }
  func.func @transform_1(%arg0: i32) -> (i32, i32) {
    %c0_i32 = arith.constant 0 : i32
    %c0_i32_0 = arith.constant 0 : i32
    %c0_i32_1 = arith.constant 0 : i32
    return %c0_i32, %c0_i32_0 : i32, i32
  }
  func.func @transform_2(%arg0: i32) -> (i32, i32) {
    %c0_i32 = arith.constant 0 : i32
    %c0_i32_0 = arith.constant 0 : i32
    %c0_i32_1 = arith.constant 0 : i32
    return %c0_i32, %c0_i32_0 : i32, i32
  }
  func.func @transform_3(%arg0: i32) -> (i32, i32) {
    %c0_i32 = arith.constant 0 : i32
    %c0_i32_0 = arith.constant 0 : i32
    return %arg0, %c0_i32 : i32, i32
  }
}

module attributes {stable_mosaic.version = 14 : i64} {
  func.func @_gru_msg_body(%arg0: i32, %arg1: memref<2x512x160xf32, #tpu.memory_space<vmem>>, %arg2: memref<512x160xf32, #tpu.memory_space<vmem>>, %arg3: memref<160x480xf32, #tpu.memory_space<vmem>>, %arg4: memref<160x480xf32, #tpu.memory_space<vmem>>, %arg5: memref<1x480xf32, #tpu.memory_space<vmem>>, %arg6: memref<1x480xf32, #tpu.memory_space<vmem>>, %arg7: memref<160x640xf32, #tpu.memory_space<vmem>>, %arg8: memref<1x640xf32, #tpu.memory_space<vmem>>, %arg9: memref<512x160xf32, #tpu.memory_space<vmem>>, %arg10: memref<512x640xf32, #tpu.memory_space<vmem>>) attributes {dimension_semantics = [#tpu.dimension_semantics<arbitrary>], iteration_bounds = array<i64: 20>, scalar_prefetch = 0 : i64, scratch_operands = 0 : i64, tpu.core_type = #tpu.core_type<tc>, window_params = [{transform_indices = @transform_0, window_bounds = array<i64: 2, 512, 160>}, {transform_indices = @transform_1, window_bounds = array<i64: 512, 160>}, {pipeline_mode = #tpu.pipeline_mode<synchronous>, transform_indices = @transform_2, window_bounds = array<i64: 160, 480>}, {pipeline_mode = #tpu.pipeline_mode<synchronous>, transform_indices = @transform_3, window_bounds = array<i64: 160, 480>}, {pipeline_mode = #tpu.pipeline_mode<synchronous>, transform_indices = @transform_4, window_bounds = array<i64: 1, 480>}, {pipeline_mode = #tpu.pipeline_mode<synchronous>, transform_indices = @transform_5, window_bounds = array<i64: 1, 480>}, {pipeline_mode = #tpu.pipeline_mode<synchronous>, transform_indices = @transform_6, window_bounds = array<i64: 160, 640>}, {pipeline_mode = #tpu.pipeline_mode<synchronous>, transform_indices = @transform_7, window_bounds = array<i64: 1, 640>}, {transform_indices = @transform_8, window_bounds = array<i64: 512, 160>}, {transform_indices = @transform_9, window_bounds = array<i64: 512, 640>}]} {
    %get3A = arith.constant 0 : index
    %get3A_0 = arith.constant 0 : index
    %get3A_1 = arith.constant 0 : index
    %get3A_2 = vector.load %arg1[%get3A, %get3A_0, %get3A_1] : memref<2x512x160xf32, #tpu.memory_space<vmem>>, vector<1x512x160xf32>
    %get3A_3 = vector.shape_cast %get3A_2 : vector<1x512x160xf32> to vector<512x160xf32>
    %get3A_4 = arith.constant 1 : index
    %get3A_5 = arith.constant 0 : index
    %get3A_6 = arith.constant 0 : index
    %get3A_7 = vector.load %arg1[%get3A_4, %get3A_5, %get3A_6] : memref<2x512x160xf32, #tpu.memory_space<vmem>>, vector<1x512x160xf32>
    %get3A_8 = vector.shape_cast %get3A_7 : vector<1x512x160xf32> to vector<512x160xf32>
    %add3A = arith.addf %get3A_3, %get3A_8 : vector<512x160xf32>
    %get3A_9 = arith.constant 0 : index
    %get3A_10 = arith.constant 0 : index
    %get3A_11 = vector.load %arg2[%get3A_9, %get3A_10] : memref<512x160xf32, #tpu.memory_space<vmem>>, vector<512x160xf32>
    %get3A_12 = arith.constant 0 : index
    %get3A_13 = arith.constant 0 : index
    %get3A_14 = vector.load %arg3[%get3A_12, %get3A_13] : memref<160x480xf32, #tpu.memory_space<vmem>>, vector<160x480xf32>
    %dot_general3A = arith.constant dense<0.000000e+00> : vector<512x480xf32>
    %dot_general3A_15 = tpu.matmul %add3A, %get3A_14, %dot_general3A {dimension_numbers = #tpu.dot_dimension_numbers<[1], [0], [0], [1], [0, 0, 1, 1], [], []>, transpose_lhs_hint = false} : vector<512x160xf32>, vector<160x480xf32>, vector<512x480xf32> -> vector<512x480xf32>
    %get3A_16 = arith.constant 0 : index
    %get3A_17 = arith.constant 0 : index
    %get3A_18 = vector.load %arg5[%get3A_16, %get3A_17] : memref<1x480xf32, #tpu.memory_space<vmem>>, vector<1x480xf32>
    %add3A_19 = vector.broadcast %get3A_18 : vector<1x480xf32> to vector<512x480xf32>
    %add3A_20 = arith.addf %dot_general3A_15, %add3A_19 : vector<512x480xf32>
    %get3A_21 = arith.constant 0 : index
    %get3A_22 = arith.constant 0 : index
    %get3A_23 = vector.load %arg4[%get3A_21, %get3A_22] : memref<160x480xf32, #tpu.memory_space<vmem>>, vector<160x480xf32>
    %dot_general3A_24 = arith.constant dense<0.000000e+00> : vector<512x480xf32>
    %dot_general3A_25 = tpu.matmul %get3A_11, %get3A_23, %dot_general3A_24 {dimension_numbers = #tpu.dot_dimension_numbers<[1], [0], [0], [1], [0, 0, 1, 1], [], []>, transpose_lhs_hint = false} : vector<512x160xf32>, vector<160x480xf32>, vector<512x480xf32> -> vector<512x480xf32>
    %get3A_26 = arith.constant 0 : index
    %get3A_27 = arith.constant 0 : index
    %get3A_28 = vector.load %arg6[%get3A_26, %get3A_27] : memref<1x480xf32, #tpu.memory_space<vmem>>, vector<1x480xf32>
    %add3A_29 = vector.broadcast %get3A_28 : vector<1x480xf32> to vector<512x480xf32>
    %add3A_30 = arith.addf %dot_general3A_25, %add3A_29 : vector<512x480xf32>
    %slice3A = vector.extract_strided_slice %add3A_20 {offsets = [0, 0], sizes = [512, 160], strides = [1, 1]} : vector<512x480xf32> to vector<512x160xf32>
    %slice3A_31 = vector.extract_strided_slice %add3A_30 {offsets = [0, 0], sizes = [512, 160], strides = [1, 1]} : vector<512x480xf32> to vector<512x160xf32>
    %add3A_32 = arith.addf %slice3A, %slice3A_31 : vector<512x160xf32>
    %logistic3A = arith.negf %add3A_32 : vector<512x160xf32>
    %logistic3A_33 = math.exp %logistic3A : vector<512x160xf32>
    %logistic3A_34 = arith.constant 1.000000e+00 : f32
    %logistic3A_35 = vector.broadcast %logistic3A_34 : f32 to vector<512x160xf32>
    %logistic3A_36 = arith.addf %logistic3A_35, %logistic3A_33 : vector<512x160xf32>
    %logistic3A_37 = arith.divf %logistic3A_35, %logistic3A_36 : vector<512x160xf32>
    %slice3A_38 = vector.extract_strided_slice %add3A_20 {offsets = [0, 160], sizes = [512, 160], strides = [1, 1]} : vector<512x480xf32> to vector<512x160xf32>
    %slice3A_39 = vector.extract_strided_slice %add3A_30 {offsets = [0, 160], sizes = [512, 160], strides = [1, 1]} : vector<512x480xf32> to vector<512x160xf32>
    %add3A_40 = arith.addf %slice3A_38, %slice3A_39 : vector<512x160xf32>
    %logistic3A_41 = arith.negf %add3A_40 : vector<512x160xf32>
    %logistic3A_42 = math.exp %logistic3A_41 : vector<512x160xf32>
    %logistic3A_43 = arith.constant 1.000000e+00 : f32
    %logistic3A_44 = vector.broadcast %logistic3A_43 : f32 to vector<512x160xf32>
    %logistic3A_45 = arith.addf %logistic3A_44, %logistic3A_42 : vector<512x160xf32>
    %logistic3A_46 = arith.divf %logistic3A_44, %logistic3A_45 : vector<512x160xf32>
    %slice3A_47 = vector.extract_strided_slice %add3A_20 {offsets = [0, 320], sizes = [512, 160], strides = [1, 1]} : vector<512x480xf32> to vector<512x160xf32>
    %slice3A_48 = vector.extract_strided_slice %add3A_30 {offsets = [0, 320], sizes = [512, 160], strides = [1, 1]} : vector<512x480xf32> to vector<512x160xf32>
    %mul3A = arith.mulf %logistic3A_37, %slice3A_48 : vector<512x160xf32>
    %add3A_49 = arith.addf %slice3A_47, %mul3A : vector<512x160xf32>
    %tanh3A = math.tanh %add3A_49 : vector<512x160xf32>
    %sub3A = arith.constant 1.000000e+00 : f32
    %sub3A_50 = vector.broadcast %sub3A : f32 to vector<512x160xf32>
    %sub3A_51 = arith.subf %sub3A_50, %logistic3A_46 : vector<512x160xf32>
    %mul3A_52 = arith.mulf %sub3A_51, %tanh3A : vector<512x160xf32>
    %mul3A_53 = arith.mulf %logistic3A_46, %get3A_11 : vector<512x160xf32>
    %add3A_54 = arith.addf %mul3A_52, %mul3A_53 : vector<512x160xf32>
    %swap3A = arith.constant 0 : index
    %swap3A_55 = arith.constant 0 : index
    %swap3A_56 = vector.load %arg9[%swap3A, %swap3A_55] : memref<512x160xf32, #tpu.memory_space<vmem>>, vector<512x160xf32>
    tpu.vector_store %arg9[%swap3A, %swap3A_55], %add3A_54 {strides = array<i32>} : memref<512x160xf32, #tpu.memory_space<vmem>>, vector<512x160xf32>,
    %get3A_57 = arith.constant 0 : index
    %get3A_58 = arith.constant 0 : index
    %get3A_59 = vector.load %arg7[%get3A_57, %get3A_58] : memref<160x640xf32, #tpu.memory_space<vmem>>, vector<160x640xf32>
    %dot_general3A_60 = arith.constant dense<0.000000e+00> : vector<512x640xf32>
    %dot_general3A_61 = tpu.matmul %add3A_54, %get3A_59, %dot_general3A_60 {dimension_numbers = #tpu.dot_dimension_numbers<[1], [0], [0], [1], [0, 0, 1, 1], [], []>, transpose_lhs_hint = false} : vector<512x160xf32>, vector<160x640xf32>, vector<512x640xf32> -> vector<512x640xf32>
    %get3A_62 = arith.constant 0 : index
    %get3A_63 = arith.constant 0 : index
    %get3A_64 = vector.load %arg8[%get3A_62, %get3A_63] : memref<1x640xf32, #tpu.memory_space<vmem>>, vector<1x640xf32>
    %add3A_65 = vector.broadcast %get3A_64 : vector<1x640xf32> to vector<512x640xf32>
    %add3A_66 = arith.addf %dot_general3A_61, %add3A_65 : vector<512x640xf32>
    %max3A = arith.constant 0.000000e+00 : f32
    %max3A_67 = vector.broadcast %max3A : f32 to vector<512x640xf32>
    %max3A_68 = arith.maximumf %add3A_66, %max3A_67 : vector<512x640xf32>
    %swap3A_69 = arith.constant 0 : index
    %swap3A_70 = arith.constant 0 : index
    %swap3A_71 = vector.load %arg10[%swap3A_69, %swap3A_70] : memref<512x640xf32, #tpu.memory_space<vmem>>, vector<512x640xf32>
    tpu.vector_store %arg10[%swap3A_69, %swap3A_70], %max3A_68 {strides = array<i32>} : memref<512x640xf32, #tpu.memory_space<vmem>>, vector<512x640xf32>,
    return
  }
  func.func @transform_0(%arg0: i32) -> (i32, i32, i32) {
    %c0_i32 = arith.constant 0 : i32
    %c0_i32_0 = arith.constant 0 : i32
    %c0_i32_1 = arith.constant 0 : i32
    return %c0_i32, %arg0, %c0_i32_0 : i32, i32, i32
  }
  func.func @transform_1(%arg0: i32) -> (i32, i32) {
    %c0_i32 = arith.constant 0 : i32
    %c0_i32_0 = arith.constant 0 : i32
    return %arg0, %c0_i32 : i32, i32
  }
  func.func @transform_2(%arg0: i32) -> (i32, i32) {
    %c0_i32 = arith.constant 0 : i32
    %c0_i32_0 = arith.constant 0 : i32
    %c0_i32_1 = arith.constant 0 : i32
    return %c0_i32, %c0_i32_0 : i32, i32
  }
  func.func @transform_3(%arg0: i32) -> (i32, i32) {
    %c0_i32 = arith.constant 0 : i32
    %c0_i32_0 = arith.constant 0 : i32
    %c0_i32_1 = arith.constant 0 : i32
    return %c0_i32, %c0_i32_0 : i32, i32
  }
  func.func @transform_4(%arg0: i32) -> (i32, i32) {
    %c0_i32 = arith.constant 0 : i32
    %c0_i32_0 = arith.constant 0 : i32
    %c0_i32_1 = arith.constant 0 : i32
    return %c0_i32, %c0_i32_0 : i32, i32
  }
  func.func @transform_5(%arg0: i32) -> (i32, i32) {
    %c0_i32 = arith.constant 0 : i32
    %c0_i32_0 = arith.constant 0 : i32
    %c0_i32_1 = arith.constant 0 : i32
    return %c0_i32, %c0_i32_0 : i32, i32
  }
  func.func @transform_6(%arg0: i32) -> (i32, i32) {
    %c0_i32 = arith.constant 0 : i32
    %c0_i32_0 = arith.constant 0 : i32
    %c0_i32_1 = arith.constant 0 : i32
    return %c0_i32, %c0_i32_0 : i32, i32
  }
  func.func @transform_7(%arg0: i32) -> (i32, i32) {
    %c0_i32 = arith.constant 0 : i32
    %c0_i32_0 = arith.constant 0 : i32
    %c0_i32_1 = arith.constant 0 : i32
    return %c0_i32, %c0_i32_0 : i32, i32
  }
  func.func @transform_8(%arg0: i32) -> (i32, i32) {
    %c0_i32 = arith.constant 0 : i32
    %c0_i32_0 = arith.constant 0 : i32
    return %arg0, %c0_i32 : i32, i32
  }
  func.func @transform_9(%arg0: i32) -> (i32, i32) {
    %c0_i32 = arith.constant 0 : i32
    %c0_i32_0 = arith.constant 0 : i32
    return %arg0, %c0_i32 : i32, i32
  }
}

module attributes {stable_mosaic.version = 14 : i64} {
  func.func @_gru_readout_body(%arg0: i32, %arg1: memref<2x512x160xf32, #tpu.memory_space<vmem>>, %arg2: memref<512x160xf32, #tpu.memory_space<vmem>>, %arg3: memref<160x480xf32, #tpu.memory_space<vmem>>, %arg4: memref<160x480xf32, #tpu.memory_space<vmem>>, %arg5: memref<1x480xf32, #tpu.memory_space<vmem>>, %arg6: memref<1x480xf32, #tpu.memory_space<vmem>>, %arg7: memref<512x1xi32, #tpu.memory_space<vmem>>, %arg8: memref<16x1xf32, #tpu.memory_space<vmem>>, %arg9: memref<160x80xf32, #tpu.memory_space<vmem>>, %arg10: memref<1x80xf32, #tpu.memory_space<vmem>>, %arg11: memref<80x80xf32, #tpu.memory_space<vmem>>, %arg12: memref<1x80xf32, #tpu.memory_space<vmem>>, %arg13: memref<80x10xf32, #tpu.memory_space<vmem>>, %arg14: memref<1x10xf32, #tpu.memory_space<vmem>>, %arg15: memref<16x10xf32, #tpu.memory_space<vmem>>, %arg16: memref<16x160xf32, #tpu.memory_space<vmem>>) attributes {dimension_semantics = [#tpu.dimension_semantics<arbitrary>], iteration_bounds = array<i64: 20>, scalar_prefetch = 0 : i64, scratch_operands = 1 : i64, tpu.core_type = #tpu.core_type<tc>, window_params = [{transform_indices = @transform_0, window_bounds = array<i64: 2, 512, 160>}, {transform_indices = @transform_1, window_bounds = array<i64: 512, 160>}, {pipeline_mode = #tpu.pipeline_mode<synchronous>, transform_indices = @transform_2, window_bounds = array<i64: 160, 480>}, {pipeline_mode = #tpu.pipeline_mode<synchronous>, transform_indices = @transform_3, window_bounds = array<i64: 160, 480>}, {pipeline_mode = #tpu.pipeline_mode<synchronous>, transform_indices = @transform_4, window_bounds = array<i64: 1, 480>}, {pipeline_mode = #tpu.pipeline_mode<synchronous>, transform_indices = @transform_5, window_bounds = array<i64: 1, 480>}, {transform_indices = @transform_6, window_bounds = array<i64: 512, 1>}, {pipeline_mode = #tpu.pipeline_mode<synchronous>, transform_indices = @transform_7, window_bounds = array<i64: 16, 1>}, {pipeline_mode = #tpu.pipeline_mode<synchronous>, transform_indices = @transform_8, window_bounds = array<i64: 160, 80>}, {pipeline_mode = #tpu.pipeline_mode<synchronous>, transform_indices = @transform_9, window_bounds = array<i64: 1, 80>}, {pipeline_mode = #tpu.pipeline_mode<synchronous>, transform_indices = @transform_10, window_bounds = array<i64: 80, 80>}, {pipeline_mode = #tpu.pipeline_mode<synchronous>, transform_indices = @transform_11, window_bounds = array<i64: 1, 80>}, {pipeline_mode = #tpu.pipeline_mode<synchronous>, transform_indices = @transform_12, window_bounds = array<i64: 80, 10>}, {pipeline_mode = #tpu.pipeline_mode<synchronous>, transform_indices = @transform_13, window_bounds = array<i64: 1, 10>}, {pipeline_mode = #tpu.pipeline_mode<synchronous>, transform_indices = @transform_14, window_bounds = array<i64: 16, 10>}]} {
    %eq3A = arith.constant 0 : i32
    %eq3A_0 = arith.cmpi eq, %arg0, %eq3A : i32
    %convert_element_type3A = arith.extui %eq3A_0 : i1 to i32
    %cond3A = arith.constant 0 : i32
    %cond3A_1 = arith.cmpi ne, %convert_element_type3A, %cond3A : i32
    scf.if %cond3A_1 {
      %broadcast_in_dim3A = arith.constant 0.000000e+00 : f32
      %broadcast_in_dim3A_78 = vector.broadcast %broadcast_in_dim3A : f32 to vector<16x160xf32>
      %swap3A_79 = arith.constant 0 : index
      %swap3A_80 = arith.constant 0 : index
      %swap3A_81 = vector.load %arg16[%swap3A_79, %swap3A_80] : memref<16x160xf32, #tpu.memory_space<vmem>>, vector<16x160xf32>
      tpu.vector_store %arg16[%swap3A_79, %swap3A_80], %broadcast_in_dim3A_78 {strides = array<i32>} : memref<16x160xf32, #tpu.memory_space<vmem>>, vector<16x160xf32>,
    } else {
    }
    %get3A = arith.constant 0 : index
    %get3A_2 = arith.constant 0 : index
    %get3A_3 = arith.constant 0 : index
    %get3A_4 = vector.load %arg1[%get3A, %get3A_2, %get3A_3] : memref<2x512x160xf32, #tpu.memory_space<vmem>>, vector<1x512x160xf32>
    %get3A_5 = vector.shape_cast %get3A_4 : vector<1x512x160xf32> to vector<512x160xf32>
    %get3A_6 = arith.constant 1 : index
    %get3A_7 = arith.constant 0 : index
    %get3A_8 = arith.constant 0 : index
    %get3A_9 = vector.load %arg1[%get3A_6, %get3A_7, %get3A_8] : memref<2x512x160xf32, #tpu.memory_space<vmem>>, vector<1x512x160xf32>
    %get3A_10 = vector.shape_cast %get3A_9 : vector<1x512x160xf32> to vector<512x160xf32>
    %add3A = arith.addf %get3A_5, %get3A_10 : vector<512x160xf32>
    %get3A_11 = arith.constant 0 : index
    %get3A_12 = arith.constant 0 : index
    %get3A_13 = vector.load %arg2[%get3A_11, %get3A_12] : memref<512x160xf32, #tpu.memory_space<vmem>>, vector<512x160xf32>
    %get3A_14 = arith.constant 0 : index
    %get3A_15 = arith.constant 0 : index
    %get3A_16 = vector.load %arg3[%get3A_14, %get3A_15] : memref<160x480xf32, #tpu.memory_space<vmem>>, vector<160x480xf32>
    %dot_general3A = arith.constant dense<0.000000e+00> : vector<512x480xf32>
    %dot_general3A_17 = tpu.matmul %add3A, %get3A_16, %dot_general3A {dimension_numbers = #tpu.dot_dimension_numbers<[1], [0], [0], [1], [0, 0, 1, 1], [], []>, transpose_lhs_hint = false} : vector<512x160xf32>, vector<160x480xf32>, vector<512x480xf32> -> vector<512x480xf32>
    %get3A_18 = arith.constant 0 : index
    %get3A_19 = arith.constant 0 : index
    %get3A_20 = vector.load %arg5[%get3A_18, %get3A_19] : memref<1x480xf32, #tpu.memory_space<vmem>>, vector<1x480xf32>
    %add3A_21 = vector.broadcast %get3A_20 : vector<1x480xf32> to vector<512x480xf32>
    %add3A_22 = arith.addf %dot_general3A_17, %add3A_21 : vector<512x480xf32>
    %get3A_23 = arith.constant 0 : index
    %get3A_24 = arith.constant 0 : index
    %get3A_25 = vector.load %arg4[%get3A_23, %get3A_24] : memref<160x480xf32, #tpu.memory_space<vmem>>, vector<160x480xf32>
    %dot_general3A_26 = arith.constant dense<0.000000e+00> : vector<512x480xf32>
    %dot_general3A_27 = tpu.matmul %get3A_13, %get3A_25, %dot_general3A_26 {dimension_numbers = #tpu.dot_dimension_numbers<[1], [0], [0], [1], [0, 0, 1, 1], [], []>, transpose_lhs_hint = false} : vector<512x160xf32>, vector<160x480xf32>, vector<512x480xf32> -> vector<512x480xf32>
    %get3A_28 = arith.constant 0 : index
    %get3A_29 = arith.constant 0 : index
    %get3A_30 = vector.load %arg6[%get3A_28, %get3A_29] : memref<1x480xf32, #tpu.memory_space<vmem>>, vector<1x480xf32>
    %add3A_31 = vector.broadcast %get3A_30 : vector<1x480xf32> to vector<512x480xf32>
    %add3A_32 = arith.addf %dot_general3A_27, %add3A_31 : vector<512x480xf32>
    %slice3A = vector.extract_strided_slice %add3A_22 {offsets = [0, 0], sizes = [512, 160], strides = [1, 1]} : vector<512x480xf32> to vector<512x160xf32>
    %slice3A_33 = vector.extract_strided_slice %add3A_32 {offsets = [0, 0], sizes = [512, 160], strides = [1, 1]} : vector<512x480xf32> to vector<512x160xf32>
    %add3A_34 = arith.addf %slice3A, %slice3A_33 : vector<512x160xf32>
    %logistic3A = arith.negf %add3A_34 : vector<512x160xf32>
    %logistic3A_35 = math.exp %logistic3A : vector<512x160xf32>
    %logistic3A_36 = arith.constant 1.000000e+00 : f32
    %logistic3A_37 = vector.broadcast %logistic3A_36 : f32 to vector<512x160xf32>
    %logistic3A_38 = arith.addf %logistic3A_37, %logistic3A_35 : vector<512x160xf32>
    %logistic3A_39 = arith.divf %logistic3A_37, %logistic3A_38 : vector<512x160xf32>
    %slice3A_40 = vector.extract_strided_slice %add3A_22 {offsets = [0, 160], sizes = [512, 160], strides = [1, 1]} : vector<512x480xf32> to vector<512x160xf32>
    %slice3A_41 = vector.extract_strided_slice %add3A_32 {offsets = [0, 160], sizes = [512, 160], strides = [1, 1]} : vector<512x480xf32> to vector<512x160xf32>
    %add3A_42 = arith.addf %slice3A_40, %slice3A_41 : vector<512x160xf32>
    %logistic3A_43 = arith.negf %add3A_42 : vector<512x160xf32>
    %logistic3A_44 = math.exp %logistic3A_43 : vector<512x160xf32>
    %logistic3A_45 = arith.constant 1.000000e+00 : f32
    %logistic3A_46 = vector.broadcast %logistic3A_45 : f32 to vector<512x160xf32>
    %logistic3A_47 = arith.addf %logistic3A_46, %logistic3A_44 : vector<512x160xf32>
    %logistic3A_48 = arith.divf %logistic3A_46, %logistic3A_47 : vector<512x160xf32>
    %slice3A_49 = vector.extract_strided_slice %add3A_22 {offsets = [0, 320], sizes = [512, 160], strides = [1, 1]} : vector<512x480xf32> to vector<512x160xf32>
    %slice3A_50 = vector.extract_strided_slice %add3A_32 {offsets = [0, 320], sizes = [512, 160], strides = [1, 1]} : vector<512x480xf32> to vector<512x160xf32>
    %mul3A = arith.mulf %logistic3A_39, %slice3A_50 : vector<512x160xf32>
    %add3A_51 = arith.addf %slice3A_49, %mul3A : vector<512x160xf32>
    %tanh3A = math.tanh %add3A_51 : vector<512x160xf32>
    %sub3A = arith.constant 1.000000e+00 : f32
    %sub3A_52 = vector.broadcast %sub3A : f32 to vector<512x160xf32>
    %sub3A_53 = arith.subf %sub3A_52, %logistic3A_48 : vector<512x160xf32>
    %mul3A_54 = arith.mulf %sub3A_53, %tanh3A : vector<512x160xf32>
    %mul3A_55 = arith.mulf %logistic3A_48, %get3A_13 : vector<512x160xf32>
    %add3A_56 = arith.addf %mul3A_54, %mul3A_55 : vector<512x160xf32>
    %get3A_57 = arith.constant 0 : index
    %get3A_58 = arith.constant 0 : index
    %get3A_59 = vector.load %arg7[%get3A_57, %get3A_58] : memref<512x1xi32, #tpu.memory_space<vmem>>, vector<512x1xi32>
    %iota3A = tpu.iota {dimensions = array<i32: 1>} : vector<1x16xi32>
    %eq3A_60 = vector.broadcast %get3A_59 : vector<512x1xi32> to vector<512x16xi32>
    %eq3A_61 = vector.broadcast %iota3A : vector<1x16xi32> to vector<512x16xi32>
    %eq3A_62 = arith.cmpi eq, %eq3A_60, %eq3A_61 : vector<512x16xi32>
    %convert_element_type3A_63 = arith.extui %eq3A_62 : vector<512x16xi1> to vector<512x16xi32>
    %convert_element_type3A_64 = arith.sitofp %convert_element_type3A_63 : vector<512x16xi32> to vector<512x16xf32>
    %get3A_65 = arith.constant 0 : index
    %get3A_66 = arith.constant 0 : index
    %get3A_67 = vector.load %arg16[%get3A_65, %get3A_66] : memref<16x160xf32, #tpu.memory_space<vmem>>, vector<16x160xf32>
    %dot_general3A_68 = arith.constant dense<0.000000e+00> : vector<16x160xf32>
    %dot_general3A_69 = tpu.matmul %convert_element_type3A_64, %add3A_56, %dot_general3A_68 {dimension_numbers = #tpu.dot_dimension_numbers<[0], [0], [1], [1], [0, 1, 1, 1], [], []>, transpose_lhs_hint = false} : vector<512x16xf32>, vector<512x160xf32>, vector<16x160xf32> -> vector<16x160xf32>
    %add3A_70 = arith.addf %get3A_67, %dot_general3A_69 : vector<16x160xf32>
    %swap3A = arith.constant 0 : index
    %swap3A_71 = arith.constant 0 : index
    %swap3A_72 = vector.load %arg16[%swap3A, %swap3A_71] : memref<16x160xf32, #tpu.memory_space<vmem>>, vector<16x160xf32>
    tpu.vector_store %arg16[%swap3A, %swap3A_71], %add3A_70 {strides = array<i32>} : memref<16x160xf32, #tpu.memory_space<vmem>>, vector<16x160xf32>,
    %eq3A_73 = arith.constant 19 : i32
    %eq3A_74 = arith.cmpi eq, %arg0, %eq3A_73 : i32
    %convert_element_type3A_75 = arith.extui %eq3A_74 : i1 to i32
    %cond3A_76 = arith.constant 0 : i32
    %cond3A_77 = arith.cmpi ne, %convert_element_type3A_75, %cond3A_76 : i32
    scf.if %cond3A_77 {
      %get3A_78 = arith.constant 0 : index
      %get3A_79 = arith.constant 0 : index
      %get3A_80 = vector.load %arg16[%get3A_78, %get3A_79] : memref<16x160xf32, #tpu.memory_space<vmem>>, vector<16x160xf32>
      %log3A = math.log %get3A_80 : vector<16x160xf32>
      %ne3A = arith.cmpf one, %log3A, %log3A : vector<16x160xf32>
      %jit3A = arith.constant 0.000000e+00 : f32
      %broadcast_in_dim3A = vector.broadcast %jit3A : f32 to vector<16x160xf32>
      %select_n3A = arith.select %ne3A, %broadcast_in_dim3A, %log3A : vector<16x160xi1>, vector<16x160xf32>
      %max3A = arith.constant 0.000000e+00 : f32
      %max3A_81 = vector.broadcast %max3A : f32 to vector<16x160xf32>
      %max3A_82 = arith.maximumf %select_n3A, %max3A_81 : vector<16x160xf32>
      %iota3A_83 = tpu.iota {dimensions = array<i32: 1>} : vector<16x160xi32>
      %eq3A_84 = arith.constant 150 : i32
      %eq3A_85 = vector.broadcast %eq3A_84 : i32 to vector<16x160xi32>
      %eq3A_86 = arith.cmpi eq, %iota3A_83, %eq3A_85 : vector<16x160xi32>
      %get3A_87 = arith.constant 0 : index
      %get3A_88 = arith.constant 0 : index
      %get3A_89 = vector.load %arg8[%get3A_87, %get3A_88] : memref<16x1xf32, #tpu.memory_space<vmem>>, vector<16x1xf32>
      %broadcast_in_dim3A_90 = vector.shape_cast %get3A_89 : vector<16x1xf32> to vector<16x1xf32>
      %broadcast_in_dim3A_91 = vector.broadcast %broadcast_in_dim3A_90 : vector<16x1xf32> to vector<16x160xf32>
      %select_n3A_92 = arith.select %eq3A_86, %broadcast_in_dim3A_91, %max3A_82 : vector<16x160xi1>, vector<16x160xf32>
      %get3A_93 = arith.constant 0 : index
      %get3A_94 = arith.constant 0 : index
      %get3A_95 = vector.load %arg9[%get3A_93, %get3A_94] : memref<160x80xf32, #tpu.memory_space<vmem>>, vector<160x80xf32>
      %dot_general3A_96 = arith.constant dense<0.000000e+00> : vector<16x80xf32>
      %dot_general3A_97 = tpu.matmul %select_n3A_92, %get3A_95, %dot_general3A_96 {dimension_numbers = #tpu.dot_dimension_numbers<[1], [0], [0], [1], [0, 0, 1, 1], [], []>, transpose_lhs_hint = false} : vector<16x160xf32>, vector<160x80xf32>, vector<16x80xf32> -> vector<16x80xf32>
      %get3A_98 = arith.constant 0 : index
      %get3A_99 = arith.constant 0 : index
      %get3A_100 = vector.load %arg10[%get3A_98, %get3A_99] : memref<1x80xf32, #tpu.memory_space<vmem>>, vector<1x80xf32>
      %add3A_101 = vector.broadcast %get3A_100 : vector<1x80xf32> to vector<16x80xf32>
      %add3A_102 = arith.addf %dot_general3A_97, %add3A_101 : vector<16x80xf32>
      %gt3A = arith.constant 0.000000e+00 : f32
      %gt3A_103 = vector.broadcast %gt3A : f32 to vector<16x80xf32>
      %gt3A_104 = arith.cmpf ogt, %add3A_102, %gt3A_103 : vector<16x80xf32>
      %mul3A_105 = arith.constant 0.00999999977 : f32
      %mul3A_106 = vector.broadcast %mul3A_105 : f32 to vector<16x80xf32>
      %mul3A_107 = arith.mulf %mul3A_106, %add3A_102 : vector<16x80xf32>
      %select_n3A_108 = arith.select %gt3A_104, %add3A_102, %mul3A_107 : vector<16x80xi1>, vector<16x80xf32>
      %get3A_109 = arith.constant 0 : index
      %get3A_110 = arith.constant 0 : index
      %get3A_111 = vector.load %arg11[%get3A_109, %get3A_110] : memref<80x80xf32, #tpu.memory_space<vmem>>, vector<80x80xf32>
      %dot_general3A_112 = arith.constant dense<0.000000e+00> : vector<16x80xf32>
      %dot_general3A_113 = tpu.matmul %select_n3A_108, %get3A_111, %dot_general3A_112 {dimension_numbers = #tpu.dot_dimension_numbers<[1], [0], [0], [1], [0, 0, 1, 1], [], []>, transpose_lhs_hint = false} : vector<16x80xf32>, vector<80x80xf32>, vector<16x80xf32> -> vector<16x80xf32>
      %get3A_114 = arith.constant 0 : index
      %get3A_115 = arith.constant 0 : index
      %get3A_116 = vector.load %arg12[%get3A_114, %get3A_115] : memref<1x80xf32, #tpu.memory_space<vmem>>, vector<1x80xf32>
      %add3A_117 = vector.broadcast %get3A_116 : vector<1x80xf32> to vector<16x80xf32>
      %add3A_118 = arith.addf %dot_general3A_113, %add3A_117 : vector<16x80xf32>
      %gt3A_119 = arith.constant 0.000000e+00 : f32
      %gt3A_120 = vector.broadcast %gt3A_119 : f32 to vector<16x80xf32>
      %gt3A_121 = arith.cmpf ogt, %add3A_118, %gt3A_120 : vector<16x80xf32>
      %mul3A_122 = arith.constant 0.00999999977 : f32
      %mul3A_123 = vector.broadcast %mul3A_122 : f32 to vector<16x80xf32>
      %mul3A_124 = arith.mulf %mul3A_123, %add3A_118 : vector<16x80xf32>
      %select_n3A_125 = arith.select %gt3A_121, %add3A_118, %mul3A_124 : vector<16x80xi1>, vector<16x80xf32>
      %get3A_126 = arith.constant 0 : index
      %get3A_127 = arith.constant 0 : index
      %get3A_128 = vector.load %arg13[%get3A_126, %get3A_127] : memref<80x10xf32, #tpu.memory_space<vmem>>, vector<80x10xf32>
      %dot_general3A_129 = arith.constant dense<0.000000e+00> : vector<16x10xf32>
      %dot_general3A_130 = tpu.matmul %select_n3A_125, %get3A_128, %dot_general3A_129 {dimension_numbers = #tpu.dot_dimension_numbers<[1], [0], [0], [1], [0, 0, 1, 1], [], []>, transpose_lhs_hint = false} : vector<16x80xf32>, vector<80x10xf32>, vector<16x10xf32> -> vector<16x10xf32>
      %get3A_131 = arith.constant 0 : index
      %get3A_132 = arith.constant 0 : index
      %get3A_133 = vector.load %arg14[%get3A_131, %get3A_132] : memref<1x10xf32, #tpu.memory_space<vmem>>, vector<1x10xf32>
      %add3A_134 = vector.broadcast %get3A_133 : vector<1x10xf32> to vector<16x10xf32>
      %add3A_135 = arith.addf %dot_general3A_130, %add3A_134 : vector<16x10xf32>
      %swap3A_136 = arith.constant 0 : index
      %swap3A_137 = arith.constant 0 : index
      %swap3A_138 = vector.load %arg15[%swap3A_136, %swap3A_137] : memref<16x10xf32, #tpu.memory_space<vmem>>, vector<16x10xf32>
      tpu.vector_store %arg15[%swap3A_136, %swap3A_137], %add3A_135 {strides = array<i32>} : memref<16x10xf32, #tpu.memory_space<vmem>>, vector<16x10xf32>,
    } else {
    }
    return
  }
  func.func @transform_0(%arg0: i32) -> (i32, i32, i32) {
    %c0_i32 = arith.constant 0 : i32
    %c0_i32_0 = arith.constant 0 : i32
    %c0_i32_1 = arith.constant 0 : i32
    return %c0_i32, %arg0, %c0_i32_0 : i32, i32, i32
  }
  func.func @transform_1(%arg0: i32) -> (i32, i32) {
    %c0_i32 = arith.constant 0 : i32
    %c0_i32_0 = arith.constant 0 : i32
    return %arg0, %c0_i32 : i32, i32
  }
  func.func @transform_2(%arg0: i32) -> (i32, i32) {
    %c0_i32 = arith.constant 0 : i32
    %c0_i32_0 = arith.constant 0 : i32
    %c0_i32_1 = arith.constant 0 : i32
    return %c0_i32, %c0_i32_0 : i32, i32
  }
  func.func @transform_3(%arg0: i32) -> (i32, i32) {
    %c0_i32 = arith.constant 0 : i32
    %c0_i32_0 = arith.constant 0 : i32
    %c0_i32_1 = arith.constant 0 : i32
    return %c0_i32, %c0_i32_0 : i32, i32
  }
  func.func @transform_4(%arg0: i32) -> (i32, i32) {
    %c0_i32 = arith.constant 0 : i32
    %c0_i32_0 = arith.constant 0 : i32
    %c0_i32_1 = arith.constant 0 : i32
    return %c0_i32, %c0_i32_0 : i32, i32
  }
  func.func @transform_5(%arg0: i32) -> (i32, i32) {
    %c0_i32 = arith.constant 0 : i32
    %c0_i32_0 = arith.constant 0 : i32
    %c0_i32_1 = arith.constant 0 : i32
    return %c0_i32, %c0_i32_0 : i32, i32
  }
  func.func @transform_6(%arg0: i32) -> (i32, i32) {
    %c0_i32 = arith.constant 0 : i32
    %c0_i32_0 = arith.constant 0 : i32
    return %arg0, %c0_i32 : i32, i32
  }
  func.func @transform_7(%arg0: i32) -> (i32, i32) {
    %c0_i32 = arith.constant 0 : i32
    %c0_i32_0 = arith.constant 0 : i32
    %c0_i32_1 = arith.constant 0 : i32
    return %c0_i32, %c0_i32_0 : i32, i32
  }
  func.func @transform_8(%arg0: i32) -> (i32, i32) {
    %c0_i32 = arith.constant 0 : i32
    %c0_i32_0 = arith.constant 0 : i32
    %c0_i32_1 = arith.constant 0 : i32
    return %c0_i32, %c0_i32_0 : i32, i32
  }
  func.func @transform_9(%arg0: i32) -> (i32, i32) {
    %c0_i32 = arith.constant 0 : i32
    %c0_i32_0 = arith.constant 0 : i32
    %c0_i32_1 = arith.constant 0 : i32
    return %c0_i32, %c0_i32_0 : i32, i32
  }
  func.func @transform_10(%arg0: i32) -> (i32, i32) {
    %c0_i32 = arith.constant 0 : i32
    %c0_i32_0 = arith.constant 0 : i32
    %c0_i32_1 = arith.constant 0 : i32
    return %c0_i32, %c0_i32_0 : i32, i32
  }
  func.func @transform_11(%arg0: i32) -> (i32, i32) {
    %c0_i32 = arith.constant 0 : i32
    %c0_i32_0 = arith.constant 0 : i32
    %c0_i32_1 = arith.constant 0 : i32
    return %c0_i32, %c0_i32_0 : i32, i32
  }
  func.func @transform_12(%arg0: i32) -> (i32, i32) {
    %c0_i32 = arith.constant 0 : i32
    %c0_i32_0 = arith.constant 0 : i32
    %c0_i32_1 = arith.constant 0 : i32
    return %c0_i32, %c0_i32_0 : i32, i32
  }
  func.func @transform_13(%arg0: i32) -> (i32, i32) {
    %c0_i32 = arith.constant 0 : i32
    %c0_i32_0 = arith.constant 0 : i32
    %c0_i32_1 = arith.constant 0 : i32
    return %c0_i32, %c0_i32_0 : i32, i32
  }
  func.func @transform_14(%arg0: i32) -> (i32, i32) {
    %c0_i32 = arith.constant 0 : i32
    %c0_i32_0 = arith.constant 0 : i32
    %c0_i32_1 = arith.constant 0 : i32
    return %c0_i32, %c0_i32_0 : i32, i32
  }
}

</mosaic_0001>

<sc_bundles>
// kernel: kernel.19.cloned.1.call-start
scs
__scs_entry_jumppad:
0x0: {  	(pc) =	sbr.rel $0x88, $3  }
0x1: {  	(tag) =	ssettag $0x0;
	lr =	simm.s32 $0x1  }
0x2: {  	[smem:$0x3F90] =	sst lr;
	_ =	strace $0xD0000000  }
0x3: {  	_ = 	snop  }
0x4: {  	_ = 	snop  }
0x5: {  	_ = 	snop  }
0x6: {  	_ = 	snop  }
0x7: {  	_ = 	snop  }
__scs_overlays_trampoline_lowered:
0x8: {  	[smem:$0x3F9F] =	sst s0  }
0x9: {  	[smem:$0x3FA0] =	sst s1  }
0xa: {  	[smem:$0x3FA1] =	sst s2  }
0xb: {  	[smem:$0x3FA2] =	sst s3  }
0xc: {  	[smem:$0x3FA3] =	sst s4  }
0xd: {  	[smem:$0x3FA4] =	sst s5  }
0xe: {  	[smem:$0x3FA5] =	sst s6  }
0xf: {  	[smem:$0x3FA6] =	sst s7  }
0x10: {  	[smem:$0x3FA7] =	sst s8  }
0x11: {  	[smem:$0x3FA8] =	sst s9;
	s0 =	simm.s32 @!p0 $0x0  }
0x12: {  	s1 =	sld [smem:$0x3F8E];
	s0 =	simm.s32 @p0 $0x1  }
0x13: {  	[smem:$0x3FA9] =	sst s0;
	s0 =	simm.s32 @!p1 $0x0  }
0x14: {  	s2 =	sld [smem:$0x3F8D];
	s0 =	simm.s32 @p1 $0x1  }
0x15: {  	[smem:$0x3FAA] =	sst s0;
	s0 =	simm.s32 @!p2 $0x0  }
0x16: {  	s3 =	sld [smem:$0x3FDB];
	s0 =	simm.s32 @p2 $0x1  }
0x17: {  	s4 =	simm.s32 $0x1BF5;
	[smem:$0x3FAC] =	sst s0  }
0x18: {  	s0 =	sld [smem:$0x3F8F];
	_ =	swait.ge [sflag:s4], $0x0  }
0x19: {  	s7 =	sld [smem:$0x3F90]  }
0x1a: {  	s8 =	sadd.s32 $0xFFFFE003, lr  }
0x1b: {  	s9 =	sadd.s32 $0xFFFFFEF7, lr;
	s5 =	simm.s32 $0xFFFFFFFF;
	p2 =	slt.u32 s8, $0xFFFFF086  }
0x1c: {  	p1 =	slt.u32 s9, $0xF7A;
	s5 =	simm.s32 @!p2 $0x0  }
0x1d: {  	s5 =	simm.s32 @p1 $0x1;
	p0 =	seq.s32 s7, s2  }
0x1e: {  	s7 =	smul.u32 @!p0 $0xF7A, s2;
	p2 =	seq.s32 @!p0 s5, $0x0  }
0x1f: {  	s9 =	smul.u32 $0xF7A, s1;
	s8 =	simm.s32 @!p0 $0x1BF5;
	p2 =	por !p2, p0  }
0x20: {  	[sflag:s8] =	ssyncset.s32 @!p0 $0xFFFFF086;
	s6 =	sadd.s32 @!p0 s3, s7;
	s7 =	simm.s32 @!p0 $0x108  }
0x21: {  	s3 =	sadd.s32 s3, s9;
	s6 =	sadd.s32 @!p0 $0x88, s6;
	s7 =	simm.s32 @p2 $0x1082  }
0x22: {  	[simem:s7], [sflag:s8] =	dma.local @!p0 [hbm:s6], $0xF7A  }
0x23: {  	s9 =	sor.u32 $0xD0000000, s2;
	s6 =	simm.s32 $0x108;
	_ =	swait.ge @!p0 [sflag:s8], $0x0  }
0x24: {  	s3 =	sadd.s32 $0x88, s3;
	s6 =	simm.s32 @!p1 $0x1082;
	[sflag:s4] =	ssyncset.s32 $0xFFFFF086  }
0x25: {  	[simem:s6], [sflag:s4] =	dma.local [hbm:s3], $0xF7A  }
0x26: {  	[smem:$0x3F90] =	sst s1;
	(tag) =	ssettag s2;
	_ =	strace s9  }
0x27: {  	s1 =	sld [smem:$0x3FA0]  }
0x28: {  	s2 =	sld [smem:$0x3FA1]  }
0x29: {  	s4 =	sld [smem:$0x3FA3]  }
0x2a: {  	p0 =	seq.s32 s5, $0x0;
	s5 =	sld [smem:$0x3FA4]  }
0x2b: {  	s6 =	sld [smem:$0x3FA5]  }
0x2c: {  	s7 =	sld [smem:$0x3FA6]  }
0x2d: {  	s3 =	simm.s32 $0x108;
	s8 =	sld [smem:$0x3FA7]  }
0x2e: {  	s3 =	simm.s32 @!p0 $0x1082;
	s9 =	sld [smem:$0x3FA8]  }
0x2f: {  	lr =	sadd.s32 s0, s3;
	s0 =	sld [smem:$0x3F9F]  }
0x30: {  	s3 =	sld [smem:$0x3FA2]  }
0x31: {  	[smem:$0x3FAB] =	sst s10  }
0x32: {  	s10 =	sld [smem:$0x3FA9];
	_ =	sdelay $0x3  }
0x33: {  	p0 =	seq.s32 s10, $0x1;
	s10 =	sld [smem:$0x3FAB];
	_ =	sdelay $0x3  }
0x34: {  	[smem:$0x3FAB] =	sst s10  }
0x35: {  	s10 =	sld [smem:$0x3FAA];
	_ =	sdelay $0x3  }
0x36: {  	p1 =	seq.s32 s10, $0x1;
	s10 =	sld [smem:$0x3FAB];
	_ =	sdelay $0x3  }
0x37: {  	[smem:$0x3FAB] =	sst s10  }
0x38: {  	s10 =	sld [smem:$0x3FAC]  }
0x39: {  	_ = 	snop;
	(pc) =	sbr.ind lr, $3  }
0x3a: {  	_ = 	snop  }
0x3b: {  	_ = 	snop  }
0x3c: {  	p2 =	seq.s32 s10, $0x1;
	s10 =	sld [smem:$0x3FAB]  }
0x3d: {  	_ =	shalt  }
0x3e: {  	_ =	shalt  }
0x3f: {  	_ =	shalt  }
0x40: {  	_ =	shalt  }
0x41: {  	_ =	shalt  }
0x42: {  	_ =	shalt  }
0x43: {  	_ =	shalt  }
0x44: {  	_ =	shalt  }
0x45: {  	_ =	shalt  }
0x46: {  	_ =	shalt  }
0x47: {  	_ =	shalt  }
0x48: {  	_ =	shalt  }
0x49: {  	_ =	shalt  }
0x4a: {  	_ =	shalt  }
0x4b: {  	_ =	shalt  }
0x4c: {  	_ =	shalt  }
0x4d: {  	_ =	shalt  }
0x4e: {  	_ =	shalt  }
0x4f: {  	_ =	shalt  }
0x50: {  	_ =	shalt  }
0x51: {  	_ =	shalt  }
0x52: {  	_ =	shalt  }
0x53: {  	_ =	shalt  }
0x54: {  	_ =	shalt  }
0x55: {  	_ =	shalt  }
0x56: {  	_ =	shalt  }
0x57: {  	_ =	shalt  }
0x58: {  	_ =	shalt  }
0x59: {  	_ =	shalt  }
0x5a: {  	_ =	shalt  }
0x5b: {  	_ =	shalt  }
0x5c: {  	_ =	shalt  }
0x5d: {  	_ =	shalt  }
0x5e: {  	_ =	shalt  }
0x5f: {  	_ =	shalt  }
0x60: {  	_ =	shalt  }
0x61: {  	_ =	shalt  }
0x62: {  	_ =	shalt  }
0x63: {  	_ =	shalt  }
0x64: {  	_ =	shalt  }
0x65: {  	_ =	shalt  }
0x66: {  	_ =	shalt  }
0x67: {  	_ =	shalt  }
0x68: {  	_ =	shalt  }
0x69: {  	_ =	shalt  }
0x6a: {  	_ =	shalt  }
0x6b: {  	_ =	shalt  }
0x6c: {  	_ =	shalt  }
0x6d: {  	_ =	shalt  }
0x6e: {  	_ =	shalt  }
0x6f: {  	_ =	shalt  }
0x70: {  	_ =	shalt  }
0x71: {  	_ =	shalt  }
0x72: {  	_ =	shalt  }
0x73: {  	_ =	shalt  }
0x74: {  	_ =	shalt  }
0x75: {  	_ =	shalt  }
0x76: {  	_ =	shalt  }
0x77: {  	_ =	shalt  }
0x78: {  	_ =	shalt  }
0x79: {  	_ =	shalt  }
0x7a: {  	_ =	shalt  }
0x7b: {  	_ =	shalt  }
0x7c: {  	_ =	shalt  }
0x7d: {  	_ =	shalt  }
0x7e: {  	_ =	shalt  }
0x7f: {  	_ =	shalt  }
0x80: {  	_ =	shalt  }
0x81: {  	_ =	shalt  }
0x82: {  	_ =	shalt  }
0x83: {  	_ =	shalt  }
0x84: {  	_ =	shalt  }
0x85: {  	_ =	shalt  }
0x86: {  	_ =	shalt  }
0x87: {  	_ =	shalt  }
.Lfunc_end0:
.L_simem_size_0:
called_computation_lowered:
.L_overlay_start_0:
0x88: {  	s2 =	sld [smem:$0x3FD9]  }
0x89: {  	s3 =	sld [smem:$0x3FFE];
	_ =	sdelay $0x1  }
0x8a: {  	s1 =	srdreg.scid  }
0x8b: {  	s0 =	sand.u32 $0x1, s1  }
0x8c: {  	s16 =	sshll.u32 s0, $0xA;
	s2 =	sadd.s32 s3, s2  }
0x8d: {  	s2 =	sadd.s32 s2, s16  }
0x8e: {  	[smem:$0x3FB7] =	sst s2  }
0x8f: {  	_ = 	snop  }
0x90: {  	(tm) =	ssettm $0x1  }
0x91: {  	s17 =	sld [smem:$0x3FFB];
	_ =	sdelay $0x3  }
0x92: {  	_ =	strace s17  }
0x93: {  	s2 =	sld [smem:$0x3FFC];
	_ =	sdelay $0x3  }
0x94: {  	_ =	strace s2  }
0x95: {  	s2 =	sld [smem:$0x3FFD];
	_ =	sdelay $0x3  }
0x96: {  	_ =	strace s2  }
0x97: {  	_ =	strace $0x8FFFFFFF  }
0x98: {  	s18 =	sld [smem:$0x3FDB];
	_ =	sdelay $0x1  }
0x99: {  	s19 =	simm.s32 $_scs_section_size  }
0x9a: {  	s4 =	simm.s32 $_size__tile_overlayer_lowered;
	s5 =	simm.s32 $_tile_overlayer_lowered  }
0x9b: {  	s22 =	simm.s32 $0x1BFF;
	s21 =	sshll.u32 s5, $0x1;
	s2 =	sadd.s32 s19, s18  }
0x9c: {  	s6 =	simm.s32 $0x0;
	s20 =	sshll.u32 s4, $0x1;
	s4 =	sadd.s32 s21, s2  }
0x9d: {  	[timem:s6], [sflag:s22] =	dma.local [hbm:s4], s20  }
0x9e: {  	_ =	swait.ge [sflag:s22], s20  }
0x9f: {  	s3 =	ssub.s32 $0x0, s20;
	[sflag:s22] =	ssyncset.done $0x0  }
0xa0: {  	[sflag:s22] =	ssyncadd.s32 s3;
	_ =	sdelay $0x1  }
0xa1: {  	s23 =	simm.s32 $0x1B8B  }
0xa2: {  	_ =	swait.ge [sflag:s23], $0x1  }
0xa3: {  	[sflag:s23] =	ssyncset.done $0x0  }
0xa4: {  	s25 =	simm.s32 $0x1B8E;
	s24 =	sld [smem:$0x3FFE];
	[sflag:s23] =	ssyncadd.s32 $0xFFFFFFFF  }
0xa5: {  	s26 =	simm.s32 $execute0_lowered;
	[smem:$0x3FD2] =	sst s25  }
0xa6: {  	s4 =	sshll.u32 s26, $0x1;
	_ =	strace $0x80000046;
	[dreg:$0x1] =	wrdreg $0xFFFFFFFF  }
0xa7: {  	s28 =	simm.s32 $_size_execute0_lowered;
	s2 =	sadd.s32 s2, s4;
	[dreg:$0x0] =	wrdreg $0x0  }
0xa8: {  	s4 =	sshll.u32 s28, $0x1;
	[dreg:$0x2] =	wrdreg s2  }
0xa9: {  	[dreg:$0x3] =	wrdreg s4  }
0xaa: {  	[dreg:$0x4] =	wrdreg $0xC0  }
0xab: {  	_ =	task [dreg:s6], $0x5FFFF  }
0xac: {  	[dreg:$0x1] =	wrdreg $0xFFFFFFFF  }
0xad: {  	[dreg:$0x0] =	wrdreg $0x60  }
0xae: {  	[dreg:$0x2] =	wrdreg s24  }
0xaf: {  	[dreg:$0x3] =	wrdreg $0x6D600  }
0xb0: {  	[dreg:$0x4] =	wrdreg $0x9  }
0xb1: {  	_ =	task.clear_ibuf [dreg:s6], $0x5FFFF;
	_ =	strace $0x90000046  }
0xb2: {  	s29 =	simm.s32 $0x9;
	_ =	strace $0x80000048  }
0xb3: {  	_ =	swait.ge [sflag:s29], $0x1  }
0xb4: {  	[sflag:s29] =	ssyncadd.s32 $0xFFFFFFFF  }
0xb5: {  	_ =	strace $0x90000048  }
0xb6: {  	_ =	sfence  }
0xb7: {  	s30 =	sld [smem:$0x0];
	_ =	sdelay $0x2  }
0xb8: {  	s31 =	sshll.u32 s1, $0xD;
	s1 =	sshrl.u32 s1, $0x2  }
0xb9: {  	s3 =	sand.u32 $0x4000, s31;
	s1 =	sadd.s32 s1, s30  }
0xba: {  	s0 =	sor.u32 s3, s0;
	s1 =	sshll.u32 s1, $0x11  }
0xbb: {  	s0 =	sor.u32 s1, s0  }
0xbc: {  	s0 =	sadd.s32 $0x8F2B, s0  }
0xbd: {  	[sflag:s0] =	ssyncadd.remote.s32 $0x1  }
0xbe: {  	_ =	sfence.sel $0xFFFF  }
0xbf: {  	[dreg:$0x0] =	wrdreg $0xFFFFFFFF;
	(pc) =	sbr.abs _section_cstart, $3  }
0xc0: {  	[dreg:$0x1] =	wrdreg $0xFFFFFFFF  }
0xc1: {  	_ =	task.clear_ibuf [dreg:s6], $0x2FFFF;
	_ =	strace $0x9FFFFFFF  }
0xc2: {  	(tm) =	ssettm $0x7FFFFFFF  }
0xc3: {  	_ =	shalt  }
tec
execute0_lowered:
.L_overlay_start_1:
0x0: {  	(tag) =	ssettag $0x1  }
0x1: {  	s6 =	rddreg [dreg:$0x0]  }
0x2: {  	s0 =	srdreg.scid;
	s2 =	rddreg [dreg:$0x1]  }
0x3: {  	s1 =	rddreg [dreg:$0x2];
	s3 =	simm.s32 $0x0;
	s14 =	simm.s32 $0x38  }
0x4: {  	s15 =	simm.s32 $0x2760;
	s16 =	simm.s32 $0x4A60;
	s7 =	sand.u32 $0x1, s0  }
0x5: {  	s17 =	simm.s32 $0x1;
	s0 =	stileid.u32;
	s4 =	smul.u32 $0x13B00, s7  }
0x6: {  	s18 =	simm.s32 $0x2;
	s19 =	simm.s32 $0x26F0;
	s5 =	smul.u32 $0x13B0, s0  }
0x7: {  	s20 =	simm.s32 $0x2728;
	s21 =	simm.s32 $0x0;
	s8 =	smul.u32 $0x19000, s0  }
0x8: {  	[smem:$0x7FF] =	sst s3;
	s30 =	smul.u32 $0x190000, s7;
	s7 =	ssub.s32 $0x2, s7  }
0x9: {  	_ =	strace $0x80000047;
	s11 =	sshll.u32 s0, $0x6;
	s31 =	sshrl.u32 s7, $0x1  }
0xa: {  	s4 =	sadd.s32 s5, s4;
	s10 =	sadd.s32 s8, s30;
	s5 =	sadd.s32 $0x10200, s6  }
0xb: {  	s12 =	ssub.s32 s7, s31;
	s13 =	sadd.s32 s8, s2;
	s4 =	sshrl.u32 s4, $0x3  }
0xc: {  	s10 =	sshrl.u32 s10, $0x3;
	s9 =	sadd.s32 s4, s6;
	s4 =	sadd.s32 $0xCE200, s6  }
0xd: {  	s10 =	sadd.s32 s10, s6;
	s6 =	sor.u32 $0x1C03, s11;
	s11 =	sshrl.u32 s13, $0x3  }
0xe: {  	s13 =	simm.s32 $0x13B0;
	s7 =	sadd.s32 $0x6200, s9;
	s8 =	sadd.s32 $0xB200, s9  }
0xf: {  	s9 =	sadd.s32 $0x13400, s10;
	s10 =	smax.u32 s12, $0x1;
	s12 =	simm.s32 $0x3  }
.LBB2_1:
0x10: {  	[spmem:s11], [sflag:s6] =	dma.local [hbm:s5], $0x3200  }
0x11: {  	_ =	swait.ge [sflag:s12], $0x3200  }
0x12: {  	[sflag:s12] =	ssyncset.done $0x0  }
0x13: {  	[sflag:s12] =	ssyncadd.s32 $0xFFFFCE00  }
0x14: {  	[bflag:$0x0] =	sbarrier.arrive $0xFFFF  }
0x15: {  	[tilespmem:s3], [sflag:$0x3] =	stream.linear.gather [hbm4b:s7+s3], $0x13B0, $0x38;
	[tilespmem:$0x1FD60] =	vst v63  }
0x16: {  	_ =	swait.ge [sflag:s12], $0x13B0  }
0x17: {  	[sflag:s12] =	ssyncset.done $0x0  }
0x18: {  	[sflag:s12] =	ssyncadd.s32 $0xFFFFEC50  }
0x19: {  	[tilespmem:s13], [sflag:$0x3] =	stream.linear.gather [hbm4b:s8+s3], $0x13B0, $0x38;
	[tilespmem:$0x1FD60] =	vst v63  }
0x1a: {  	_ =	swait.ge [sflag:s12], $0x13B0  }
0x1b: {  	[sflag:s12] =	ssyncset.done $0x0  }
0x1c: {  	[sflag:s12] =	ssyncadd.s32 $0xFFFFEC50  }
0x1d: {  	[tilespmem:s15], [sflag:$0x1] =	stream.indirect.gather [hbm4b:s4+s14], $0xA0, s3, s14, $0xb8;
	[tilespmem:$0x1FD60] =	vst v63  }
0x1e: {  	_ = 	snop  }
0x1f: {  	[tilespmem:s16], [sflag:$0x2] =	stream.indirect.gather [hbm4b:s4+s14], $0xA0, s14, s14, $0xb8;
	[tilespmem:$0x1FD60] =	vst v63  }
0x20: {  	_ =	swait.ge [sflag:s17], $0x2300  }
0x21: {  	[sflag:s17] =	ssyncset.done $0x0  }
0x22: {  	s22 =	simm.s32 $0x13B0;
	[sflag:s17] =	ssyncadd.s32 $0xFFFFDD00  }
0x23: {  	[spmem:s2] =	stream.indirect.scatter.add.f32 [tilespmem:s15], [sflag:$0x3], $0xA0, s22, s14, $0xb8;
	[tilespmem:$0x1FD60] =	vst v63  }
0x24: {  	_ =	swait.ge [sflag:s12], $0x2300  }
0x25: {  	[sflag:s12] =	ssyncset.done $0x0  }
0x26: {  	s30 =	simm.s32 $0x70;
	[sflag:s12] =	ssyncadd.s32 $0xFFFFDD00  }
0x27: {  	[tilespmem:s15], [sflag:$0x1] =	stream.indirect.gather [hbm4b:s4+s14], $0xA0, s30, s14, $0xb8;
	[tilespmem:$0x1FD60] =	vst v63  }
0x28: {  	_ =	swait.ge [sflag:s18], $0x2300  }
0x29: {  	[sflag:s18] =	ssyncset.done $0x0  }
0x2a: {  	s31 =	simm.s32 $0x13E8;
	[sflag:s18] =	ssyncadd.s32 $0xFFFFDD00  }
0x2b: {  	[spmem:s2] =	stream.indirect.scatter.add.f32 [tilespmem:s16], [sflag:$0x3], $0xA0, s31, s14, $0xb8;
	[tilespmem:$0x1FD60] =	vst v63  }
0x2c: {  	_ =	swait.ge [sflag:s12], $0x2300  }
0x2d: {  	[sflag:s12] =	ssyncset.done $0x0  }
0x2e: {  	s23 =	simm.s32 $0xA8;
	s22 =	simm.s32 $0x1C0;
	[sflag:s12] =	ssyncadd.s32 $0xFFFFDD00  }
.LBB2_2:
0x2f: {  	[tilespmem:s16], [sflag:$0x2] =	stream.indirect.gather [hbm4b:s4+s14], $0xA0, s23, s14, $0xb8;
	[tilespmem:$0x1FD60] =	vst v63  }
0x30: {  	s23 =	smov.u32 s22  }
0x31: {  	p0 =	sne.s32 s22, $0x4B40;
	s22 =	sadd.s32 $0x1C0, s22;
	_ =	swait.ge [sflag:s17], $0x2300  }
0x32: {  	s23 =	sshra.s32 s23, $0x2;
	[sflag:s17] =	ssyncset.done $0x0  }
0x33: {  	s24 =	sadd.s32 $0x13B0, s23;
	[sflag:s17] =	ssyncadd.s32 $0xFFFFDD00  }
0x34: {  	[spmem:s2] =	stream.indirect.scatter.add.f32 [tilespmem:s15], [sflag:$0x3], $0xA0, s24, s14, $0xb8;
	[tilespmem:$0x1FD60] =	vst v63  }
0x35: {  	_ =	swait.ge [sflag:s12], $0x2300  }
0x36: {  	[sflag:s12] =	ssyncset.done $0x0  }
0x37: {  	s24 =	sadd.s32 $0x70, s23;
	[sflag:s12] =	ssyncadd.s32 $0xFFFFDD00  }
0x38: {  	[tilespmem:s15], [sflag:$0x1] =	stream.indirect.gather [hbm4b:s4+s14], $0xA0, s24, s14, $0xb8;
	[tilespmem:$0x1FD60] =	vst v63  }
0x39: {  	_ =	swait.ge [sflag:s18], $0x2300  }
0x3a: {  	[sflag:s18] =	ssyncset.done $0x0  }
.Ltmp0:
0x3b: {  	s24 =	sadd.s32 $0x13E8, s23;
	[sflag:s18] =	ssyncadd.s32 $0xFFFFDD00;
	(pc) =	sbr.rel @p0 .LBB2_2-.Ltmp0, $4  }
0x3c: {  	[spmem:s2] =	stream.indirect.scatter.add.f32 [tilespmem:s16], [sflag:$0x3], $0xA0, s24, s14, $0xb8;
	[tilespmem:$0x1FD60] =	vst v63  }
0x3d: {  	_ =	swait.ge [sflag:s12], $0x2300  }
0x3e: {  	[sflag:s12] =	ssyncset.done $0x0  }
0x3f: {  	s23 =	sadd.s32 $0xA8, s23;
	[sflag:s12] =	ssyncadd.s32 $0xFFFFDD00  }
0x40: {  	[tilespmem:s16], [sflag:$0x2] =	stream.indirect.gather [hbm4b:s4+s14], $0xA0, s23, s14, $0xb8;
	[tilespmem:$0x1FD60] =	vst v63  }
0x41: {  	_ =	swait.ge [sflag:s17], $0x2300  }
0x42: {  	[sflag:s17] =	ssyncset.done $0x0  }
0x43: {  	[sflag:s17] =	ssyncadd.s32 $0xFFFFDD00  }
0x44: {  	[spmem:s2] =	stream.indirect.scatter.add.f32 [tilespmem:s15], [sflag:$0x3], $0xA0, s19, s14, $0xb8;
	[tilespmem:$0x1FD60] =	vst v63  }
0x45: {  	_ =	swait.ge [sflag:s12], $0x2300  }
0x46: {  	[sflag:s12] =	ssyncset.done $0x0  }
0x47: {  	[sflag:s12] =	ssyncadd.s32 $0xFFFFDD00  }
0x48: {  	_ =	swait.ge [sflag:s18], $0x2300  }
0x49: {  	[sflag:s18] =	ssyncset.done $0x0  }
0x4a: {  	[sflag:s18] =	ssyncadd.s32 $0xFFFFDD00  }
0x4b: {  	[spmem:s2] =	stream.indirect.scatter.add.f32 [tilespmem:s16], [sflag:$0x3], $0xA0, s20, s14, $0xb8;
	[tilespmem:$0x1FD60] =	vst v63  }
0x4c: {  	_ =	swait.ge [sflag:s12], $0x2300  }
0x4d: {  	s21 =	sadd.s32 $0x1, s21;
	[sflag:s12] =	ssyncset.done $0x0  }
0x4e: {  	p0 =	sne.s32 s21, s10;
	[sflag:s12] =	ssyncadd.s32 $0xFFFFDD00  }
.Ltmp1:
0x4f: {  	[bflag:$0x0] =	sbarrier.arrive $0xFFFF;
	(pc) =	sbr.rel @p0 .LBB2_1-.Ltmp1, $4  }
0x50: {  	[hbm:s9], [sflag:s6] =	dma.local [spmem:s11], $0x3200  }
0x51: {  	_ =	swait.ge [sflag:s12], $0x3200  }
0x52: {  	[sflag:s12] =	ssyncset.done $0x0  }
0x53: {  	[sflag:s12] =	ssyncadd.s32 $0xFFFFCE00  }
0x54: {  	_ =	sfence.sel $0x180000  }
0x55: {  	[bflag:$0x0] =	sbarrier.arrive $0xFFFF  }
0x56: {  	p0 =	sne.s32 s0, $0x0;
	_ =	strace $0x90000047  }
0x57: {  	s0 =	sadd.s32 @!p0 $0x100000, s1;
	[bflag:$0x2] =	sbarrier.arrive $0xFFFF  }
0x58: {  	[sflag:s0] =	ssyncadd.tile.s32 @!p0 $0x1;
	_ =	shalt  }
.Lfunc_end2:
_tile_overlayer_lowered:
.L_overlay_start_2:
0x59: {  	(tag) =	ssettag $0x2  }
0x5a: {  	s0 =	rddreg [dreg:$0x0];
	s2 =	stileid.u32  }
0x5b: {  	s1 =	rddreg [dreg:$0x1];
	p0 =	sne.s32 s2, $0x0  }
0x5c: {  	s3 =	rddreg [dreg:$0x2];
	[bflag:$0x3] =	sbarrier.arrive $0xFFFF;
	s2 =	simm.s32 @!p0 $0x1C03  }
0x5d: {  	[timem:s3], [sflag:s2] =	dma.local @!p0 [hbm:s0], s1  }
0x5e: {  	s0 =	simm.s32 @!p0 $0x3  }
0x5f: {  	_ =	swait.ge @!p0 [sflag:s0], s1  }
0x60: {  	s1 =	ssub.s32 @!p0 $0x0, s1;
	[sflag:s0] =	ssyncset.done @!p0 $0x0  }
0x61: {  	[sflag:s0] =	ssyncadd.s32 @!p0 s1  }
0x62: {  	[bflag:$0x3] =	sbarrier.arrive $0xFFFF  }
0x63: {  	_ =	shalt  }

// kernel: kernel.22.cloned.1.call-start
scs
__scs_entry_jumppad:
0x0: {  	(pc) =	sbr.rel $0x88, $3  }
0x1: {  	(tag) =	ssettag $0x0;
	lr =	simm.s32 $0x1  }
0x2: {  	[smem:$0x3F90] =	sst lr;
	_ =	strace $0xD0000000  }
0x3: {  	_ = 	snop  }
0x4: {  	_ = 	snop  }
0x5: {  	_ = 	snop  }
0x6: {  	_ = 	snop  }
0x7: {  	_ = 	snop  }
__scs_overlays_trampoline_lowered:
0x8: {  	[smem:$0x3F9F] =	sst s0  }
0x9: {  	[smem:$0x3FA0] =	sst s1  }
0xa: {  	[smem:$0x3FA1] =	sst s2  }
0xb: {  	[smem:$0x3FA2] =	sst s3  }
0xc: {  	[smem:$0x3FA3] =	sst s4  }
0xd: {  	[smem:$0x3FA4] =	sst s5  }
0xe: {  	[smem:$0x3FA5] =	sst s6  }
0xf: {  	[smem:$0x3FA6] =	sst s7  }
0x10: {  	[smem:$0x3FA7] =	sst s8  }
0x11: {  	[smem:$0x3FA8] =	sst s9;
	s0 =	simm.s32 @!p0 $0x0  }
0x12: {  	s1 =	sld [smem:$0x3F8E];
	s0 =	simm.s32 @p0 $0x1  }
0x13: {  	[smem:$0x3FA9] =	sst s0;
	s0 =	simm.s32 @!p1 $0x0  }
0x14: {  	s2 =	sld [smem:$0x3F8D];
	s0 =	simm.s32 @p1 $0x1  }
0x15: {  	[smem:$0x3FAA] =	sst s0;
	s0 =	simm.s32 @!p2 $0x0  }
0x16: {  	s3 =	sld [smem:$0x3FDB];
	s0 =	simm.s32 @p2 $0x1  }
0x17: {  	s4 =	simm.s32 $0x1BF5;
	[smem:$0x3FAC] =	sst s0  }
0x18: {  	s0 =	sld [smem:$0x3F8F];
	_ =	swait.ge [sflag:s4], $0x0  }
0x19: {  	s7 =	sld [smem:$0x3F90]  }
0x1a: {  	s8 =	sadd.s32 $0xFFFFE003, lr  }
0x1b: {  	s9 =	sadd.s32 $0xFFFFFEF7, lr;
	s5 =	simm.s32 $0xFFFFFFFF;
	p2 =	slt.u32 s8, $0xFFFFF086  }
0x1c: {  	p1 =	slt.u32 s9, $0xF7A;
	s5 =	simm.s32 @!p2 $0x0  }
0x1d: {  	s5 =	simm.s32 @p1 $0x1;
	p0 =	seq.s32 s7, s2  }
0x1e: {  	s7 =	smul.u32 @!p0 $0xF7A, s2;
	p2 =	seq.s32 @!p0 s5, $0x0  }
0x1f: {  	s9 =	smul.u32 $0xF7A, s1;
	s8 =	simm.s32 @!p0 $0x1BF5;
	p2 =	por !p2, p0  }
0x20: {  	[sflag:s8] =	ssyncset.s32 @!p0 $0xFFFFF086;
	s6 =	sadd.s32 @!p0 s3, s7;
	s7 =	simm.s32 @!p0 $0x108  }
0x21: {  	s3 =	sadd.s32 s3, s9;
	s6 =	sadd.s32 @!p0 $0x88, s6;
	s7 =	simm.s32 @p2 $0x1082  }
0x22: {  	[simem:s7], [sflag:s8] =	dma.local @!p0 [hbm:s6], $0xF7A  }
0x23: {  	s9 =	sor.u32 $0xD0000000, s2;
	s6 =	simm.s32 $0x108;
	_ =	swait.ge @!p0 [sflag:s8], $0x0  }
0x24: {  	s3 =	sadd.s32 $0x88, s3;
	s6 =	simm.s32 @!p1 $0x1082;
	[sflag:s4] =	ssyncset.s32 $0xFFFFF086  }
0x25: {  	[simem:s6], [sflag:s4] =	dma.local [hbm:s3], $0xF7A  }
0x26: {  	[smem:$0x3F90] =	sst s1;
	(tag) =	ssettag s2;
	_ =	strace s9  }
0x27: {  	s1 =	sld [smem:$0x3FA0]  }
0x28: {  	s2 =	sld [smem:$0x3FA1]  }
0x29: {  	s4 =	sld [smem:$0x3FA3]  }
0x2a: {  	p0 =	seq.s32 s5, $0x0;
	s5 =	sld [smem:$0x3FA4]  }
0x2b: {  	s6 =	sld [smem:$0x3FA5]  }
0x2c: {  	s7 =	sld [smem:$0x3FA6]  }
0x2d: {  	s3 =	simm.s32 $0x108;
	s8 =	sld [smem:$0x3FA7]  }
0x2e: {  	s3 =	simm.s32 @!p0 $0x1082;
	s9 =	sld [smem:$0x3FA8]  }
0x2f: {  	lr =	sadd.s32 s0, s3;
	s0 =	sld [smem:$0x3F9F]  }
0x30: {  	s3 =	sld [smem:$0x3FA2]  }
0x31: {  	[smem:$0x3FAB] =	sst s10  }
0x32: {  	s10 =	sld [smem:$0x3FA9];
	_ =	sdelay $0x3  }
0x33: {  	p0 =	seq.s32 s10, $0x1;
	s10 =	sld [smem:$0x3FAB];
	_ =	sdelay $0x3  }
0x34: {  	[smem:$0x3FAB] =	sst s10  }
0x35: {  	s10 =	sld [smem:$0x3FAA];
	_ =	sdelay $0x3  }
0x36: {  	p1 =	seq.s32 s10, $0x1;
	s10 =	sld [smem:$0x3FAB];
	_ =	sdelay $0x3  }
0x37: {  	[smem:$0x3FAB] =	sst s10  }
0x38: {  	s10 =	sld [smem:$0x3FAC]  }
0x39: {  	_ = 	snop;
	(pc) =	sbr.ind lr, $3  }
0x3a: {  	_ = 	snop  }
0x3b: {  	_ = 	snop  }
0x3c: {  	p2 =	seq.s32 s10, $0x1;
	s10 =	sld [smem:$0x3FAB]  }
0x3d: {  	_ =	shalt  }
0x3e: {  	_ =	shalt  }
0x3f: {  	_ =	shalt  }
0x40: {  	_ =	shalt  }
0x41: {  	_ =	shalt  }
0x42: {  	_ =	shalt  }
0x43: {  	_ =	shalt  }
0x44: {  	_ =	shalt  }
0x45: {  	_ =	shalt  }
0x46: {  	_ =	shalt  }
0x47: {  	_ =	shalt  }
0x48: {  	_ =	shalt  }
0x49: {  	_ =	shalt  }
0x4a: {  	_ =	shalt  }
0x4b: {  	_ =	shalt  }
0x4c: {  	_ =	shalt  }
0x4d: {  	_ =	shalt  }
0x4e: {  	_ =	shalt  }
0x4f: {  	_ =	shalt  }
0x50: {  	_ =	shalt  }
0x51: {  	_ =	shalt  }
0x52: {  	_ =	shalt  }
0x53: {  	_ =	shalt  }
0x54: {  	_ =	shalt  }
0x55: {  	_ =	shalt  }
0x56: {  	_ =	shalt  }
0x57: {  	_ =	shalt  }
0x58: {  	_ =	shalt  }
0x59: {  	_ =	shalt  }
0x5a: {  	_ =	shalt  }
0x5b: {  	_ =	shalt  }
0x5c: {  	_ =	shalt  }
0x5d: {  	_ =	shalt  }
0x5e: {  	_ =	shalt  }
0x5f: {  	_ =	shalt  }
0x60: {  	_ =	shalt  }
0x61: {  	_ =	shalt  }
0x62: {  	_ =	shalt  }
0x63: {  	_ =	shalt  }
0x64: {  	_ =	shalt  }
0x65: {  	_ =	shalt  }
0x66: {  	_ =	shalt  }
0x67: {  	_ =	shalt  }
0x68: {  	_ =	shalt  }
0x69: {  	_ =	shalt  }
0x6a: {  	_ =	shalt  }
0x6b: {  	_ =	shalt  }
0x6c: {  	_ =	shalt  }
0x6d: {  	_ =	shalt  }
0x6e: {  	_ =	shalt  }
0x6f: {  	_ =	shalt  }
0x70: {  	_ =	shalt  }
0x71: {  	_ =	shalt  }
0x72: {  	_ =	shalt  }
0x73: {  	_ =	shalt  }
0x74: {  	_ =	shalt  }
0x75: {  	_ =	shalt  }
0x76: {  	_ =	shalt  }
0x77: {  	_ =	shalt  }
0x78: {  	_ =	shalt  }
0x79: {  	_ =	shalt  }
0x7a: {  	_ =	shalt  }
0x7b: {  	_ =	shalt  }
0x7c: {  	_ =	shalt  }
0x7d: {  	_ =	shalt  }
0x7e: {  	_ =	shalt  }
0x7f: {  	_ =	shalt  }
0x80: {  	_ =	shalt  }
0x81: {  	_ =	shalt  }
0x82: {  	_ =	shalt  }
0x83: {  	_ =	shalt  }
0x84: {  	_ =	shalt  }
0x85: {  	_ =	shalt  }
0x86: {  	_ =	shalt  }
0x87: {  	_ =	shalt  }
.Lfunc_end0:
.L_simem_size_0:
called_computation.1_lowered:
.L_overlay_start_0:
0x88: {  	s2 =	sld [smem:$0x3FD9]  }
0x89: {  	s3 =	sld [smem:$0x3FFE];
	_ =	sdelay $0x1  }
0x8a: {  	s1 =	srdreg.scid  }
0x8b: {  	s0 =	sand.u32 $0x1, s1  }
0x8c: {  	s16 =	sshll.u32 s0, $0xA;
	s2 =	sadd.s32 s3, s2  }
0x8d: {  	s2 =	sadd.s32 s2, s16  }
0x8e: {  	[smem:$0x3FB7] =	sst s2  }
0x8f: {  	_ = 	snop  }
0x90: {  	(tm) =	ssettm $0x1  }
0x91: {  	s17 =	sld [smem:$0x3FFB];
	_ =	sdelay $0x3  }
0x92: {  	_ =	strace s17  }
0x93: {  	s2 =	sld [smem:$0x3FFC];
	_ =	sdelay $0x3  }
0x94: {  	_ =	strace s2  }
0x95: {  	s2 =	sld [smem:$0x3FFD];
	_ =	sdelay $0x3  }
0x96: {  	_ =	strace s2  }
0x97: {  	_ =	strace $0x8FFFFFFF  }
0x98: {  	s18 =	sld [smem:$0x3FDB];
	_ =	sdelay $0x1  }
0x99: {  	s19 =	simm.s32 $_scs_section_size  }
0x9a: {  	s4 =	simm.s32 $_size__tile_overlayer_lowered;
	s5 =	simm.s32 $_tile_overlayer_lowered  }
0x9b: {  	s22 =	simm.s32 $0x1BFF;
	s21 =	sshll.u32 s5, $0x1;
	s2 =	sadd.s32 s19, s18  }
0x9c: {  	s6 =	simm.s32 $0x0;
	s20 =	sshll.u32 s4, $0x1;
	s4 =	sadd.s32 s21, s2  }
0x9d: {  	[timem:s6], [sflag:s22] =	dma.local [hbm:s4], s20  }
0x9e: {  	_ =	swait.ge [sflag:s22], s20  }
0x9f: {  	s3 =	ssub.s32 $0x0, s20;
	[sflag:s22] =	ssyncset.done $0x0  }
0xa0: {  	[sflag:s22] =	ssyncadd.s32 s3;
	_ =	sdelay $0x1  }
0xa1: {  	s23 =	simm.s32 $0x1B8B  }
0xa2: {  	_ =	swait.ge [sflag:s23], $0x1  }
0xa3: {  	[sflag:s23] =	ssyncset.done $0x0  }
0xa4: {  	s25 =	simm.s32 $0x1B8E;
	s24 =	sld [smem:$0x3FFE];
	[sflag:s23] =	ssyncadd.s32 $0xFFFFFFFF  }
0xa5: {  	s26 =	simm.s32 $execute0_lowered;
	[smem:$0x3FD2] =	sst s25  }
0xa6: {  	s4 =	sshll.u32 s26, $0x1;
	_ =	strace $0x80000049;
	[dreg:$0x1] =	wrdreg $0xFFFFFFFF  }
0xa7: {  	s28 =	simm.s32 $_size_execute0_lowered;
	s2 =	sadd.s32 s2, s4;
	[dreg:$0x0] =	wrdreg $0x0  }
0xa8: {  	s4 =	sshll.u32 s28, $0x1;
	[dreg:$0x2] =	wrdreg s2  }
0xa9: {  	[dreg:$0x3] =	wrdreg s4  }
0xaa: {  	[dreg:$0x4] =	wrdreg $0xC0  }
0xab: {  	_ =	task [dreg:s6], $0x5FFFF  }
0xac: {  	[dreg:$0x1] =	wrdreg $0xFFFFFFFF  }
0xad: {  	[dreg:$0x0] =	wrdreg $0x60  }
0xae: {  	[dreg:$0x2] =	wrdreg s24  }
0xaf: {  	[dreg:$0x3] =	wrdreg $0x6D600  }
0xb0: {  	[dreg:$0x4] =	wrdreg $0x9  }
0xb1: {  	_ =	task.clear_ibuf [dreg:s6], $0x5FFFF;
	_ =	strace $0x90000049  }
0xb2: {  	s29 =	simm.s32 $0x9;
	_ =	strace $0x8000004B  }
0xb3: {  	_ =	swait.ge [sflag:s29], $0x1  }
0xb4: {  	[sflag:s29] =	ssyncadd.s32 $0xFFFFFFFF  }
0xb5: {  	_ =	strace $0x9000004B  }
0xb6: {  	_ =	sfence  }
0xb7: {  	s30 =	sld [smem:$0x0];
	_ =	sdelay $0x2  }
0xb8: {  	s31 =	sshll.u32 s1, $0xD;
	s1 =	sshrl.u32 s1, $0x2  }
0xb9: {  	s3 =	sand.u32 $0x4000, s31;
	s1 =	sadd.s32 s1, s30  }
0xba: {  	s0 =	sor.u32 s3, s0;
	s1 =	sshll.u32 s1, $0x11  }
0xbb: {  	s0 =	sor.u32 s1, s0  }
0xbc: {  	s0 =	sadd.s32 $0x8F2B, s0  }
0xbd: {  	[sflag:s0] =	ssyncadd.remote.s32 $0x1  }
0xbe: {  	_ =	sfence.sel $0xFFFF  }
0xbf: {  	[dreg:$0x0] =	wrdreg $0xFFFFFFFF;
	(pc) =	sbr.abs _section_cstart, $3  }
0xc0: {  	[dreg:$0x1] =	wrdreg $0xFFFFFFFF  }
0xc1: {  	_ =	task.clear_ibuf [dreg:s6], $0x2FFFF;
	_ =	strace $0x9FFFFFFF  }
0xc2: {  	(tm) =	ssettm $0x7FFFFFFF  }
0xc3: {  	_ =	shalt  }
tec
execute0_lowered:
.L_overlay_start_1:
0x0: {  	(tag) =	ssettag $0x1  }
0x1: {  	s6 =	rddreg [dreg:$0x0]  }
0x2: {  	s0 =	srdreg.scid;
	s2 =	rddreg [dreg:$0x1]  }
0x3: {  	s1 =	rddreg [dreg:$0x2];
	s3 =	simm.s32 $0x0;
	s14 =	simm.s32 $0x38  }
0x4: {  	s15 =	simm.s32 $0x2760;
	s16 =	simm.s32 $0x4A60;
	s7 =	sand.u32 $0x1, s0  }
0x5: {  	s17 =	simm.s32 $0x1;
	s0 =	stileid.u32;
	s4 =	smul.u32 $0x13B00, s7  }
0x6: {  	s18 =	simm.s32 $0x2;
	s19 =	simm.s32 $0x26F0;
	s5 =	smul.u32 $0x13B0, s0  }
0x7: {  	s20 =	simm.s32 $0x2728;
	s21 =	simm.s32 $0x0;
	s8 =	smul.u32 $0x19000, s0  }
0x8: {  	[smem:$0x7FF] =	sst s3;
	s30 =	smul.u32 $0x190000, s7;
	s7 =	ssub.s32 $0x2, s7  }
0x9: {  	_ =	strace $0x8000004A;
	s11 =	sshll.u32 s0, $0x6;
	s31 =	sshrl.u32 s7, $0x1  }
0xa: {  	s4 =	sadd.s32 s5, s4;
	s10 =	sadd.s32 s8, s30;
	s5 =	sadd.s32 $0x10200, s6  }
0xb: {  	s12 =	ssub.s32 s7, s31;
	s13 =	sadd.s32 s8, s2;
	s4 =	sshrl.u32 s4, $0x3  }
0xc: {  	s10 =	sshrl.u32 s10, $0x3;
	s9 =	sadd.s32 s4, s6;
	s4 =	sadd.s32 $0x1E1C00, s6  }
0xd: {  	s10 =	sadd.s32 s10, s6;
	s6 =	sor.u32 $0x1C03, s11;
	s11 =	sshrl.u32 s13, $0x3  }
0xe: {  	s13 =	simm.s32 $0x13B0;
	s7 =	sadd.s32 $0x6200, s9;
	s8 =	sadd.s32 $0xB200, s9  }
0xf: {  	s9 =	sadd.s32 $0x79C00, s10;
	s10 =	smax.u32 s12, $0x1;
	s12 =	simm.s32 $0x3  }
.LBB2_1:
0x10: {  	[spmem:s11], [sflag:s6] =	dma.local [hbm:s5], $0x3200  }
0x11: {  	_ =	swait.ge [sflag:s12], $0x3200  }
0x12: {  	[sflag:s12] =	ssyncset.done $0x0  }
0x13: {  	[sflag:s12] =	ssyncadd.s32 $0xFFFFCE00  }
0x14: {  	[bflag:$0x0] =	sbarrier.arrive $0xFFFF  }
0x15: {  	[tilespmem:s3], [sflag:$0x3] =	stream.linear.gather [hbm4b:s7+s3], $0x13B0, $0x38;
	[tilespmem:$0x1FD60] =	vst v63  }
0x16: {  	_ =	swait.ge [sflag:s12], $0x13B0  }
0x17: {  	[sflag:s12] =	ssyncset.done $0x0  }
0x18: {  	[sflag:s12] =	ssyncadd.s32 $0xFFFFEC50  }
0x19: {  	[tilespmem:s13], [sflag:$0x3] =	stream.linear.gather [hbm4b:s8+s3], $0x13B0, $0x38;
	[tilespmem:$0x1FD60] =	vst v63  }
0x1a: {  	_ =	swait.ge [sflag:s12], $0x13B0  }
0x1b: {  	[sflag:s12] =	ssyncset.done $0x0  }
0x1c: {  	[sflag:s12] =	ssyncadd.s32 $0xFFFFEC50  }
0x1d: {  	[tilespmem:s15], [sflag:$0x1] =	stream.indirect.gather [hbm4b:s4+s14], $0xA0, s3, s14, $0xb8;
	[tilespmem:$0x1FD60] =	vst v63  }
0x1e: {  	_ = 	snop  }
0x1f: {  	[tilespmem:s16], [sflag:$0x2] =	stream.indirect.gather [hbm4b:s4+s14], $0xA0, s14, s14, $0xb8;
	[tilespmem:$0x1FD60] =	vst v63  }
0x20: {  	_ =	swait.ge [sflag:s17], $0x2300  }
0x21: {  	[sflag:s17] =	ssyncset.done $0x0  }
0x22: {  	s22 =	simm.s32 $0x13B0;
	[sflag:s17] =	ssyncadd.s32 $0xFFFFDD00  }
0x23: {  	[spmem:s2] =	stream.indirect.scatter.add.f32 [tilespmem:s15], [sflag:$0x3], $0xA0, s22, s14, $0xb8;
	[tilespmem:$0x1FD60] =	vst v63  }
0x24: {  	_ =	swait.ge [sflag:s12], $0x2300  }
0x25: {  	[sflag:s12] =	ssyncset.done $0x0  }
0x26: {  	s30 =	simm.s32 $0x70;
	[sflag:s12] =	ssyncadd.s32 $0xFFFFDD00  }
0x27: {  	[tilespmem:s15], [sflag:$0x1] =	stream.indirect.gather [hbm4b:s4+s14], $0xA0, s30, s14, $0xb8;
	[tilespmem:$0x1FD60] =	vst v63  }
0x28: {  	_ =	swait.ge [sflag:s18], $0x2300  }
0x29: {  	[sflag:s18] =	ssyncset.done $0x0  }
0x2a: {  	s31 =	simm.s32 $0x13E8;
	[sflag:s18] =	ssyncadd.s32 $0xFFFFDD00  }
0x2b: {  	[spmem:s2] =	stream.indirect.scatter.add.f32 [tilespmem:s16], [sflag:$0x3], $0xA0, s31, s14, $0xb8;
	[tilespmem:$0x1FD60] =	vst v63  }
0x2c: {  	_ =	swait.ge [sflag:s12], $0x2300  }
0x2d: {  	[sflag:s12] =	ssyncset.done $0x0  }
0x2e: {  	s23 =	simm.s32 $0xA8;
	s22 =	simm.s32 $0x1C0;
	[sflag:s12] =	ssyncadd.s32 $0xFFFFDD00  }
.LBB2_2:
0x2f: {  	[tilespmem:s16], [sflag:$0x2] =	stream.indirect.gather [hbm4b:s4+s14], $0xA0, s23, s14, $0xb8;
	[tilespmem:$0x1FD60] =	vst v63  }
0x30: {  	s23 =	smov.u32 s22  }
0x31: {  	p0 =	sne.s32 s22, $0x4B40;
	s22 =	sadd.s32 $0x1C0, s22;
	_ =	swait.ge [sflag:s17], $0x2300  }
0x32: {  	s23 =	sshra.s32 s23, $0x2;
	[sflag:s17] =	ssyncset.done $0x0  }
0x33: {  	s24 =	sadd.s32 $0x13B0, s23;
	[sflag:s17] =	ssyncadd.s32 $0xFFFFDD00  }
0x34: {  	[spmem:s2] =	stream.indirect.scatter.add.f32 [tilespmem:s15], [sflag:$0x3], $0xA0, s24, s14, $0xb8;
	[tilespmem:$0x1FD60] =	vst v63  }
0x35: {  	_ =	swait.ge [sflag:s12], $0x2300  }
0x36: {  	[sflag:s12] =	ssyncset.done $0x0  }
0x37: {  	s24 =	sadd.s32 $0x70, s23;
	[sflag:s12] =	ssyncadd.s32 $0xFFFFDD00  }
0x38: {  	[tilespmem:s15], [sflag:$0x1] =	stream.indirect.gather [hbm4b:s4+s14], $0xA0, s24, s14, $0xb8;
	[tilespmem:$0x1FD60] =	vst v63  }
0x39: {  	_ =	swait.ge [sflag:s18], $0x2300  }
0x3a: {  	[sflag:s18] =	ssyncset.done $0x0  }
.Ltmp0:
0x3b: {  	s24 =	sadd.s32 $0x13E8, s23;
	[sflag:s18] =	ssyncadd.s32 $0xFFFFDD00;
	(pc) =	sbr.rel @p0 .LBB2_2-.Ltmp0, $4  }
0x3c: {  	[spmem:s2] =	stream.indirect.scatter.add.f32 [tilespmem:s16], [sflag:$0x3], $0xA0, s24, s14, $0xb8;
	[tilespmem:$0x1FD60] =	vst v63  }
0x3d: {  	_ =	swait.ge [sflag:s12], $0x2300  }
0x3e: {  	[sflag:s12] =	ssyncset.done $0x0  }
0x3f: {  	s23 =	sadd.s32 $0xA8, s23;
	[sflag:s12] =	ssyncadd.s32 $0xFFFFDD00  }
0x40: {  	[tilespmem:s16], [sflag:$0x2] =	stream.indirect.gather [hbm4b:s4+s14], $0xA0, s23, s14, $0xb8;
	[tilespmem:$0x1FD60] =	vst v63  }
0x41: {  	_ =	swait.ge [sflag:s17], $0x2300  }
0x42: {  	[sflag:s17] =	ssyncset.done $0x0  }
0x43: {  	[sflag:s17] =	ssyncadd.s32 $0xFFFFDD00  }
0x44: {  	[spmem:s2] =	stream.indirect.scatter.add.f32 [tilespmem:s15], [sflag:$0x3], $0xA0, s19, s14, $0xb8;
	[tilespmem:$0x1FD60] =	vst v63  }
0x45: {  	_ =	swait.ge [sflag:s12], $0x2300  }
0x46: {  	[sflag:s12] =	ssyncset.done $0x0  }
0x47: {  	[sflag:s12] =	ssyncadd.s32 $0xFFFFDD00  }
0x48: {  	_ =	swait.ge [sflag:s18], $0x2300  }
0x49: {  	[sflag:s18] =	ssyncset.done $0x0  }
0x4a: {  	[sflag:s18] =	ssyncadd.s32 $0xFFFFDD00  }
0x4b: {  	[spmem:s2] =	stream.indirect.scatter.add.f32 [tilespmem:s16], [sflag:$0x3], $0xA0, s20, s14, $0xb8;
	[tilespmem:$0x1FD60] =	vst v63  }
0x4c: {  	_ =	swait.ge [sflag:s12], $0x2300  }
0x4d: {  	s21 =	sadd.s32 $0x1, s21;
	[sflag:s12] =	ssyncset.done $0x0  }
0x4e: {  	p0 =	sne.s32 s21, s10;
	[sflag:s12] =	ssyncadd.s32 $0xFFFFDD00  }
.Ltmp1:
0x4f: {  	[bflag:$0x0] =	sbarrier.arrive $0xFFFF;
	(pc) =	sbr.rel @p0 .LBB2_1-.Ltmp1, $4  }
0x50: {  	[hbm:s9], [sflag:s6] =	dma.local [spmem:s11], $0x3200  }
0x51: {  	_ =	swait.ge [sflag:s12], $0x3200  }
0x52: {  	[sflag:s12] =	ssyncset.done $0x0  }
0x53: {  	[sflag:s12] =	ssyncadd.s32 $0xFFFFCE00  }
0x54: {  	_ =	sfence.sel $0x180000  }
0x55: {  	[bflag:$0x0] =	sbarrier.arrive $0xFFFF  }
0x56: {  	p0 =	sne.s32 s0, $0x0;
	_ =	strace $0x9000004A  }
0x57: {  	s0 =	sadd.s32 @!p0 $0x100000, s1;
	[bflag:$0x2] =	sbarrier.arrive $0xFFFF  }
0x58: {  	[sflag:s0] =	ssyncadd.tile.s32 @!p0 $0x1;
	_ =	shalt  }
.Lfunc_end2:
_tile_overlayer_lowered:
.L_overlay_start_2:
0x59: {  	(tag) =	ssettag $0x2  }
0x5a: {  	s0 =	rddreg [dreg:$0x0];
	s2 =	stileid.u32  }
0x5b: {  	s1 =	rddreg [dreg:$0x1];
	p0 =	sne.s32 s2, $0x0  }
0x5c: {  	s3 =	rddreg [dreg:$0x2];
	[bflag:$0x3] =	sbarrier.arrive $0xFFFF;
	s2 =	simm.s32 @!p0 $0x1C03  }
0x5d: {  	[timem:s3], [sflag:s2] =	dma.local @!p0 [hbm:s0], s1  }
0x5e: {  	s0 =	simm.s32 @!p0 $0x3  }
0x5f: {  	_ =	swait.ge @!p0 [sflag:s0], s1  }
0x60: {  	s1 =	ssub.s32 @!p0 $0x0, s1;
	[sflag:s0] =	ssyncset.done @!p0 $0x0  }
0x61: {  	[sflag:s0] =	ssyncadd.s32 @!p0 s1  }
0x62: {  	[bflag:$0x3] =	sbarrier.arrive $0xFFFF  }
0x63: {  	_ =	shalt  }

// kernel: kernel.25.cloned.1.call-start
scs
__scs_entry_jumppad:
0x0: {  	(pc) =	sbr.rel $0x88, $3  }
0x1: {  	(tag) =	ssettag $0x0;
	lr =	simm.s32 $0x1  }
0x2: {  	[smem:$0x3F90] =	sst lr;
	_ =	strace $0xD0000000  }
0x3: {  	_ = 	snop  }
0x4: {  	_ = 	snop  }
0x5: {  	_ = 	snop  }
0x6: {  	_ = 	snop  }
0x7: {  	_ = 	snop  }
__scs_overlays_trampoline_lowered:
0x8: {  	[smem:$0x3F9F] =	sst s0  }
0x9: {  	[smem:$0x3FA0] =	sst s1  }
0xa: {  	[smem:$0x3FA1] =	sst s2  }
0xb: {  	[smem:$0x3FA2] =	sst s3  }
0xc: {  	[smem:$0x3FA3] =	sst s4  }
0xd: {  	[smem:$0x3FA4] =	sst s5  }
0xe: {  	[smem:$0x3FA5] =	sst s6  }
0xf: {  	[smem:$0x3FA6] =	sst s7  }
0x10: {  	[smem:$0x3FA7] =	sst s8  }
0x11: {  	[smem:$0x3FA8] =	sst s9;
	s0 =	simm.s32 @!p0 $0x0  }
0x12: {  	s1 =	sld [smem:$0x3F8E];
	s0 =	simm.s32 @p0 $0x1  }
0x13: {  	[smem:$0x3FA9] =	sst s0;
	s0 =	simm.s32 @!p1 $0x0  }
0x14: {  	s2 =	sld [smem:$0x3F8D];
	s0 =	simm.s32 @p1 $0x1  }
0x15: {  	[smem:$0x3FAA] =	sst s0;
	s0 =	simm.s32 @!p2 $0x0  }
0x16: {  	s3 =	sld [smem:$0x3FDB];
	s0 =	simm.s32 @p2 $0x1  }
0x17: {  	s4 =	simm.s32 $0x1BF5;
	[smem:$0x3FAC] =	sst s0  }
0x18: {  	s0 =	sld [smem:$0x3F8F];
	_ =	swait.ge [sflag:s4], $0x0  }
0x19: {  	s7 =	sld [smem:$0x3F90]  }
0x1a: {  	s8 =	sadd.s32 $0xFFFFE003, lr  }
0x1b: {  	s9 =	sadd.s32 $0xFFFFFEF7, lr;
	s5 =	simm.s32 $0xFFFFFFFF;
	p2 =	slt.u32 s8, $0xFFFFF086  }
0x1c: {  	p1 =	slt.u32 s9, $0xF7A;
	s5 =	simm.s32 @!p2 $0x0  }
0x1d: {  	s5 =	simm.s32 @p1 $0x1;
	p0 =	seq.s32 s7, s2  }
0x1e: {  	s7 =	smul.u32 @!p0 $0xF7A, s2;
	p2 =	seq.s32 @!p0 s5, $0x0  }
0x1f: {  	s9 =	smul.u32 $0xF7A, s1;
	s8 =	simm.s32 @!p0 $0x1BF5;
	p2 =	por !p2, p0  }
0x20: {  	[sflag:s8] =	ssyncset.s32 @!p0 $0xFFFFF086;
	s6 =	sadd.s32 @!p0 s3, s7;
	s7 =	simm.s32 @!p0 $0x108  }
0x21: {  	s3 =	sadd.s32 s3, s9;
	s6 =	sadd.s32 @!p0 $0x88, s6;
	s7 =	simm.s32 @p2 $0x1082  }
0x22: {  	[simem:s7], [sflag:s8] =	dma.local @!p0 [hbm:s6], $0xF7A  }
0x23: {  	s9 =	sor.u32 $0xD0000000, s2;
	s6 =	simm.s32 $0x108;
	_ =	swait.ge @!p0 [sflag:s8], $0x0  }
0x24: {  	s3 =	sadd.s32 $0x88, s3;
	s6 =	simm.s32 @!p1 $0x1082;
	[sflag:s4] =	ssyncset.s32 $0xFFFFF086  }
0x25: {  	[simem:s6], [sflag:s4] =	dma.local [hbm:s3], $0xF7A  }
0x26: {  	[smem:$0x3F90] =	sst s1;
	(tag) =	ssettag s2;
	_ =	strace s9  }
0x27: {  	s1 =	sld [smem:$0x3FA0]  }
0x28: {  	s2 =	sld [smem:$0x3FA1]  }
0x29: {  	s4 =	sld [smem:$0x3FA3]  }
0x2a: {  	p0 =	seq.s32 s5, $0x0;
	s5 =	sld [smem:$0x3FA4]  }
0x2b: {  	s6 =	sld [smem:$0x3FA5]  }
0x2c: {  	s7 =	sld [smem:$0x3FA6]  }
0x2d: {  	s3 =	simm.s32 $0x108;
	s8 =	sld [smem:$0x3FA7]  }
0x2e: {  	s3 =	simm.s32 @!p0 $0x1082;
	s9 =	sld [smem:$0x3FA8]  }
0x2f: {  	lr =	sadd.s32 s0, s3;
	s0 =	sld [smem:$0x3F9F]  }
0x30: {  	s3 =	sld [smem:$0x3FA2]  }
0x31: {  	[smem:$0x3FAB] =	sst s10  }
0x32: {  	s10 =	sld [smem:$0x3FA9];
	_ =	sdelay $0x3  }
0x33: {  	p0 =	seq.s32 s10, $0x1;
	s10 =	sld [smem:$0x3FAB];
	_ =	sdelay $0x3  }
0x34: {  	[smem:$0x3FAB] =	sst s10  }
0x35: {  	s10 =	sld [smem:$0x3FAA];
	_ =	sdelay $0x3  }
0x36: {  	p1 =	seq.s32 s10, $0x1;
	s10 =	sld [smem:$0x3FAB];
	_ =	sdelay $0x3  }
0x37: {  	[smem:$0x3FAB] =	sst s10  }
0x38: {  	s10 =	sld [smem:$0x3FAC]  }
0x39: {  	_ = 	snop;
	(pc) =	sbr.ind lr, $3  }
0x3a: {  	_ = 	snop  }
0x3b: {  	_ = 	snop  }
0x3c: {  	p2 =	seq.s32 s10, $0x1;
	s10 =	sld [smem:$0x3FAB]  }
0x3d: {  	_ =	shalt  }
0x3e: {  	_ =	shalt  }
0x3f: {  	_ =	shalt  }
0x40: {  	_ =	shalt  }
0x41: {  	_ =	shalt  }
0x42: {  	_ =	shalt  }
0x43: {  	_ =	shalt  }
0x44: {  	_ =	shalt  }
0x45: {  	_ =	shalt  }
0x46: {  	_ =	shalt  }
0x47: {  	_ =	shalt  }
0x48: {  	_ =	shalt  }
0x49: {  	_ =	shalt  }
0x4a: {  	_ =	shalt  }
0x4b: {  	_ =	shalt  }
0x4c: {  	_ =	shalt  }
0x4d: {  	_ =	shalt  }
0x4e: {  	_ =	shalt  }
0x4f: {  	_ =	shalt  }
0x50: {  	_ =	shalt  }
0x51: {  	_ =	shalt  }
0x52: {  	_ =	shalt  }
0x53: {  	_ =	shalt  }
0x54: {  	_ =	shalt  }
0x55: {  	_ =	shalt  }
0x56: {  	_ =	shalt  }
0x57: {  	_ =	shalt  }
0x58: {  	_ =	shalt  }
0x59: {  	_ =	shalt  }
0x5a: {  	_ =	shalt  }
0x5b: {  	_ =	shalt  }
0x5c: {  	_ =	shalt  }
0x5d: {  	_ =	shalt  }
0x5e: {  	_ =	shalt  }
0x5f: {  	_ =	shalt  }
0x60: {  	_ =	shalt  }
0x61: {  	_ =	shalt  }
0x62: {  	_ =	shalt  }
0x63: {  	_ =	shalt  }
0x64: {  	_ =	shalt  }
0x65: {  	_ =	shalt  }
0x66: {  	_ =	shalt  }
0x67: {  	_ =	shalt  }
0x68: {  	_ =	shalt  }
0x69: {  	_ =	shalt  }
0x6a: {  	_ =	shalt  }
0x6b: {  	_ =	shalt  }
0x6c: {  	_ =	shalt  }
0x6d: {  	_ =	shalt  }
0x6e: {  	_ =	shalt  }
0x6f: {  	_ =	shalt  }
0x70: {  	_ =	shalt  }
0x71: {  	_ =	shalt  }
0x72: {  	_ =	shalt  }
0x73: {  	_ =	shalt  }
0x74: {  	_ =	shalt  }
0x75: {  	_ =	shalt  }
0x76: {  	_ =	shalt  }
0x77: {  	_ =	shalt  }
0x78: {  	_ =	shalt  }
0x79: {  	_ =	shalt  }
0x7a: {  	_ =	shalt  }
0x7b: {  	_ =	shalt  }
0x7c: {  	_ =	shalt  }
0x7d: {  	_ =	shalt  }
0x7e: {  	_ =	shalt  }
0x7f: {  	_ =	shalt  }
0x80: {  	_ =	shalt  }
0x81: {  	_ =	shalt  }
0x82: {  	_ =	shalt  }
0x83: {  	_ =	shalt  }
0x84: {  	_ =	shalt  }
0x85: {  	_ =	shalt  }
0x86: {  	_ =	shalt  }
0x87: {  	_ =	shalt  }
.Lfunc_end0:
.L_simem_size_0:
called_computation.2_lowered:
.L_overlay_start_0:
0x88: {  	s2 =	sld [smem:$0x3FD9]  }
0x89: {  	s3 =	sld [smem:$0x3FFE];
	_ =	sdelay $0x1  }
0x8a: {  	s1 =	srdreg.scid  }
0x8b: {  	s0 =	sand.u32 $0x1, s1  }
0x8c: {  	s16 =	sshll.u32 s0, $0xA;
	s2 =	sadd.s32 s3, s2  }
0x8d: {  	s2 =	sadd.s32 s2, s16  }
0x8e: {  	[smem:$0x3FB7] =	sst s2  }
0x8f: {  	_ = 	snop  }
0x90: {  	(tm) =	ssettm $0x1  }
0x91: {  	s17 =	sld [smem:$0x3FFB];
	_ =	sdelay $0x3  }
0x92: {  	_ =	strace s17  }
0x93: {  	s2 =	sld [smem:$0x3FFC];
	_ =	sdelay $0x3  }
0x94: {  	_ =	strace s2  }
0x95: {  	s2 =	sld [smem:$0x3FFD];
	_ =	sdelay $0x3  }
0x96: {  	_ =	strace s2  }
0x97: {  	_ =	strace $0x8FFFFFFF  }
0x98: {  	s18 =	sld [smem:$0x3FDB];
	_ =	sdelay $0x1  }
0x99: {  	s19 =	simm.s32 $_scs_section_size  }
0x9a: {  	s4 =	simm.s32 $_size__tile_overlayer_lowered;
	s5 =	simm.s32 $_tile_overlayer_lowered  }
0x9b: {  	s22 =	simm.s32 $0x1BFF;
	s21 =	sshll.u32 s5, $0x1;
	s2 =	sadd.s32 s19, s18  }
0x9c: {  	s6 =	simm.s32 $0x0;
	s20 =	sshll.u32 s4, $0x1;
	s4 =	sadd.s32 s21, s2  }
0x9d: {  	[timem:s6], [sflag:s22] =	dma.local [hbm:s4], s20  }
0x9e: {  	_ =	swait.ge [sflag:s22], s20  }
0x9f: {  	s3 =	ssub.s32 $0x0, s20;
	[sflag:s22] =	ssyncset.done $0x0  }
0xa0: {  	[sflag:s22] =	ssyncadd.s32 s3;
	_ =	sdelay $0x1  }
0xa1: {  	s23 =	simm.s32 $0x1B8B  }
0xa2: {  	_ =	swait.ge [sflag:s23], $0x1  }
0xa3: {  	[sflag:s23] =	ssyncset.done $0x0  }
0xa4: {  	s25 =	simm.s32 $0x1B8E;
	s24 =	sld [smem:$0x3FFE];
	[sflag:s23] =	ssyncadd.s32 $0xFFFFFFFF  }
0xa5: {  	s26 =	simm.s32 $execute0_lowered;
	[smem:$0x3FD2] =	sst s25  }
0xa6: {  	s4 =	sshll.u32 s26, $0x1;
	_ =	strace $0x8000004C;
	[dreg:$0x1] =	wrdreg $0xFFFFFFFF  }
0xa7: {  	s28 =	simm.s32 $_size_execute0_lowered;
	s2 =	sadd.s32 s2, s4;
	[dreg:$0x0] =	wrdreg $0x0  }
0xa8: {  	s4 =	sshll.u32 s28, $0x1;
	[dreg:$0x2] =	wrdreg s2  }
0xa9: {  	[dreg:$0x3] =	wrdreg s4  }
0xaa: {  	[dreg:$0x4] =	wrdreg $0xC0  }
0xab: {  	_ =	task [dreg:s6], $0x5FFFF  }
0xac: {  	[dreg:$0x1] =	wrdreg $0xFFFFFFFF  }
0xad: {  	[dreg:$0x0] =	wrdreg $0x60  }
0xae: {  	[dreg:$0x2] =	wrdreg s24  }
0xaf: {  	[dreg:$0x3] =	wrdreg $0x6D600  }
0xb0: {  	[dreg:$0x4] =	wrdreg $0x9  }
0xb1: {  	_ =	task.clear_ibuf [dreg:s6], $0x5FFFF;
	_ =	strace $0x9000004C  }
0xb2: {  	s29 =	simm.s32 $0x9;
	_ =	strace $0x8000004E  }
0xb3: {  	_ =	swait.ge [sflag:s29], $0x1  }
0xb4: {  	[sflag:s29] =	ssyncadd.s32 $0xFFFFFFFF  }
0xb5: {  	_ =	strace $0x9000004E  }
0xb6: {  	_ =	sfence  }
0xb7: {  	s30 =	sld [smem:$0x0];
	_ =	sdelay $0x2  }
0xb8: {  	s31 =	sshll.u32 s1, $0xD;
	s1 =	sshrl.u32 s1, $0x2  }
0xb9: {  	s3 =	sand.u32 $0x4000, s31;
	s1 =	sadd.s32 s1, s30  }
0xba: {  	s0 =	sor.u32 s3, s0;
	s1 =	sshll.u32 s1, $0x11  }
0xbb: {  	s0 =	sor.u32 s1, s0  }
0xbc: {  	s0 =	sadd.s32 $0x8F2B, s0  }
0xbd: {  	[sflag:s0] =	ssyncadd.remote.s32 $0x1  }
0xbe: {  	_ =	sfence.sel $0xFFFF  }
0xbf: {  	[dreg:$0x0] =	wrdreg $0xFFFFFFFF;
	(pc) =	sbr.abs _section_cstart, $3  }
0xc0: {  	[dreg:$0x1] =	wrdreg $0xFFFFFFFF  }
0xc1: {  	_ =	task.clear_ibuf [dreg:s6], $0x2FFFF;
	_ =	strace $0x9FFFFFFF  }
0xc2: {  	(tm) =	ssettm $0x7FFFFFFF  }
0xc3: {  	_ =	shalt  }
tec
execute0_lowered:
.L_overlay_start_1:
0x0: {  	(tag) =	ssettag $0x1  }
0x1: {  	s6 =	rddreg [dreg:$0x0]  }
0x2: {  	s0 =	srdreg.scid;
	s2 =	rddreg [dreg:$0x1]  }
0x3: {  	s1 =	rddreg [dreg:$0x2];
	s3 =	simm.s32 $0x0;
	s14 =	simm.s32 $0x38  }
0x4: {  	s15 =	simm.s32 $0x2760;
	s16 =	simm.s32 $0x4A60;
	s7 =	sand.u32 $0x1, s0  }
0x5: {  	s17 =	simm.s32 $0x1;
	s0 =	stileid.u32;
	s4 =	smul.u32 $0x13B00, s7  }
0x6: {  	s18 =	simm.s32 $0x2;
	s19 =	simm.s32 $0x26F0;
	s5 =	smul.u32 $0x13B0, s0  }
0x7: {  	s20 =	simm.s32 $0x2728;
	s21 =	simm.s32 $0x0;
	s8 =	smul.u32 $0x19000, s0  }
0x8: {  	[smem:$0x7FF] =	sst s3;
	s30 =	smul.u32 $0x190000, s7;
	s7 =	ssub.s32 $0x2, s7  }
0x9: {  	_ =	strace $0x8000004D;
	s11 =	sshll.u32 s0, $0x6;
	s31 =	sshrl.u32 s7, $0x1  }
0xa: {  	s4 =	sadd.s32 s5, s4;
	s10 =	sadd.s32 s8, s30;
	s5 =	sadd.s32 $0x10200, s6  }
0xb: {  	s12 =	ssub.s32 s7, s31;
	s13 =	sadd.s32 s8, s2;
	s4 =	sshrl.u32 s4, $0x3  }
0xc: {  	s10 =	sshrl.u32 s10, $0x3;
	s9 =	sadd.s32 s4, s6;
	s4 =	sadd.s32 $0x79C00, s6  }
0xd: {  	s10 =	sadd.s32 s10, s6;
	s6 =	sor.u32 $0x1C03, s11;
	s11 =	sshrl.u32 s13, $0x3  }
0xe: {  	s13 =	simm.s32 $0x13B0;
	s7 =	sadd.s32 $0x6200, s9;
	s8 =	sadd.s32 $0xB200, s9  }
0xf: {  	s9 =	sadd.s32 $0x13400, s10;
	s10 =	smax.u32 s12, $0x1;
	s12 =	simm.s32 $0x3  }
.LBB2_1:
0x10: {  	[spmem:s11], [sflag:s6] =	dma.local [hbm:s5], $0x3200  }
0x11: {  	_ =	swait.ge [sflag:s12], $0x3200  }
0x12: {  	[sflag:s12] =	ssyncset.done $0x0  }
0x13: {  	[sflag:s12] =	ssyncadd.s32 $0xFFFFCE00  }
0x14: {  	[bflag:$0x0] =	sbarrier.arrive $0xFFFF  }
0x15: {  	[tilespmem:s3], [sflag:$0x3] =	stream.linear.gather [hbm4b:s7+s3], $0x13B0, $0x38;
	[tilespmem:$0x1FD60] =	vst v63  }
0x16: {  	_ =	swait.ge [sflag:s12], $0x13B0  }
0x17: {  	[sflag:s12] =	ssyncset.done $0x0  }
0x18: {  	[sflag:s12] =	ssyncadd.s32 $0xFFFFEC50  }
0x19: {  	[tilespmem:s13], [sflag:$0x3] =	stream.linear.gather [hbm4b:s8+s3], $0x13B0, $0x38;
	[tilespmem:$0x1FD60] =	vst v63  }
0x1a: {  	_ =	swait.ge [sflag:s12], $0x13B0  }
0x1b: {  	[sflag:s12] =	ssyncset.done $0x0  }
0x1c: {  	[sflag:s12] =	ssyncadd.s32 $0xFFFFEC50  }
0x1d: {  	[tilespmem:s15], [sflag:$0x1] =	stream.indirect.gather [hbm4b:s4+s14], $0xA0, s3, s14, $0xb8;
	[tilespmem:$0x1FD60] =	vst v63  }
0x1e: {  	_ = 	snop  }
0x1f: {  	[tilespmem:s16], [sflag:$0x2] =	stream.indirect.gather [hbm4b:s4+s14], $0xA0, s14, s14, $0xb8;
	[tilespmem:$0x1FD60] =	vst v63  }
0x20: {  	_ =	swait.ge [sflag:s17], $0x2300  }
0x21: {  	[sflag:s17] =	ssyncset.done $0x0  }
0x22: {  	s22 =	simm.s32 $0x13B0;
	[sflag:s17] =	ssyncadd.s32 $0xFFFFDD00  }
0x23: {  	[spmem:s2] =	stream.indirect.scatter.add.f32 [tilespmem:s15], [sflag:$0x3], $0xA0, s22, s14, $0xb8;
	[tilespmem:$0x1FD60] =	vst v63  }
0x24: {  	_ =	swait.ge [sflag:s12], $0x2300  }
0x25: {  	[sflag:s12] =	ssyncset.done $0x0  }
0x26: {  	s30 =	simm.s32 $0x70;
	[sflag:s12] =	ssyncadd.s32 $0xFFFFDD00  }
0x27: {  	[tilespmem:s15], [sflag:$0x1] =	stream.indirect.gather [hbm4b:s4+s14], $0xA0, s30, s14, $0xb8;
	[tilespmem:$0x1FD60] =	vst v63  }
0x28: {  	_ =	swait.ge [sflag:s18], $0x2300  }
0x29: {  	[sflag:s18] =	ssyncset.done $0x0  }
0x2a: {  	s31 =	simm.s32 $0x13E8;
	[sflag:s18] =	ssyncadd.s32 $0xFFFFDD00  }
0x2b: {  	[spmem:s2] =	stream.indirect.scatter.add.f32 [tilespmem:s16], [sflag:$0x3], $0xA0, s31, s14, $0xb8;
	[tilespmem:$0x1FD60] =	vst v63  }
0x2c: {  	_ =	swait.ge [sflag:s12], $0x2300  }
0x2d: {  	[sflag:s12] =	ssyncset.done $0x0  }
0x2e: {  	s23 =	simm.s32 $0xA8;
	s22 =	simm.s32 $0x1C0;
	[sflag:s12] =	ssyncadd.s32 $0xFFFFDD00  }
.LBB2_2:
0x2f: {  	[tilespmem:s16], [sflag:$0x2] =	stream.indirect.gather [hbm4b:s4+s14], $0xA0, s23, s14, $0xb8;
	[tilespmem:$0x1FD60] =	vst v63  }
0x30: {  	s23 =	smov.u32 s22  }
0x31: {  	p0 =	sne.s32 s22, $0x4B40;
	s22 =	sadd.s32 $0x1C0, s22;
	_ =	swait.ge [sflag:s17], $0x2300  }
0x32: {  	s23 =	sshra.s32 s23, $0x2;
	[sflag:s17] =	ssyncset.done $0x0  }
0x33: {  	s24 =	sadd.s32 $0x13B0, s23;
	[sflag:s17] =	ssyncadd.s32 $0xFFFFDD00  }
0x34: {  	[spmem:s2] =	stream.indirect.scatter.add.f32 [tilespmem:s15], [sflag:$0x3], $0xA0, s24, s14, $0xb8;
	[tilespmem:$0x1FD60] =	vst v63  }
0x35: {  	_ =	swait.ge [sflag:s12], $0x2300  }
0x36: {  	[sflag:s12] =	ssyncset.done $0x0  }
0x37: {  	s24 =	sadd.s32 $0x70, s23;
	[sflag:s12] =	ssyncadd.s32 $0xFFFFDD00  }
0x38: {  	[tilespmem:s15], [sflag:$0x1] =	stream.indirect.gather [hbm4b:s4+s14], $0xA0, s24, s14, $0xb8;
	[tilespmem:$0x1FD60] =	vst v63  }
0x39: {  	_ =	swait.ge [sflag:s18], $0x2300  }
0x3a: {  	[sflag:s18] =	ssyncset.done $0x0  }
.Ltmp0:
0x3b: {  	s24 =	sadd.s32 $0x13E8, s23;
	[sflag:s18] =	ssyncadd.s32 $0xFFFFDD00;
	(pc) =	sbr.rel @p0 .LBB2_2-.Ltmp0, $4  }
0x3c: {  	[spmem:s2] =	stream.indirect.scatter.add.f32 [tilespmem:s16], [sflag:$0x3], $0xA0, s24, s14, $0xb8;
	[tilespmem:$0x1FD60] =	vst v63  }
0x3d: {  	_ =	swait.ge [sflag:s12], $0x2300  }
0x3e: {  	[sflag:s12] =	ssyncset.done $0x0  }
0x3f: {  	s23 =	sadd.s32 $0xA8, s23;
	[sflag:s12] =	ssyncadd.s32 $0xFFFFDD00  }
0x40: {  	[tilespmem:s16], [sflag:$0x2] =	stream.indirect.gather [hbm4b:s4+s14], $0xA0, s23, s14, $0xb8;
	[tilespmem:$0x1FD60] =	vst v63  }
0x41: {  	_ =	swait.ge [sflag:s17], $0x2300  }
0x42: {  	[sflag:s17] =	ssyncset.done $0x0  }
0x43: {  	[sflag:s17] =	ssyncadd.s32 $0xFFFFDD00  }
0x44: {  	[spmem:s2] =	stream.indirect.scatter.add.f32 [tilespmem:s15], [sflag:$0x3], $0xA0, s19, s14, $0xb8;
	[tilespmem:$0x1FD60] =	vst v63  }
0x45: {  	_ =	swait.ge [sflag:s12], $0x2300  }
0x46: {  	[sflag:s12] =	ssyncset.done $0x0  }
0x47: {  	[sflag:s12] =	ssyncadd.s32 $0xFFFFDD00  }
0x48: {  	_ =	swait.ge [sflag:s18], $0x2300  }
0x49: {  	[sflag:s18] =	ssyncset.done $0x0  }
0x4a: {  	[sflag:s18] =	ssyncadd.s32 $0xFFFFDD00  }
0x4b: {  	[spmem:s2] =	stream.indirect.scatter.add.f32 [tilespmem:s16], [sflag:$0x3], $0xA0, s20, s14, $0xb8;
	[tilespmem:$0x1FD60] =	vst v63  }
0x4c: {  	_ =	swait.ge [sflag:s12], $0x2300  }
0x4d: {  	s21 =	sadd.s32 $0x1, s21;
	[sflag:s12] =	ssyncset.done $0x0  }
0x4e: {  	p0 =	sne.s32 s21, s10;
	[sflag:s12] =	ssyncadd.s32 $0xFFFFDD00  }
.Ltmp1:
0x4f: {  	[bflag:$0x0] =	sbarrier.arrive $0xFFFF;
	(pc) =	sbr.rel @p0 .LBB2_1-.Ltmp1, $4  }
0x50: {  	[hbm:s9], [sflag:s6] =	dma.local [spmem:s11], $0x3200  }
0x51: {  	_ =	swait.ge [sflag:s12], $0x3200  }
0x52: {  	[sflag:s12] =	ssyncset.done $0x0  }
0x53: {  	[sflag:s12] =	ssyncadd.s32 $0xFFFFCE00  }
0x54: {  	_ =	sfence.sel $0x180000  }
0x55: {  	[bflag:$0x0] =	sbarrier.arrive $0xFFFF  }
0x56: {  	p0 =	sne.s32 s0, $0x0;
	_ =	strace $0x9000004D  }
0x57: {  	s0 =	sadd.s32 @!p0 $0x100000, s1;
	[bflag:$0x2] =	sbarrier.arrive $0xFFFF  }
0x58: {  	[sflag:s0] =	ssyncadd.tile.s32 @!p0 $0x1;
	_ =	shalt  }
.Lfunc_end2:
_tile_overlayer_lowered:
.L_overlay_start_2:
0x59: {  	(tag) =	ssettag $0x2  }
0x5a: {  	s0 =	rddreg [dreg:$0x0];
	s2 =	stileid.u32  }
0x5b: {  	s1 =	rddreg [dreg:$0x1];
	p0 =	sne.s32 s2, $0x0  }
0x5c: {  	s3 =	rddreg [dreg:$0x2];
	[bflag:$0x3] =	sbarrier.arrive $0xFFFF;
	s2 =	simm.s32 @!p0 $0x1C03  }
0x5d: {  	[timem:s3], [sflag:s2] =	dma.local @!p0 [hbm:s0], s1  }
0x5e: {  	s0 =	simm.s32 @!p0 $0x3  }
0x5f: {  	_ =	swait.ge @!p0 [sflag:s0], s1  }
0x60: {  	s1 =	ssub.s32 @!p0 $0x0, s1;
	[sflag:s0] =	ssyncset.done @!p0 $0x0  }
0x61: {  	[sflag:s0] =	ssyncadd.s32 @!p0 s1  }
0x62: {  	[bflag:$0x3] =	sbarrier.arrive $0xFFFF  }
0x63: {  	_ =	shalt  }

// kernel: kernel.28.cloned.1.call-start
scs
__scs_entry_jumppad:
0x0: {  	(pc) =	sbr.rel $0x88, $3  }
0x1: {  	(tag) =	ssettag $0x0;
	lr =	simm.s32 $0x1  }
0x2: {  	[smem:$0x3F90] =	sst lr;
	_ =	strace $0xD0000000  }
0x3: {  	_ = 	snop  }
0x4: {  	_ = 	snop  }
0x5: {  	_ = 	snop  }
0x6: {  	_ = 	snop  }
0x7: {  	_ = 	snop  }
__scs_overlays_trampoline_lowered:
0x8: {  	[smem:$0x3F9F] =	sst s0  }
0x9: {  	[smem:$0x3FA0] =	sst s1  }
0xa: {  	[smem:$0x3FA1] =	sst s2  }
0xb: {  	[smem:$0x3FA2] =	sst s3  }
0xc: {  	[smem:$0x3FA3] =	sst s4  }
0xd: {  	[smem:$0x3FA4] =	sst s5  }
0xe: {  	[smem:$0x3FA5] =	sst s6  }
0xf: {  	[smem:$0x3FA6] =	sst s7  }
0x10: {  	[smem:$0x3FA7] =	sst s8  }
0x11: {  	[smem:$0x3FA8] =	sst s9;
	s0 =	simm.s32 @!p0 $0x0  }
0x12: {  	s1 =	sld [smem:$0x3F8E];
	s0 =	simm.s32 @p0 $0x1  }
0x13: {  	[smem:$0x3FA9] =	sst s0;
	s0 =	simm.s32 @!p1 $0x0  }
0x14: {  	s2 =	sld [smem:$0x3F8D];
	s0 =	simm.s32 @p1 $0x1  }
0x15: {  	[smem:$0x3FAA] =	sst s0;
	s0 =	simm.s32 @!p2 $0x0  }
0x16: {  	s3 =	sld [smem:$0x3FDB];
	s0 =	simm.s32 @p2 $0x1  }
0x17: {  	s4 =	simm.s32 $0x1BF5;
	[smem:$0x3FAC] =	sst s0  }
0x18: {  	s0 =	sld [smem:$0x3F8F];
	_ =	swait.ge [sflag:s4], $0x0  }
0x19: {  	s7 =	sld [smem:$0x3F90]  }
0x1a: {  	s8 =	sadd.s32 $0xFFFFE003, lr  }
0x1b: {  	s9 =	sadd.s32 $0xFFFFFEF7, lr;
	s5 =	simm.s32 $0xFFFFFFFF;
	p2 =	slt.u32 s8, $0xFFFFF086  }
0x1c: {  	p1 =	slt.u32 s9, $0xF7A;
	s5 =	simm.s32 @!p2 $0x0  }
0x1d: {  	s5 =	simm.s32 @p1 $0x1;
	p0 =	seq.s32 s7, s2  }
0x1e: {  	s7 =	smul.u32 @!p0 $0xF7A, s2;
	p2 =	seq.s32 @!p0 s5, $0x0  }
0x1f: {  	s9 =	smul.u32 $0xF7A, s1;
	s8 =	simm.s32 @!p0 $0x1BF5;
	p2 =	por !p2, p0  }
0x20: {  	[sflag:s8] =	ssyncset.s32 @!p0 $0xFFFFF086;
	s6 =	sadd.s32 @!p0 s3, s7;
	s7 =	simm.s32 @!p0 $0x108  }
0x21: {  	s3 =	sadd.s32 s3, s9;
	s6 =	sadd.s32 @!p0 $0x88, s6;
	s7 =	simm.s32 @p2 $0x1082  }
0x22: {  	[simem:s7], [sflag:s8] =	dma.local @!p0 [hbm:s6], $0xF7A  }
0x23: {  	s9 =	sor.u32 $0xD0000000, s2;
	s6 =	simm.s32 $0x108;
	_ =	swait.ge @!p0 [sflag:s8], $0x0  }
0x24: {  	s3 =	sadd.s32 $0x88, s3;
	s6 =	simm.s32 @!p1 $0x1082;
	[sflag:s4] =	ssyncset.s32 $0xFFFFF086  }
0x25: {  	[simem:s6], [sflag:s4] =	dma.local [hbm:s3], $0xF7A  }
0x26: {  	[smem:$0x3F90] =	sst s1;
	(tag) =	ssettag s2;
	_ =	strace s9  }
0x27: {  	s1 =	sld [smem:$0x3FA0]  }
0x28: {  	s2 =	sld [smem:$0x3FA1]  }
0x29: {  	s4 =	sld [smem:$0x3FA3]  }
0x2a: {  	p0 =	seq.s32 s5, $0x0;
	s5 =	sld [smem:$0x3FA4]  }
0x2b: {  	s6 =	sld [smem:$0x3FA5]  }
0x2c: {  	s7 =	sld [smem:$0x3FA6]  }
0x2d: {  	s3 =	simm.s32 $0x108;
	s8 =	sld [smem:$0x3FA7]  }
0x2e: {  	s3 =	simm.s32 @!p0 $0x1082;
	s9 =	sld [smem:$0x3FA8]  }
0x2f: {  	lr =	sadd.s32 s0, s3;
	s0 =	sld [smem:$0x3F9F]  }
0x30: {  	s3 =	sld [smem:$0x3FA2]  }
0x31: {  	[smem:$0x3FAB] =	sst s10  }
0x32: {  	s10 =	sld [smem:$0x3FA9];
	_ =	sdelay $0x3  }
0x33: {  	p0 =	seq.s32 s10, $0x1;
	s10 =	sld [smem:$0x3FAB];
	_ =	sdelay $0x3  }
0x34: {  	[smem:$0x3FAB] =	sst s10  }
0x35: {  	s10 =	sld [smem:$0x3FAA];
	_ =	sdelay $0x3  }
0x36: {  	p1 =	seq.s32 s10, $0x1;
	s10 =	sld [smem:$0x3FAB];
	_ =	sdelay $0x3  }
0x37: {  	[smem:$0x3FAB] =	sst s10  }
0x38: {  	s10 =	sld [smem:$0x3FAC]  }
0x39: {  	_ = 	snop;
	(pc) =	sbr.ind lr, $3  }
0x3a: {  	_ = 	snop  }
0x3b: {  	_ = 	snop  }
0x3c: {  	p2 =	seq.s32 s10, $0x1;
	s10 =	sld [smem:$0x3FAB]  }
0x3d: {  	_ =	shalt  }
0x3e: {  	_ =	shalt  }
0x3f: {  	_ =	shalt  }
0x40: {  	_ =	shalt  }
0x41: {  	_ =	shalt  }
0x42: {  	_ =	shalt  }
0x43: {  	_ =	shalt  }
0x44: {  	_ =	shalt  }
0x45: {  	_ =	shalt  }
0x46: {  	_ =	shalt  }
0x47: {  	_ =	shalt  }
0x48: {  	_ =	shalt  }
0x49: {  	_ =	shalt  }
0x4a: {  	_ =	shalt  }
0x4b: {  	_ =	shalt  }
0x4c: {  	_ =	shalt  }
0x4d: {  	_ =	shalt  }
0x4e: {  	_ =	shalt  }
0x4f: {  	_ =	shalt  }
0x50: {  	_ =	shalt  }
0x51: {  	_ =	shalt  }
0x52: {  	_ =	shalt  }
0x53: {  	_ =	shalt  }
0x54: {  	_ =	shalt  }
0x55: {  	_ =	shalt  }
0x56: {  	_ =	shalt  }
0x57: {  	_ =	shalt  }
0x58: {  	_ =	shalt  }
0x59: {  	_ =	shalt  }
0x5a: {  	_ =	shalt  }
0x5b: {  	_ =	shalt  }
0x5c: {  	_ =	shalt  }
0x5d: {  	_ =	shalt  }
0x5e: {  	_ =	shalt  }
0x5f: {  	_ =	shalt  }
0x60: {  	_ =	shalt  }
0x61: {  	_ =	shalt  }
0x62: {  	_ =	shalt  }
0x63: {  	_ =	shalt  }
0x64: {  	_ =	shalt  }
0x65: {  	_ =	shalt  }
0x66: {  	_ =	shalt  }
0x67: {  	_ =	shalt  }
0x68: {  	_ =	shalt  }
0x69: {  	_ =	shalt  }
0x6a: {  	_ =	shalt  }
0x6b: {  	_ =	shalt  }
0x6c: {  	_ =	shalt  }
0x6d: {  	_ =	shalt  }
0x6e: {  	_ =	shalt  }
0x6f: {  	_ =	shalt  }
0x70: {  	_ =	shalt  }
0x71: {  	_ =	shalt  }
0x72: {  	_ =	shalt  }
0x73: {  	_ =	shalt  }
0x74: {  	_ =	shalt  }
0x75: {  	_ =	shalt  }
0x76: {  	_ =	shalt  }
0x77: {  	_ =	shalt  }
0x78: {  	_ =	shalt  }
0x79: {  	_ =	shalt  }
0x7a: {  	_ =	shalt  }
0x7b: {  	_ =	shalt  }
0x7c: {  	_ =	shalt  }
0x7d: {  	_ =	shalt  }
0x7e: {  	_ =	shalt  }
0x7f: {  	_ =	shalt  }
0x80: {  	_ =	shalt  }
0x81: {  	_ =	shalt  }
0x82: {  	_ =	shalt  }
0x83: {  	_ =	shalt  }
0x84: {  	_ =	shalt  }
0x85: {  	_ =	shalt  }
0x86: {  	_ =	shalt  }
0x87: {  	_ =	shalt  }
.Lfunc_end0:
.L_simem_size_0:
called_computation.3_lowered:
.L_overlay_start_0:
0x88: {  	s2 =	sld [smem:$0x3FD9]  }
0x89: {  	s3 =	sld [smem:$0x3FFE];
	_ =	sdelay $0x1  }
0x8a: {  	s1 =	srdreg.scid  }
0x8b: {  	s0 =	sand.u32 $0x1, s1  }
0x8c: {  	s16 =	sshll.u32 s0, $0xA;
	s2 =	sadd.s32 s3, s2  }
0x8d: {  	s2 =	sadd.s32 s2, s16  }
0x8e: {  	[smem:$0x3FB7] =	sst s2  }
0x8f: {  	_ = 	snop  }
0x90: {  	(tm) =	ssettm $0x1  }
0x91: {  	s17 =	sld [smem:$0x3FFB];
	_ =	sdelay $0x3  }
0x92: {  	_ =	strace s17  }
0x93: {  	s2 =	sld [smem:$0x3FFC];
	_ =	sdelay $0x3  }
0x94: {  	_ =	strace s2  }
0x95: {  	s2 =	sld [smem:$0x3FFD];
	_ =	sdelay $0x3  }
0x96: {  	_ =	strace s2  }
0x97: {  	_ =	strace $0x8FFFFFFF  }
0x98: {  	s18 =	sld [smem:$0x3FDB];
	_ =	sdelay $0x1  }
0x99: {  	s19 =	simm.s32 $_scs_section_size  }
0x9a: {  	s4 =	simm.s32 $_size__tile_overlayer_lowered;
	s5 =	simm.s32 $_tile_overlayer_lowered  }
0x9b: {  	s22 =	simm.s32 $0x1BFF;
	s21 =	sshll.u32 s5, $0x1;
	s2 =	sadd.s32 s19, s18  }
0x9c: {  	s6 =	simm.s32 $0x0;
	s20 =	sshll.u32 s4, $0x1;
	s4 =	sadd.s32 s21, s2  }
0x9d: {  	[timem:s6], [sflag:s22] =	dma.local [hbm:s4], s20  }
0x9e: {  	_ =	swait.ge [sflag:s22], s20  }
0x9f: {  	s3 =	ssub.s32 $0x0, s20;
	[sflag:s22] =	ssyncset.done $0x0  }
0xa0: {  	[sflag:s22] =	ssyncadd.s32 s3;
	_ =	sdelay $0x1  }
0xa1: {  	s23 =	simm.s32 $0x1B8B  }
0xa2: {  	_ =	swait.ge [sflag:s23], $0x1  }
0xa3: {  	[sflag:s23] =	ssyncset.done $0x0  }
0xa4: {  	s25 =	simm.s32 $0x1B8E;
	s24 =	sld [smem:$0x3FFE];
	[sflag:s23] =	ssyncadd.s32 $0xFFFFFFFF  }
0xa5: {  	s26 =	simm.s32 $execute0_lowered;
	[smem:$0x3FD2] =	sst s25  }
0xa6: {  	s4 =	sshll.u32 s26, $0x1;
	_ =	strace $0x8000004F;
	[dreg:$0x1] =	wrdreg $0xFFFFFFFF  }
0xa7: {  	s28 =	simm.s32 $_size_execute0_lowered;
	s2 =	sadd.s32 s2, s4;
	[dreg:$0x0] =	wrdreg $0x0  }
0xa8: {  	s4 =	sshll.u32 s28, $0x1;
	[dreg:$0x2] =	wrdreg s2  }
0xa9: {  	[dreg:$0x3] =	wrdreg s4  }
0xaa: {  	[dreg:$0x4] =	wrdreg $0xC0  }
0xab: {  	_ =	task [dreg:s6], $0x5FFFF  }
0xac: {  	[dreg:$0x1] =	wrdreg $0xFFFFFFFF  }
0xad: {  	[dreg:$0x0] =	wrdreg $0x60  }
0xae: {  	[dreg:$0x2] =	wrdreg s24  }
0xaf: {  	[dreg:$0x3] =	wrdreg $0x6D600  }
0xb0: {  	[dreg:$0x4] =	wrdreg $0x9  }
0xb1: {  	_ =	task.clear_ibuf [dreg:s6], $0x5FFFF;
	_ =	strace $0x9000004F  }
0xb2: {  	s29 =	simm.s32 $0x9;
	_ =	strace $0x80000051  }
0xb3: {  	_ =	swait.ge [sflag:s29], $0x1  }
0xb4: {  	[sflag:s29] =	ssyncadd.s32 $0xFFFFFFFF  }
0xb5: {  	_ =	strace $0x90000051  }
0xb6: {  	_ =	sfence  }
0xb7: {  	s30 =	sld [smem:$0x0];
	_ =	sdelay $0x2  }
0xb8: {  	s31 =	sshll.u32 s1, $0xD;
	s1 =	sshrl.u32 s1, $0x2  }
0xb9: {  	s3 =	sand.u32 $0x4000, s31;
	s1 =	sadd.s32 s1, s30  }
0xba: {  	s0 =	sor.u32 s3, s0;
	s1 =	sshll.u32 s1, $0x11  }
0xbb: {  	s0 =	sor.u32 s1, s0  }
0xbc: {  	s0 =	sadd.s32 $0x8F2B, s0  }
0xbd: {  	[sflag:s0] =	ssyncadd.remote.s32 $0x1  }
0xbe: {  	_ =	sfence.sel $0xFFFF  }
0xbf: {  	[dreg:$0x0] =	wrdreg $0xFFFFFFFF;
	(pc) =	sbr.abs _section_cstart, $3  }
0xc0: {  	[dreg:$0x1] =	wrdreg $0xFFFFFFFF  }
0xc1: {  	_ =	task.clear_ibuf [dreg:s6], $0x2FFFF;
	_ =	strace $0x9FFFFFFF  }
0xc2: {  	(tm) =	ssettm $0x7FFFFFFF  }
0xc3: {  	_ =	shalt  }
tec
execute0_lowered:
.L_overlay_start_1:
0x0: {  	(tag) =	ssettag $0x1  }
0x1: {  	s6 =	rddreg [dreg:$0x0]  }
0x2: {  	s0 =	srdreg.scid;
	s2 =	rddreg [dreg:$0x1]  }
0x3: {  	s1 =	rddreg [dreg:$0x2];
	s3 =	simm.s32 $0x0;
	s14 =	simm.s32 $0x38  }
0x4: {  	s15 =	simm.s32 $0x2760;
	s16 =	simm.s32 $0x4A60;
	s7 =	sand.u32 $0x1, s0  }
0x5: {  	s17 =	simm.s32 $0x1;
	s0 =	stileid.u32;
	s4 =	smul.u32 $0x13B00, s7  }
0x6: {  	s18 =	simm.s32 $0x2;
	s19 =	simm.s32 $0x26F0;
	s5 =	smul.u32 $0x13B0, s0  }
0x7: {  	s20 =	simm.s32 $0x2728;
	s21 =	simm.s32 $0x0;
	s8 =	smul.u32 $0x19000, s0  }
0x8: {  	[smem:$0x7FF] =	sst s3;
	s30 =	smul.u32 $0x190000, s7;
	s7 =	ssub.s32 $0x2, s7  }
0x9: {  	_ =	strace $0x80000050;
	s11 =	sshll.u32 s0, $0x6;
	s31 =	sshrl.u32 s7, $0x1  }
0xa: {  	s4 =	sadd.s32 s5, s4;
	s10 =	sadd.s32 s8, s30;
	s5 =	sadd.s32 $0x10200, s6  }
0xb: {  	s12 =	ssub.s32 s7, s31;
	s13 =	sadd.s32 s8, s2;
	s4 =	sshrl.u32 s4, $0x3  }
0xc: {  	s10 =	sshrl.u32 s10, $0x3;
	s9 =	sadd.s32 s4, s6;
	s4 =	sadd.s32 $0x1E1C00, s6  }
0xd: {  	s10 =	sadd.s32 s10, s6;
	s6 =	sor.u32 $0x1C03, s11;
	s11 =	sshrl.u32 s13, $0x3  }
0xe: {  	s13 =	simm.s32 $0x13B0;
	s7 =	sadd.s32 $0x6200, s9;
	s8 =	sadd.s32 $0xB200, s9  }
0xf: {  	s9 =	sadd.s32 $0x13400, s10;
	s10 =	smax.u32 s12, $0x1;
	s12 =	simm.s32 $0x3  }
.LBB2_1:
0x10: {  	[spmem:s11], [sflag:s6] =	dma.local [hbm:s5], $0x3200  }
0x11: {  	_ =	swait.ge [sflag:s12], $0x3200  }
0x12: {  	[sflag:s12] =	ssyncset.done $0x0  }
0x13: {  	[sflag:s12] =	ssyncadd.s32 $0xFFFFCE00  }
0x14: {  	[bflag:$0x0] =	sbarrier.arrive $0xFFFF  }
0x15: {  	[tilespmem:s3], [sflag:$0x3] =	stream.linear.gather [hbm4b:s7+s3], $0x13B0, $0x38;
	[tilespmem:$0x1FD60] =	vst v63  }
0x16: {  	_ =	swait.ge [sflag:s12], $0x13B0  }
0x17: {  	[sflag:s12] =	ssyncset.done $0x0  }
0x18: {  	[sflag:s12] =	ssyncadd.s32 $0xFFFFEC50  }
0x19: {  	[tilespmem:s13], [sflag:$0x3] =	stream.linear.gather [hbm4b:s8+s3], $0x13B0, $0x38;
	[tilespmem:$0x1FD60] =	vst v63  }
0x1a: {  	_ =	swait.ge [sflag:s12], $0x13B0  }
0x1b: {  	[sflag:s12] =	ssyncset.done $0x0  }
0x1c: {  	[sflag:s12] =	ssyncadd.s32 $0xFFFFEC50  }
0x1d: {  	[tilespmem:s15], [sflag:$0x1] =	stream.indirect.gather [hbm4b:s4+s14], $0xA0, s3, s14, $0xb8;
	[tilespmem:$0x1FD60] =	vst v63  }
0x1e: {  	_ = 	snop  }
0x1f: {  	[tilespmem:s16], [sflag:$0x2] =	stream.indirect.gather [hbm4b:s4+s14], $0xA0, s14, s14, $0xb8;
	[tilespmem:$0x1FD60] =	vst v63  }
0x20: {  	_ =	swait.ge [sflag:s17], $0x2300  }
0x21: {  	[sflag:s17] =	ssyncset.done $0x0  }
0x22: {  	s22 =	simm.s32 $0x13B0;
	[sflag:s17] =	ssyncadd.s32 $0xFFFFDD00  }
0x23: {  	[spmem:s2] =	stream.indirect.scatter.add.f32 [tilespmem:s15], [sflag:$0x3], $0xA0, s22, s14, $0xb8;
	[tilespmem:$0x1FD60] =	vst v63  }
0x24: {  	_ =	swait.ge [sflag:s12], $0x2300  }
0x25: {  	[sflag:s12] =	ssyncset.done $0x0  }
0x26: {  	s30 =	simm.s32 $0x70;
	[sflag:s12] =	ssyncadd.s32 $0xFFFFDD00  }
0x27: {  	[tilespmem:s15], [sflag:$0x1] =	stream.indirect.gather [hbm4b:s4+s14], $0xA0, s30, s14, $0xb8;
	[tilespmem:$0x1FD60] =	vst v63  }
0x28: {  	_ =	swait.ge [sflag:s18], $0x2300  }
0x29: {  	[sflag:s18] =	ssyncset.done $0x0  }
0x2a: {  	s31 =	simm.s32 $0x13E8;
	[sflag:s18] =	ssyncadd.s32 $0xFFFFDD00  }
0x2b: {  	[spmem:s2] =	stream.indirect.scatter.add.f32 [tilespmem:s16], [sflag:$0x3], $0xA0, s31, s14, $0xb8;
	[tilespmem:$0x1FD60] =	vst v63  }
0x2c: {  	_ =	swait.ge [sflag:s12], $0x2300  }
0x2d: {  	[sflag:s12] =	ssyncset.done $0x0  }
0x2e: {  	s23 =	simm.s32 $0xA8;
	s22 =	simm.s32 $0x1C0;
	[sflag:s12] =	ssyncadd.s32 $0xFFFFDD00  }
.LBB2_2:
0x2f: {  	[tilespmem:s16], [sflag:$0x2] =	stream.indirect.gather [hbm4b:s4+s14], $0xA0, s23, s14, $0xb8;
	[tilespmem:$0x1FD60] =	vst v63  }
0x30: {  	s23 =	smov.u32 s22  }
0x31: {  	p0 =	sne.s32 s22, $0x4B40;
	s22 =	sadd.s32 $0x1C0, s22;
	_ =	swait.ge [sflag:s17], $0x2300  }
0x32: {  	s23 =	sshra.s32 s23, $0x2;
	[sflag:s17] =	ssyncset.done $0x0  }
0x33: {  	s24 =	sadd.s32 $0x13B0, s23;
	[sflag:s17] =	ssyncadd.s32 $0xFFFFDD00  }
0x34: {  	[spmem:s2] =	stream.indirect.scatter.add.f32 [tilespmem:s15], [sflag:$0x3], $0xA0, s24, s14, $0xb8;
	[tilespmem:$0x1FD60] =	vst v63  }
0x35: {  	_ =	swait.ge [sflag:s12], $0x2300  }
0x36: {  	[sflag:s12] =	ssyncset.done $0x0  }
0x37: {  	s24 =	sadd.s32 $0x70, s23;
	[sflag:s12] =	ssyncadd.s32 $0xFFFFDD00  }
0x38: {  	[tilespmem:s15], [sflag:$0x1] =	stream.indirect.gather [hbm4b:s4+s14], $0xA0, s24, s14, $0xb8;
	[tilespmem:$0x1FD60] =	vst v63  }
0x39: {  	_ =	swait.ge [sflag:s18], $0x2300  }
0x3a: {  	[sflag:s18] =	ssyncset.done $0x0  }
.Ltmp0:
0x3b: {  	s24 =	sadd.s32 $0x13E8, s23;
	[sflag:s18] =	ssyncadd.s32 $0xFFFFDD00;
	(pc) =	sbr.rel @p0 .LBB2_2-.Ltmp0, $4  }
0x3c: {  	[spmem:s2] =	stream.indirect.scatter.add.f32 [tilespmem:s16], [sflag:$0x3], $0xA0, s24, s14, $0xb8;
	[tilespmem:$0x1FD60] =	vst v63  }
0x3d: {  	_ =	swait.ge [sflag:s12], $0x2300  }
0x3e: {  	[sflag:s12] =	ssyncset.done $0x0  }
0x3f: {  	s23 =	sadd.s32 $0xA8, s23;
	[sflag:s12] =	ssyncadd.s32 $0xFFFFDD00  }
0x40: {  	[tilespmem:s16], [sflag:$0x2] =	stream.indirect.gather [hbm4b:s4+s14], $0xA0, s23, s14, $0xb8;
	[tilespmem:$0x1FD60] =	vst v63  }
0x41: {  	_ =	swait.ge [sflag:s17], $0x2300  }
0x42: {  	[sflag:s17] =	ssyncset.done $0x0  }
0x43: {  	[sflag:s17] =	ssyncadd.s32 $0xFFFFDD00  }
0x44: {  	[spmem:s2] =	stream.indirect.scatter.add.f32 [tilespmem:s15], [sflag:$0x3], $0xA0, s19, s14, $0xb8;
	[tilespmem:$0x1FD60] =	vst v63  }
0x45: {  	_ =	swait.ge [sflag:s12], $0x2300  }
0x46: {  	[sflag:s12] =	ssyncset.done $0x0  }
0x47: {  	[sflag:s12] =	ssyncadd.s32 $0xFFFFDD00  }
0x48: {  	_ =	swait.ge [sflag:s18], $0x2300  }
0x49: {  	[sflag:s18] =	ssyncset.done $0x0  }
0x4a: {  	[sflag:s18] =	ssyncadd.s32 $0xFFFFDD00  }
0x4b: {  	[spmem:s2] =	stream.indirect.scatter.add.f32 [tilespmem:s16], [sflag:$0x3], $0xA0, s20, s14, $0xb8;
	[tilespmem:$0x1FD60] =	vst v63  }
0x4c: {  	_ =	swait.ge [sflag:s12], $0x2300  }
0x4d: {  	s21 =	sadd.s32 $0x1, s21;
	[sflag:s12] =	ssyncset.done $0x0  }
0x4e: {  	p0 =	sne.s32 s21, s10;
	[sflag:s12] =	ssyncadd.s32 $0xFFFFDD00  }
.Ltmp1:
0x4f: {  	[bflag:$0x0] =	sbarrier.arrive $0xFFFF;
	(pc) =	sbr.rel @p0 .LBB2_1-.Ltmp1, $4  }
0x50: {  	[hbm:s9], [sflag:s6] =	dma.local [spmem:s11], $0x3200  }
0x51: {  	_ =	swait.ge [sflag:s12], $0x3200  }
0x52: {  	[sflag:s12] =	ssyncset.done $0x0  }
0x53: {  	[sflag:s12] =	ssyncadd.s32 $0xFFFFCE00  }
0x54: {  	_ =	sfence.sel $0x180000  }
0x55: {  	[bflag:$0x0] =	sbarrier.arrive $0xFFFF  }
0x56: {  	p0 =	sne.s32 s0, $0x0;
	_ =	strace $0x90000050  }
0x57: {  	s0 =	sadd.s32 @!p0 $0x100000, s1;
	[bflag:$0x2] =	sbarrier.arrive $0xFFFF  }
0x58: {  	[sflag:s0] =	ssyncadd.tile.s32 @!p0 $0x1;
	_ =	shalt  }
.Lfunc_end2:
_tile_overlayer_lowered:
.L_overlay_start_2:
0x59: {  	(tag) =	ssettag $0x2  }
0x5a: {  	s0 =	rddreg [dreg:$0x0];
	s2 =	stileid.u32  }
0x5b: {  	s1 =	rddreg [dreg:$0x1];
	p0 =	sne.s32 s2, $0x0  }
0x5c: {  	s3 =	rddreg [dreg:$0x2];
	[bflag:$0x3] =	sbarrier.arrive $0xFFFF;
	s2 =	simm.s32 @!p0 $0x1C03  }
0x5d: {  	[timem:s3], [sflag:s2] =	dma.local @!p0 [hbm:s0], s1  }
0x5e: {  	s0 =	simm.s32 @!p0 $0x3  }
0x5f: {  	_ =	swait.ge @!p0 [sflag:s0], s1  }
0x60: {  	s1 =	ssub.s32 @!p0 $0x0, s1;
	[sflag:s0] =	ssyncset.done @!p0 $0x0  }
0x61: {  	[sflag:s0] =	ssyncadd.s32 @!p0 s1  }
0x62: {  	[bflag:$0x3] =	sbarrier.arrive $0xFFFF  }
0x63: {  	_ =	shalt  }

// kernel: kernel.31.cloned.1.call-start
scs
__scs_entry_jumppad:
0x0: {  	(pc) =	sbr.rel $0x88, $3  }
0x1: {  	(tag) =	ssettag $0x0;
	lr =	simm.s32 $0x1  }
0x2: {  	[smem:$0x3F90] =	sst lr;
	_ =	strace $0xD0000000  }
0x3: {  	_ = 	snop  }
0x4: {  	_ = 	snop  }
0x5: {  	_ = 	snop  }
0x6: {  	_ = 	snop  }
0x7: {  	_ = 	snop  }
__scs_overlays_trampoline_lowered:
0x8: {  	[smem:$0x3F9F] =	sst s0  }
0x9: {  	[smem:$0x3FA0] =	sst s1  }
0xa: {  	[smem:$0x3FA1] =	sst s2  }
0xb: {  	[smem:$0x3FA2] =	sst s3  }
0xc: {  	[smem:$0x3FA3] =	sst s4  }
0xd: {  	[smem:$0x3FA4] =	sst s5  }
0xe: {  	[smem:$0x3FA5] =	sst s6  }
0xf: {  	[smem:$0x3FA6] =	sst s7  }
0x10: {  	[smem:$0x3FA7] =	sst s8  }
0x11: {  	[smem:$0x3FA8] =	sst s9;
	s0 =	simm.s32 @!p0 $0x0  }
0x12: {  	s1 =	sld [smem:$0x3F8E];
	s0 =	simm.s32 @p0 $0x1  }
0x13: {  	[smem:$0x3FA9] =	sst s0;
	s0 =	simm.s32 @!p1 $0x0  }
0x14: {  	s2 =	sld [smem:$0x3F8D];
	s0 =	simm.s32 @p1 $0x1  }
0x15: {  	[smem:$0x3FAA] =	sst s0;
	s0 =	simm.s32 @!p2 $0x0  }
0x16: {  	s3 =	sld [smem:$0x3FDB];
	s0 =	simm.s32 @p2 $0x1  }
0x17: {  	s4 =	simm.s32 $0x1BF5;
	[smem:$0x3FAC] =	sst s0  }
0x18: {  	s0 =	sld [smem:$0x3F8F];
	_ =	swait.ge [sflag:s4], $0x0  }
0x19: {  	s7 =	sld [smem:$0x3F90]  }
0x1a: {  	s8 =	sadd.s32 $0xFFFFE003, lr  }
0x1b: {  	s9 =	sadd.s32 $0xFFFFFEF7, lr;
	s5 =	simm.s32 $0xFFFFFFFF;
	p2 =	slt.u32 s8, $0xFFFFF086  }
0x1c: {  	p1 =	slt.u32 s9, $0xF7A;
	s5 =	simm.s32 @!p2 $0x0  }
0x1d: {  	s5 =	simm.s32 @p1 $0x1;
	p0 =	seq.s32 s7, s2  }
0x1e: {  	s7 =	smul.u32 @!p0 $0xF7A, s2;
	p2 =	seq.s32 @!p0 s5, $0x0  }
0x1f: {  	s9 =	smul.u32 $0xF7A, s1;
	s8 =	simm.s32 @!p0 $0x1BF5;
	p2 =	por !p2, p0  }
0x20: {  	[sflag:s8] =	ssyncset.s32 @!p0 $0xFFFFF086;
	s6 =	sadd.s32 @!p0 s3, s7;
	s7 =	simm.s32 @!p0 $0x108  }
0x21: {  	s3 =	sadd.s32 s3, s9;
	s6 =	sadd.s32 @!p0 $0x88, s6;
	s7 =	simm.s32 @p2 $0x1082  }
0x22: {  	[simem:s7], [sflag:s8] =	dma.local @!p0 [hbm:s6], $0xF7A  }
0x23: {  	s9 =	sor.u32 $0xD0000000, s2;
	s6 =	simm.s32 $0x108;
	_ =	swait.ge @!p0 [sflag:s8], $0x0  }
0x24: {  	s3 =	sadd.s32 $0x88, s3;
	s6 =	simm.s32 @!p1 $0x1082;
	[sflag:s4] =	ssyncset.s32 $0xFFFFF086  }
0x25: {  	[simem:s6], [sflag:s4] =	dma.local [hbm:s3], $0xF7A  }
0x26: {  	[smem:$0x3F90] =	sst s1;
	(tag) =	ssettag s2;
	_ =	strace s9  }
0x27: {  	s1 =	sld [smem:$0x3FA0]  }
0x28: {  	s2 =	sld [smem:$0x3FA1]  }
0x29: {  	s4 =	sld [smem:$0x3FA3]  }
0x2a: {  	p0 =	seq.s32 s5, $0x0;
	s5 =	sld [smem:$0x3FA4]  }
0x2b: {  	s6 =	sld [smem:$0x3FA5]  }
0x2c: {  	s7 =	sld [smem:$0x3FA6]  }
0x2d: {  	s3 =	simm.s32 $0x108;
	s8 =	sld [smem:$0x3FA7]  }
0x2e: {  	s3 =	simm.s32 @!p0 $0x1082;
	s9 =	sld [smem:$0x3FA8]  }
0x2f: {  	lr =	sadd.s32 s0, s3;
	s0 =	sld [smem:$0x3F9F]  }
0x30: {  	s3 =	sld [smem:$0x3FA2]  }
0x31: {  	[smem:$0x3FAB] =	sst s10  }
0x32: {  	s10 =	sld [smem:$0x3FA9];
	_ =	sdelay $0x3  }
0x33: {  	p0 =	seq.s32 s10, $0x1;
	s10 =	sld [smem:$0x3FAB];
	_ =	sdelay $0x3  }
0x34: {  	[smem:$0x3FAB] =	sst s10  }
0x35: {  	s10 =	sld [smem:$0x3FAA];
	_ =	sdelay $0x3  }
0x36: {  	p1 =	seq.s32 s10, $0x1;
	s10 =	sld [smem:$0x3FAB];
	_ =	sdelay $0x3  }
0x37: {  	[smem:$0x3FAB] =	sst s10  }
0x38: {  	s10 =	sld [smem:$0x3FAC]  }
0x39: {  	_ = 	snop;
	(pc) =	sbr.ind lr, $3  }
0x3a: {  	_ = 	snop  }
0x3b: {  	_ = 	snop  }
0x3c: {  	p2 =	seq.s32 s10, $0x1;
	s10 =	sld [smem:$0x3FAB]  }
0x3d: {  	_ =	shalt  }
0x3e: {  	_ =	shalt  }
0x3f: {  	_ =	shalt  }
0x40: {  	_ =	shalt  }
0x41: {  	_ =	shalt  }
0x42: {  	_ =	shalt  }
0x43: {  	_ =	shalt  }
0x44: {  	_ =	shalt  }
0x45: {  	_ =	shalt  }
0x46: {  	_ =	shalt  }
0x47: {  	_ =	shalt  }
0x48: {  	_ =	shalt  }
0x49: {  	_ =	shalt  }
0x4a: {  	_ =	shalt  }
0x4b: {  	_ =	shalt  }
0x4c: {  	_ =	shalt  }
0x4d: {  	_ =	shalt  }
0x4e: {  	_ =	shalt  }
0x4f: {  	_ =	shalt  }
0x50: {  	_ =	shalt  }
0x51: {  	_ =	shalt  }
0x52: {  	_ =	shalt  }
0x53: {  	_ =	shalt  }
0x54: {  	_ =	shalt  }
0x55: {  	_ =	shalt  }
0x56: {  	_ =	shalt  }
0x57: {  	_ =	shalt  }
0x58: {  	_ =	shalt  }
0x59: {  	_ =	shalt  }
0x5a: {  	_ =	shalt  }
0x5b: {  	_ =	shalt  }
0x5c: {  	_ =	shalt  }
0x5d: {  	_ =	shalt  }
0x5e: {  	_ =	shalt  }
0x5f: {  	_ =	shalt  }
0x60: {  	_ =	shalt  }
0x61: {  	_ =	shalt  }
0x62: {  	_ =	shalt  }
0x63: {  	_ =	shalt  }
0x64: {  	_ =	shalt  }
0x65: {  	_ =	shalt  }
0x66: {  	_ =	shalt  }
0x67: {  	_ =	shalt  }
0x68: {  	_ =	shalt  }
0x69: {  	_ =	shalt  }
0x6a: {  	_ =	shalt  }
0x6b: {  	_ =	shalt  }
0x6c: {  	_ =	shalt  }
0x6d: {  	_ =	shalt  }
0x6e: {  	_ =	shalt  }
0x6f: {  	_ =	shalt  }
0x70: {  	_ =	shalt  }
0x71: {  	_ =	shalt  }
0x72: {  	_ =	shalt  }
0x73: {  	_ =	shalt  }
0x74: {  	_ =	shalt  }
0x75: {  	_ =	shalt  }
0x76: {  	_ =	shalt  }
0x77: {  	_ =	shalt  }
0x78: {  	_ =	shalt  }
0x79: {  	_ =	shalt  }
0x7a: {  	_ =	shalt  }
0x7b: {  	_ =	shalt  }
0x7c: {  	_ =	shalt  }
0x7d: {  	_ =	shalt  }
0x7e: {  	_ =	shalt  }
0x7f: {  	_ =	shalt  }
0x80: {  	_ =	shalt  }
0x81: {  	_ =	shalt  }
0x82: {  	_ =	shalt  }
0x83: {  	_ =	shalt  }
0x84: {  	_ =	shalt  }
0x85: {  	_ =	shalt  }
0x86: {  	_ =	shalt  }
0x87: {  	_ =	shalt  }
.Lfunc_end0:
.L_simem_size_0:
called_computation.4_lowered:
.L_overlay_start_0:
0x88: {  	s2 =	sld [smem:$0x3FD9]  }
0x89: {  	s3 =	sld [smem:$0x3FFE];
	_ =	sdelay $0x1  }
0x8a: {  	s1 =	srdreg.scid  }
0x8b: {  	s0 =	sand.u32 $0x1, s1  }
0x8c: {  	s16 =	sshll.u32 s0, $0xA;
	s2 =	sadd.s32 s3, s2  }
0x8d: {  	s2 =	sadd.s32 s2, s16  }
0x8e: {  	[smem:$0x3FB7] =	sst s2  }
0x8f: {  	_ = 	snop  }
0x90: {  	(tm) =	ssettm $0x1  }
0x91: {  	s17 =	sld [smem:$0x3FFB];
	_ =	sdelay $0x3  }
0x92: {  	_ =	strace s17  }
0x93: {  	s2 =	sld [smem:$0x3FFC];
	_ =	sdelay $0x3  }
0x94: {  	_ =	strace s2  }
0x95: {  	s2 =	sld [smem:$0x3FFD];
	_ =	sdelay $0x3  }
0x96: {  	_ =	strace s2  }
0x97: {  	_ =	strace $0x8FFFFFFF  }
0x98: {  	s18 =	sld [smem:$0x3FDB];
	_ =	sdelay $0x1  }
0x99: {  	s19 =	simm.s32 $_scs_section_size  }
0x9a: {  	s4 =	simm.s32 $_size__tile_overlayer_lowered;
	s5 =	simm.s32 $_tile_overlayer_lowered  }
0x9b: {  	s22 =	simm.s32 $0x1BFF;
	s21 =	sshll.u32 s5, $0x1;
	s2 =	sadd.s32 s19, s18  }
0x9c: {  	s6 =	simm.s32 $0x0;
	s20 =	sshll.u32 s4, $0x1;
	s4 =	sadd.s32 s21, s2  }
0x9d: {  	[timem:s6], [sflag:s22] =	dma.local [hbm:s4], s20  }
0x9e: {  	_ =	swait.ge [sflag:s22], s20  }
0x9f: {  	s3 =	ssub.s32 $0x0, s20;
	[sflag:s22] =	ssyncset.done $0x0  }
0xa0: {  	[sflag:s22] =	ssyncadd.s32 s3;
	_ =	sdelay $0x1  }
0xa1: {  	s23 =	simm.s32 $0x1B8B  }
0xa2: {  	_ =	swait.ge [sflag:s23], $0x1  }
0xa3: {  	[sflag:s23] =	ssyncset.done $0x0  }
0xa4: {  	s25 =	simm.s32 $0x1B8E;
	s24 =	sld [smem:$0x3FFE];
	[sflag:s23] =	ssyncadd.s32 $0xFFFFFFFF  }
0xa5: {  	s26 =	simm.s32 $execute0_lowered;
	[smem:$0x3FD2] =	sst s25  }
0xa6: {  	s4 =	sshll.u32 s26, $0x1;
	_ =	strace $0x80000052;
	[dreg:$0x1] =	wrdreg $0xFFFFFFFF  }
0xa7: {  	s28 =	simm.s32 $_size_execute0_lowered;
	s2 =	sadd.s32 s2, s4;
	[dreg:$0x0] =	wrdreg $0x0  }
0xa8: {  	s4 =	sshll.u32 s28, $0x1;
	[dreg:$0x2] =	wrdreg s2  }
0xa9: {  	[dreg:$0x3] =	wrdreg s4  }
0xaa: {  	[dreg:$0x4] =	wrdreg $0xC0  }
0xab: {  	_ =	task [dreg:s6], $0x5FFFF  }
0xac: {  	[dreg:$0x1] =	wrdreg $0xFFFFFFFF  }
0xad: {  	[dreg:$0x0] =	wrdreg $0x60  }
0xae: {  	[dreg:$0x2] =	wrdreg s24  }
0xaf: {  	[dreg:$0x3] =	wrdreg $0x6D600  }
0xb0: {  	[dreg:$0x4] =	wrdreg $0x9  }
0xb1: {  	_ =	task.clear_ibuf [dreg:s6], $0x5FFFF;
	_ =	strace $0x90000052  }
0xb2: {  	s29 =	simm.s32 $0x9;
	_ =	strace $0x80000054  }
0xb3: {  	_ =	swait.ge [sflag:s29], $0x1  }
0xb4: {  	[sflag:s29] =	ssyncadd.s32 $0xFFFFFFFF  }
0xb5: {  	_ =	strace $0x90000054  }
0xb6: {  	_ =	sfence  }
0xb7: {  	s30 =	sld [smem:$0x0];
	_ =	sdelay $0x2  }
0xb8: {  	s31 =	sshll.u32 s1, $0xD;
	s1 =	sshrl.u32 s1, $0x2  }
0xb9: {  	s3 =	sand.u32 $0x4000, s31;
	s1 =	sadd.s32 s1, s30  }
0xba: {  	s0 =	sor.u32 s3, s0;
	s1 =	sshll.u32 s1, $0x11  }
0xbb: {  	s0 =	sor.u32 s1, s0  }
0xbc: {  	s0 =	sadd.s32 $0x8F2B, s0  }
0xbd: {  	[sflag:s0] =	ssyncadd.remote.s32 $0x1  }
0xbe: {  	_ =	sfence.sel $0xFFFF  }
0xbf: {  	[dreg:$0x0] =	wrdreg $0xFFFFFFFF;
	(pc) =	sbr.abs _section_cstart, $3  }
0xc0: {  	[dreg:$0x1] =	wrdreg $0xFFFFFFFF  }
0xc1: {  	_ =	task.clear_ibuf [dreg:s6], $0x2FFFF;
	_ =	strace $0x9FFFFFFF  }
0xc2: {  	(tm) =	ssettm $0x7FFFFFFF  }
0xc3: {  	_ =	shalt  }
tec
execute0_lowered:
.L_overlay_start_1:
0x0: {  	(tag) =	ssettag $0x1  }
0x1: {  	s6 =	rddreg [dreg:$0x0]  }
0x2: {  	s0 =	srdreg.scid;
	s2 =	rddreg [dreg:$0x1]  }
0x3: {  	s1 =	rddreg [dreg:$0x2];
	s3 =	simm.s32 $0x0;
	s14 =	simm.s32 $0x38  }
0x4: {  	s15 =	simm.s32 $0x2760;
	s16 =	simm.s32 $0x4A60;
	s7 =	sand.u32 $0x1, s0  }
0x5: {  	s17 =	simm.s32 $0x1;
	s0 =	stileid.u32;
	s4 =	smul.u32 $0x13B00, s7  }
0x6: {  	s18 =	simm.s32 $0x2;
	s19 =	simm.s32 $0x26F0;
	s5 =	smul.u32 $0x13B0, s0  }
0x7: {  	s20 =	simm.s32 $0x2728;
	s21 =	simm.s32 $0x0;
	s8 =	smul.u32 $0x19000, s0  }
0x8: {  	[smem:$0x7FF] =	sst s3;
	s30 =	smul.u32 $0x190000, s7;
	s7 =	ssub.s32 $0x2, s7  }
0x9: {  	_ =	strace $0x80000053;
	s11 =	sshll.u32 s0, $0x6;
	s31 =	sshrl.u32 s7, $0x1  }
0xa: {  	s4 =	sadd.s32 s5, s4;
	s10 =	sadd.s32 s8, s30;
	s5 =	sadd.s32 $0x10200, s6  }
0xb: {  	s12 =	ssub.s32 s7, s31;
	s13 =	sadd.s32 s8, s2;
	s4 =	sshrl.u32 s4, $0x3  }
0xc: {  	s10 =	sshrl.u32 s10, $0x3;
	s9 =	sadd.s32 s4, s6;
	s4 =	sadd.s32 $0x1E1C00, s6  }
0xd: {  	s10 =	sadd.s32 s10, s6;
	s6 =	sor.u32 $0x1C03, s11;
	s11 =	sshrl.u32 s13, $0x3  }
0xe: {  	s13 =	simm.s32 $0x13B0;
	s7 =	sadd.s32 $0x6200, s9;
	s8 =	sadd.s32 $0xB200, s9  }
0xf: {  	s9 =	sadd.s32 $0x13400, s10;
	s10 =	smax.u32 s12, $0x1;
	s12 =	simm.s32 $0x3  }
.LBB2_1:
0x10: {  	[spmem:s11], [sflag:s6] =	dma.local [hbm:s5], $0x3200  }
0x11: {  	_ =	swait.ge [sflag:s12], $0x3200  }
0x12: {  	[sflag:s12] =	ssyncset.done $0x0  }
0x13: {  	[sflag:s12] =	ssyncadd.s32 $0xFFFFCE00  }
0x14: {  	[bflag:$0x0] =	sbarrier.arrive $0xFFFF  }
0x15: {  	[tilespmem:s3], [sflag:$0x3] =	stream.linear.gather [hbm4b:s7+s3], $0x13B0, $0x38;
	[tilespmem:$0x1FD60] =	vst v63  }
0x16: {  	_ =	swait.ge [sflag:s12], $0x13B0  }
0x17: {  	[sflag:s12] =	ssyncset.done $0x0  }
0x18: {  	[sflag:s12] =	ssyncadd.s32 $0xFFFFEC50  }
0x19: {  	[tilespmem:s13], [sflag:$0x3] =	stream.linear.gather [hbm4b:s8+s3], $0x13B0, $0x38;
	[tilespmem:$0x1FD60] =	vst v63  }
0x1a: {  	_ =	swait.ge [sflag:s12], $0x13B0  }
0x1b: {  	[sflag:s12] =	ssyncset.done $0x0  }
0x1c: {  	[sflag:s12] =	ssyncadd.s32 $0xFFFFEC50  }
0x1d: {  	[tilespmem:s15], [sflag:$0x1] =	stream.indirect.gather [hbm4b:s4+s14], $0xA0, s3, s14, $0xb8;
	[tilespmem:$0x1FD60] =	vst v63  }
0x1e: {  	_ = 	snop  }
0x1f: {  	[tilespmem:s16], [sflag:$0x2] =	stream.indirect.gather [hbm4b:s4+s14], $0xA0, s14, s14, $0xb8;
	[tilespmem:$0x1FD60] =	vst v63  }
0x20: {  	_ =	swait.ge [sflag:s17], $0x2300  }
0x21: {  	[sflag:s17] =	ssyncset.done $0x0  }
0x22: {  	s22 =	simm.s32 $0x13B0;
	[sflag:s17] =	ssyncadd.s32 $0xFFFFDD00  }
0x23: {  	[spmem:s2] =	stream.indirect.scatter.add.f32 [tilespmem:s15], [sflag:$0x3], $0xA0, s22, s14, $0xb8;
	[tilespmem:$0x1FD60] =	vst v63  }
0x24: {  	_ =	swait.ge [sflag:s12], $0x2300  }
0x25: {  	[sflag:s12] =	ssyncset.done $0x0  }
0x26: {  	s30 =	simm.s32 $0x70;
	[sflag:s12] =	ssyncadd.s32 $0xFFFFDD00  }
0x27: {  	[tilespmem:s15], [sflag:$0x1] =	stream.indirect.gather [hbm4b:s4+s14], $0xA0, s30, s14, $0xb8;
	[tilespmem:$0x1FD60] =	vst v63  }
0x28: {  	_ =	swait.ge [sflag:s18], $0x2300  }
0x29: {  	[sflag:s18] =	ssyncset.done $0x0  }
0x2a: {  	s31 =	simm.s32 $0x13E8;
	[sflag:s18] =	ssyncadd.s32 $0xFFFFDD00  }
0x2b: {  	[spmem:s2] =	stream.indirect.scatter.add.f32 [tilespmem:s16], [sflag:$0x3], $0xA0, s31, s14, $0xb8;
	[tilespmem:$0x1FD60] =	vst v63  }
0x2c: {  	_ =	swait.ge [sflag:s12], $0x2300  }
0x2d: {  	[sflag:s12] =	ssyncset.done $0x0  }
0x2e: {  	s23 =	simm.s32 $0xA8;
	s22 =	simm.s32 $0x1C0;
	[sflag:s12] =	ssyncadd.s32 $0xFFFFDD00  }
.LBB2_2:
0x2f: {  	[tilespmem:s16], [sflag:$0x2] =	stream.indirect.gather [hbm4b:s4+s14], $0xA0, s23, s14, $0xb8;
	[tilespmem:$0x1FD60] =	vst v63  }
0x30: {  	s23 =	smov.u32 s22  }
0x31: {  	p0 =	sne.s32 s22, $0x4B40;
	s22 =	sadd.s32 $0x1C0, s22;
	_ =	swait.ge [sflag:s17], $0x2300  }
0x32: {  	s23 =	sshra.s32 s23, $0x2;
	[sflag:s17] =	ssyncset.done $0x0  }
0x33: {  	s24 =	sadd.s32 $0x13B0, s23;
	[sflag:s17] =	ssyncadd.s32 $0xFFFFDD00  }
0x34: {  	[spmem:s2] =	stream.indirect.scatter.add.f32 [tilespmem:s15], [sflag:$0x3], $0xA0, s24, s14, $0xb8;
	[tilespmem:$0x1FD60] =	vst v63  }
0x35: {  	_ =	swait.ge [sflag:s12], $0x2300  }
0x36: {  	[sflag:s12] =	ssyncset.done $0x0  }
0x37: {  	s24 =	sadd.s32 $0x70, s23;
	[sflag:s12] =	ssyncadd.s32 $0xFFFFDD00  }
0x38: {  	[tilespmem:s15], [sflag:$0x1] =	stream.indirect.gather [hbm4b:s4+s14], $0xA0, s24, s14, $0xb8;
	[tilespmem:$0x1FD60] =	vst v63  }
0x39: {  	_ =	swait.ge [sflag:s18], $0x2300  }
0x3a: {  	[sflag:s18] =	ssyncset.done $0x0  }
.Ltmp0:
0x3b: {  	s24 =	sadd.s32 $0x13E8, s23;
	[sflag:s18] =	ssyncadd.s32 $0xFFFFDD00;
	(pc) =	sbr.rel @p0 .LBB2_2-.Ltmp0, $4  }
0x3c: {  	[spmem:s2] =	stream.indirect.scatter.add.f32 [tilespmem:s16], [sflag:$0x3], $0xA0, s24, s14, $0xb8;
	[tilespmem:$0x1FD60] =	vst v63  }
0x3d: {  	_ =	swait.ge [sflag:s12], $0x2300  }
0x3e: {  	[sflag:s12] =	ssyncset.done $0x0  }
0x3f: {  	s23 =	sadd.s32 $0xA8, s23;
	[sflag:s12] =	ssyncadd.s32 $0xFFFFDD00  }
0x40: {  	[tilespmem:s16], [sflag:$0x2] =	stream.indirect.gather [hbm4b:s4+s14], $0xA0, s23, s14, $0xb8;
	[tilespmem:$0x1FD60] =	vst v63  }
0x41: {  	_ =	swait.ge [sflag:s17], $0x2300  }
0x42: {  	[sflag:s17] =	ssyncset.done $0x0  }
0x43: {  	[sflag:s17] =	ssyncadd.s32 $0xFFFFDD00  }
0x44: {  	[spmem:s2] =	stream.indirect.scatter.add.f32 [tilespmem:s15], [sflag:$0x3], $0xA0, s19, s14, $0xb8;
	[tilespmem:$0x1FD60] =	vst v63  }
0x45: {  	_ =	swait.ge [sflag:s12], $0x2300  }
0x46: {  	[sflag:s12] =	ssyncset.done $0x0  }
0x47: {  	[sflag:s12] =	ssyncadd.s32 $0xFFFFDD00  }
0x48: {  	_ =	swait.ge [sflag:s18], $0x2300  }
0x49: {  	[sflag:s18] =	ssyncset.done $0x0  }
0x4a: {  	[sflag:s18] =	ssyncadd.s32 $0xFFFFDD00  }
0x4b: {  	[spmem:s2] =	stream.indirect.scatter.add.f32 [tilespmem:s16], [sflag:$0x3], $0xA0, s20, s14, $0xb8;
	[tilespmem:$0x1FD60] =	vst v63  }
0x4c: {  	_ =	swait.ge [sflag:s12], $0x2300  }
0x4d: {  	s21 =	sadd.s32 $0x1, s21;
	[sflag:s12] =	ssyncset.done $0x0  }
0x4e: {  	p0 =	sne.s32 s21, s10;
	[sflag:s12] =	ssyncadd.s32 $0xFFFFDD00  }
.Ltmp1:
0x4f: {  	[bflag:$0x0] =	sbarrier.arrive $0xFFFF;
	(pc) =	sbr.rel @p0 .LBB2_1-.Ltmp1, $4  }
0x50: {  	[hbm:s9], [sflag:s6] =	dma.local [spmem:s11], $0x3200  }
0x51: {  	_ =	swait.ge [sflag:s12], $0x3200  }
0x52: {  	[sflag:s12] =	ssyncset.done $0x0  }
0x53: {  	[sflag:s12] =	ssyncadd.s32 $0xFFFFCE00  }
0x54: {  	_ =	sfence.sel $0x180000  }
0x55: {  	[bflag:$0x0] =	sbarrier.arrive $0xFFFF  }
0x56: {  	p0 =	sne.s32 s0, $0x0;
	_ =	strace $0x90000053  }
0x57: {  	s0 =	sadd.s32 @!p0 $0x100000, s1;
	[bflag:$0x2] =	sbarrier.arrive $0xFFFF  }
0x58: {  	[sflag:s0] =	ssyncadd.tile.s32 @!p0 $0x1;
	_ =	shalt  }
.Lfunc_end2:
_tile_overlayer_lowered:
.L_overlay_start_2:
0x59: {  	(tag) =	ssettag $0x2  }
0x5a: {  	s0 =	rddreg [dreg:$0x0];
	s2 =	stileid.u32  }
0x5b: {  	s1 =	rddreg [dreg:$0x1];
	p0 =	sne.s32 s2, $0x0  }
0x5c: {  	s3 =	rddreg [dreg:$0x2];
	[bflag:$0x3] =	sbarrier.arrive $0xFFFF;
	s2 =	simm.s32 @!p0 $0x1C03  }
0x5d: {  	[timem:s3], [sflag:s2] =	dma.local @!p0 [hbm:s0], s1  }
0x5e: {  	s0 =	simm.s32 @!p0 $0x3  }
0x5f: {  	_ =	swait.ge @!p0 [sflag:s0], s1  }
0x60: {  	s1 =	ssub.s32 @!p0 $0x0, s1;
	[sflag:s0] =	ssyncset.done @!p0 $0x0  }
0x61: {  	[sflag:s0] =	ssyncadd.s32 @!p0 s1  }
0x62: {  	[bflag:$0x3] =	sbarrier.arrive $0xFFFF  }
0x63: {  	_ =	shalt  }

// kernel: kernel.34.cloned.1.call-start
scs
__scs_entry_jumppad:
0x0: {  	(pc) =	sbr.rel $0x88, $3  }
0x1: {  	(tag) =	ssettag $0x0;
	lr =	simm.s32 $0x1  }
0x2: {  	[smem:$0x3F90] =	sst lr;
	_ =	strace $0xD0000000  }
0x3: {  	_ = 	snop  }
0x4: {  	_ = 	snop  }
0x5: {  	_ = 	snop  }
0x6: {  	_ = 	snop  }
0x7: {  	_ = 	snop  }
__scs_overlays_trampoline_lowered:
0x8: {  	[smem:$0x3F9F] =	sst s0  }
0x9: {  	[smem:$0x3FA0] =	sst s1  }
0xa: {  	[smem:$0x3FA1] =	sst s2  }
0xb: {  	[smem:$0x3FA2] =	sst s3  }
0xc: {  	[smem:$0x3FA3] =	sst s4  }
0xd: {  	[smem:$0x3FA4] =	sst s5  }
0xe: {  	[smem:$0x3FA5] =	sst s6  }
0xf: {  	[smem:$0x3FA6] =	sst s7  }
0x10: {  	[smem:$0x3FA7] =	sst s8  }
0x11: {  	[smem:$0x3FA8] =	sst s9;
	s0 =	simm.s32 @!p0 $0x0  }
0x12: {  	s1 =	sld [smem:$0x3F8E];
	s0 =	simm.s32 @p0 $0x1  }
0x13: {  	[smem:$0x3FA9] =	sst s0;
	s0 =	simm.s32 @!p1 $0x0  }
0x14: {  	s2 =	sld [smem:$0x3F8D];
	s0 =	simm.s32 @p1 $0x1  }
0x15: {  	[smem:$0x3FAA] =	sst s0;
	s0 =	simm.s32 @!p2 $0x0  }
0x16: {  	s3 =	sld [smem:$0x3FDB];
	s0 =	simm.s32 @p2 $0x1  }
0x17: {  	s4 =	simm.s32 $0x1BF5;
	[smem:$0x3FAC] =	sst s0  }
0x18: {  	s0 =	sld [smem:$0x3F8F];
	_ =	swait.ge [sflag:s4], $0x0  }
0x19: {  	s7 =	sld [smem:$0x3F90]  }
0x1a: {  	s8 =	sadd.s32 $0xFFFFE003, lr  }
0x1b: {  	s9 =	sadd.s32 $0xFFFFFEF7, lr;
	s5 =	simm.s32 $0xFFFFFFFF;
	p2 =	slt.u32 s8, $0xFFFFF086  }
0x1c: {  	p1 =	slt.u32 s9, $0xF7A;
	s5 =	simm.s32 @!p2 $0x0  }
0x1d: {  	s5 =	simm.s32 @p1 $0x1;
	p0 =	seq.s32 s7, s2  }
0x1e: {  	s7 =	smul.u32 @!p0 $0xF7A, s2;
	p2 =	seq.s32 @!p0 s5, $0x0  }
0x1f: {  	s9 =	smul.u32 $0xF7A, s1;
	s8 =	simm.s32 @!p0 $0x1BF5;
	p2 =	por !p2, p0  }
0x20: {  	[sflag:s8] =	ssyncset.s32 @!p0 $0xFFFFF086;
	s6 =	sadd.s32 @!p0 s3, s7;
	s7 =	simm.s32 @!p0 $0x108  }
0x21: {  	s3 =	sadd.s32 s3, s9;
	s6 =	sadd.s32 @!p0 $0x88, s6;
	s7 =	simm.s32 @p2 $0x1082  }
0x22: {  	[simem:s7], [sflag:s8] =	dma.local @!p0 [hbm:s6], $0xF7A  }
0x23: {  	s9 =	sor.u32 $0xD0000000, s2;
	s6 =	simm.s32 $0x108;
	_ =	swait.ge @!p0 [sflag:s8], $0x0  }
0x24: {  	s3 =	sadd.s32 $0x88, s3;
	s6 =	simm.s32 @!p1 $0x1082;
	[sflag:s4] =	ssyncset.s32 $0xFFFFF086  }
0x25: {  	[simem:s6], [sflag:s4] =	dma.local [hbm:s3], $0xF7A  }
0x26: {  	[smem:$0x3F90] =	sst s1;
	(tag) =	ssettag s2;
	_ =	strace s9  }
0x27: {  	s1 =	sld [smem:$0x3FA0]  }
0x28: {  	s2 =	sld [smem:$0x3FA1]  }
0x29: {  	s4 =	sld [smem:$0x3FA3]  }
0x2a: {  	p0 =	seq.s32 s5, $0x0;
	s5 =	sld [smem:$0x3FA4]  }
0x2b: {  	s6 =	sld [smem:$0x3FA5]  }
0x2c: {  	s7 =	sld [smem:$0x3FA6]  }
0x2d: {  	s3 =	simm.s32 $0x108;
	s8 =	sld [smem:$0x3FA7]  }
0x2e: {  	s3 =	simm.s32 @!p0 $0x1082;
	s9 =	sld [smem:$0x3FA8]  }
0x2f: {  	lr =	sadd.s32 s0, s3;
	s0 =	sld [smem:$0x3F9F]  }
0x30: {  	s3 =	sld [smem:$0x3FA2]  }
0x31: {  	[smem:$0x3FAB] =	sst s10  }
0x32: {  	s10 =	sld [smem:$0x3FA9];
	_ =	sdelay $0x3  }
0x33: {  	p0 =	seq.s32 s10, $0x1;
	s10 =	sld [smem:$0x3FAB];
	_ =	sdelay $0x3  }
0x34: {  	[smem:$0x3FAB] =	sst s10  }
0x35: {  	s10 =	sld [smem:$0x3FAA];
	_ =	sdelay $0x3  }
0x36: {  	p1 =	seq.s32 s10, $0x1;
	s10 =	sld [smem:$0x3FAB];
	_ =	sdelay $0x3  }
0x37: {  	[smem:$0x3FAB] =	sst s10  }
0x38: {  	s10 =	sld [smem:$0x3FAC]  }
0x39: {  	_ = 	snop;
	(pc) =	sbr.ind lr, $3  }
0x3a: {  	_ = 	snop  }
0x3b: {  	_ = 	snop  }
0x3c: {  	p2 =	seq.s32 s10, $0x1;
	s10 =	sld [smem:$0x3FAB]  }
0x3d: {  	_ =	shalt  }
0x3e: {  	_ =	shalt  }
0x3f: {  	_ =	shalt  }
0x40: {  	_ =	shalt  }
0x41: {  	_ =	shalt  }
0x42: {  	_ =	shalt  }
0x43: {  	_ =	shalt  }
0x44: {  	_ =	shalt  }
0x45: {  	_ =	shalt  }
0x46: {  	_ =	shalt  }
0x47: {  	_ =	shalt  }
0x48: {  	_ =	shalt  }
0x49: {  	_ =	shalt  }
0x4a: {  	_ =	shalt  }
0x4b: {  	_ =	shalt  }
0x4c: {  	_ =	shalt  }
0x4d: {  	_ =	shalt  }
0x4e: {  	_ =	shalt  }
0x4f: {  	_ =	shalt  }
0x50: {  	_ =	shalt  }
0x51: {  	_ =	shalt  }
0x52: {  	_ =	shalt  }
0x53: {  	_ =	shalt  }
0x54: {  	_ =	shalt  }
0x55: {  	_ =	shalt  }
0x56: {  	_ =	shalt  }
0x57: {  	_ =	shalt  }
0x58: {  	_ =	shalt  }
0x59: {  	_ =	shalt  }
0x5a: {  	_ =	shalt  }
0x5b: {  	_ =	shalt  }
0x5c: {  	_ =	shalt  }
0x5d: {  	_ =	shalt  }
0x5e: {  	_ =	shalt  }
0x5f: {  	_ =	shalt  }
0x60: {  	_ =	shalt  }
0x61: {  	_ =	shalt  }
0x62: {  	_ =	shalt  }
0x63: {  	_ =	shalt  }
0x64: {  	_ =	shalt  }
0x65: {  	_ =	shalt  }
0x66: {  	_ =	shalt  }
0x67: {  	_ =	shalt  }
0x68: {  	_ =	shalt  }
0x69: {  	_ =	shalt  }
0x6a: {  	_ =	shalt  }
0x6b: {  	_ =	shalt  }
0x6c: {  	_ =	shalt  }
0x6d: {  	_ =	shalt  }
0x6e: {  	_ =	shalt  }
0x6f: {  	_ =	shalt  }
0x70: {  	_ =	shalt  }
0x71: {  	_ =	shalt  }
0x72: {  	_ =	shalt  }
0x73: {  	_ =	shalt  }
0x74: {  	_ =	shalt  }
0x75: {  	_ =	shalt  }
0x76: {  	_ =	shalt  }
0x77: {  	_ =	shalt  }
0x78: {  	_ =	shalt  }
0x79: {  	_ =	shalt  }
0x7a: {  	_ =	shalt  }
0x7b: {  	_ =	shalt  }
0x7c: {  	_ =	shalt  }
0x7d: {  	_ =	shalt  }
0x7e: {  	_ =	shalt  }
0x7f: {  	_ =	shalt  }
0x80: {  	_ =	shalt  }
0x81: {  	_ =	shalt  }
0x82: {  	_ =	shalt  }
0x83: {  	_ =	shalt  }
0x84: {  	_ =	shalt  }
0x85: {  	_ =	shalt  }
0x86: {  	_ =	shalt  }
0x87: {  	_ =	shalt  }
.Lfunc_end0:
.L_simem_size_0:
called_computation.5_lowered:
.L_overlay_start_0:
0x88: {  	s2 =	sld [smem:$0x3FD9]  }
0x89: {  	s3 =	sld [smem:$0x3FFE];
	_ =	sdelay $0x1  }
0x8a: {  	s1 =	srdreg.scid  }
0x8b: {  	s0 =	sand.u32 $0x1, s1  }
0x8c: {  	s16 =	sshll.u32 s0, $0xA;
	s2 =	sadd.s32 s3, s2  }
0x8d: {  	s2 =	sadd.s32 s2, s16  }
0x8e: {  	[smem:$0x3FB7] =	sst s2  }
0x8f: {  	_ = 	snop  }
0x90: {  	(tm) =	ssettm $0x1  }
0x91: {  	s17 =	sld [smem:$0x3FFB];
	_ =	sdelay $0x3  }
0x92: {  	_ =	strace s17  }
0x93: {  	s2 =	sld [smem:$0x3FFC];
	_ =	sdelay $0x3  }
0x94: {  	_ =	strace s2  }
0x95: {  	s2 =	sld [smem:$0x3FFD];
	_ =	sdelay $0x3  }
0x96: {  	_ =	strace s2  }
0x97: {  	_ =	strace $0x8FFFFFFF  }
0x98: {  	s18 =	sld [smem:$0x3FDB];
	_ =	sdelay $0x1  }
0x99: {  	s19 =	simm.s32 $_scs_section_size  }
0x9a: {  	s4 =	simm.s32 $_size__tile_overlayer_lowered;
	s5 =	simm.s32 $_tile_overlayer_lowered  }
0x9b: {  	s22 =	simm.s32 $0x1BFF;
	s21 =	sshll.u32 s5, $0x1;
	s2 =	sadd.s32 s19, s18  }
0x9c: {  	s6 =	simm.s32 $0x0;
	s20 =	sshll.u32 s4, $0x1;
	s4 =	sadd.s32 s21, s2  }
0x9d: {  	[timem:s6], [sflag:s22] =	dma.local [hbm:s4], s20  }
0x9e: {  	_ =	swait.ge [sflag:s22], s20  }
0x9f: {  	s3 =	ssub.s32 $0x0, s20;
	[sflag:s22] =	ssyncset.done $0x0  }
0xa0: {  	[sflag:s22] =	ssyncadd.s32 s3;
	_ =	sdelay $0x1  }
0xa1: {  	s23 =	simm.s32 $0x1B8B  }
0xa2: {  	_ =	swait.ge [sflag:s23], $0x1  }
0xa3: {  	[sflag:s23] =	ssyncset.done $0x0  }
0xa4: {  	s25 =	simm.s32 $0x1B8E;
	s24 =	sld [smem:$0x3FFE];
	[sflag:s23] =	ssyncadd.s32 $0xFFFFFFFF  }
0xa5: {  	s26 =	simm.s32 $execute0_lowered;
	[smem:$0x3FD2] =	sst s25  }
0xa6: {  	s4 =	sshll.u32 s26, $0x1;
	_ =	strace $0x80000055;
	[dreg:$0x1] =	wrdreg $0xFFFFFFFF  }
0xa7: {  	s28 =	simm.s32 $_size_execute0_lowered;
	s2 =	sadd.s32 s2, s4;
	[dreg:$0x0] =	wrdreg $0x0  }
0xa8: {  	s4 =	sshll.u32 s28, $0x1;
	[dreg:$0x2] =	wrdreg s2  }
0xa9: {  	[dreg:$0x3] =	wrdreg s4  }
0xaa: {  	[dreg:$0x4] =	wrdreg $0xC0  }
0xab: {  	_ =	task [dreg:s6], $0x5FFFF  }
0xac: {  	[dreg:$0x1] =	wrdreg $0xFFFFFFFF  }
0xad: {  	[dreg:$0x0] =	wrdreg $0x60  }
0xae: {  	[dreg:$0x2] =	wrdreg s24  }
0xaf: {  	[dreg:$0x3] =	wrdreg $0x6D600  }
0xb0: {  	[dreg:$0x4] =	wrdreg $0x9  }
0xb1: {  	_ =	task.clear_ibuf [dreg:s6], $0x5FFFF;
	_ =	strace $0x90000055  }
0xb2: {  	s29 =	simm.s32 $0x9;
	_ =	strace $0x80000057  }
0xb3: {  	_ =	swait.ge [sflag:s29], $0x1  }
0xb4: {  	[sflag:s29] =	ssyncadd.s32 $0xFFFFFFFF  }
0xb5: {  	_ =	strace $0x90000057  }
0xb6: {  	_ =	sfence  }
0xb7: {  	s30 =	sld [smem:$0x0];
	_ =	sdelay $0x2  }
0xb8: {  	s31 =	sshll.u32 s1, $0xD;
	s1 =	sshrl.u32 s1, $0x2  }
0xb9: {  	s3 =	sand.u32 $0x4000, s31;
	s1 =	sadd.s32 s1, s30  }
0xba: {  	s0 =	sor.u32 s3, s0;
	s1 =	sshll.u32 s1, $0x11  }
0xbb: {  	s0 =	sor.u32 s1, s0  }
0xbc: {  	s0 =	sadd.s32 $0x8F2B, s0  }
0xbd: {  	[sflag:s0] =	ssyncadd.remote.s32 $0x1  }
0xbe: {  	_ =	sfence.sel $0xFFFF  }
0xbf: {  	[dreg:$0x0] =	wrdreg $0xFFFFFFFF;
	(pc) =	sbr.abs _section_cstart, $3  }
0xc0: {  	[dreg:$0x1] =	wrdreg $0xFFFFFFFF  }
0xc1: {  	_ =	task.clear_ibuf [dreg:s6], $0x2FFFF;
	_ =	strace $0x9FFFFFFF  }
0xc2: {  	(tm) =	ssettm $0x7FFFFFFF  }
0xc3: {  	_ =	shalt  }
tec
execute0_lowered:
.L_overlay_start_1:
0x0: {  	(tag) =	ssettag $0x1  }
0x1: {  	s6 =	rddreg [dreg:$0x0]  }
0x2: {  	s0 =	srdreg.scid;
	s2 =	rddreg [dreg:$0x1]  }
0x3: {  	s1 =	rddreg [dreg:$0x2];
	s3 =	simm.s32 $0x0;
	s14 =	simm.s32 $0x38  }
0x4: {  	s15 =	simm.s32 $0x2760;
	s16 =	simm.s32 $0x4A60;
	s7 =	sand.u32 $0x1, s0  }
0x5: {  	s17 =	simm.s32 $0x1;
	s0 =	stileid.u32;
	s4 =	smul.u32 $0x13B00, s7  }
0x6: {  	s18 =	simm.s32 $0x2;
	s19 =	simm.s32 $0x26F0;
	s5 =	smul.u32 $0x13B0, s0  }
0x7: {  	s20 =	simm.s32 $0x2728;
	s21 =	simm.s32 $0x0;
	s8 =	smul.u32 $0x19000, s0  }
0x8: {  	[smem:$0x7FF] =	sst s3;
	s30 =	smul.u32 $0x190000, s7;
	s7 =	ssub.s32 $0x2, s7  }
0x9: {  	_ =	strace $0x80000056;
	s11 =	sshll.u32 s0, $0x6;
	s31 =	sshrl.u32 s7, $0x1  }
0xa: {  	s4 =	sadd.s32 s5, s4;
	s10 =	sadd.s32 s8, s30;
	s5 =	sadd.s32 $0x10200, s6  }
0xb: {  	s12 =	ssub.s32 s7, s31;
	s13 =	sadd.s32 s8, s2;
	s4 =	sshrl.u32 s4, $0x3  }
0xc: {  	s10 =	sshrl.u32 s10, $0x3;
	s9 =	sadd.s32 s4, s6;
	s4 =	sadd.s32 $0x1E1C00, s6  }
0xd: {  	s10 =	sadd.s32 s10, s6;
	s6 =	sor.u32 $0x1C03, s11;
	s11 =	sshrl.u32 s13, $0x3  }
0xe: {  	s13 =	simm.s32 $0x13B0;
	s7 =	sadd.s32 $0x6200, s9;
	s8 =	sadd.s32 $0xB200, s9  }
0xf: {  	s9 =	sadd.s32 $0x13400, s10;
	s10 =	smax.u32 s12, $0x1;
	s12 =	simm.s32 $0x3  }
.LBB2_1:
0x10: {  	[spmem:s11], [sflag:s6] =	dma.local [hbm:s5], $0x3200  }
0x11: {  	_ =	swait.ge [sflag:s12], $0x3200  }
0x12: {  	[sflag:s12] =	ssyncset.done $0x0  }
0x13: {  	[sflag:s12] =	ssyncadd.s32 $0xFFFFCE00  }
0x14: {  	[bflag:$0x0] =	sbarrier.arrive $0xFFFF  }
0x15: {  	[tilespmem:s3], [sflag:$0x3] =	stream.linear.gather [hbm4b:s7+s3], $0x13B0, $0x38;
	[tilespmem:$0x1FD60] =	vst v63  }
0x16: {  	_ =	swait.ge [sflag:s12], $0x13B0  }
0x17: {  	[sflag:s12] =	ssyncset.done $0x0  }
0x18: {  	[sflag:s12] =	ssyncadd.s32 $0xFFFFEC50  }
0x19: {  	[tilespmem:s13], [sflag:$0x3] =	stream.linear.gather [hbm4b:s8+s3], $0x13B0, $0x38;
	[tilespmem:$0x1FD60] =	vst v63  }
0x1a: {  	_ =	swait.ge [sflag:s12], $0x13B0  }
0x1b: {  	[sflag:s12] =	ssyncset.done $0x0  }
0x1c: {  	[sflag:s12] =	ssyncadd.s32 $0xFFFFEC50  }
0x1d: {  	[tilespmem:s15], [sflag:$0x1] =	stream.indirect.gather [hbm4b:s4+s14], $0xA0, s3, s14, $0xb8;
	[tilespmem:$0x1FD60] =	vst v63  }
0x1e: {  	_ = 	snop  }
0x1f: {  	[tilespmem:s16], [sflag:$0x2] =	stream.indirect.gather [hbm4b:s4+s14], $0xA0, s14, s14, $0xb8;
	[tilespmem:$0x1FD60] =	vst v63  }
0x20: {  	_ =	swait.ge [sflag:s17], $0x2300  }
0x21: {  	[sflag:s17] =	ssyncset.done $0x0  }
0x22: {  	s22 =	simm.s32 $0x13B0;
	[sflag:s17] =	ssyncadd.s32 $0xFFFFDD00  }
0x23: {  	[spmem:s2] =	stream.indirect.scatter.add.f32 [tilespmem:s15], [sflag:$0x3], $0xA0, s22, s14, $0xb8;
	[tilespmem:$0x1FD60] =	vst v63  }
0x24: {  	_ =	swait.ge [sflag:s12], $0x2300  }
0x25: {  	[sflag:s12] =	ssyncset.done $0x0  }
0x26: {  	s30 =	simm.s32 $0x70;
	[sflag:s12] =	ssyncadd.s32 $0xFFFFDD00  }
0x27: {  	[tilespmem:s15], [sflag:$0x1] =	stream.indirect.gather [hbm4b:s4+s14], $0xA0, s30, s14, $0xb8;
	[tilespmem:$0x1FD60] =	vst v63  }
0x28: {  	_ =	swait.ge [sflag:s18], $0x2300  }
0x29: {  	[sflag:s18] =	ssyncset.done $0x0  }
0x2a: {  	s31 =	simm.s32 $0x13E8;
	[sflag:s18] =	ssyncadd.s32 $0xFFFFDD00  }
0x2b: {  	[spmem:s2] =	stream.indirect.scatter.add.f32 [tilespmem:s16], [sflag:$0x3], $0xA0, s31, s14, $0xb8;
	[tilespmem:$0x1FD60] =	vst v63  }
0x2c: {  	_ =	swait.ge [sflag:s12], $0x2300  }
0x2d: {  	[sflag:s12] =	ssyncset.done $0x0  }
0x2e: {  	s23 =	simm.s32 $0xA8;
	s22 =	simm.s32 $0x1C0;
	[sflag:s12] =	ssyncadd.s32 $0xFFFFDD00  }
.LBB2_2:
0x2f: {  	[tilespmem:s16], [sflag:$0x2] =	stream.indirect.gather [hbm4b:s4+s14], $0xA0, s23, s14, $0xb8;
	[tilespmem:$0x1FD60] =	vst v63  }
0x30: {  	s23 =	smov.u32 s22  }
0x31: {  	p0 =	sne.s32 s22, $0x4B40;
	s22 =	sadd.s32 $0x1C0, s22;
	_ =	swait.ge [sflag:s17], $0x2300  }
0x32: {  	s23 =	sshra.s32 s23, $0x2;
	[sflag:s17] =	ssyncset.done $0x0  }
0x33: {  	s24 =	sadd.s32 $0x13B0, s23;
	[sflag:s17] =	ssyncadd.s32 $0xFFFFDD00  }
0x34: {  	[spmem:s2] =	stream.indirect.scatter.add.f32 [tilespmem:s15], [sflag:$0x3], $0xA0, s24, s14, $0xb8;
	[tilespmem:$0x1FD60] =	vst v63  }
0x35: {  	_ =	swait.ge [sflag:s12], $0x2300  }
0x36: {  	[sflag:s12] =	ssyncset.done $0x0  }
0x37: {  	s24 =	sadd.s32 $0x70, s23;
	[sflag:s12] =	ssyncadd.s32 $0xFFFFDD00  }
0x38: {  	[tilespmem:s15], [sflag:$0x1] =	stream.indirect.gather [hbm4b:s4+s14], $0xA0, s24, s14, $0xb8;
	[tilespmem:$0x1FD60] =	vst v63  }
0x39: {  	_ =	swait.ge [sflag:s18], $0x2300  }
0x3a: {  	[sflag:s18] =	ssyncset.done $0x0  }
.Ltmp0:
0x3b: {  	s24 =	sadd.s32 $0x13E8, s23;
	[sflag:s18] =	ssyncadd.s32 $0xFFFFDD00;
	(pc) =	sbr.rel @p0 .LBB2_2-.Ltmp0, $4  }
0x3c: {  	[spmem:s2] =	stream.indirect.scatter.add.f32 [tilespmem:s16], [sflag:$0x3], $0xA0, s24, s14, $0xb8;
	[tilespmem:$0x1FD60] =	vst v63  }
0x3d: {  	_ =	swait.ge [sflag:s12], $0x2300  }
0x3e: {  	[sflag:s12] =	ssyncset.done $0x0  }
0x3f: {  	s23 =	sadd.s32 $0xA8, s23;
	[sflag:s12] =	ssyncadd.s32 $0xFFFFDD00  }
0x40: {  	[tilespmem:s16], [sflag:$0x2] =	stream.indirect.gather [hbm4b:s4+s14], $0xA0, s23, s14, $0xb8;
	[tilespmem:$0x1FD60] =	vst v63  }
0x41: {  	_ =	swait.ge [sflag:s17], $0x2300  }
0x42: {  	[sflag:s17] =	ssyncset.done $0x0  }
0x43: {  	[sflag:s17] =	ssyncadd.s32 $0xFFFFDD00  }
0x44: {  	[spmem:s2] =	stream.indirect.scatter.add.f32 [tilespmem:s15], [sflag:$0x3], $0xA0, s19, s14, $0xb8;
	[tilespmem:$0x1FD60] =	vst v63  }
0x45: {  	_ =	swait.ge [sflag:s12], $0x2300  }
0x46: {  	[sflag:s12] =	ssyncset.done $0x0  }
0x47: {  	[sflag:s12] =	ssyncadd.s32 $0xFFFFDD00  }
0x48: {  	_ =	swait.ge [sflag:s18], $0x2300  }
0x49: {  	[sflag:s18] =	ssyncset.done $0x0  }
0x4a: {  	[sflag:s18] =	ssyncadd.s32 $0xFFFFDD00  }
0x4b: {  	[spmem:s2] =	stream.indirect.scatter.add.f32 [tilespmem:s16], [sflag:$0x3], $0xA0, s20, s14, $0xb8;
	[tilespmem:$0x1FD60] =	vst v63  }
0x4c: {  	_ =	swait.ge [sflag:s12], $0x2300  }
0x4d: {  	s21 =	sadd.s32 $0x1, s21;
	[sflag:s12] =	ssyncset.done $0x0  }
0x4e: {  	p0 =	sne.s32 s21, s10;
	[sflag:s12] =	ssyncadd.s32 $0xFFFFDD00  }
.Ltmp1:
0x4f: {  	[bflag:$0x0] =	sbarrier.arrive $0xFFFF;
	(pc) =	sbr.rel @p0 .LBB2_1-.Ltmp1, $4  }
0x50: {  	[hbm:s9], [sflag:s6] =	dma.local [spmem:s11], $0x3200  }
0x51: {  	_ =	swait.ge [sflag:s12], $0x3200  }
0x52: {  	[sflag:s12] =	ssyncset.done $0x0  }
0x53: {  	[sflag:s12] =	ssyncadd.s32 $0xFFFFCE00  }
0x54: {  	_ =	sfence.sel $0x180000  }
0x55: {  	[bflag:$0x0] =	sbarrier.arrive $0xFFFF  }
0x56: {  	p0 =	sne.s32 s0, $0x0;
	_ =	strace $0x90000056  }
0x57: {  	s0 =	sadd.s32 @!p0 $0x100000, s1;
	[bflag:$0x2] =	sbarrier.arrive $0xFFFF  }
0x58: {  	[sflag:s0] =	ssyncadd.tile.s32 @!p0 $0x1;
	_ =	shalt  }
.Lfunc_end2:
_tile_overlayer_lowered:
.L_overlay_start_2:
0x59: {  	(tag) =	ssettag $0x2  }
0x5a: {  	s0 =	rddreg [dreg:$0x0];
	s2 =	stileid.u32  }
0x5b: {  	s1 =	rddreg [dreg:$0x1];
	p0 =	sne.s32 s2, $0x0  }
0x5c: {  	s3 =	rddreg [dreg:$0x2];
	[bflag:$0x3] =	sbarrier.arrive $0xFFFF;
	s2 =	simm.s32 @!p0 $0x1C03  }
0x5d: {  	[timem:s3], [sflag:s2] =	dma.local @!p0 [hbm:s0], s1  }
0x5e: {  	s0 =	simm.s32 @!p0 $0x3  }
0x5f: {  	_ =	swait.ge @!p0 [sflag:s0], s1  }
0x60: {  	s1 =	ssub.s32 @!p0 $0x0, s1;
	[sflag:s0] =	ssyncset.done @!p0 $0x0  }
0x61: {  	[sflag:s0] =	ssyncadd.s32 @!p0 s1  }
0x62: {  	[bflag:$0x3] =	sbarrier.arrive $0xFFFF  }
0x63: {  	_ =	shalt  }

// kernel: kernel.37.cloned.1.call-start
scs
__scs_entry_jumppad:
0x0: {  	(pc) =	sbr.rel $0x88, $3  }
0x1: {  	(tag) =	ssettag $0x0;
	lr =	simm.s32 $0x1  }
0x2: {  	[smem:$0x3F90] =	sst lr;
	_ =	strace $0xD0000000  }
0x3: {  	_ = 	snop  }
0x4: {  	_ = 	snop  }
0x5: {  	_ = 	snop  }
0x6: {  	_ = 	snop  }
0x7: {  	_ = 	snop  }
__scs_overlays_trampoline_lowered:
0x8: {  	[smem:$0x3F9F] =	sst s0  }
0x9: {  	[smem:$0x3FA0] =	sst s1  }
0xa: {  	[smem:$0x3FA1] =	sst s2  }
0xb: {  	[smem:$0x3FA2] =	sst s3  }
0xc: {  	[smem:$0x3FA3] =	sst s4  }
0xd: {  	[smem:$0x3FA4] =	sst s5  }
0xe: {  	[smem:$0x3FA5] =	sst s6  }
0xf: {  	[smem:$0x3FA6] =	sst s7  }
0x10: {  	[smem:$0x3FA7] =	sst s8  }
0x11: {  	[smem:$0x3FA8] =	sst s9;
	s0 =	simm.s32 @!p0 $0x0  }
0x12: {  	s1 =	sld [smem:$0x3F8E];
	s0 =	simm.s32 @p0 $0x1  }
0x13: {  	[smem:$0x3FA9] =	sst s0;
	s0 =	simm.s32 @!p1 $0x0  }
0x14: {  	s2 =	sld [smem:$0x3F8D];
	s0 =	simm.s32 @p1 $0x1  }
0x15: {  	[smem:$0x3FAA] =	sst s0;
	s0 =	simm.s32 @!p2 $0x0  }
0x16: {  	s3 =	sld [smem:$0x3FDB];
	s0 =	simm.s32 @p2 $0x1  }
0x17: {  	s4 =	simm.s32 $0x1BF5;
	[smem:$0x3FAC] =	sst s0  }
0x18: {  	s0 =	sld [smem:$0x3F8F];
	_ =	swait.ge [sflag:s4], $0x0  }
0x19: {  	s7 =	sld [smem:$0x3F90]  }
0x1a: {  	s8 =	sadd.s32 $0xFFFFE003, lr  }
0x1b: {  	s9 =	sadd.s32 $0xFFFFFEF7, lr;
	s5 =	simm.s32 $0xFFFFFFFF;
	p2 =	slt.u32 s8, $0xFFFFF086  }
0x1c: {  	p1 =	slt.u32 s9, $0xF7A;
	s5 =	simm.s32 @!p2 $0x0  }
0x1d: {  	s5 =	simm.s32 @p1 $0x1;
	p0 =	seq.s32 s7, s2  }
0x1e: {  	s7 =	smul.u32 @!p0 $0xF7A, s2;
	p2 =	seq.s32 @!p0 s5, $0x0  }
0x1f: {  	s9 =	smul.u32 $0xF7A, s1;
	s8 =	simm.s32 @!p0 $0x1BF5;
	p2 =	por !p2, p0  }
0x20: {  	[sflag:s8] =	ssyncset.s32 @!p0 $0xFFFFF086;
	s6 =	sadd.s32 @!p0 s3, s7;
	s7 =	simm.s32 @!p0 $0x108  }
0x21: {  	s3 =	sadd.s32 s3, s9;
	s6 =	sadd.s32 @!p0 $0x88, s6;
	s7 =	simm.s32 @p2 $0x1082  }
0x22: {  	[simem:s7], [sflag:s8] =	dma.local @!p0 [hbm:s6], $0xF7A  }
0x23: {  	s9 =	sor.u32 $0xD0000000, s2;
	s6 =	simm.s32 $0x108;
	_ =	swait.ge @!p0 [sflag:s8], $0x0  }
0x24: {  	s3 =	sadd.s32 $0x88, s3;
	s6 =	simm.s32 @!p1 $0x1082;
	[sflag:s4] =	ssyncset.s32 $0xFFFFF086  }
0x25: {  	[simem:s6], [sflag:s4] =	dma.local [hbm:s3], $0xF7A  }
0x26: {  	[smem:$0x3F90] =	sst s1;
	(tag) =	ssettag s2;
	_ =	strace s9  }
0x27: {  	s1 =	sld [smem:$0x3FA0]  }
0x28: {  	s2 =	sld [smem:$0x3FA1]  }
0x29: {  	s4 =	sld [smem:$0x3FA3]  }
0x2a: {  	p0 =	seq.s32 s5, $0x0;
	s5 =	sld [smem:$0x3FA4]  }
0x2b: {  	s6 =	sld [smem:$0x3FA5]  }
0x2c: {  	s7 =	sld [smem:$0x3FA6]  }
0x2d: {  	s3 =	simm.s32 $0x108;
	s8 =	sld [smem:$0x3FA7]  }
0x2e: {  	s3 =	simm.s32 @!p0 $0x1082;
	s9 =	sld [smem:$0x3FA8]  }
0x2f: {  	lr =	sadd.s32 s0, s3;
	s0 =	sld [smem:$0x3F9F]  }
0x30: {  	s3 =	sld [smem:$0x3FA2]  }
0x31: {  	[smem:$0x3FAB] =	sst s10  }
0x32: {  	s10 =	sld [smem:$0x3FA9];
	_ =	sdelay $0x3  }
0x33: {  	p0 =	seq.s32 s10, $0x1;
	s10 =	sld [smem:$0x3FAB];
	_ =	sdelay $0x3  }
0x34: {  	[smem:$0x3FAB] =	sst s10  }
0x35: {  	s10 =	sld [smem:$0x3FAA];
	_ =	sdelay $0x3  }
0x36: {  	p1 =	seq.s32 s10, $0x1;
	s10 =	sld [smem:$0x3FAB];
	_ =	sdelay $0x3  }
0x37: {  	[smem:$0x3FAB] =	sst s10  }
0x38: {  	s10 =	sld [smem:$0x3FAC]  }
0x39: {  	_ = 	snop;
	(pc) =	sbr.ind lr, $3  }
0x3a: {  	_ = 	snop  }
0x3b: {  	_ = 	snop  }
0x3c: {  	p2 =	seq.s32 s10, $0x1;
	s10 =	sld [smem:$0x3FAB]  }
0x3d: {  	_ =	shalt  }
0x3e: {  	_ =	shalt  }
0x3f: {  	_ =	shalt  }
0x40: {  	_ =	shalt  }
0x41: {  	_ =	shalt  }
0x42: {  	_ =	shalt  }
0x43: {  	_ =	shalt  }
0x44: {  	_ =	shalt  }
0x45: {  	_ =	shalt  }
0x46: {  	_ =	shalt  }
0x47: {  	_ =	shalt  }
0x48: {  	_ =	shalt  }
0x49: {  	_ =	shalt  }
0x4a: {  	_ =	shalt  }
0x4b: {  	_ =	shalt  }
0x4c: {  	_ =	shalt  }
0x4d: {  	_ =	shalt  }
0x4e: {  	_ =	shalt  }
0x4f: {  	_ =	shalt  }
0x50: {  	_ =	shalt  }
0x51: {  	_ =	shalt  }
0x52: {  	_ =	shalt  }
0x53: {  	_ =	shalt  }
0x54: {  	_ =	shalt  }
0x55: {  	_ =	shalt  }
0x56: {  	_ =	shalt  }
0x57: {  	_ =	shalt  }
0x58: {  	_ =	shalt  }
0x59: {  	_ =	shalt  }
0x5a: {  	_ =	shalt  }
0x5b: {  	_ =	shalt  }
0x5c: {  	_ =	shalt  }
0x5d: {  	_ =	shalt  }
0x5e: {  	_ =	shalt  }
0x5f: {  	_ =	shalt  }
0x60: {  	_ =	shalt  }
0x61: {  	_ =	shalt  }
0x62: {  	_ =	shalt  }
0x63: {  	_ =	shalt  }
0x64: {  	_ =	shalt  }
0x65: {  	_ =	shalt  }
0x66: {  	_ =	shalt  }
0x67: {  	_ =	shalt  }
0x68: {  	_ =	shalt  }
0x69: {  	_ =	shalt  }
0x6a: {  	_ =	shalt  }
0x6b: {  	_ =	shalt  }
0x6c: {  	_ =	shalt  }
0x6d: {  	_ =	shalt  }
0x6e: {  	_ =	shalt  }
0x6f: {  	_ =	shalt  }
0x70: {  	_ =	shalt  }
0x71: {  	_ =	shalt  }
0x72: {  	_ =	shalt  }
0x73: {  	_ =	shalt  }
0x74: {  	_ =	shalt  }
0x75: {  	_ =	shalt  }
0x76: {  	_ =	shalt  }
0x77: {  	_ =	shalt  }
0x78: {  	_ =	shalt  }
0x79: {  	_ =	shalt  }
0x7a: {  	_ =	shalt  }
0x7b: {  	_ =	shalt  }
0x7c: {  	_ =	shalt  }
0x7d: {  	_ =	shalt  }
0x7e: {  	_ =	shalt  }
0x7f: {  	_ =	shalt  }
0x80: {  	_ =	shalt  }
0x81: {  	_ =	shalt  }
0x82: {  	_ =	shalt  }
0x83: {  	_ =	shalt  }
0x84: {  	_ =	shalt  }
0x85: {  	_ =	shalt  }
0x86: {  	_ =	shalt  }
0x87: {  	_ =	shalt  }
.Lfunc_end0:
.L_simem_size_0:
called_computation.6_lowered:
.L_overlay_start_0:
0x88: {  	s2 =	sld [smem:$0x3FD9]  }
0x89: {  	s3 =	sld [smem:$0x3FFE];
	_ =	sdelay $0x1  }
0x8a: {  	s1 =	srdreg.scid  }
0x8b: {  	s0 =	sand.u32 $0x1, s1  }
0x8c: {  	s16 =	sshll.u32 s0, $0xA;
	s2 =	sadd.s32 s3, s2  }
0x8d: {  	s2 =	sadd.s32 s2, s16  }
0x8e: {  	[smem:$0x3FB7] =	sst s2  }
0x8f: {  	_ = 	snop  }
0x90: {  	(tm) =	ssettm $0x1  }
0x91: {  	s17 =	sld [smem:$0x3FFB];
	_ =	sdelay $0x3  }
0x92: {  	_ =	strace s17  }
0x93: {  	s2 =	sld [smem:$0x3FFC];
	_ =	sdelay $0x3  }
0x94: {  	_ =	strace s2  }
0x95: {  	s2 =	sld [smem:$0x3FFD];
	_ =	sdelay $0x3  }
0x96: {  	_ =	strace s2  }
0x97: {  	_ =	strace $0x8FFFFFFF  }
0x98: {  	s18 =	sld [smem:$0x3FDB];
	_ =	sdelay $0x1  }
0x99: {  	s19 =	simm.s32 $_scs_section_size  }
0x9a: {  	s4 =	simm.s32 $_size__tile_overlayer_lowered;
	s5 =	simm.s32 $_tile_overlayer_lowered  }
0x9b: {  	s22 =	simm.s32 $0x1BFF;
	s21 =	sshll.u32 s5, $0x1;
	s2 =	sadd.s32 s19, s18  }
0x9c: {  	s6 =	simm.s32 $0x0;
	s20 =	sshll.u32 s4, $0x1;
	s4 =	sadd.s32 s21, s2  }
0x9d: {  	[timem:s6], [sflag:s22] =	dma.local [hbm:s4], s20  }
0x9e: {  	_ =	swait.ge [sflag:s22], s20  }
0x9f: {  	s3 =	ssub.s32 $0x0, s20;
	[sflag:s22] =	ssyncset.done $0x0  }
0xa0: {  	[sflag:s22] =	ssyncadd.s32 s3;
	_ =	sdelay $0x1  }
0xa1: {  	s23 =	simm.s32 $0x1B8B  }
0xa2: {  	_ =	swait.ge [sflag:s23], $0x1  }
0xa3: {  	[sflag:s23] =	ssyncset.done $0x0  }
0xa4: {  	s25 =	simm.s32 $0x1B8E;
	s24 =	sld [smem:$0x3FFE];
	[sflag:s23] =	ssyncadd.s32 $0xFFFFFFFF  }
0xa5: {  	s26 =	simm.s32 $execute0_lowered;
	[smem:$0x3FD2] =	sst s25  }
0xa6: {  	s4 =	sshll.u32 s26, $0x1;
	_ =	strace $0x80000058;
	[dreg:$0x1] =	wrdreg $0xFFFFFFFF  }
0xa7: {  	s28 =	simm.s32 $_size_execute0_lowered;
	s2 =	sadd.s32 s2, s4;
	[dreg:$0x0] =	wrdreg $0x0  }
0xa8: {  	s4 =	sshll.u32 s28, $0x1;
	[dreg:$0x2] =	wrdreg s2  }
0xa9: {  	[dreg:$0x3] =	wrdreg s4  }
0xaa: {  	[dreg:$0x4] =	wrdreg $0xC0  }
0xab: {  	_ =	task [dreg:s6], $0x5FFFF  }
0xac: {  	[dreg:$0x1] =	wrdreg $0xFFFFFFFF  }
0xad: {  	[dreg:$0x0] =	wrdreg $0x60  }
0xae: {  	[dreg:$0x2] =	wrdreg s24  }
0xaf: {  	[dreg:$0x3] =	wrdreg $0x6D600  }
0xb0: {  	[dreg:$0x4] =	wrdreg $0x9  }
0xb1: {  	_ =	task.clear_ibuf [dreg:s6], $0x5FFFF;
	_ =	strace $0x90000058  }
0xb2: {  	s29 =	simm.s32 $0x9;
	_ =	strace $0x8000005A  }
0xb3: {  	_ =	swait.ge [sflag:s29], $0x1  }
0xb4: {  	[sflag:s29] =	ssyncadd.s32 $0xFFFFFFFF  }
0xb5: {  	_ =	strace $0x9000005A  }
0xb6: {  	_ =	sfence  }
0xb7: {  	s30 =	sld [smem:$0x0];
	_ =	sdelay $0x2  }
0xb8: {  	s31 =	sshll.u32 s1, $0xD;
	s1 =	sshrl.u32 s1, $0x2  }
0xb9: {  	s3 =	sand.u32 $0x4000, s31;
	s1 =	sadd.s32 s1, s30  }
0xba: {  	s0 =	sor.u32 s3, s0;
	s1 =	sshll.u32 s1, $0x11  }
0xbb: {  	s0 =	sor.u32 s1, s0  }
0xbc: {  	s0 =	sadd.s32 $0x8F2B, s0  }
0xbd: {  	[sflag:s0] =	ssyncadd.remote.s32 $0x1  }
0xbe: {  	_ =	sfence.sel $0xFFFF  }
0xbf: {  	[dreg:$0x0] =	wrdreg $0xFFFFFFFF;
	(pc) =	sbr.abs _section_cstart, $3  }
0xc0: {  	[dreg:$0x1] =	wrdreg $0xFFFFFFFF  }
0xc1: {  	_ =	task.clear_ibuf [dreg:s6], $0x2FFFF;
	_ =	strace $0x9FFFFFFF  }
0xc2: {  	(tm) =	ssettm $0x7FFFFFFF  }
0xc3: {  	_ =	shalt  }
tec
execute0_lowered:
.L_overlay_start_1:
0x0: {  	(tag) =	ssettag $0x1  }
0x1: {  	s6 =	rddreg [dreg:$0x0]  }
0x2: {  	s0 =	srdreg.scid;
	s2 =	rddreg [dreg:$0x1]  }
0x3: {  	s1 =	rddreg [dreg:$0x2];
	s3 =	simm.s32 $0x0;
	s14 =	simm.s32 $0x38  }
0x4: {  	s15 =	simm.s32 $0x2760;
	s16 =	simm.s32 $0x4A60;
	s7 =	sand.u32 $0x1, s0  }
0x5: {  	s17 =	simm.s32 $0x1;
	s0 =	stileid.u32;
	s4 =	smul.u32 $0x13B00, s7  }
0x6: {  	s18 =	simm.s32 $0x2;
	s19 =	simm.s32 $0x26F0;
	s5 =	smul.u32 $0x13B0, s0  }
0x7: {  	s20 =	simm.s32 $0x2728;
	s21 =	simm.s32 $0x0;
	s8 =	smul.u32 $0x19000, s0  }
0x8: {  	[smem:$0x7FF] =	sst s3;
	s30 =	smul.u32 $0x190000, s7;
	s7 =	ssub.s32 $0x2, s7  }
0x9: {  	_ =	strace $0x80000059;
	s11 =	sshll.u32 s0, $0x6;
	s31 =	sshrl.u32 s7, $0x1  }
0xa: {  	s4 =	sadd.s32 s5, s4;
	s10 =	sadd.s32 s8, s30;
	s5 =	sadd.s32 $0x10200, s6  }
0xb: {  	s12 =	ssub.s32 s7, s31;
	s13 =	sadd.s32 s8, s2;
	s4 =	sshrl.u32 s4, $0x3  }
0xc: {  	s10 =	sshrl.u32 s10, $0x3;
	s9 =	sadd.s32 s4, s6;
	s4 =	sadd.s32 $0x1E1C00, s6  }
0xd: {  	s10 =	sadd.s32 s10, s6;
	s6 =	sor.u32 $0x1C03, s11;
	s11 =	sshrl.u32 s13, $0x3  }
0xe: {  	s13 =	simm.s32 $0x13B0;
	s7 =	sadd.s32 $0x6200, s9;
	s8 =	sadd.s32 $0xB200, s9  }
0xf: {  	s9 =	sadd.s32 $0x79C00, s10;
	s10 =	smax.u32 s12, $0x1;
	s12 =	simm.s32 $0x3  }
.LBB2_1:
0x10: {  	[spmem:s11], [sflag:s6] =	dma.local [hbm:s5], $0x3200  }
0x11: {  	_ =	swait.ge [sflag:s12], $0x3200  }
0x12: {  	[sflag:s12] =	ssyncset.done $0x0  }
0x13: {  	[sflag:s12] =	ssyncadd.s32 $0xFFFFCE00  }
0x14: {  	[bflag:$0x0] =	sbarrier.arrive $0xFFFF  }
0x15: {  	[tilespmem:s3], [sflag:$0x3] =	stream.linear.gather [hbm4b:s7+s3], $0x13B0, $0x38;
	[tilespmem:$0x1FD60] =	vst v63  }
0x16: {  	_ =	swait.ge [sflag:s12], $0x13B0  }
0x17: {  	[sflag:s12] =	ssyncset.done $0x0  }
0x18: {  	[sflag:s12] =	ssyncadd.s32 $0xFFFFEC50  }
0x19: {  	[tilespmem:s13], [sflag:$0x3] =	stream.linear.gather [hbm4b:s8+s3], $0x13B0, $0x38;
	[tilespmem:$0x1FD60] =	vst v63  }
0x1a: {  	_ =	swait.ge [sflag:s12], $0x13B0  }
0x1b: {  	[sflag:s12] =	ssyncset.done $0x0  }
0x1c: {  	[sflag:s12] =	ssyncadd.s32 $0xFFFFEC50  }
0x1d: {  	[tilespmem:s15], [sflag:$0x1] =	stream.indirect.gather [hbm4b:s4+s14], $0xA0, s3, s14, $0xb8;
	[tilespmem:$0x1FD60] =	vst v63  }
0x1e: {  	_ = 	snop  }
0x1f: {  	[tilespmem:s16], [sflag:$0x2] =	stream.indirect.gather [hbm4b:s4+s14], $0xA0, s14, s14, $0xb8;
	[tilespmem:$0x1FD60] =	vst v63  }
0x20: {  	_ =	swait.ge [sflag:s17], $0x2300  }
0x21: {  	[sflag:s17] =	ssyncset.done $0x0  }
0x22: {  	s22 =	simm.s32 $0x13B0;
	[sflag:s17] =	ssyncadd.s32 $0xFFFFDD00  }
0x23: {  	[spmem:s2] =	stream.indirect.scatter.add.f32 [tilespmem:s15], [sflag:$0x3], $0xA0, s22, s14, $0xb8;
	[tilespmem:$0x1FD60] =	vst v63  }
0x24: {  	_ =	swait.ge [sflag:s12], $0x2300  }
0x25: {  	[sflag:s12] =	ssyncset.done $0x0  }
0x26: {  	s30 =	simm.s32 $0x70;
	[sflag:s12] =	ssyncadd.s32 $0xFFFFDD00  }
0x27: {  	[tilespmem:s15], [sflag:$0x1] =	stream.indirect.gather [hbm4b:s4+s14], $0xA0, s30, s14, $0xb8;
	[tilespmem:$0x1FD60] =	vst v63  }
0x28: {  	_ =	swait.ge [sflag:s18], $0x2300  }
0x29: {  	[sflag:s18] =	ssyncset.done $0x0  }
0x2a: {  	s31 =	simm.s32 $0x13E8;
	[sflag:s18] =	ssyncadd.s32 $0xFFFFDD00  }
0x2b: {  	[spmem:s2] =	stream.indirect.scatter.add.f32 [tilespmem:s16], [sflag:$0x3], $0xA0, s31, s14, $0xb8;
	[tilespmem:$0x1FD60] =	vst v63  }
0x2c: {  	_ =	swait.ge [sflag:s12], $0x2300  }
0x2d: {  	[sflag:s12] =	ssyncset.done $0x0  }
0x2e: {  	s23 =	simm.s32 $0xA8;
	s22 =	simm.s32 $0x1C0;
	[sflag:s12] =	ssyncadd.s32 $0xFFFFDD00  }
.LBB2_2:
0x2f: {  	[tilespmem:s16], [sflag:$0x2] =	stream.indirect.gather [hbm4b:s4+s14], $0xA0, s23, s14, $0xb8;
	[tilespmem:$0x1FD60] =	vst v63  }
0x30: {  	s23 =	smov.u32 s22  }
0x31: {  	p0 =	sne.s32 s22, $0x4B40;
	s22 =	sadd.s32 $0x1C0, s22;
	_ =	swait.ge [sflag:s17], $0x2300  }
0x32: {  	s23 =	sshra.s32 s23, $0x2;
	[sflag:s17] =	ssyncset.done $0x0  }
0x33: {  	s24 =	sadd.s32 $0x13B0, s23;
	[sflag:s17] =	ssyncadd.s32 $0xFFFFDD00  }
0x34: {  	[spmem:s2] =	stream.indirect.scatter.add.f32 [tilespmem:s15], [sflag:$0x3], $0xA0, s24, s14, $0xb8;
	[tilespmem:$0x1FD60] =	vst v63  }
0x35: {  	_ =	swait.ge [sflag:s12], $0x2300  }
0x36: {  	[sflag:s12] =	ssyncset.done $0x0  }
0x37: {  	s24 =	sadd.s32 $0x70, s23;
	[sflag:s12] =	ssyncadd.s32 $0xFFFFDD00  }
0x38: {  	[tilespmem:s15], [sflag:$0x1] =	stream.indirect.gather [hbm4b:s4+s14], $0xA0, s24, s14, $0xb8;
	[tilespmem:$0x1FD60] =	vst v63  }
0x39: {  	_ =	swait.ge [sflag:s18], $0x2300  }
0x3a: {  	[sflag:s18] =	ssyncset.done $0x0  }
.Ltmp0:
0x3b: {  	s24 =	sadd.s32 $0x13E8, s23;
	[sflag:s18] =	ssyncadd.s32 $0xFFFFDD00;
	(pc) =	sbr.rel @p0 .LBB2_2-.Ltmp0, $4  }
0x3c: {  	[spmem:s2] =	stream.indirect.scatter.add.f32 [tilespmem:s16], [sflag:$0x3], $0xA0, s24, s14, $0xb8;
	[tilespmem:$0x1FD60] =	vst v63  }
0x3d: {  	_ =	swait.ge [sflag:s12], $0x2300  }
0x3e: {  	[sflag:s12] =	ssyncset.done $0x0  }
0x3f: {  	s23 =	sadd.s32 $0xA8, s23;
	[sflag:s12] =	ssyncadd.s32 $0xFFFFDD00  }
0x40: {  	[tilespmem:s16], [sflag:$0x2] =	stream.indirect.gather [hbm4b:s4+s14], $0xA0, s23, s14, $0xb8;
	[tilespmem:$0x1FD60] =	vst v63  }
0x41: {  	_ =	swait.ge [sflag:s17], $0x2300  }
0x42: {  	[sflag:s17] =	ssyncset.done $0x0  }
0x43: {  	[sflag:s17] =	ssyncadd.s32 $0xFFFFDD00  }
0x44: {  	[spmem:s2] =	stream.indirect.scatter.add.f32 [tilespmem:s15], [sflag:$0x3], $0xA0, s19, s14, $0xb8;
	[tilespmem:$0x1FD60] =	vst v63  }
0x45: {  	_ =	swait.ge [sflag:s12], $0x2300  }
0x46: {  	[sflag:s12] =	ssyncset.done $0x0  }
0x47: {  	[sflag:s12] =	ssyncadd.s32 $0xFFFFDD00  }
0x48: {  	_ =	swait.ge [sflag:s18], $0x2300  }
0x49: {  	[sflag:s18] =	ssyncset.done $0x0  }
0x4a: {  	[sflag:s18] =	ssyncadd.s32 $0xFFFFDD00  }
0x4b: {  	[spmem:s2] =	stream.indirect.scatter.add.f32 [tilespmem:s16], [sflag:$0x3], $0xA0, s20, s14, $0xb8;
	[tilespmem:$0x1FD60] =	vst v63  }
0x4c: {  	_ =	swait.ge [sflag:s12], $0x2300  }
0x4d: {  	s21 =	sadd.s32 $0x1, s21;
	[sflag:s12] =	ssyncset.done $0x0  }
0x4e: {  	p0 =	sne.s32 s21, s10;
	[sflag:s12] =	ssyncadd.s32 $0xFFFFDD00  }
.Ltmp1:
0x4f: {  	[bflag:$0x0] =	sbarrier.arrive $0xFFFF;
	(pc) =	sbr.rel @p0 .LBB2_1-.Ltmp1, $4  }
0x50: {  	[hbm:s9], [sflag:s6] =	dma.local [spmem:s11], $0x3200  }
0x51: {  	_ =	swait.ge [sflag:s12], $0x3200  }
0x52: {  	[sflag:s12] =	ssyncset.done $0x0  }
0x53: {  	[sflag:s12] =	ssyncadd.s32 $0xFFFFCE00  }
0x54: {  	_ =	sfence.sel $0x180000  }
0x55: {  	[bflag:$0x0] =	sbarrier.arrive $0xFFFF  }
0x56: {  	p0 =	sne.s32 s0, $0x0;
	_ =	strace $0x90000059  }
0x57: {  	s0 =	sadd.s32 @!p0 $0x100000, s1;
	[bflag:$0x2] =	sbarrier.arrive $0xFFFF  }
0x58: {  	[sflag:s0] =	ssyncadd.tile.s32 @!p0 $0x1;
	_ =	shalt  }
.Lfunc_end2:
_tile_overlayer_lowered:
.L_overlay_start_2:
0x59: {  	(tag) =	ssettag $0x2  }
0x5a: {  	s0 =	rddreg [dreg:$0x0];
	s2 =	stileid.u32  }
0x5b: {  	s1 =	rddreg [dreg:$0x1];
	p0 =	sne.s32 s2, $0x0  }
0x5c: {  	s3 =	rddreg [dreg:$0x2];
	[bflag:$0x3] =	sbarrier.arrive $0xFFFF;
	s2 =	simm.s32 @!p0 $0x1C03  }
0x5d: {  	[timem:s3], [sflag:s2] =	dma.local @!p0 [hbm:s0], s1  }
0x5e: {  	s0 =	simm.s32 @!p0 $0x3  }
0x5f: {  	_ =	swait.ge @!p0 [sflag:s0], s1  }
0x60: {  	s1 =	ssub.s32 @!p0 $0x0, s1;
	[sflag:s0] =	ssyncset.done @!p0 $0x0  }
0x61: {  	[sflag:s0] =	ssyncadd.s32 @!p0 s1  }
0x62: {  	[bflag:$0x3] =	sbarrier.arrive $0xFFFF  }
0x63: {  	_ =	shalt  }

// kernel: kernel.40.cloned.1.call-start
scs
__scs_entry_jumppad:
0x0: {  	(pc) =	sbr.rel $0x88, $3  }
0x1: {  	(tag) =	ssettag $0x0;
	lr =	simm.s32 $0x1  }
0x2: {  	[smem:$0x3F90] =	sst lr;
	_ =	strace $0xD0000000  }
0x3: {  	_ = 	snop  }
0x4: {  	_ = 	snop  }
0x5: {  	_ = 	snop  }
0x6: {  	_ = 	snop  }
0x7: {  	_ = 	snop  }
__scs_overlays_trampoline_lowered:
0x8: {  	[smem:$0x3F9F] =	sst s0  }
0x9: {  	[smem:$0x3FA0] =	sst s1  }
0xa: {  	[smem:$0x3FA1] =	sst s2  }
0xb: {  	[smem:$0x3FA2] =	sst s3  }
0xc: {  	[smem:$0x3FA3] =	sst s4  }
0xd: {  	[smem:$0x3FA4] =	sst s5  }
0xe: {  	[smem:$0x3FA5] =	sst s6  }
0xf: {  	[smem:$0x3FA6] =	sst s7  }
0x10: {  	[smem:$0x3FA7] =	sst s8  }
0x11: {  	[smem:$0x3FA8] =	sst s9;
	s0 =	simm.s32 @!p0 $0x0  }
0x12: {  	s1 =	sld [smem:$0x3F8E];
	s0 =	simm.s32 @p0 $0x1  }
0x13: {  	[smem:$0x3FA9] =	sst s0;
	s0 =	simm.s32 @!p1 $0x0  }
0x14: {  	s2 =	sld [smem:$0x3F8D];
	s0 =	simm.s32 @p1 $0x1  }
0x15: {  	[smem:$0x3FAA] =	sst s0;
	s0 =	simm.s32 @!p2 $0x0  }
0x16: {  	s3 =	sld [smem:$0x3FDB];
	s0 =	simm.s32 @p2 $0x1  }
0x17: {  	s4 =	simm.s32 $0x1BF5;
	[smem:$0x3FAC] =	sst s0  }
0x18: {  	s0 =	sld [smem:$0x3F8F];
	_ =	swait.ge [sflag:s4], $0x0  }
0x19: {  	s7 =	sld [smem:$0x3F90]  }
0x1a: {  	s8 =	sadd.s32 $0xFFFFE003, lr  }
0x1b: {  	s9 =	sadd.s32 $0xFFFFFEF7, lr;
	s5 =	simm.s32 $0xFFFFFFFF;
	p2 =	slt.u32 s8, $0xFFFFF086  }
0x1c: {  	p1 =	slt.u32 s9, $0xF7A;
	s5 =	simm.s32 @!p2 $0x0  }
0x1d: {  	s5 =	simm.s32 @p1 $0x1;
	p0 =	seq.s32 s7, s2  }
0x1e: {  	s7 =	smul.u32 @!p0 $0xF7A, s2;
	p2 =	seq.s32 @!p0 s5, $0x0  }
0x1f: {  	s9 =	smul.u32 $0xF7A, s1;
	s8 =	simm.s32 @!p0 $0x1BF5;
	p2 =	por !p2, p0  }
0x20: {  	[sflag:s8] =	ssyncset.s32 @!p0 $0xFFFFF086;
	s6 =	sadd.s32 @!p0 s3, s7;
	s7 =	simm.s32 @!p0 $0x108  }
0x21: {  	s3 =	sadd.s32 s3, s9;
	s6 =	sadd.s32 @!p0 $0x88, s6;
	s7 =	simm.s32 @p2 $0x1082  }
0x22: {  	[simem:s7], [sflag:s8] =	dma.local @!p0 [hbm:s6], $0xF7A  }
0x23: {  	s9 =	sor.u32 $0xD0000000, s2;
	s6 =	simm.s32 $0x108;
	_ =	swait.ge @!p0 [sflag:s8], $0x0  }
0x24: {  	s3 =	sadd.s32 $0x88, s3;
	s6 =	simm.s32 @!p1 $0x1082;
	[sflag:s4] =	ssyncset.s32 $0xFFFFF086  }
0x25: {  	[simem:s6], [sflag:s4] =	dma.local [hbm:s3], $0xF7A  }
0x26: {  	[smem:$0x3F90] =	sst s1;
	(tag) =	ssettag s2;
	_ =	strace s9  }
0x27: {  	s1 =	sld [smem:$0x3FA0]  }
0x28: {  	s2 =	sld [smem:$0x3FA1]  }
0x29: {  	s4 =	sld [smem:$0x3FA3]  }
0x2a: {  	p0 =	seq.s32 s5, $0x0;
	s5 =	sld [smem:$0x3FA4]  }
0x2b: {  	s6 =	sld [smem:$0x3FA5]  }
0x2c: {  	s7 =	sld [smem:$0x3FA6]  }
0x2d: {  	s3 =	simm.s32 $0x108;
	s8 =	sld [smem:$0x3FA7]  }
0x2e: {  	s3 =	simm.s32 @!p0 $0x1082;
	s9 =	sld [smem:$0x3FA8]  }
0x2f: {  	lr =	sadd.s32 s0, s3;
	s0 =	sld [smem:$0x3F9F]  }
0x30: {  	s3 =	sld [smem:$0x3FA2]  }
0x31: {  	[smem:$0x3FAB] =	sst s10  }
0x32: {  	s10 =	sld [smem:$0x3FA9];
	_ =	sdelay $0x3  }
0x33: {  	p0 =	seq.s32 s10, $0x1;
	s10 =	sld [smem:$0x3FAB];
	_ =	sdelay $0x3  }
0x34: {  	[smem:$0x3FAB] =	sst s10  }
0x35: {  	s10 =	sld [smem:$0x3FAA];
	_ =	sdelay $0x3  }
0x36: {  	p1 =	seq.s32 s10, $0x1;
	s10 =	sld [smem:$0x3FAB];
	_ =	sdelay $0x3  }
0x37: {  	[smem:$0x3FAB] =	sst s10  }
0x38: {  	s10 =	sld [smem:$0x3FAC]  }
0x39: {  	_ = 	snop;
	(pc) =	sbr.ind lr, $3  }
0x3a: {  	_ = 	snop  }
0x3b: {  	_ = 	snop  }
0x3c: {  	p2 =	seq.s32 s10, $0x1;
	s10 =	sld [smem:$0x3FAB]  }
0x3d: {  	_ =	shalt  }
0x3e: {  	_ =	shalt  }
0x3f: {  	_ =	shalt  }
0x40: {  	_ =	shalt  }
0x41: {  	_ =	shalt  }
0x42: {  	_ =	shalt  }
0x43: {  	_ =	shalt  }
0x44: {  	_ =	shalt  }
0x45: {  	_ =	shalt  }
0x46: {  	_ =	shalt  }
0x47: {  	_ =	shalt  }
0x48: {  	_ =	shalt  }
0x49: {  	_ =	shalt  }
0x4a: {  	_ =	shalt  }
0x4b: {  	_ =	shalt  }
0x4c: {  	_ =	shalt  }
0x4d: {  	_ =	shalt  }
0x4e: {  	_ =	shalt  }
0x4f: {  	_ =	shalt  }
0x50: {  	_ =	shalt  }
0x51: {  	_ =	shalt  }
0x52: {  	_ =	shalt  }
0x53: {  	_ =	shalt  }
0x54: {  	_ =	shalt  }
0x55: {  	_ =	shalt  }
0x56: {  	_ =	shalt  }
0x57: {  	_ =	shalt  }
0x58: {  	_ =	shalt  }
0x59: {  	_ =	shalt  }
0x5a: {  	_ =	shalt  }
0x5b: {  	_ =	shalt  }
0x5c: {  	_ =	shalt  }
0x5d: {  	_ =	shalt  }
0x5e: {  	_ =	shalt  }
0x5f: {  	_ =	shalt  }
0x60: {  	_ =	shalt  }
0x61: {  	_ =	shalt  }
0x62: {  	_ =	shalt  }
0x63: {  	_ =	shalt  }
0x64: {  	_ =	shalt  }
0x65: {  	_ =	shalt  }
0x66: {  	_ =	shalt  }
0x67: {  	_ =	shalt  }
0x68: {  	_ =	shalt  }
0x69: {  	_ =	shalt  }
0x6a: {  	_ =	shalt  }
0x6b: {  	_ =	shalt  }
0x6c: {  	_ =	shalt  }
0x6d: {  	_ =	shalt  }
0x6e: {  	_ =	shalt  }
0x6f: {  	_ =	shalt  }
0x70: {  	_ =	shalt  }
0x71: {  	_ =	shalt  }
0x72: {  	_ =	shalt  }
0x73: {  	_ =	shalt  }
0x74: {  	_ =	shalt  }
0x75: {  	_ =	shalt  }
0x76: {  	_ =	shalt  }
0x77: {  	_ =	shalt  }
0x78: {  	_ =	shalt  }
0x79: {  	_ =	shalt  }
0x7a: {  	_ =	shalt  }
0x7b: {  	_ =	shalt  }
0x7c: {  	_ =	shalt  }
0x7d: {  	_ =	shalt  }
0x7e: {  	_ =	shalt  }
0x7f: {  	_ =	shalt  }
0x80: {  	_ =	shalt  }
0x81: {  	_ =	shalt  }
0x82: {  	_ =	shalt  }
0x83: {  	_ =	shalt  }
0x84: {  	_ =	shalt  }
0x85: {  	_ =	shalt  }
0x86: {  	_ =	shalt  }
0x87: {  	_ =	shalt  }
.Lfunc_end0:
.L_simem_size_0:
called_computation.7_lowered:
.L_overlay_start_0:
0x88: {  	s2 =	sld [smem:$0x3FD9]  }
0x89: {  	s3 =	sld [smem:$0x3FFE];
	_ =	sdelay $0x1  }
0x8a: {  	s1 =	srdreg.scid  }
0x8b: {  	s0 =	sand.u32 $0x1, s1  }
0x8c: {  	s16 =	sshll.u32 s0, $0xA;
	s2 =	sadd.s32 s3, s2  }
0x8d: {  	s2 =	sadd.s32 s2, s16  }
0x8e: {  	[smem:$0x3FB7] =	sst s2  }
0x8f: {  	_ = 	snop  }
0x90: {  	(tm) =	ssettm $0x1  }
0x91: {  	s17 =	sld [smem:$0x3FFB];
	_ =	sdelay $0x3  }
0x92: {  	_ =	strace s17  }
0x93: {  	s2 =	sld [smem:$0x3FFC];
	_ =	sdelay $0x3  }
0x94: {  	_ =	strace s2  }
0x95: {  	s2 =	sld [smem:$0x3FFD];
	_ =	sdelay $0x3  }
0x96: {  	_ =	strace s2  }
0x97: {  	_ =	strace $0x8FFFFFFF  }
0x98: {  	s18 =	sld [smem:$0x3FDB];
	_ =	sdelay $0x1  }
0x99: {  	s19 =	simm.s32 $_scs_section_size  }
0x9a: {  	s4 =	simm.s32 $_size__tile_overlayer_lowered;
	s5 =	simm.s32 $_tile_overlayer_lowered  }
0x9b: {  	s22 =	simm.s32 $0x1BFF;
	s21 =	sshll.u32 s5, $0x1;
	s2 =	sadd.s32 s19, s18  }
0x9c: {  	s6 =	simm.s32 $0x0;
	s20 =	sshll.u32 s4, $0x1;
	s4 =	sadd.s32 s21, s2  }
0x9d: {  	[timem:s6], [sflag:s22] =	dma.local [hbm:s4], s20  }
0x9e: {  	_ =	swait.ge [sflag:s22], s20  }
0x9f: {  	s3 =	ssub.s32 $0x0, s20;
	[sflag:s22] =	ssyncset.done $0x0  }
0xa0: {  	[sflag:s22] =	ssyncadd.s32 s3;
	_ =	sdelay $0x1  }
0xa1: {  	s23 =	simm.s32 $0x1B8B  }
0xa2: {  	_ =	swait.ge [sflag:s23], $0x1  }
0xa3: {  	[sflag:s23] =	ssyncset.done $0x0  }
0xa4: {  	s25 =	simm.s32 $0x1B8E;
	s24 =	sld [smem:$0x3FFE];
	[sflag:s23] =	ssyncadd.s32 $0xFFFFFFFF  }
0xa5: {  	s26 =	simm.s32 $execute0_lowered;
	[smem:$0x3FD2] =	sst s25  }
0xa6: {  	s4 =	sshll.u32 s26, $0x1;
	_ =	strace $0x8000005B;
	[dreg:$0x1] =	wrdreg $0xFFFFFFFF  }
0xa7: {  	s28 =	simm.s32 $_size_execute0_lowered;
	s2 =	sadd.s32 s2, s4;
	[dreg:$0x0] =	wrdreg $0x0  }
0xa8: {  	s4 =	sshll.u32 s28, $0x1;
	[dreg:$0x2] =	wrdreg s2  }
0xa9: {  	[dreg:$0x3] =	wrdreg s4  }
0xaa: {  	[dreg:$0x4] =	wrdreg $0xC0  }
0xab: {  	_ =	task [dreg:s6], $0x5FFFF  }
0xac: {  	[dreg:$0x1] =	wrdreg $0xFFFFFFFF  }
0xad: {  	[dreg:$0x0] =	wrdreg $0x60  }
0xae: {  	[dreg:$0x2] =	wrdreg s24  }
0xaf: {  	[dreg:$0x3] =	wrdreg $0x6D600  }
0xb0: {  	[dreg:$0x4] =	wrdreg $0x9  }
0xb1: {  	_ =	task.clear_ibuf [dreg:s6], $0x5FFFF;
	_ =	strace $0x9000005B  }
0xb2: {  	s29 =	simm.s32 $0x9;
	_ =	strace $0x8000005D  }
0xb3: {  	_ =	swait.ge [sflag:s29], $0x1  }
0xb4: {  	[sflag:s29] =	ssyncadd.s32 $0xFFFFFFFF  }
0xb5: {  	_ =	strace $0x9000005D  }
0xb6: {  	_ =	sfence  }
0xb7: {  	s30 =	sld [smem:$0x0];
	_ =	sdelay $0x2  }
0xb8: {  	s31 =	sshll.u32 s1, $0xD;
	s1 =	sshrl.u32 s1, $0x2  }
0xb9: {  	s3 =	sand.u32 $0x4000, s31;
	s1 =	sadd.s32 s1, s30  }
0xba: {  	s0 =	sor.u32 s3, s0;
	s1 =	sshll.u32 s1, $0x11  }
0xbb: {  	s0 =	sor.u32 s1, s0  }
0xbc: {  	s0 =	sadd.s32 $0x8F2B, s0  }
0xbd: {  	[sflag:s0] =	ssyncadd.remote.s32 $0x1  }
0xbe: {  	_ =	sfence.sel $0xFFFF  }
0xbf: {  	[dreg:$0x0] =	wrdreg $0xFFFFFFFF;
	(pc) =	sbr.abs _section_cstart, $3  }
0xc0: {  	[dreg:$0x1] =	wrdreg $0xFFFFFFFF  }
0xc1: {  	_ =	task.clear_ibuf [dreg:s6], $0x2FFFF;
	_ =	strace $0x9FFFFFFF  }
0xc2: {  	(tm) =	ssettm $0x7FFFFFFF  }
0xc3: {  	_ =	shalt  }
tec
execute0_lowered:
.L_overlay_start_1:
0x0: {  	(tag) =	ssettag $0x1  }
0x1: {  	s6 =	rddreg [dreg:$0x0]  }
0x2: {  	s0 =	srdreg.scid;
	s2 =	rddreg [dreg:$0x1]  }
0x3: {  	s1 =	rddreg [dreg:$0x2];
	s3 =	simm.s32 $0x0;
	s14 =	simm.s32 $0x38  }
0x4: {  	s15 =	simm.s32 $0x2760;
	s16 =	simm.s32 $0x4A60;
	s7 =	sand.u32 $0x1, s0  }
0x5: {  	s17 =	simm.s32 $0x1;
	s0 =	stileid.u32;
	s4 =	smul.u32 $0x13B00, s7  }
0x6: {  	s18 =	simm.s32 $0x2;
	s19 =	simm.s32 $0x26F0;
	s5 =	smul.u32 $0x13B0, s0  }
0x7: {  	s20 =	simm.s32 $0x2728;
	s21 =	simm.s32 $0x0;
	s8 =	smul.u32 $0x19000, s0  }
0x8: {  	[smem:$0x7FF] =	sst s3;
	s30 =	smul.u32 $0x190000, s7;
	s7 =	ssub.s32 $0x2, s7  }
0x9: {  	_ =	strace $0x8000005C;
	s11 =	sshll.u32 s0, $0x6;
	s31 =	sshrl.u32 s7, $0x1  }
0xa: {  	s4 =	sadd.s32 s5, s4;
	s10 =	sadd.s32 s8, s30;
	s5 =	sadd.s32 $0x10200, s6  }
0xb: {  	s12 =	ssub.s32 s7, s31;
	s13 =	sadd.s32 s8, s2;
	s4 =	sshrl.u32 s4, $0x3  }
0xc: {  	s10 =	sshrl.u32 s10, $0x3;
	s9 =	sadd.s32 s4, s6;
	s4 =	sadd.s32 $0x79C00, s6  }
0xd: {  	s10 =	sadd.s32 s10, s6;
	s6 =	sor.u32 $0x1C03, s11;
	s11 =	sshrl.u32 s13, $0x3  }
0xe: {  	s13 =	simm.s32 $0x13B0;
	s7 =	sadd.s32 $0x6200, s9;
	s8 =	sadd.s32 $0xB200, s9  }
0xf: {  	s9 =	sadd.s32 $0x13400, s10;
	s10 =	smax.u32 s12, $0x1;
	s12 =	simm.s32 $0x3  }
.LBB2_1:
0x10: {  	[spmem:s11], [sflag:s6] =	dma.local [hbm:s5], $0x3200  }
0x11: {  	_ =	swait.ge [sflag:s12], $0x3200  }
0x12: {  	[sflag:s12] =	ssyncset.done $0x0  }
0x13: {  	[sflag:s12] =	ssyncadd.s32 $0xFFFFCE00  }
0x14: {  	[bflag:$0x0] =	sbarrier.arrive $0xFFFF  }
0x15: {  	[tilespmem:s3], [sflag:$0x3] =	stream.linear.gather [hbm4b:s7+s3], $0x13B0, $0x38;
	[tilespmem:$0x1FD60] =	vst v63  }
0x16: {  	_ =	swait.ge [sflag:s12], $0x13B0  }
0x17: {  	[sflag:s12] =	ssyncset.done $0x0  }
0x18: {  	[sflag:s12] =	ssyncadd.s32 $0xFFFFEC50  }
0x19: {  	[tilespmem:s13], [sflag:$0x3] =	stream.linear.gather [hbm4b:s8+s3], $0x13B0, $0x38;
	[tilespmem:$0x1FD60] =	vst v63  }
0x1a: {  	_ =	swait.ge [sflag:s12], $0x13B0  }
0x1b: {  	[sflag:s12] =	ssyncset.done $0x0  }
0x1c: {  	[sflag:s12] =	ssyncadd.s32 $0xFFFFEC50  }
0x1d: {  	[tilespmem:s15], [sflag:$0x1] =	stream.indirect.gather [hbm4b:s4+s14], $0xA0, s3, s14, $0xb8;
	[tilespmem:$0x1FD60] =	vst v63  }
0x1e: {  	_ = 	snop  }
0x1f: {  	[tilespmem:s16], [sflag:$0x2] =	stream.indirect.gather [hbm4b:s4+s14], $0xA0, s14, s14, $0xb8;
	[tilespmem:$0x1FD60] =	vst v63  }
0x20: {  	_ =	swait.ge [sflag:s17], $0x2300  }
0x21: {  	[sflag:s17] =	ssyncset.done $0x0  }
0x22: {  	s22 =	simm.s32 $0x13B0;
	[sflag:s17] =	ssyncadd.s32 $0xFFFFDD00  }
0x23: {  	[spmem:s2] =	stream.indirect.scatter.add.f32 [tilespmem:s15], [sflag:$0x3], $0xA0, s22, s14, $0xb8;
	[tilespmem:$0x1FD60] =	vst v63  }
0x24: {  	_ =	swait.ge [sflag:s12], $0x2300  }
0x25: {  	[sflag:s12] =	ssyncset.done $0x0  }
0x26: {  	s30 =	simm.s32 $0x70;
	[sflag:s12] =	ssyncadd.s32 $0xFFFFDD00  }
0x27: {  	[tilespmem:s15], [sflag:$0x1] =	stream.indirect.gather [hbm4b:s4+s14], $0xA0, s30, s14, $0xb8;
	[tilespmem:$0x1FD60] =	vst v63  }
0x28: {  	_ =	swait.ge [sflag:s18], $0x2300  }
0x29: {  	[sflag:s18] =	ssyncset.done $0x0  }
0x2a: {  	s31 =	simm.s32 $0x13E8;
	[sflag:s18] =	ssyncadd.s32 $0xFFFFDD00  }
0x2b: {  	[spmem:s2] =	stream.indirect.scatter.add.f32 [tilespmem:s16], [sflag:$0x3], $0xA0, s31, s14, $0xb8;
	[tilespmem:$0x1FD60] =	vst v63  }
0x2c: {  	_ =	swait.ge [sflag:s12], $0x2300  }
0x2d: {  	[sflag:s12] =	ssyncset.done $0x0  }
0x2e: {  	s23 =	simm.s32 $0xA8;
	s22 =	simm.s32 $0x1C0;
	[sflag:s12] =	ssyncadd.s32 $0xFFFFDD00  }
.LBB2_2:
0x2f: {  	[tilespmem:s16], [sflag:$0x2] =	stream.indirect.gather [hbm4b:s4+s14], $0xA0, s23, s14, $0xb8;
	[tilespmem:$0x1FD60] =	vst v63  }
0x30: {  	s23 =	smov.u32 s22  }
0x31: {  	p0 =	sne.s32 s22, $0x4B40;
	s22 =	sadd.s32 $0x1C0, s22;
	_ =	swait.ge [sflag:s17], $0x2300  }
0x32: {  	s23 =	sshra.s32 s23, $0x2;
	[sflag:s17] =	ssyncset.done $0x0  }
0x33: {  	s24 =	sadd.s32 $0x13B0, s23;
	[sflag:s17] =	ssyncadd.s32 $0xFFFFDD00  }
0x34: {  	[spmem:s2] =	stream.indirect.scatter.add.f32 [tilespmem:s15], [sflag:$0x3], $0xA0, s24, s14, $0xb8;
	[tilespmem:$0x1FD60] =	vst v63  }
0x35: {  	_ =	swait.ge [sflag:s12], $0x2300  }
0x36: {  	[sflag:s12] =	ssyncset.done $0x0  }
0x37: {  	s24 =	sadd.s32 $0x70, s23;
	[sflag:s12] =	ssyncadd.s32 $0xFFFFDD00  }
0x38: {  	[tilespmem:s15], [sflag:$0x1] =	stream.indirect.gather [hbm4b:s4+s14], $0xA0, s24, s14, $0xb8;
	[tilespmem:$0x1FD60] =	vst v63  }
0x39: {  	_ =	swait.ge [sflag:s18], $0x2300  }
0x3a: {  	[sflag:s18] =	ssyncset.done $0x0  }
.Ltmp0:
0x3b: {  	s24 =	sadd.s32 $0x13E8, s23;
	[sflag:s18] =	ssyncadd.s32 $0xFFFFDD00;
	(pc) =	sbr.rel @p0 .LBB2_2-.Ltmp0, $4  }
0x3c: {  	[spmem:s2] =	stream.indirect.scatter.add.f32 [tilespmem:s16], [sflag:$0x3], $0xA0, s24, s14, $0xb8;
	[tilespmem:$0x1FD60] =	vst v63  }
0x3d: {  	_ =	swait.ge [sflag:s12], $0x2300  }
0x3e: {  	[sflag:s12] =	ssyncset.done $0x0  }
0x3f: {  	s23 =	sadd.s32 $0xA8, s23;
	[sflag:s12] =	ssyncadd.s32 $0xFFFFDD00  }
0x40: {  	[tilespmem:s16], [sflag:$0x2] =	stream.indirect.gather [hbm4b:s4+s14], $0xA0, s23, s14, $0xb8;
	[tilespmem:$0x1FD60] =	vst v63  }
0x41: {  	_ =	swait.ge [sflag:s17], $0x2300  }
0x42: {  	[sflag:s17] =	ssyncset.done $0x0  }
0x43: {  	[sflag:s17] =	ssyncadd.s32 $0xFFFFDD00  }
0x44: {  	[spmem:s2] =	stream.indirect.scatter.add.f32 [tilespmem:s15], [sflag:$0x3], $0xA0, s19, s14, $0xb8;
	[tilespmem:$0x1FD60] =	vst v63  }
0x45: {  	_ =	swait.ge [sflag:s12], $0x2300  }
0x46: {  	[sflag:s12] =	ssyncset.done $0x0  }
0x47: {  	[sflag:s12] =	ssyncadd.s32 $0xFFFFDD00  }
0x48: {  	_ =	swait.ge [sflag:s18], $0x2300  }
0x49: {  	[sflag:s18] =	ssyncset.done $0x0  }
0x4a: {  	[sflag:s18] =	ssyncadd.s32 $0xFFFFDD00  }
0x4b: {  	[spmem:s2] =	stream.indirect.scatter.add.f32 [tilespmem:s16], [sflag:$0x3], $0xA0, s20, s14, $0xb8;
	[tilespmem:$0x1FD60] =	vst v63  }
0x4c: {  	_ =	swait.ge [sflag:s12], $0x2300  }
0x4d: {  	s21 =	sadd.s32 $0x1, s21;
	[sflag:s12] =	ssyncset.done $0x0  }
0x4e: {  	p0 =	sne.s32 s21, s10;
	[sflag:s12] =	ssyncadd.s32 $0xFFFFDD00  }
.Ltmp1:
0x4f: {  	[bflag:$0x0] =	sbarrier.arrive $0xFFFF;
	(pc) =	sbr.rel @p0 .LBB2_1-.Ltmp1, $4  }
0x50: {  	[hbm:s9], [sflag:s6] =	dma.local [spmem:s11], $0x3200  }
0x51: {  	_ =	swait.ge [sflag:s12], $0x3200  }
0x52: {  	[sflag:s12] =	ssyncset.done $0x0  }
0x53: {  	[sflag:s12] =	ssyncadd.s32 $0xFFFFCE00  }
0x54: {  	_ =	sfence.sel $0x180000  }
0x55: {  	[bflag:$0x0] =	sbarrier.arrive $0xFFFF  }
0x56: {  	p0 =	sne.s32 s0, $0x0;
	_ =	strace $0x9000005C  }
0x57: {  	s0 =	sadd.s32 @!p0 $0x100000, s1;
	[bflag:$0x2] =	sbarrier.arrive $0xFFFF  }
0x58: {  	[sflag:s0] =	ssyncadd.tile.s32 @!p0 $0x1;
	_ =	shalt  }
.Lfunc_end2:
_tile_overlayer_lowered:
.L_overlay_start_2:
0x59: {  	(tag) =	ssettag $0x2  }
0x5a: {  	s0 =	rddreg [dreg:$0x0];
	s2 =	stileid.u32  }
0x5b: {  	s1 =	rddreg [dreg:$0x1];
	p0 =	sne.s32 s2, $0x0  }
0x5c: {  	s3 =	rddreg [dreg:$0x2];
	[bflag:$0x3] =	sbarrier.arrive $0xFFFF;
	s2 =	simm.s32 @!p0 $0x1C03  }
0x5d: {  	[timem:s3], [sflag:s2] =	dma.local @!p0 [hbm:s0], s1  }
0x5e: {  	s0 =	simm.s32 @!p0 $0x3  }
0x5f: {  	_ =	swait.ge @!p0 [sflag:s0], s1  }
0x60: {  	s1 =	ssub.s32 @!p0 $0x0, s1;
	[sflag:s0] =	ssyncset.done @!p0 $0x0  }
0x61: {  	[sflag:s0] =	ssyncadd.s32 @!p0 s1  }
0x62: {  	[bflag:$0x3] =	sbarrier.arrive $0xFFFF  }
0x63: {  	_ =	shalt  }

</sc_bundles>
